<compile_context>
chip_gen: v7x
topology: tpu7x:2x2x1
jax: 0.10.2.dev20260603
libtpu: 0.0.44.dev20260713+nightly
codegen_flags: <defaults>
</compile_context>

<pallas_src>
import functools

import jax
import jax.numpy as jnp
from jax import lax
from jax.experimental import pallas as pl
from jax.experimental.pallas import tpu as pltpu
from jax.experimental.pallas import tpu_sc as plsc

N = 10000
E = 320000
F_IN = 128
DIM = 32
C = 10

NC = 2
NS = 16
NW = NC * NS
CH = 128
KMAX = 80
E_PAD = NW * KMAX * CH
NPAD = E_PAD - E
N_ACC = 10240
RPT = N_ACC // NS
NPK = 4
NROW = N_ACC // NPK
DEGW = 8
DGRP = 8

_mesh = plsc.VectorSubcoreMesh(core_axis_name="c", subcore_axis_name="s")
_sc_params = pltpu.CompilerParams(use_tc_tiling_on_sc=False,
                                  needs_layout_passes=False)


@functools.partial(
    pl.kernel,
    out_type=jax.ShapeDtypeStruct((NC, N_ACC, DEGW), jnp.float32),
    mesh=_mesh,
    scratch_types=[
        pltpu.VMEM_SHARED((N_ACC, DEGW), jnp.float32),
        pltpu.VMEM((CH, DEGW), jnp.float32),
        pltpu.VMEM((KMAX, CH), jnp.int32),
        pltpu.SemaphoreType.DMA,
    ],
    compiler_params=_sc_params,
)
def _deg_kernel(dst_hbm, zeros_hbm, ones_hbm, out_hbm, shared, ones_v, dstb, sem):
    cid = lax.axis_index("c")
    sid = lax.axis_index("s")
    wid = sid * NC + cid
    row0 = sid * RPT

    pltpu.sync_copy(ones_hbm, ones_v)
    pltpu.sync_copy(dst_hbm.at[pl.ds(wid * KMAX, KMAX)], dstb)
    pltpu.sync_copy(zeros_hbm, shared.at[pl.ds(row0, RPT)])
    plsc.subcore_barrier()

    def group(g, carry):
        for b in range(DGRP):
            pltpu.async_copy(ones_v, shared.at[dstb.at[g * DGRP + b]], sem,
                             add=True)
        for b in range(DGRP):
            pltpu.make_async_copy(ones_v, shared.at[dstb.at[0]], sem).wait()
        return carry

    lax.fori_loop(0, KMAX // DGRP, group, None)
    plsc.subcore_barrier()
    pltpu.sync_copy(
        shared.at[pl.ds(row0, RPT)],
        out_hbm.at[cid, pl.ds(row0, RPT)],
    )


@functools.partial(
    pl.kernel,
    out_type=jax.ShapeDtypeStruct((NC, N_ACC, DIM), jnp.float32),
    mesh=_mesh,
    scratch_types=[
        pltpu.VMEM_SHARED((N_ACC, DIM), jnp.float32),
        pltpu.VMEM_SHARED((N_ACC, DIM), jnp.float32),
        pltpu.VMEM((KMAX, CH), jnp.int32),
        pltpu.VMEM((KMAX, CH), jnp.int32),
        pltpu.VMEM((RPT, DIM), jnp.float32),
        pltpu.VMEM((RPT,), jnp.float32),
        pltpu.VMEM((RPT, DEGW), jnp.float32),
        pltpu.VMEM((RPT, DEGW), jnp.float32),
        [pltpu.VMEM((CH, DIM), jnp.float32)] * 4,
        [pltpu.SemaphoreType.DMA] * 4,
        [pltpu.SemaphoreType.DMA] * 4,
    ],
    compiler_params=_sc_params,
)
def _agg_kernel(z_hbm, degp_hbm, src_hbm, dst_hbm, out_hbm,
                shared, zs_sp, srcb, dstb, zbuf, dbuf, p0b, p1b,
                rows, gsem, ssem):
    cid = lax.axis_index("c")
    sid = lax.axis_index("s")
    wid = sid * NC + cid
    row0 = sid * RPT

    pltpu.sync_copy(src_hbm.at[pl.ds(wid * KMAX, KMAX)], srcb)
    pltpu.sync_copy(dst_hbm.at[pl.ds(wid * KMAX, KMAX)], dstb)
    pltpu.sync_copy(z_hbm.at[pl.ds(row0, RPT)], zbuf)
    pltpu.sync_copy(degp_hbm.at[0, pl.ds(row0, RPT)], p0b)
    pltpu.sync_copy(degp_hbm.at[1, pl.ds(row0, RPT)], p1b)

    def dcalc(i, carry):
        ridx = lax.iota(jnp.int32, 16) + i * 16
        cidx = jnp.zeros((16,), jnp.int32)
        g0 = plsc.load_gather(p0b, [ridx, cidx])
        g1 = plsc.load_gather(p1b, [ridx, cidx])
        node = lax.iota(jnp.int32, 16) + (row0 + i * 16)
        corr = jnp.where(node < NPAD, 1.0, 0.0).astype(jnp.float32)
        v = g0 + g1 + 2.0 - corr
        y = plsc.bitcast(
            jnp.int32(0x5F3759DF) - (plsc.bitcast(v, jnp.int32) >> 1),
            jnp.float32)
        for _ in range(3):
            y = y * (1.5 - 0.5 * v * y * y)
        dbuf[pl.ds(i * 16, 16)] = y
        return carry

    lax.fori_loop(0, RPT // 16, dcalc, None)

    def dscale(i, carry):
        base = i * 16
        dvec = dbuf[pl.ds(base, 16)]
        for r in range(16):
            dn = dvec[r]
            zbuf[base + r, pl.ds(0, 16)] = zbuf[base + r, pl.ds(0, 16)] * dn
            zbuf[base + r, pl.ds(16, 16)] = zbuf[base + r, pl.ds(16, 16)] * dn
        return carry

    lax.fori_loop(0, RPT // 16, dscale, None)
    pltpu.sync_copy(zbuf, zs_sp.at[pl.ds(row0, RPT)])

    @pl.when(cid == 0)
    def _():
        def dbl(n, carry):
            zbuf[n, pl.ds(0, 16)] = zbuf[n, pl.ds(0, 16)] * 2.0
            zbuf[n, pl.ds(16, 16)] = zbuf[n, pl.ds(16, 16)] * 2.0
            return carry

        lax.fori_loop(0, RPT, dbl, None)

    @pl.when(cid != 0)
    def _():
        def zero(n, carry):
            zbuf[n, pl.ds(0, 16)] = jnp.zeros((16,), jnp.float32)
            zbuf[n, pl.ds(16, 16)] = jnp.zeros((16,), jnp.float32)
            return carry

        lax.fori_loop(0, RPT, zero, None)

    pltpu.sync_copy(zbuf, shared.at[pl.ds(row0, RPT)])
    plsc.subcore_barrier()

    def gwait(i):
        pltpu.make_async_copy(zs_sp.at[srcb.at[0]], rows[i], gsem[i]).wait()

    def swait(i):
        pltpu.make_async_copy(rows[i], shared.at[dstb.at[0]], ssem[i]).wait()

    pltpu.async_copy(zs_sp.at[srcb.at[0]], rows[0], gsem[0])
    pltpu.async_copy(zs_sp.at[srcb.at[1]], rows[1], gsem[1])

    def body(j, carry):
        k0 = 4 * j
        for i in range(4):
            k = k0 + i
            gwait(i)
            pltpu.async_copy(rows[i], shared.at[dstb.at[k]], ssem[i], add=True)
            i2 = (i + 2) % 4

            @pl.when(k + 2 < KMAX)
            def _():
                @pl.when(k >= 2)
                def _():
                    swait(i2)
                pltpu.async_copy(zs_sp.at[srcb.at[k + 2]], rows[i2], gsem[i2])

        return carry

    lax.fori_loop(0, KMAX // 4, body, None)
    for i in range(4):
        swait((KMAX - 4 + i) % 4)
    plsc.subcore_barrier()

    pltpu.sync_copy(shared.at[pl.ds(row0, RPT)], zbuf)

    def oscale(i, carry):
        base = i * 16
        dvec = dbuf[pl.ds(base, 16)]
        for r in range(16):
            dn = dvec[r]
            zbuf[base + r, pl.ds(0, 16)] = zbuf[base + r, pl.ds(0, 16)] * dn
            zbuf[base + r, pl.ds(16, 16)] = zbuf[base + r, pl.ds(16, 16)] * dn
        return carry

    lax.fori_loop(0, RPT // 16, oscale, None)
    pltpu.sync_copy(zbuf, out_hbm.at[cid, pl.ds(row0, RPT)])


def _tc0_body(x4_ref, w_ref, zp_ref):
    zp_ref[...] = jnp.dot(x4_ref[...], w_ref[...],
                          preferred_element_type=jnp.float32)


def _tc_mid_body(aggp_ref, b_ref, w_ref, zp_ref):
    hp = jnp.maximum(aggp_ref[0] + aggp_ref[1] + b_ref[...], 0.0)
    zp = jnp.dot(hp, w_ref[...], preferred_element_type=jnp.float32)
    zp_ref[...] = zp
    zp_ref[N // NPK:NROW] = jnp.zeros((NROW - N // NPK, NPK * DIM), jnp.float32)


def _tc_out_body(aggp_ref, b_ref, wl_ref, bl_ref, g_ref, out_ref):
    hp = jnp.maximum(aggp_ref[0] + aggp_ref[1] + b_ref[...], 0.0)
    lo = jnp.dot(hp, wl_ref[...], preferred_element_type=jnp.float32) + bl_ref[...]
    e = jnp.exp(lo)
    s = jnp.dot(e, g_ref[...], preferred_element_type=jnp.float32)
    out_ref[...] = e / s


def kernel(x, edge_index, W1, b1, W2, b2, Wl, bl):
    src = edge_index[0].astype(jnp.int32)
    dst = edge_index[1].astype(jnp.int32)
    src_p = jnp.concatenate([src, jnp.full((NPAD,), N, jnp.int32)])
    dst_p = jnp.concatenate(
        [dst, jnp.arange(NPAD, dtype=jnp.int32) % N_ACC])
    src_p = src_p.reshape(NW * KMAX, CH)
    dst_p = dst_p.reshape(NW * KMAX, CH)

    zeros8 = jnp.zeros((RPT, DEGW), jnp.float32)
    ones8 = jnp.ones((CH, DEGW), jnp.float32)

    eye = jnp.eye(NPK, dtype=jnp.float32)
    W1bd = jnp.kron(eye, W1)
    W2bd = jnp.kron(eye, W2)
    Wlpad = jnp.zeros((DIM, DIM), jnp.float32).at[:, :C].set(Wl)
    Wlbd = jnp.kron(eye, Wlpad)
    blpad = jnp.full((DIM,), -1e30, jnp.float32).at[:C].set(bl)
    blp = jnp.tile(blpad, NPK).reshape(1, NPK * DIM)
    b1p = jnp.tile(b1, NPK).reshape(1, NPK * DIM)
    b2p = jnp.tile(b2, NPK).reshape(1, NPK * DIM)
    G = jnp.kron(eye, jnp.ones((DIM, DIM), jnp.float32))

    x4 = jnp.pad(x, ((0, N_ACC - N), (0, 0))).reshape(NROW, NPK * F_IN)

    degp = _deg_kernel(dst_p, zeros8, ones8)

    z1p = pl.pallas_call(
        _tc0_body,
        out_shape=jax.ShapeDtypeStruct((NROW, NPK * DIM), jnp.float32),
    )(x4, W1bd)

    agg1 = _agg_kernel(z1p.reshape(N_ACC, DIM), degp, src_p, dst_p)

    z2p = pl.pallas_call(
        _tc_mid_body,
        out_shape=jax.ShapeDtypeStruct((NROW, NPK * DIM), jnp.float32),
    )(agg1.reshape(NC, NROW, NPK * DIM), b1p, W2bd)

    agg2 = _agg_kernel(z2p.reshape(N_ACC, DIM), degp, src_p, dst_p)

    outp = pl.pallas_call(
        _tc_out_body,
        out_shape=jax.ShapeDtypeStruct((NROW, NPK * DIM), jnp.float32),
    )(agg2.reshape(NC, NROW, NPK * DIM), b2p, Wlbd, blp, G)

    return outp.reshape(N_ACC, DIM)[:N, :C]

# --- scband reference (transcript-rebuilt; emitter-appended) ---
"""Pipeline reference for scband-net3-2396591751560 (READ-ONLY COPY).

The authoritative reference and input builder live on the scoring server;
editing this copy changes nothing except your own understanding.
"""

import jax, jax.numpy as jnp
import numpy as np

N = 10000
E = 320000
F_IN = 128
DIM = 32
C = 10


def setup_inputs(seed: int = 0) -> dict:
    key = jax.random.key(seed)
    ks = jax.random.split(key, 8)
    x = jax.random.normal(ks[0], (N, F_IN), dtype=jnp.float32)
    edge_index = jax.random.randint(ks[1], (2, E), 0, N).astype(jnp.int64)
    W1 = jax.random.normal(ks[2], (F_IN, DIM), dtype=jnp.float32) * (1.0 / np.sqrt(F_IN))
    b1 = jnp.zeros((DIM,), dtype=jnp.float32)
    W2 = jax.random.normal(ks[3], (DIM, DIM), dtype=jnp.float32) * (1.0 / np.sqrt(DIM))
    b2 = jnp.zeros((DIM,), dtype=jnp.float32)
    Wl = jax.random.normal(ks[4], (DIM, C), dtype=jnp.float32) * (1.0 / np.sqrt(DIM))
    bl = jnp.zeros((C,), dtype=jnp.float32)
    return {"x": x, "edge_index": edge_index, "W1": W1, "b1": b1, "W2": W2, "b2": b2, "Wl": Wl, "bl": bl}


def _gcn_conv_improved(h, edge_index, W, b, num_nodes):
    # GCNConv with improved=True: A_hat = A + 2I, sym-normalized
    src = edge_index[0]
    dst = edge_index[1]
    loop = jnp.arange(num_nodes, dtype=src.dtype)
    src_full = jnp.concatenate([src, loop])
    dst_full = jnp.concatenate([dst, loop])
    ew = jnp.concatenate([jnp.ones((src.shape[0],), jnp.float32), 2.0 * jnp.ones((num_nodes,), jnp.float32)])
    deg = jax.ops.segment_sum(ew, dst_full, num_segments=num_nodes)
    deg_inv_sqrt = jnp.where(deg > 0, jax.lax.rsqrt(jnp.maximum(deg, 1e-12)), 0.0)
    norm = deg_inv_sqrt[src_full] * ew * deg_inv_sqrt[dst_full]
    z = h @ W
    msg = z[src_full] * norm[:, None]
    out = jax.ops.segment_sum(msg, dst_full, num_segments=num_nodes)
    return out + b


def reference(x, edge_index, W1, b1, W2, b2, Wl, bl):
    # eval mode: dropout is identity
    h = jax.nn.relu(_gcn_conv_improved(x, edge_index, W1, b1, N))
    h = jax.nn.relu(_gcn_conv_improved(h, edge_index, W2, b2, N))
    h = h @ Wl + bl
    return jax.nn.softmax(h, axis=1)

if __name__ == "__main__":
    import jax
    _d = setup_inputs()
    print(jax.jit(kernel)(*tuple(_d.values())))

</pallas_src>

<mosaic_0001>
#map = affine_map<(d0, d1) -> (0, 0)>
#map1 = affine_map<(d0, d1) -> (0, 0, 0)>
module attributes {stable_mosaic.version = 14 : i64} {
  func.func @_agg_kernel(%arg0: i32, %arg1: i32, %arg2: memref<10240x32xf32, #tpu.memory_space<hbm>>, %arg3: memref<2x10240x8xf32, #tpu.memory_space<hbm>>, %arg4: memref<2560x128xi32, #tpu.memory_space<hbm>>, %arg5: memref<2560x128xi32, #tpu.memory_space<hbm>>, %arg6: memref<2x10240x32xf32, #tpu.memory_space<hbm>>, %arg7: memref<10240x32xf32, #tpu.memory_space<vmem_shared>>, %arg8: memref<10240x32xf32, #tpu.memory_space<vmem_shared>>, %arg9: memref<80x128xi32, #tpu.memory_space<vmem>>, %arg10: memref<80x128xi32, #tpu.memory_space<vmem>>, %arg11: memref<640x32xf32, #tpu.memory_space<vmem>>, %arg12: memref<640xf32, #tpu.memory_space<vmem>>, %arg13: memref<640x8xf32, #tpu.memory_space<vmem>>, %arg14: memref<640x8xf32, #tpu.memory_space<vmem>>, %arg15: memref<128x32xf32, #tpu.memory_space<vmem>>, %arg16: memref<128x32xf32, #tpu.memory_space<vmem>>, %arg17: memref<128x32xf32, #tpu.memory_space<vmem>>, %arg18: memref<128x32xf32, #tpu.memory_space<vmem>>, %arg19: memref<!tpu.dma_semaphore, #tpu.memory_space<semaphore_mem>>, %arg20: memref<!tpu.dma_semaphore, #tpu.memory_space<semaphore_mem>>, %arg21: memref<!tpu.dma_semaphore, #tpu.memory_space<semaphore_mem>>, %arg22: memref<!tpu.dma_semaphore, #tpu.memory_space<semaphore_mem>>, %arg23: memref<!tpu.dma_semaphore, #tpu.memory_space<semaphore_mem>>, %arg24: memref<!tpu.dma_semaphore, #tpu.memory_space<semaphore_mem>>, %arg25: memref<!tpu.dma_semaphore, #tpu.memory_space<semaphore_mem>>, %arg26: memref<!tpu.dma_semaphore, #tpu.memory_space<semaphore_mem>>) attributes {dimension_semantics = [#tpu.dimension_semantics<core_parallel>, #tpu.dimension_semantics<subcore_parallel>], iteration_bounds = array<i64: 2, 16>, scalar_prefetch = 0 : i64, scratch_operands = 20 : i64, tpu.core_type = #tpu.core_type<sc_vector_subcore>, window_params = [{transform_indices = #map}, {transform_indices = #map1}, {transform_indices = #map}, {transform_indices = #map}, {transform_indices = #map1}]} {
    %mul3A = arith.constant 2 : i32
    %mul3A_0 = arith.muli %arg1, %mul3A : i32
    %add3A = arith.addi %mul3A_0, %arg0 : i32
    %mul3A_1 = arith.constant 640 : i32
    %mul3A_2 = arith.muli %arg1, %mul3A_1 : i32
    %mul3A_3 = arith.constant 80 : i32
    %mul3A_4 = arith.muli %add3A, %mul3A_3 : i32
    "tpu.region"() ({
      %run_scoped3A_74 = tpu.sem_alloc : memref<!tpu.dma_semaphore, #tpu.memory_space<semaphore_mem>>
      %dma_start3A_75 = arith.constant 0 : i32
      %dma_start3A_76 = tpu.memref_slice %arg4[%mul3A_4, %dma_start3A_75] : memref<2560x128xi32, #tpu.memory_space<hbm>> -> memref<80x128xi32, #tpu.memory_space<hbm>>
      %dma_start3A_77 = arith.constant 0 : i32
      %dma_start3A_78 = tpu.memref_slice %arg4[%mul3A_4, %dma_start3A_77] : memref<2560x128xi32, #tpu.memory_space<hbm>> -> memref<80x128xi32, #tpu.memory_space<hbm>>
      tpu.enqueue_dma source(%dma_start3A_78 : memref<80x128xi32, #tpu.memory_space<hbm>>) target(%arg9 : memref<80x128xi32, #tpu.memory_space<vmem>>) target_semaphore(%run_scoped3A_74 : memref<!tpu.dma_semaphore, #tpu.memory_space<semaphore_mem>>)
      %dma_wait3A_79 = arith.constant 0 : i32
      %dma_wait3A_80 = tpu.memref_slice %arg4[%mul3A_4, %dma_wait3A_79] : memref<2560x128xi32, #tpu.memory_space<hbm>> -> memref<80x128xi32, #tpu.memory_space<hbm>>
      %dma_wait3A_81 = arith.constant 0 : i32
      %dma_wait3A_82 = tpu.memref_slice %arg4[%mul3A_4, %dma_wait3A_81] : memref<2560x128xi32, #tpu.memory_space<hbm>> -> memref<80x128xi32, #tpu.memory_space<hbm>>
      tpu.wait_dma2 semaphore(%run_scoped3A_74 : memref<!tpu.dma_semaphore, #tpu.memory_space<semaphore_mem>>) src(%dma_wait3A_82 : memref<80x128xi32, #tpu.memory_space<hbm>>) dst(%arg9 : memref<80x128xi32, #tpu.memory_space<vmem>>)
      tpu.yield
    }) : () -> ()
    %mul3A_5 = arith.constant 80 : i32
    %mul3A_6 = arith.muli %add3A, %mul3A_5 : i32
    "tpu.region"() ({
      %run_scoped3A_74 = tpu.sem_alloc : memref<!tpu.dma_semaphore, #tpu.memory_space<semaphore_mem>>
      %dma_start3A_75 = arith.constant 0 : i32
      %dma_start3A_76 = tpu.memref_slice %arg5[%mul3A_6, %dma_start3A_75] : memref<2560x128xi32, #tpu.memory_space<hbm>> -> memref<80x128xi32, #tpu.memory_space<hbm>>
      %dma_start3A_77 = arith.constant 0 : i32
      %dma_start3A_78 = tpu.memref_slice %arg5[%mul3A_6, %dma_start3A_77] : memref<2560x128xi32, #tpu.memory_space<hbm>> -> memref<80x128xi32, #tpu.memory_space<hbm>>
      tpu.enqueue_dma source(%dma_start3A_78 : memref<80x128xi32, #tpu.memory_space<hbm>>) target(%arg10 : memref<80x128xi32, #tpu.memory_space<vmem>>) target_semaphore(%run_scoped3A_74 : memref<!tpu.dma_semaphore, #tpu.memory_space<semaphore_mem>>)
      %dma_wait3A_79 = arith.constant 0 : i32
      %dma_wait3A_80 = tpu.memref_slice %arg5[%mul3A_6, %dma_wait3A_79] : memref<2560x128xi32, #tpu.memory_space<hbm>> -> memref<80x128xi32, #tpu.memory_space<hbm>>
      %dma_wait3A_81 = arith.constant 0 : i32
      %dma_wait3A_82 = tpu.memref_slice %arg5[%mul3A_6, %dma_wait3A_81] : memref<2560x128xi32, #tpu.memory_space<hbm>> -> memref<80x128xi32, #tpu.memory_space<hbm>>
      tpu.wait_dma2 semaphore(%run_scoped3A_74 : memref<!tpu.dma_semaphore, #tpu.memory_space<semaphore_mem>>) src(%dma_wait3A_82 : memref<80x128xi32, #tpu.memory_space<hbm>>) dst(%arg10 : memref<80x128xi32, #tpu.memory_space<vmem>>)
      tpu.yield
    }) : () -> ()
    "tpu.region"() ({
      %run_scoped3A_74 = tpu.sem_alloc : memref<!tpu.dma_semaphore, #tpu.memory_space<semaphore_mem>>
      %dma_start3A_75 = arith.constant 0 : i32
      %dma_start3A_76 = tpu.memref_slice %arg2[%mul3A_2, %dma_start3A_75] : memref<10240x32xf32, #tpu.memory_space<hbm>> -> memref<640x32xf32, #tpu.memory_space<hbm>>
      %dma_start3A_77 = arith.constant 0 : i32
      %dma_start3A_78 = tpu.memref_slice %arg2[%mul3A_2, %dma_start3A_77] : memref<10240x32xf32, #tpu.memory_space<hbm>> -> memref<640x32xf32, #tpu.memory_space<hbm>>
      tpu.enqueue_dma source(%dma_start3A_78 : memref<640x32xf32, #tpu.memory_space<hbm>>) target(%arg11 : memref<640x32xf32, #tpu.memory_space<vmem>>) target_semaphore(%run_scoped3A_74 : memref<!tpu.dma_semaphore, #tpu.memory_space<semaphore_mem>>)
      %dma_wait3A_79 = arith.constant 0 : i32
      %dma_wait3A_80 = tpu.memref_slice %arg2[%mul3A_2, %dma_wait3A_79] : memref<10240x32xf32, #tpu.memory_space<hbm>> -> memref<640x32xf32, #tpu.memory_space<hbm>>
      %dma_wait3A_81 = arith.constant 0 : i32
      %dma_wait3A_82 = tpu.memref_slice %arg2[%mul3A_2, %dma_wait3A_81] : memref<10240x32xf32, #tpu.memory_space<hbm>> -> memref<640x32xf32, #tpu.memory_space<hbm>>
      tpu.wait_dma2 semaphore(%run_scoped3A_74 : memref<!tpu.dma_semaphore, #tpu.memory_space<semaphore_mem>>) src(%dma_wait3A_82 : memref<640x32xf32, #tpu.memory_space<hbm>>) dst(%arg11 : memref<640x32xf32, #tpu.memory_space<vmem>>)
      tpu.yield
    }) : () -> ()
    %run_scoped3A = arith.constant 0 : i32
    "tpu.region"() ({
      %run_scoped3A_74 = tpu.sem_alloc : memref<!tpu.dma_semaphore, #tpu.memory_space<semaphore_mem>>
      %dma_start3A_75 = arith.constant 0 : i32
      %dma_start3A_76 = tpu.memref_slice %arg3[%run_scoped3A, %mul3A_2, %dma_start3A_75] : memref<2x10240x8xf32, #tpu.memory_space<hbm>> -> memref<1x640x8xf32, #tpu.memory_space<hbm>>
      %dma_start3A_77 = tpu.memref_squeeze %dma_start3A_76 : memref<1x640x8xf32, #tpu.memory_space<hbm>> -> memref<640x8xf32, #tpu.memory_space<hbm>>
      %dma_start3A_78 = arith.constant 0 : i32
      %dma_start3A_79 = tpu.memref_slice %arg3[%run_scoped3A, %mul3A_2, %dma_start3A_78] : memref<2x10240x8xf32, #tpu.memory_space<hbm>> -> memref<1x640x8xf32, #tpu.memory_space<hbm>>
      %dma_start3A_80 = tpu.memref_squeeze %dma_start3A_79 : memref<1x640x8xf32, #tpu.memory_space<hbm>> -> memref<640x8xf32, #tpu.memory_space<hbm>>
      tpu.enqueue_dma source(%dma_start3A_80 : memref<640x8xf32, #tpu.memory_space<hbm>>) target(%arg13 : memref<640x8xf32, #tpu.memory_space<vmem>>) target_semaphore(%run_scoped3A_74 : memref<!tpu.dma_semaphore, #tpu.memory_space<semaphore_mem>>)
      %dma_wait3A_81 = arith.constant 0 : i32
      %dma_wait3A_82 = tpu.memref_slice %arg3[%run_scoped3A, %mul3A_2, %dma_wait3A_81] : memref<2x10240x8xf32, #tpu.memory_space<hbm>> -> memref<1x640x8xf32, #tpu.memory_space<hbm>>
      %dma_wait3A_83 = tpu.memref_squeeze %dma_wait3A_82 : memref<1x640x8xf32, #tpu.memory_space<hbm>> -> memref<640x8xf32, #tpu.memory_space<hbm>>
      %dma_wait3A_84 = arith.constant 0 : i32
      %dma_wait3A_85 = tpu.memref_slice %arg3[%run_scoped3A, %mul3A_2, %dma_wait3A_84] : memref<2x10240x8xf32, #tpu.memory_space<hbm>> -> memref<1x640x8xf32, #tpu.memory_space<hbm>>
      %dma_wait3A_86 = tpu.memref_squeeze %dma_wait3A_85 : memref<1x640x8xf32, #tpu.memory_space<hbm>> -> memref<640x8xf32, #tpu.memory_space<hbm>>
      tpu.wait_dma2 semaphore(%run_scoped3A_74 : memref<!tpu.dma_semaphore, #tpu.memory_space<semaphore_mem>>) src(%dma_wait3A_86 : memref<640x8xf32, #tpu.memory_space<hbm>>) dst(%arg13 : memref<640x8xf32, #tpu.memory_space<vmem>>)
      tpu.yield
    }) : () -> ()
    %run_scoped3A_7 = arith.constant 1 : i32
    "tpu.region"() ({
      %run_scoped3A_74 = tpu.sem_alloc : memref<!tpu.dma_semaphore, #tpu.memory_space<semaphore_mem>>
      %dma_start3A_75 = arith.constant 0 : i32
      %dma_start3A_76 = tpu.memref_slice %arg3[%run_scoped3A_7, %mul3A_2, %dma_start3A_75] : memref<2x10240x8xf32, #tpu.memory_space<hbm>> -> memref<1x640x8xf32, #tpu.memory_space<hbm>>
      %dma_start3A_77 = tpu.memref_squeeze %dma_start3A_76 : memref<1x640x8xf32, #tpu.memory_space<hbm>> -> memref<640x8xf32, #tpu.memory_space<hbm>>
      %dma_start3A_78 = arith.constant 0 : i32
      %dma_start3A_79 = tpu.memref_slice %arg3[%run_scoped3A_7, %mul3A_2, %dma_start3A_78] : memref<2x10240x8xf32, #tpu.memory_space<hbm>> -> memref<1x640x8xf32, #tpu.memory_space<hbm>>
      %dma_start3A_80 = tpu.memref_squeeze %dma_start3A_79 : memref<1x640x8xf32, #tpu.memory_space<hbm>> -> memref<640x8xf32, #tpu.memory_space<hbm>>
      tpu.enqueue_dma source(%dma_start3A_80 : memref<640x8xf32, #tpu.memory_space<hbm>>) target(%arg14 : memref<640x8xf32, #tpu.memory_space<vmem>>) target_semaphore(%run_scoped3A_74 : memref<!tpu.dma_semaphore, #tpu.memory_space<semaphore_mem>>)
      %dma_wait3A_81 = arith.constant 0 : i32
      %dma_wait3A_82 = tpu.memref_slice %arg3[%run_scoped3A_7, %mul3A_2, %dma_wait3A_81] : memref<2x10240x8xf32, #tpu.memory_space<hbm>> -> memref<1x640x8xf32, #tpu.memory_space<hbm>>
      %dma_wait3A_83 = tpu.memref_squeeze %dma_wait3A_82 : memref<1x640x8xf32, #tpu.memory_space<hbm>> -> memref<640x8xf32, #tpu.memory_space<hbm>>
      %dma_wait3A_84 = arith.constant 0 : i32
      %dma_wait3A_85 = tpu.memref_slice %arg3[%run_scoped3A_7, %mul3A_2, %dma_wait3A_84] : memref<2x10240x8xf32, #tpu.memory_space<hbm>> -> memref<1x640x8xf32, #tpu.memory_space<hbm>>
      %dma_wait3A_86 = tpu.memref_squeeze %dma_wait3A_85 : memref<1x640x8xf32, #tpu.memory_space<hbm>> -> memref<640x8xf32, #tpu.memory_space<hbm>>
      tpu.wait_dma2 semaphore(%run_scoped3A_74 : memref<!tpu.dma_semaphore, #tpu.memory_space<semaphore_mem>>) src(%dma_wait3A_86 : memref<640x8xf32, #tpu.memory_space<hbm>>) dst(%arg14 : memref<640x8xf32, #tpu.memory_space<vmem>>)
      tpu.yield
    }) : () -> ()
    %scan3A = arith.constant 0 : i32
    %scan3A_8 = arith.constant 40 : i32
    %scan3A_9 = arith.addi %scan3A, %scan3A_8 : i32
    %scan3A_10 = arith.constant 1 : i32
    scf.for %scan3A_74 = %scan3A to %scan3A_9 step %scan3A_10  : i32 {
      %iota3A = tpu.iota {dimensions = array<i32: 0>} : vector<16xi32>
      %mul3A_75 = arith.constant 16 : i32
      %mul3A_76 = arith.muli %scan3A_74, %mul3A_75 : i32
      %add3A_77 = vector.broadcast %mul3A_76 : i32 to vector<16xi32>
      %add3A_78 = arith.addi %iota3A, %add3A_77 : vector<16xi32>
      %broadcast_in_dim3A = arith.constant 0 : i32
      %broadcast_in_dim3A_79 = vector.broadcast %broadcast_in_dim3A : i32 to vector<16xi32>
      %gather3A = tpu.vector_load_idx %arg13[%add3A_78, %broadcast_in_dim3A_79] : memref<640x8xf32, #tpu.memory_space<vmem>>[vector<16xi32>, vector<16xi32>], vector<16xf32>,
      %gather3A_80 = tpu.vector_load_idx %arg14[%add3A_78, %broadcast_in_dim3A_79] : memref<640x8xf32, #tpu.memory_space<vmem>>[vector<16xi32>, vector<16xi32>], vector<16xf32>,
      %iota3A_81 = tpu.iota {dimensions = array<i32: 0>} : vector<16xi32>
      %mul3A_82 = arith.constant 16 : i32
      %mul3A_83 = arith.muli %scan3A_74, %mul3A_82 : i32
      %add3A_84 = arith.addi %mul3A_2, %mul3A_83 : i32
      %add3A_85 = vector.broadcast %add3A_84 : i32 to vector<16xi32>
      %add3A_86 = arith.addi %iota3A_81, %add3A_85 : vector<16xi32>
      %lt3A = arith.constant 7680 : i32
      %lt3A_87 = vector.broadcast %lt3A : i32 to vector<16xi32>
      %lt3A_88 = arith.cmpi slt, %add3A_86, %lt3A_87 : vector<16xi32>
      %jit3A = arith.constant 1.000000e+00 : f32
      %jit3A_89 = arith.constant 0.000000e+00 : f32
      %broadcast_in_dim3A_90 = vector.broadcast %jit3A : f32 to vector<16xf32>
      %broadcast_in_dim3A_91 = vector.broadcast %jit3A_89 : f32 to vector<16xf32>
      %select_n3A = arith.select %lt3A_88, %broadcast_in_dim3A_90, %broadcast_in_dim3A_91 : vector<16xi1>, vector<16xf32>
      %add3A_92 = arith.addf %gather3A, %gather3A_80 : vector<16xf32>
      %add3A_93 = arith.constant 2.000000e+00 : f32
      %add3A_94 = vector.broadcast %add3A_93 : f32 to vector<16xf32>
      %add3A_95 = arith.addf %add3A_92, %add3A_94 : vector<16xf32>
      %sub3A = arith.subf %add3A_95, %select_n3A : vector<16xf32>
      %bitcast3A = vector.bitcast %sub3A : vector<16xf32> to vector<16xi32>
      %shift_right_arithmetic3A = arith.constant 1 : i32
      %shift_right_arithmetic3A_96 = vector.broadcast %shift_right_arithmetic3A : i32 to vector<16xi32>
      %shift_right_arithmetic3A_97 = arith.shrsi %bitcast3A, %shift_right_arithmetic3A_96 : vector<16xi32>
      %sub3A_98 = arith.constant 1597463007 : i32
      %sub3A_99 = vector.broadcast %sub3A_98 : i32 to vector<16xi32>
      %sub3A_100 = arith.subi %sub3A_99, %shift_right_arithmetic3A_97 : vector<16xi32>
      %bitcast3A_101 = vector.bitcast %sub3A_100 : vector<16xi32> to vector<16xf32>
      %mul3A_102 = arith.constant 5.000000e-01 : f32
      %mul3A_103 = vector.broadcast %mul3A_102 : f32 to vector<16xf32>
      %mul3A_104 = arith.mulf %mul3A_103, %sub3A : vector<16xf32>
      %mul3A_105 = arith.mulf %mul3A_104, %bitcast3A_101 : vector<16xf32>
      %mul3A_106 = arith.mulf %mul3A_105, %bitcast3A_101 : vector<16xf32>
      %sub3A_107 = arith.constant 1.500000e+00 : f32
      %sub3A_108 = vector.broadcast %sub3A_107 : f32 to vector<16xf32>
      %sub3A_109 = arith.subf %sub3A_108, %mul3A_106 : vector<16xf32>
      %mul3A_110 = arith.mulf %bitcast3A_101, %sub3A_109 : vector<16xf32>
      %mul3A_111 = arith.constant 5.000000e-01 : f32
      %mul3A_112 = vector.broadcast %mul3A_111 : f32 to vector<16xf32>
      %mul3A_113 = arith.mulf %mul3A_112, %sub3A : vector<16xf32>
      %mul3A_114 = arith.mulf %mul3A_113, %mul3A_110 : vector<16xf32>
      %mul3A_115 = arith.mulf %mul3A_114, %mul3A_110 : vector<16xf32>
      %sub3A_116 = arith.constant 1.500000e+00 : f32
      %sub3A_117 = vector.broadcast %sub3A_116 : f32 to vector<16xf32>
      %sub3A_118 = arith.subf %sub3A_117, %mul3A_115 : vector<16xf32>
      %mul3A_119 = arith.mulf %mul3A_110, %sub3A_118 : vector<16xf32>
      %mul3A_120 = arith.constant 5.000000e-01 : f32
      %mul3A_121 = vector.broadcast %mul3A_120 : f32 to vector<16xf32>
      %mul3A_122 = arith.mulf %mul3A_121, %sub3A : vector<16xf32>
      %mul3A_123 = arith.mulf %mul3A_122, %mul3A_119 : vector<16xf32>
      %mul3A_124 = arith.mulf %mul3A_123, %mul3A_119 : vector<16xf32>
      %sub3A_125 = arith.constant 1.500000e+00 : f32
      %sub3A_126 = vector.broadcast %sub3A_125 : f32 to vector<16xf32>
      %sub3A_127 = arith.subf %sub3A_126, %mul3A_124 : vector<16xf32>
      %mul3A_128 = arith.mulf %mul3A_119, %sub3A_127 : vector<16xf32>
      %mul3A_129 = arith.constant 16 : i32
      %mul3A_130 = arith.muli %scan3A_74, %mul3A_129 : i32
      %swap3A = arith.index_cast %mul3A_130 : i32 to index
      %swap3A_131 = tpu.vector_load %arg12[%swap3A] {strides = array<i32>} : memref<640xf32, #tpu.memory_space<vmem>>, vector<16xf32>,
      tpu.vector_store %arg12[%swap3A], %mul3A_128 {strides = array<i32>} : memref<640xf32, #tpu.memory_space<vmem>>, vector<16xf32>,
    }
    %scan3A_11 = arith.constant 40 : i32
    %scan3A_12 = arith.constant 0 : i32
    %scan3A_13 = arith.constant 40 : i32
    %scan3A_14 = arith.addi %scan3A_12, %scan3A_13 : i32
    %scan3A_15 = arith.constant 1 : i32
    scf.for %scan3A_74 = %scan3A_12 to %scan3A_14 step %scan3A_15  : i32 {
      %mul3A_75 = arith.constant 16 : i32
      %mul3A_76 = arith.muli %scan3A_74, %mul3A_75 : i32
      %get3A = arith.index_cast %mul3A_76 : i32 to index
      %get3A_77 = tpu.vector_load %arg12[%get3A] {strides = array<i32>} : memref<640xf32, #tpu.memory_space<vmem>>, vector<16xf32>,
      %slice3A = vector.extract_strided_slice %get3A_77 {offsets = [0], sizes = [1], strides = [1]} : vector<16xf32> to vector<1xf32>
      %squeeze3A = vector.extract %slice3A[0] : f32 from vector<1xf32>
      %add3A_78 = arith.constant 0 : i32
      %add3A_79 = arith.addi %mul3A_76, %add3A_78 : i32
      %get3A_80 = arith.index_cast %add3A_79 : i32 to index
      %get3A_81 = arith.constant 0 : index
      %get3A_82 = tpu.vector_load %arg11[%get3A_80, %get3A_81] {strides = array<i32>} : memref<640x32xf32, #tpu.memory_space<vmem>>, vector<16xf32>,
      %mul3A_83 = vector.broadcast %squeeze3A : f32 to vector<16xf32>
      %mul3A_84 = arith.mulf %get3A_82, %mul3A_83 : vector<16xf32>
      %add3A_85 = arith.constant 0 : i32
      %add3A_86 = arith.addi %mul3A_76, %add3A_85 : i32
      %swap3A = arith.index_cast %add3A_86 : i32 to index
      %swap3A_87 = arith.constant 0 : index
      %swap3A_88 = tpu.vector_load %arg11[%swap3A, %swap3A_87] {strides = array<i32>} : memref<640x32xf32, #tpu.memory_space<vmem>>, vector<16xf32>,
      tpu.vector_store %arg11[%swap3A, %swap3A_87], %mul3A_84 {strides = array<i32>} : memref<640x32xf32, #tpu.memory_space<vmem>>, vector<16xf32>,
      %add3A_89 = arith.constant 0 : i32
      %add3A_90 = arith.addi %mul3A_76, %add3A_89 : i32
      %get3A_91 = arith.index_cast %add3A_90 : i32 to index
      %get3A_92 = arith.constant 16 : index
      %get3A_93 = tpu.vector_load %arg11[%get3A_91, %get3A_92] {strides = array<i32>} : memref<640x32xf32, #tpu.memory_space<vmem>>, vector<16xf32>,
      %mul3A_94 = vector.broadcast %squeeze3A : f32 to vector<16xf32>
      %mul3A_95 = arith.mulf %get3A_93, %mul3A_94 : vector<16xf32>
      %add3A_96 = arith.constant 0 : i32
      %add3A_97 = arith.addi %mul3A_76, %add3A_96 : i32
      %swap3A_98 = arith.index_cast %add3A_97 : i32 to index
      %swap3A_99 = arith.constant 16 : index
      %swap3A_100 = tpu.vector_load %arg11[%swap3A_98, %swap3A_99] {strides = array<i32>} : memref<640x32xf32, #tpu.memory_space<vmem>>, vector<16xf32>,
      tpu.vector_store %arg11[%swap3A_98, %swap3A_99], %mul3A_95 {strides = array<i32>} : memref<640x32xf32, #tpu.memory_space<vmem>>, vector<16xf32>,
      %slice3A_101 = vector.extract_strided_slice %get3A_77 {offsets = [1], sizes = [1], strides = [1]} : vector<16xf32> to vector<1xf32>
      %squeeze3A_102 = vector.extract %slice3A_101[0] : f32 from vector<1xf32>
      %add3A_103 = arith.constant 1 : i32
      %add3A_104 = arith.addi %mul3A_76, %add3A_103 : i32
      %get3A_105 = arith.index_cast %add3A_104 : i32 to index
      %get3A_106 = arith.constant 0 : index
      %get3A_107 = tpu.vector_load %arg11[%get3A_105, %get3A_106] {strides = array<i32>} : memref<640x32xf32, #tpu.memory_space<vmem>>, vector<16xf32>,
      %mul3A_108 = vector.broadcast %squeeze3A_102 : f32 to vector<16xf32>
      %mul3A_109 = arith.mulf %get3A_107, %mul3A_108 : vector<16xf32>
      %add3A_110 = arith.constant 1 : i32
      %add3A_111 = arith.addi %mul3A_76, %add3A_110 : i32
      %swap3A_112 = arith.index_cast %add3A_111 : i32 to index
      %swap3A_113 = arith.constant 0 : index
      %swap3A_114 = tpu.vector_load %arg11[%swap3A_112, %swap3A_113] {strides = array<i32>} : memref<640x32xf32, #tpu.memory_space<vmem>>, vector<16xf32>,
      tpu.vector_store %arg11[%swap3A_112, %swap3A_113], %mul3A_109 {strides = array<i32>} : memref<640x32xf32, #tpu.memory_space<vmem>>, vector<16xf32>,
      %add3A_115 = arith.constant 1 : i32
      %add3A_116 = arith.addi %mul3A_76, %add3A_115 : i32
      %get3A_117 = arith.index_cast %add3A_116 : i32 to index
      %get3A_118 = arith.constant 16 : index
      %get3A_119 = tpu.vector_load %arg11[%get3A_117, %get3A_118] {strides = array<i32>} : memref<640x32xf32, #tpu.memory_space<vmem>>, vector<16xf32>,
      %mul3A_120 = vector.broadcast %squeeze3A_102 : f32 to vector<16xf32>
      %mul3A_121 = arith.mulf %get3A_119, %mul3A_120 : vector<16xf32>
      %add3A_122 = arith.constant 1 : i32
      %add3A_123 = arith.addi %mul3A_76, %add3A_122 : i32
      %swap3A_124 = arith.index_cast %add3A_123 : i32 to index
      %swap3A_125 = arith.constant 16 : index
      %swap3A_126 = tpu.vector_load %arg11[%swap3A_124, %swap3A_125] {strides = array<i32>} : memref<640x32xf32, #tpu.memory_space<vmem>>, vector<16xf32>,
      tpu.vector_store %arg11[%swap3A_124, %swap3A_125], %mul3A_121 {strides = array<i32>} : memref<640x32xf32, #tpu.memory_space<vmem>>, vector<16xf32>,
      %slice3A_127 = vector.extract_strided_slice %get3A_77 {offsets = [2], sizes = [1], strides = [1]} : vector<16xf32> to vector<1xf32>
      %squeeze3A_128 = vector.extract %slice3A_127[0] : f32 from vector<1xf32>
      %add3A_129 = arith.constant 2 : i32
      %add3A_130 = arith.addi %mul3A_76, %add3A_129 : i32
      %get3A_131 = arith.index_cast %add3A_130 : i32 to index
      %get3A_132 = arith.constant 0 : index
      %get3A_133 = tpu.vector_load %arg11[%get3A_131, %get3A_132] {strides = array<i32>} : memref<640x32xf32, #tpu.memory_space<vmem>>, vector<16xf32>,
      %mul3A_134 = vector.broadcast %squeeze3A_128 : f32 to vector<16xf32>
      %mul3A_135 = arith.mulf %get3A_133, %mul3A_134 : vector<16xf32>
      %add3A_136 = arith.constant 2 : i32
      %add3A_137 = arith.addi %mul3A_76, %add3A_136 : i32
      %swap3A_138 = arith.index_cast %add3A_137 : i32 to index
      %swap3A_139 = arith.constant 0 : index
      %swap3A_140 = tpu.vector_load %arg11[%swap3A_138, %swap3A_139] {strides = array<i32>} : memref<640x32xf32, #tpu.memory_space<vmem>>, vector<16xf32>,
      tpu.vector_store %arg11[%swap3A_138, %swap3A_139], %mul3A_135 {strides = array<i32>} : memref<640x32xf32, #tpu.memory_space<vmem>>, vector<16xf32>,
      %add3A_141 = arith.constant 2 : i32
      %add3A_142 = arith.addi %mul3A_76, %add3A_141 : i32
      %get3A_143 = arith.index_cast %add3A_142 : i32 to index
      %get3A_144 = arith.constant 16 : index
      %get3A_145 = tpu.vector_load %arg11[%get3A_143, %get3A_144] {strides = array<i32>} : memref<640x32xf32, #tpu.memory_space<vmem>>, vector<16xf32>,
      %mul3A_146 = vector.broadcast %squeeze3A_128 : f32 to vector<16xf32>
      %mul3A_147 = arith.mulf %get3A_145, %mul3A_146 : vector<16xf32>
      %add3A_148 = arith.constant 2 : i32
      %add3A_149 = arith.addi %mul3A_76, %add3A_148 : i32
      %swap3A_150 = arith.index_cast %add3A_149 : i32 to index
      %swap3A_151 = arith.constant 16 : index
      %swap3A_152 = tpu.vector_load %arg11[%swap3A_150, %swap3A_151] {strides = array<i32>} : memref<640x32xf32, #tpu.memory_space<vmem>>, vector<16xf32>,
      tpu.vector_store %arg11[%swap3A_150, %swap3A_151], %mul3A_147 {strides = array<i32>} : memref<640x32xf32, #tpu.memory_space<vmem>>, vector<16xf32>,
      %slice3A_153 = vector.extract_strided_slice %get3A_77 {offsets = [3], sizes = [1], strides = [1]} : vector<16xf32> to vector<1xf32>
      %squeeze3A_154 = vector.extract %slice3A_153[0] : f32 from vector<1xf32>
      %add3A_155 = arith.constant 3 : i32
      %add3A_156 = arith.addi %mul3A_76, %add3A_155 : i32
      %get3A_157 = arith.index_cast %add3A_156 : i32 to index
      %get3A_158 = arith.constant 0 : index
      %get3A_159 = tpu.vector_load %arg11[%get3A_157, %get3A_158] {strides = array<i32>} : memref<640x32xf32, #tpu.memory_space<vmem>>, vector<16xf32>,
      %mul3A_160 = vector.broadcast %squeeze3A_154 : f32 to vector<16xf32>
      %mul3A_161 = arith.mulf %get3A_159, %mul3A_160 : vector<16xf32>
      %add3A_162 = arith.constant 3 : i32
      %add3A_163 = arith.addi %mul3A_76, %add3A_162 : i32
      %swap3A_164 = arith.index_cast %add3A_163 : i32 to index
      %swap3A_165 = arith.constant 0 : index
      %swap3A_166 = tpu.vector_load %arg11[%swap3A_164, %swap3A_165] {strides = array<i32>} : memref<640x32xf32, #tpu.memory_space<vmem>>, vector<16xf32>,
      tpu.vector_store %arg11[%swap3A_164, %swap3A_165], %mul3A_161 {strides = array<i32>} : memref<640x32xf32, #tpu.memory_space<vmem>>, vector<16xf32>,
      %add3A_167 = arith.constant 3 : i32
      %add3A_168 = arith.addi %mul3A_76, %add3A_167 : i32
      %get3A_169 = arith.index_cast %add3A_168 : i32 to index
      %get3A_170 = arith.constant 16 : index
      %get3A_171 = tpu.vector_load %arg11[%get3A_169, %get3A_170] {strides = array<i32>} : memref<640x32xf32, #tpu.memory_space<vmem>>, vector<16xf32>,
      %mul3A_172 = vector.broadcast %squeeze3A_154 : f32 to vector<16xf32>
      %mul3A_173 = arith.mulf %get3A_171, %mul3A_172 : vector<16xf32>
      %add3A_174 = arith.constant 3 : i32
      %add3A_175 = arith.addi %mul3A_76, %add3A_174 : i32
      %swap3A_176 = arith.index_cast %add3A_175 : i32 to index
      %swap3A_177 = arith.constant 16 : index
      %swap3A_178 = tpu.vector_load %arg11[%swap3A_176, %swap3A_177] {strides = array<i32>} : memref<640x32xf32, #tpu.memory_space<vmem>>, vector<16xf32>,
      tpu.vector_store %arg11[%swap3A_176, %swap3A_177], %mul3A_173 {strides = array<i32>} : memref<640x32xf32, #tpu.memory_space<vmem>>, vector<16xf32>,
      %slice3A_179 = vector.extract_strided_slice %get3A_77 {offsets = [4], sizes = [1], strides = [1]} : vector<16xf32> to vector<1xf32>
      %squeeze3A_180 = vector.extract %slice3A_179[0] : f32 from vector<1xf32>
      %add3A_181 = arith.constant 4 : i32
      %add3A_182 = arith.addi %mul3A_76, %add3A_181 : i32
      %get3A_183 = arith.index_cast %add3A_182 : i32 to index
      %get3A_184 = arith.constant 0 : index
      %get3A_185 = tpu.vector_load %arg11[%get3A_183, %get3A_184] {strides = array<i32>} : memref<640x32xf32, #tpu.memory_space<vmem>>, vector<16xf32>,
      %mul3A_186 = vector.broadcast %squeeze3A_180 : f32 to vector<16xf32>
      %mul3A_187 = arith.mulf %get3A_185, %mul3A_186 : vector<16xf32>
      %add3A_188 = arith.constant 4 : i32
      %add3A_189 = arith.addi %mul3A_76, %add3A_188 : i32
      %swap3A_190 = arith.index_cast %add3A_189 : i32 to index
      %swap3A_191 = arith.constant 0 : index
      %swap3A_192 = tpu.vector_load %arg11[%swap3A_190, %swap3A_191] {strides = array<i32>} : memref<640x32xf32, #tpu.memory_space<vmem>>, vector<16xf32>,
      tpu.vector_store %arg11[%swap3A_190, %swap3A_191], %mul3A_187 {strides = array<i32>} : memref<640x32xf32, #tpu.memory_space<vmem>>, vector<16xf32>,
      %add3A_193 = arith.constant 4 : i32
      %add3A_194 = arith.addi %mul3A_76, %add3A_193 : i32
      %get3A_195 = arith.index_cast %add3A_194 : i32 to index
      %get3A_196 = arith.constant 16 : index
      %get3A_197 = tpu.vector_load %arg11[%get3A_195, %get3A_196] {strides = array<i32>} : memref<640x32xf32, #tpu.memory_space<vmem>>, vector<16xf32>,
      %mul3A_198 = vector.broadcast %squeeze3A_180 : f32 to vector<16xf32>
      %mul3A_199 = arith.mulf %get3A_197, %mul3A_198 : vector<16xf32>
      %add3A_200 = arith.constant 4 : i32
      %add3A_201 = arith.addi %mul3A_76, %add3A_200 : i32
      %swap3A_202 = arith.index_cast %add3A_201 : i32 to index
      %swap3A_203 = arith.constant 16 : index
      %swap3A_204 = tpu.vector_load %arg11[%swap3A_202, %swap3A_203] {strides = array<i32>} : memref<640x32xf32, #tpu.memory_space<vmem>>, vector<16xf32>,
      tpu.vector_store %arg11[%swap3A_202, %swap3A_203], %mul3A_199 {strides = array<i32>} : memref<640x32xf32, #tpu.memory_space<vmem>>, vector<16xf32>,
      %slice3A_205 = vector.extract_strided_slice %get3A_77 {offsets = [5], sizes = [1], strides = [1]} : vector<16xf32> to vector<1xf32>
      %squeeze3A_206 = vector.extract %slice3A_205[0] : f32 from vector<1xf32>
      %add3A_207 = arith.constant 5 : i32
      %add3A_208 = arith.addi %mul3A_76, %add3A_207 : i32
      %get3A_209 = arith.index_cast %add3A_208 : i32 to index
      %get3A_210 = arith.constant 0 : index
      %get3A_211 = tpu.vector_load %arg11[%get3A_209, %get3A_210] {strides = array<i32>} : memref<640x32xf32, #tpu.memory_space<vmem>>, vector<16xf32>,
      %mul3A_212 = vector.broadcast %squeeze3A_206 : f32 to vector<16xf32>
      %mul3A_213 = arith.mulf %get3A_211, %mul3A_212 : vector<16xf32>
      %add3A_214 = arith.constant 5 : i32
      %add3A_215 = arith.addi %mul3A_76, %add3A_214 : i32
      %swap3A_216 = arith.index_cast %add3A_215 : i32 to index
      %swap3A_217 = arith.constant 0 : index
      %swap3A_218 = tpu.vector_load %arg11[%swap3A_216, %swap3A_217] {strides = array<i32>} : memref<640x32xf32, #tpu.memory_space<vmem>>, vector<16xf32>,
      tpu.vector_store %arg11[%swap3A_216, %swap3A_217], %mul3A_213 {strides = array<i32>} : memref<640x32xf32, #tpu.memory_space<vmem>>, vector<16xf32>,
      %add3A_219 = arith.constant 5 : i32
      %add3A_220 = arith.addi %mul3A_76, %add3A_219 : i32
      %get3A_221 = arith.index_cast %add3A_220 : i32 to index
      %get3A_222 = arith.constant 16 : index
      %get3A_223 = tpu.vector_load %arg11[%get3A_221, %get3A_222] {strides = array<i32>} : memref<640x32xf32, #tpu.memory_space<vmem>>, vector<16xf32>,
      %mul3A_224 = vector.broadcast %squeeze3A_206 : f32 to vector<16xf32>
      %mul3A_225 = arith.mulf %get3A_223, %mul3A_224 : vector<16xf32>
      %add3A_226 = arith.constant 5 : i32
      %add3A_227 = arith.addi %mul3A_76, %add3A_226 : i32
      %swap3A_228 = arith.index_cast %add3A_227 : i32 to index
      %swap3A_229 = arith.constant 16 : index
      %swap3A_230 = tpu.vector_load %arg11[%swap3A_228, %swap3A_229] {strides = array<i32>} : memref<640x32xf32, #tpu.memory_space<vmem>>, vector<16xf32>,
      tpu.vector_store %arg11[%swap3A_228, %swap3A_229], %mul3A_225 {strides = array<i32>} : memref<640x32xf32, #tpu.memory_space<vmem>>, vector<16xf32>,
      %slice3A_231 = vector.extract_strided_slice %get3A_77 {offsets = [6], sizes = [1], strides = [1]} : vector<16xf32> to vector<1xf32>
      %squeeze3A_232 = vector.extract %slice3A_231[0] : f32 from vector<1xf32>
      %add3A_233 = arith.constant 6 : i32
      %add3A_234 = arith.addi %mul3A_76, %add3A_233 : i32
      %get3A_235 = arith.index_cast %add3A_234 : i32 to index
      %get3A_236 = arith.constant 0 : index
      %get3A_237 = tpu.vector_load %arg11[%get3A_235, %get3A_236] {strides = array<i32>} : memref<640x32xf32, #tpu.memory_space<vmem>>, vector<16xf32>,
      %mul3A_238 = vector.broadcast %squeeze3A_232 : f32 to vector<16xf32>
      %mul3A_239 = arith.mulf %get3A_237, %mul3A_238 : vector<16xf32>
      %add3A_240 = arith.constant 6 : i32
      %add3A_241 = arith.addi %mul3A_76, %add3A_240 : i32
      %swap3A_242 = arith.index_cast %add3A_241 : i32 to index
      %swap3A_243 = arith.constant 0 : index
      %swap3A_244 = tpu.vector_load %arg11[%swap3A_242, %swap3A_243] {strides = array<i32>} : memref<640x32xf32, #tpu.memory_space<vmem>>, vector<16xf32>,
      tpu.vector_store %arg11[%swap3A_242, %swap3A_243], %mul3A_239 {strides = array<i32>} : memref<640x32xf32, #tpu.memory_space<vmem>>, vector<16xf32>,
      %add3A_245 = arith.constant 6 : i32
      %add3A_246 = arith.addi %mul3A_76, %add3A_245 : i32
      %get3A_247 = arith.index_cast %add3A_246 : i32 to index
      %get3A_248 = arith.constant 16 : index
      %get3A_249 = tpu.vector_load %arg11[%get3A_247, %get3A_248] {strides = array<i32>} : memref<640x32xf32, #tpu.memory_space<vmem>>, vector<16xf32>,
      %mul3A_250 = vector.broadcast %squeeze3A_232 : f32 to vector<16xf32>
      %mul3A_251 = arith.mulf %get3A_249, %mul3A_250 : vector<16xf32>
      %add3A_252 = arith.constant 6 : i32
      %add3A_253 = arith.addi %mul3A_76, %add3A_252 : i32
      %swap3A_254 = arith.index_cast %add3A_253 : i32 to index
      %swap3A_255 = arith.constant 16 : index
      %swap3A_256 = tpu.vector_load %arg11[%swap3A_254, %swap3A_255] {strides = array<i32>} : memref<640x32xf32, #tpu.memory_space<vmem>>, vector<16xf32>,
      tpu.vector_store %arg11[%swap3A_254, %swap3A_255], %mul3A_251 {strides = array<i32>} : memref<640x32xf32, #tpu.memory_space<vmem>>, vector<16xf32>,
      %slice3A_257 = vector.extract_strided_slice %get3A_77 {offsets = [7], sizes = [1], strides = [1]} : vector<16xf32> to vector<1xf32>
      %squeeze3A_258 = vector.extract %slice3A_257[0] : f32 from vector<1xf32>
      %add3A_259 = arith.constant 7 : i32
      %add3A_260 = arith.addi %mul3A_76, %add3A_259 : i32
      %get3A_261 = arith.index_cast %add3A_260 : i32 to index
      %get3A_262 = arith.constant 0 : index
      %get3A_263 = tpu.vector_load %arg11[%get3A_261, %get3A_262] {strides = array<i32>} : memref<640x32xf32, #tpu.memory_space<vmem>>, vector<16xf32>,
      %mul3A_264 = vector.broadcast %squeeze3A_258 : f32 to vector<16xf32>
      %mul3A_265 = arith.mulf %get3A_263, %mul3A_264 : vector<16xf32>
      %add3A_266 = arith.constant 7 : i32
      %add3A_267 = arith.addi %mul3A_76, %add3A_266 : i32
      %swap3A_268 = arith.index_cast %add3A_267 : i32 to index
      %swap3A_269 = arith.constant 0 : index
      %swap3A_270 = tpu.vector_load %arg11[%swap3A_268, %swap3A_269] {strides = array<i32>} : memref<640x32xf32, #tpu.memory_space<vmem>>, vector<16xf32>,
      tpu.vector_store %arg11[%swap3A_268, %swap3A_269], %mul3A_265 {strides = array<i32>} : memref<640x32xf32, #tpu.memory_space<vmem>>, vector<16xf32>,
      %add3A_271 = arith.constant 7 : i32
      %add3A_272 = arith.addi %mul3A_76, %add3A_271 : i32
      %get3A_273 = arith.index_cast %add3A_272 : i32 to index
      %get3A_274 = arith.constant 16 : index
      %get3A_275 = tpu.vector_load %arg11[%get3A_273, %get3A_274] {strides = array<i32>} : memref<640x32xf32, #tpu.memory_space<vmem>>, vector<16xf32>,
      %mul3A_276 = vector.broadcast %squeeze3A_258 : f32 to vector<16xf32>
      %mul3A_277 = arith.mulf %get3A_275, %mul3A_276 : vector<16xf32>
      %add3A_278 = arith.constant 7 : i32
      %add3A_279 = arith.addi %mul3A_76, %add3A_278 : i32
      %swap3A_280 = arith.index_cast %add3A_279 : i32 to index
      %swap3A_281 = arith.constant 16 : index
      %swap3A_282 = tpu.vector_load %arg11[%swap3A_280, %swap3A_281] {strides = array<i32>} : memref<640x32xf32, #tpu.memory_space<vmem>>, vector<16xf32>,
      tpu.vector_store %arg11[%swap3A_280, %swap3A_281], %mul3A_277 {strides = array<i32>} : memref<640x32xf32, #tpu.memory_space<vmem>>, vector<16xf32>,
      %slice3A_283 = vector.extract_strided_slice %get3A_77 {offsets = [8], sizes = [1], strides = [1]} : vector<16xf32> to vector<1xf32>
      %squeeze3A_284 = vector.extract %slice3A_283[0] : f32 from vector<1xf32>
      %add3A_285 = arith.constant 8 : i32
      %add3A_286 = arith.addi %mul3A_76, %add3A_285 : i32
      %get3A_287 = arith.index_cast %add3A_286 : i32 to index
      %get3A_288 = arith.constant 0 : index
      %get3A_289 = tpu.vector_load %arg11[%get3A_287, %get3A_288] {strides = array<i32>} : memref<640x32xf32, #tpu.memory_space<vmem>>, vector<16xf32>,
      %mul3A_290 = vector.broadcast %squeeze3A_284 : f32 to vector<16xf32>
      %mul3A_291 = arith.mulf %get3A_289, %mul3A_290 : vector<16xf32>
      %add3A_292 = arith.constant 8 : i32
      %add3A_293 = arith.addi %mul3A_76, %add3A_292 : i32
      %swap3A_294 = arith.index_cast %add3A_293 : i32 to index
      %swap3A_295 = arith.constant 0 : index
      %swap3A_296 = tpu.vector_load %arg11[%swap3A_294, %swap3A_295] {strides = array<i32>} : memref<640x32xf32, #tpu.memory_space<vmem>>, vector<16xf32>,
      tpu.vector_store %arg11[%swap3A_294, %swap3A_295], %mul3A_291 {strides = array<i32>} : memref<640x32xf32, #tpu.memory_space<vmem>>, vector<16xf32>,
      %add3A_297 = arith.constant 8 : i32
      %add3A_298 = arith.addi %mul3A_76, %add3A_297 : i32
      %get3A_299 = arith.index_cast %add3A_298 : i32 to index
      %get3A_300 = arith.constant 16 : index
      %get3A_301 = tpu.vector_load %arg11[%get3A_299, %get3A_300] {strides = array<i32>} : memref<640x32xf32, #tpu.memory_space<vmem>>, vector<16xf32>,
      %mul3A_302 = vector.broadcast %squeeze3A_284 : f32 to vector<16xf32>
      %mul3A_303 = arith.mulf %get3A_301, %mul3A_302 : vector<16xf32>
      %add3A_304 = arith.constant 8 : i32
      %add3A_305 = arith.addi %mul3A_76, %add3A_304 : i32
      %swap3A_306 = arith.index_cast %add3A_305 : i32 to index
      %swap3A_307 = arith.constant 16 : index
      %swap3A_308 = tpu.vector_load %arg11[%swap3A_306, %swap3A_307] {strides = array<i32>} : memref<640x32xf32, #tpu.memory_space<vmem>>, vector<16xf32>,
      tpu.vector_store %arg11[%swap3A_306, %swap3A_307], %mul3A_303 {strides = array<i32>} : memref<640x32xf32, #tpu.memory_space<vmem>>, vector<16xf32>,
      %slice3A_309 = vector.extract_strided_slice %get3A_77 {offsets = [9], sizes = [1], strides = [1]} : vector<16xf32> to vector<1xf32>
      %squeeze3A_310 = vector.extract %slice3A_309[0] : f32 from vector<1xf32>
      %add3A_311 = arith.constant 9 : i32
      %add3A_312 = arith.addi %mul3A_76, %add3A_311 : i32
      %get3A_313 = arith.index_cast %add3A_312 : i32 to index
      %get3A_314 = arith.constant 0 : index
      %get3A_315 = tpu.vector_load %arg11[%get3A_313, %get3A_314] {strides = array<i32>} : memref<640x32xf32, #tpu.memory_space<vmem>>, vector<16xf32>,
      %mul3A_316 = vector.broadcast %squeeze3A_310 : f32 to vector<16xf32>
      %mul3A_317 = arith.mulf %get3A_315, %mul3A_316 : vector<16xf32>
      %add3A_318 = arith.constant 9 : i32
      %add3A_319 = arith.addi %mul3A_76, %add3A_318 : i32
      %swap3A_320 = arith.index_cast %add3A_319 : i32 to index
      %swap3A_321 = arith.constant 0 : index
      %swap3A_322 = tpu.vector_load %arg11[%swap3A_320, %swap3A_321] {strides = array<i32>} : memref<640x32xf32, #tpu.memory_space<vmem>>, vector<16xf32>,
      tpu.vector_store %arg11[%swap3A_320, %swap3A_321], %mul3A_317 {strides = array<i32>} : memref<640x32xf32, #tpu.memory_space<vmem>>, vector<16xf32>,
      %add3A_323 = arith.constant 9 : i32
      %add3A_324 = arith.addi %mul3A_76, %add3A_323 : i32
      %get3A_325 = arith.index_cast %add3A_324 : i32 to index
      %get3A_326 = arith.constant 16 : index
      %get3A_327 = tpu.vector_load %arg11[%get3A_325, %get3A_326] {strides = array<i32>} : memref<640x32xf32, #tpu.memory_space<vmem>>, vector<16xf32>,
      %mul3A_328 = vector.broadcast %squeeze3A_310 : f32 to vector<16xf32>
      %mul3A_329 = arith.mulf %get3A_327, %mul3A_328 : vector<16xf32>
      %add3A_330 = arith.constant 9 : i32
      %add3A_331 = arith.addi %mul3A_76, %add3A_330 : i32
      %swap3A_332 = arith.index_cast %add3A_331 : i32 to index
      %swap3A_333 = arith.constant 16 : index
      %swap3A_334 = tpu.vector_load %arg11[%swap3A_332, %swap3A_333] {strides = array<i32>} : memref<640x32xf32, #tpu.memory_space<vmem>>, vector<16xf32>,
      tpu.vector_store %arg11[%swap3A_332, %swap3A_333], %mul3A_329 {strides = array<i32>} : memref<640x32xf32, #tpu.memory_space<vmem>>, vector<16xf32>,
      %slice3A_335 = vector.extract_strided_slice %get3A_77 {offsets = [10], sizes = [1], strides = [1]} : vector<16xf32> to vector<1xf32>
      %squeeze3A_336 = vector.extract %slice3A_335[0] : f32 from vector<1xf32>
      %add3A_337 = arith.constant 10 : i32
      %add3A_338 = arith.addi %mul3A_76, %add3A_337 : i32
      %get3A_339 = arith.index_cast %add3A_338 : i32 to index
      %get3A_340 = arith.constant 0 : index
      %get3A_341 = tpu.vector_load %arg11[%get3A_339, %get3A_340] {strides = array<i32>} : memref<640x32xf32, #tpu.memory_space<vmem>>, vector<16xf32>,
      %mul3A_342 = vector.broadcast %squeeze3A_336 : f32 to vector<16xf32>
      %mul3A_343 = arith.mulf %get3A_341, %mul3A_342 : vector<16xf32>
      %add3A_344 = arith.constant 10 : i32
      %add3A_345 = arith.addi %mul3A_76, %add3A_344 : i32
      %swap3A_346 = arith.index_cast %add3A_345 : i32 to index
      %swap3A_347 = arith.constant 0 : index
      %swap3A_348 = tpu.vector_load %arg11[%swap3A_346, %swap3A_347] {strides = array<i32>} : memref<640x32xf32, #tpu.memory_space<vmem>>, vector<16xf32>,
      tpu.vector_store %arg11[%swap3A_346, %swap3A_347], %mul3A_343 {strides = array<i32>} : memref<640x32xf32, #tpu.memory_space<vmem>>, vector<16xf32>,
      %add3A_349 = arith.constant 10 : i32
      %add3A_350 = arith.addi %mul3A_76, %add3A_349 : i32
      %get3A_351 = arith.index_cast %add3A_350 : i32 to index
      %get3A_352 = arith.constant 16 : index
      %get3A_353 = tpu.vector_load %arg11[%get3A_351, %get3A_352] {strides = array<i32>} : memref<640x32xf32, #tpu.memory_space<vmem>>, vector<16xf32>,
      %mul3A_354 = vector.broadcast %squeeze3A_336 : f32 to vector<16xf32>
      %mul3A_355 = arith.mulf %get3A_353, %mul3A_354 : vector<16xf32>
      %add3A_356 = arith.constant 10 : i32
      %add3A_357 = arith.addi %mul3A_76, %add3A_356 : i32
      %swap3A_358 = arith.index_cast %add3A_357 : i32 to index
      %swap3A_359 = arith.constant 16 : index
      %swap3A_360 = tpu.vector_load %arg11[%swap3A_358, %swap3A_359] {strides = array<i32>} : memref<640x32xf32, #tpu.memory_space<vmem>>, vector<16xf32>,
      tpu.vector_store %arg11[%swap3A_358, %swap3A_359], %mul3A_355 {strides = array<i32>} : memref<640x32xf32, #tpu.memory_space<vmem>>, vector<16xf32>,
      %slice3A_361 = vector.extract_strided_slice %get3A_77 {offsets = [11], sizes = [1], strides = [1]} : vector<16xf32> to vector<1xf32>
      %squeeze3A_362 = vector.extract %slice3A_361[0] : f32 from vector<1xf32>
      %add3A_363 = arith.constant 11 : i32
      %add3A_364 = arith.addi %mul3A_76, %add3A_363 : i32
      %get3A_365 = arith.index_cast %add3A_364 : i32 to index
      %get3A_366 = arith.constant 0 : index
      %get3A_367 = tpu.vector_load %arg11[%get3A_365, %get3A_366] {strides = array<i32>} : memref<640x32xf32, #tpu.memory_space<vmem>>, vector<16xf32>,
      %mul3A_368 = vector.broadcast %squeeze3A_362 : f32 to vector<16xf32>
      %mul3A_369 = arith.mulf %get3A_367, %mul3A_368 : vector<16xf32>
      %add3A_370 = arith.constant 11 : i32
      %add3A_371 = arith.addi %mul3A_76, %add3A_370 : i32
      %swap3A_372 = arith.index_cast %add3A_371 : i32 to index
      %swap3A_373 = arith.constant 0 : index
      %swap3A_374 = tpu.vector_load %arg11[%swap3A_372, %swap3A_373] {strides = array<i32>} : memref<640x32xf32, #tpu.memory_space<vmem>>, vector<16xf32>,
      tpu.vector_store %arg11[%swap3A_372, %swap3A_373], %mul3A_369 {strides = array<i32>} : memref<640x32xf32, #tpu.memory_space<vmem>>, vector<16xf32>,
      %add3A_375 = arith.constant 11 : i32
      %add3A_376 = arith.addi %mul3A_76, %add3A_375 : i32
      %get3A_377 = arith.index_cast %add3A_376 : i32 to index
      %get3A_378 = arith.constant 16 : index
      %get3A_379 = tpu.vector_load %arg11[%get3A_377, %get3A_378] {strides = array<i32>} : memref<640x32xf32, #tpu.memory_space<vmem>>, vector<16xf32>,
      %mul3A_380 = vector.broadcast %squeeze3A_362 : f32 to vector<16xf32>
      %mul3A_381 = arith.mulf %get3A_379, %mul3A_380 : vector<16xf32>
      %add3A_382 = arith.constant 11 : i32
      %add3A_383 = arith.addi %mul3A_76, %add3A_382 : i32
      %swap3A_384 = arith.index_cast %add3A_383 : i32 to index
      %swap3A_385 = arith.constant 16 : index
      %swap3A_386 = tpu.vector_load %arg11[%swap3A_384, %swap3A_385] {strides = array<i32>} : memref<640x32xf32, #tpu.memory_space<vmem>>, vector<16xf32>,
      tpu.vector_store %arg11[%swap3A_384, %swap3A_385], %mul3A_381 {strides = array<i32>} : memref<640x32xf32, #tpu.memory_space<vmem>>, vector<16xf32>,
      %slice3A_387 = vector.extract_strided_slice %get3A_77 {offsets = [12], sizes = [1], strides = [1]} : vector<16xf32> to vector<1xf32>
      %squeeze3A_388 = vector.extract %slice3A_387[0] : f32 from vector<1xf32>
      %add3A_389 = arith.constant 12 : i32
      %add3A_390 = arith.addi %mul3A_76, %add3A_389 : i32
      %get3A_391 = arith.index_cast %add3A_390 : i32 to index
      %get3A_392 = arith.constant 0 : index
      %get3A_393 = tpu.vector_load %arg11[%get3A_391, %get3A_392] {strides = array<i32>} : memref<640x32xf32, #tpu.memory_space<vmem>>, vector<16xf32>,
      %mul3A_394 = vector.broadcast %squeeze3A_388 : f32 to vector<16xf32>
      %mul3A_395 = arith.mulf %get3A_393, %mul3A_394 : vector<16xf32>
      %add3A_396 = arith.constant 12 : i32
      %add3A_397 = arith.addi %mul3A_76, %add3A_396 : i32
      %swap3A_398 = arith.index_cast %add3A_397 : i32 to index
      %swap3A_399 = arith.constant 0 : index
      %swap3A_400 = tpu.vector_load %arg11[%swap3A_398, %swap3A_399] {strides = array<i32>} : memref<640x32xf32, #tpu.memory_space<vmem>>, vector<16xf32>,
      tpu.vector_store %arg11[%swap3A_398, %swap3A_399], %mul3A_395 {strides = array<i32>} : memref<640x32xf32, #tpu.memory_space<vmem>>, vector<16xf32>,
      %add3A_401 = arith.constant 12 : i32
      %add3A_402 = arith.addi %mul3A_76, %add3A_401 : i32
      %get3A_403 = arith.index_cast %add3A_402 : i32 to index
      %get3A_404 = arith.constant 16 : index
      %get3A_405 = tpu.vector_load %arg11[%get3A_403, %get3A_404] {strides = array<i32>} : memref<640x32xf32, #tpu.memory_space<vmem>>, vector<16xf32>,
      %mul3A_406 = vector.broadcast %squeeze3A_388 : f32 to vector<16xf32>
      %mul3A_407 = arith.mulf %get3A_405, %mul3A_406 : vector<16xf32>
      %add3A_408 = arith.constant 12 : i32
      %add3A_409 = arith.addi %mul3A_76, %add3A_408 : i32
      %swap3A_410 = arith.index_cast %add3A_409 : i32 to index
      %swap3A_411 = arith.constant 16 : index
      %swap3A_412 = tpu.vector_load %arg11[%swap3A_410, %swap3A_411] {strides = array<i32>} : memref<640x32xf32, #tpu.memory_space<vmem>>, vector<16xf32>,
      tpu.vector_store %arg11[%swap3A_410, %swap3A_411], %mul3A_407 {strides = array<i32>} : memref<640x32xf32, #tpu.memory_space<vmem>>, vector<16xf32>,
      %slice3A_413 = vector.extract_strided_slice %get3A_77 {offsets = [13], sizes = [1], strides = [1]} : vector<16xf32> to vector<1xf32>
      %squeeze3A_414 = vector.extract %slice3A_413[0] : f32 from vector<1xf32>
      %add3A_415 = arith.constant 13 : i32
      %add3A_416 = arith.addi %mul3A_76, %add3A_415 : i32
      %get3A_417 = arith.index_cast %add3A_416 : i32 to index
      %get3A_418 = arith.constant 0 : index
      %get3A_419 = tpu.vector_load %arg11[%get3A_417, %get3A_418] {strides = array<i32>} : memref<640x32xf32, #tpu.memory_space<vmem>>, vector<16xf32>,
      %mul3A_420 = vector.broadcast %squeeze3A_414 : f32 to vector<16xf32>
      %mul3A_421 = arith.mulf %get3A_419, %mul3A_420 : vector<16xf32>
      %add3A_422 = arith.constant 13 : i32
      %add3A_423 = arith.addi %mul3A_76, %add3A_422 : i32
      %swap3A_424 = arith.index_cast %add3A_423 : i32 to index
      %swap3A_425 = arith.constant 0 : index
      %swap3A_426 = tpu.vector_load %arg11[%swap3A_424, %swap3A_425] {strides = array<i32>} : memref<640x32xf32, #tpu.memory_space<vmem>>, vector<16xf32>,
      tpu.vector_store %arg11[%swap3A_424, %swap3A_425], %mul3A_421 {strides = array<i32>} : memref<640x32xf32, #tpu.memory_space<vmem>>, vector<16xf32>,
      %add3A_427 = arith.constant 13 : i32
      %add3A_428 = arith.addi %mul3A_76, %add3A_427 : i32
      %get3A_429 = arith.index_cast %add3A_428 : i32 to index
      %get3A_430 = arith.constant 16 : index
      %get3A_431 = tpu.vector_load %arg11[%get3A_429, %get3A_430] {strides = array<i32>} : memref<640x32xf32, #tpu.memory_space<vmem>>, vector<16xf32>,
      %mul3A_432 = vector.broadcast %squeeze3A_414 : f32 to vector<16xf32>
      %mul3A_433 = arith.mulf %get3A_431, %mul3A_432 : vector<16xf32>
      %add3A_434 = arith.constant 13 : i32
      %add3A_435 = arith.addi %mul3A_76, %add3A_434 : i32
      %swap3A_436 = arith.index_cast %add3A_435 : i32 to index
      %swap3A_437 = arith.constant 16 : index
      %swap3A_438 = tpu.vector_load %arg11[%swap3A_436, %swap3A_437] {strides = array<i32>} : memref<640x32xf32, #tpu.memory_space<vmem>>, vector<16xf32>,
      tpu.vector_store %arg11[%swap3A_436, %swap3A_437], %mul3A_433 {strides = array<i32>} : memref<640x32xf32, #tpu.memory_space<vmem>>, vector<16xf32>,
      %slice3A_439 = vector.extract_strided_slice %get3A_77 {offsets = [14], sizes = [1], strides = [1]} : vector<16xf32> to vector<1xf32>
      %squeeze3A_440 = vector.extract %slice3A_439[0] : f32 from vector<1xf32>
      %add3A_441 = arith.constant 14 : i32
      %add3A_442 = arith.addi %mul3A_76, %add3A_441 : i32
      %get3A_443 = arith.index_cast %add3A_442 : i32 to index
      %get3A_444 = arith.constant 0 : index
      %get3A_445 = tpu.vector_load %arg11[%get3A_443, %get3A_444] {strides = array<i32>} : memref<640x32xf32, #tpu.memory_space<vmem>>, vector<16xf32>,
      %mul3A_446 = vector.broadcast %squeeze3A_440 : f32 to vector<16xf32>
      %mul3A_447 = arith.mulf %get3A_445, %mul3A_446 : vector<16xf32>
      %add3A_448 = arith.constant 14 : i32
      %add3A_449 = arith.addi %mul3A_76, %add3A_448 : i32
      %swap3A_450 = arith.index_cast %add3A_449 : i32 to index
      %swap3A_451 = arith.constant 0 : index
      %swap3A_452 = tpu.vector_load %arg11[%swap3A_450, %swap3A_451] {strides = array<i32>} : memref<640x32xf32, #tpu.memory_space<vmem>>, vector<16xf32>,
      tpu.vector_store %arg11[%swap3A_450, %swap3A_451], %mul3A_447 {strides = array<i32>} : memref<640x32xf32, #tpu.memory_space<vmem>>, vector<16xf32>,
      %add3A_453 = arith.constant 14 : i32
      %add3A_454 = arith.addi %mul3A_76, %add3A_453 : i32
      %get3A_455 = arith.index_cast %add3A_454 : i32 to index
      %get3A_456 = arith.constant 16 : index
      %get3A_457 = tpu.vector_load %arg11[%get3A_455, %get3A_456] {strides = array<i32>} : memref<640x32xf32, #tpu.memory_space<vmem>>, vector<16xf32>,
      %mul3A_458 = vector.broadcast %squeeze3A_440 : f32 to vector<16xf32>
      %mul3A_459 = arith.mulf %get3A_457, %mul3A_458 : vector<16xf32>
      %add3A_460 = arith.constant 14 : i32
      %add3A_461 = arith.addi %mul3A_76, %add3A_460 : i32
      %swap3A_462 = arith.index_cast %add3A_461 : i32 to index
      %swap3A_463 = arith.constant 16 : index
      %swap3A_464 = tpu.vector_load %arg11[%swap3A_462, %swap3A_463] {strides = array<i32>} : memref<640x32xf32, #tpu.memory_space<vmem>>, vector<16xf32>,
      tpu.vector_store %arg11[%swap3A_462, %swap3A_463], %mul3A_459 {strides = array<i32>} : memref<640x32xf32, #tpu.memory_space<vmem>>, vector<16xf32>,
      %slice3A_465 = vector.extract_strided_slice %get3A_77 {offsets = [15], sizes = [1], strides = [1]} : vector<16xf32> to vector<1xf32>
      %squeeze3A_466 = vector.extract %slice3A_465[0] : f32 from vector<1xf32>
      %add3A_467 = arith.constant 15 : i32
      %add3A_468 = arith.addi %mul3A_76, %add3A_467 : i32
      %get3A_469 = arith.index_cast %add3A_468 : i32 to index
      %get3A_470 = arith.constant 0 : index
      %get3A_471 = tpu.vector_load %arg11[%get3A_469, %get3A_470] {strides = array<i32>} : memref<640x32xf32, #tpu.memory_space<vmem>>, vector<16xf32>,
      %mul3A_472 = vector.broadcast %squeeze3A_466 : f32 to vector<16xf32>
      %mul3A_473 = arith.mulf %get3A_471, %mul3A_472 : vector<16xf32>
      %add3A_474 = arith.constant 15 : i32
      %add3A_475 = arith.addi %mul3A_76, %add3A_474 : i32
      %swap3A_476 = arith.index_cast %add3A_475 : i32 to index
      %swap3A_477 = arith.constant 0 : index
      %swap3A_478 = tpu.vector_load %arg11[%swap3A_476, %swap3A_477] {strides = array<i32>} : memref<640x32xf32, #tpu.memory_space<vmem>>, vector<16xf32>,
      tpu.vector_store %arg11[%swap3A_476, %swap3A_477], %mul3A_473 {strides = array<i32>} : memref<640x32xf32, #tpu.memory_space<vmem>>, vector<16xf32>,
      %add3A_479 = arith.constant 15 : i32
      %add3A_480 = arith.addi %mul3A_76, %add3A_479 : i32
      %get3A_481 = arith.index_cast %add3A_480 : i32 to index
      %get3A_482 = arith.constant 16 : index
      %get3A_483 = tpu.vector_load %arg11[%get3A_481, %get3A_482] {strides = array<i32>} : memref<640x32xf32, #tpu.memory_space<vmem>>, vector<16xf32>,
      %mul3A_484 = vector.broadcast %squeeze3A_466 : f32 to vector<16xf32>
      %mul3A_485 = arith.mulf %get3A_483, %mul3A_484 : vector<16xf32>
      %add3A_486 = arith.constant 15 : i32
      %add3A_487 = arith.addi %mul3A_76, %add3A_486 : i32
      %swap3A_488 = arith.index_cast %add3A_487 : i32 to index
      %swap3A_489 = arith.constant 16 : index
      %swap3A_490 = tpu.vector_load %arg11[%swap3A_488, %swap3A_489] {strides = array<i32>} : memref<640x32xf32, #tpu.memory_space<vmem>>, vector<16xf32>,
      tpu.vector_store %arg11[%swap3A_488, %swap3A_489], %mul3A_485 {strides = array<i32>} : memref<640x32xf32, #tpu.memory_space<vmem>>, vector<16xf32>,
    }
    %scan3A_16 = arith.constant 40 : i32
    "tpu.region"() ({
      %run_scoped3A_74 = tpu.sem_alloc : memref<!tpu.dma_semaphore, #tpu.memory_space<semaphore_mem>>
      %dma_start3A_75 = arith.constant 0 : i32
      %dma_start3A_76 = tpu.memref_slice %arg8[%mul3A_2, %dma_start3A_75] : memref<10240x32xf32, #tpu.memory_space<vmem_shared>> -> memref<640x32xf32, #tpu.memory_space<vmem_shared>>
      %dma_start3A_77 = arith.constant 0 : i32
      %dma_start3A_78 = tpu.memref_slice %arg8[%mul3A_2, %dma_start3A_77] : memref<10240x32xf32, #tpu.memory_space<vmem_shared>> -> memref<640x32xf32, #tpu.memory_space<vmem_shared>>
      tpu.enqueue_dma source(%arg11 : memref<640x32xf32, #tpu.memory_space<vmem>>) target(%dma_start3A_78 : memref<640x32xf32, #tpu.memory_space<vmem_shared>>) target_semaphore(%run_scoped3A_74 : memref<!tpu.dma_semaphore, #tpu.memory_space<semaphore_mem>>)
      %dma_wait3A_79 = arith.constant 0 : i32
      %dma_wait3A_80 = tpu.memref_slice %arg8[%mul3A_2, %dma_wait3A_79] : memref<10240x32xf32, #tpu.memory_space<vmem_shared>> -> memref<640x32xf32, #tpu.memory_space<vmem_shared>>
      %dma_wait3A_81 = arith.constant 0 : i32
      %dma_wait3A_82 = tpu.memref_slice %arg8[%mul3A_2, %dma_wait3A_81] : memref<10240x32xf32, #tpu.memory_space<vmem_shared>> -> memref<640x32xf32, #tpu.memory_space<vmem_shared>>
      tpu.wait_dma2 semaphore(%run_scoped3A_74 : memref<!tpu.dma_semaphore, #tpu.memory_space<semaphore_mem>>) src(%arg11 : memref<640x32xf32, #tpu.memory_space<vmem>>) dst(%dma_wait3A_82 : memref<640x32xf32, #tpu.memory_space<vmem_shared>>)
      tpu.yield
    }) : () -> ()
    %eq3A = arith.constant 0 : i32
    %eq3A_17 = arith.cmpi eq, %arg0, %eq3A : i32
    %convert_element_type3A = arith.extui %eq3A_17 : i1 to i32
    %cond3A = arith.constant 0 : i32
    %cond3A_18 = arith.cmpi ne, %convert_element_type3A, %cond3A : i32
    scf.if %cond3A_18 {
      %scan3A_74 = arith.constant 0 : i32
      %scan3A_75 = arith.constant 640 : i32
      %scan3A_76 = arith.addi %scan3A_74, %scan3A_75 : i32
      %scan3A_77 = arith.constant 1 : i32
      scf.for %scan3A_79 = %scan3A_74 to %scan3A_76 step %scan3A_77  : i32 {
        %get3A = arith.index_cast %scan3A_79 : i32 to index
        %get3A_80 = arith.constant 0 : index
        %get3A_81 = tpu.vector_load %arg11[%get3A, %get3A_80] {strides = array<i32>} : memref<640x32xf32, #tpu.memory_space<vmem>>, vector<16xf32>,
        %mul3A_82 = arith.constant 2.000000e+00 : f32
        %mul3A_83 = vector.broadcast %mul3A_82 : f32 to vector<16xf32>
        %mul3A_84 = arith.mulf %get3A_81, %mul3A_83 : vector<16xf32>
        %swap3A = arith.index_cast %scan3A_79 : i32 to index
        %swap3A_85 = arith.constant 0 : index
        %swap3A_86 = tpu.vector_load %arg11[%swap3A, %swap3A_85] {strides = array<i32>} : memref<640x32xf32, #tpu.memory_space<vmem>>, vector<16xf32>,
        tpu.vector_store %arg11[%swap3A, %swap3A_85], %mul3A_84 {strides = array<i32>} : memref<640x32xf32, #tpu.memory_space<vmem>>, vector<16xf32>,
        %get3A_87 = arith.index_cast %scan3A_79 : i32 to index
        %get3A_88 = arith.constant 16 : index
        %get3A_89 = tpu.vector_load %arg11[%get3A_87, %get3A_88] {strides = array<i32>} : memref<640x32xf32, #tpu.memory_space<vmem>>, vector<16xf32>,
        %mul3A_90 = arith.constant 2.000000e+00 : f32
        %mul3A_91 = vector.broadcast %mul3A_90 : f32 to vector<16xf32>
        %mul3A_92 = arith.mulf %get3A_89, %mul3A_91 : vector<16xf32>
        %swap3A_93 = arith.index_cast %scan3A_79 : i32 to index
        %swap3A_94 = arith.constant 16 : index
        %swap3A_95 = tpu.vector_load %arg11[%swap3A_93, %swap3A_94] {strides = array<i32>} : memref<640x32xf32, #tpu.memory_space<vmem>>, vector<16xf32>,
        tpu.vector_store %arg11[%swap3A_93, %swap3A_94], %mul3A_92 {strides = array<i32>} : memref<640x32xf32, #tpu.memory_space<vmem>>, vector<16xf32>,
      }
      %scan3A_78 = arith.constant 640 : i32
    } else {
    }
    %ne3A = arith.constant 0 : i32
    %ne3A_19 = arith.cmpi ne, %arg0, %ne3A : i32
    %convert_element_type3A_20 = arith.extui %ne3A_19 : i1 to i32
    %cond3A_21 = arith.constant 0 : i32
    %cond3A_22 = arith.cmpi ne, %convert_element_type3A_20, %cond3A_21 : i32
    scf.if %cond3A_22 {
      %scan3A_74 = arith.constant 0 : i32
      %scan3A_75 = arith.constant 640 : i32
      %scan3A_76 = arith.addi %scan3A_74, %scan3A_75 : i32
      %scan3A_77 = arith.constant 1 : i32
      scf.for %scan3A_79 = %scan3A_74 to %scan3A_76 step %scan3A_77  : i32 {
        %broadcast_in_dim3A = arith.constant 0.000000e+00 : f32
        %broadcast_in_dim3A_80 = vector.broadcast %broadcast_in_dim3A : f32 to vector<16xf32>
        %swap3A = arith.index_cast %scan3A_79 : i32 to index
        %swap3A_81 = arith.constant 0 : index
        %swap3A_82 = tpu.vector_load %arg11[%swap3A, %swap3A_81] {strides = array<i32>} : memref<640x32xf32, #tpu.memory_space<vmem>>, vector<16xf32>,
        tpu.vector_store %arg11[%swap3A, %swap3A_81], %broadcast_in_dim3A_80 {strides = array<i32>} : memref<640x32xf32, #tpu.memory_space<vmem>>, vector<16xf32>,
        %broadcast_in_dim3A_83 = arith.constant 0.000000e+00 : f32
        %broadcast_in_dim3A_84 = vector.broadcast %broadcast_in_dim3A_83 : f32 to vector<16xf32>
        %swap3A_85 = arith.index_cast %scan3A_79 : i32 to index
        %swap3A_86 = arith.constant 16 : index
        %swap3A_87 = tpu.vector_load %arg11[%swap3A_85, %swap3A_86] {strides = array<i32>} : memref<640x32xf32, #tpu.memory_space<vmem>>, vector<16xf32>,
        tpu.vector_store %arg11[%swap3A_85, %swap3A_86], %broadcast_in_dim3A_84 {strides = array<i32>} : memref<640x32xf32, #tpu.memory_space<vmem>>, vector<16xf32>,
      }
      %scan3A_78 = arith.constant 640 : i32
    } else {
    }
    "tpu.region"() ({
      %run_scoped3A_74 = tpu.sem_alloc : memref<!tpu.dma_semaphore, #tpu.memory_space<semaphore_mem>>
      %dma_start3A_75 = arith.constant 0 : i32
      %dma_start3A_76 = tpu.memref_slice %arg7[%mul3A_2, %dma_start3A_75] : memref<10240x32xf32, #tpu.memory_space<vmem_shared>> -> memref<640x32xf32, #tpu.memory_space<vmem_shared>>
      %dma_start3A_77 = arith.constant 0 : i32
      %dma_start3A_78 = tpu.memref_slice %arg7[%mul3A_2, %dma_start3A_77] : memref<10240x32xf32, #tpu.memory_space<vmem_shared>> -> memref<640x32xf32, #tpu.memory_space<vmem_shared>>
      tpu.enqueue_dma source(%arg11 : memref<640x32xf32, #tpu.memory_space<vmem>>) target(%dma_start3A_78 : memref<640x32xf32, #tpu.memory_space<vmem_shared>>) target_semaphore(%run_scoped3A_74 : memref<!tpu.dma_semaphore, #tpu.memory_space<semaphore_mem>>)
      %dma_wait3A_79 = arith.constant 0 : i32
      %dma_wait3A_80 = tpu.memref_slice %arg7[%mul3A_2, %dma_wait3A_79] : memref<10240x32xf32, #tpu.memory_space<vmem_shared>> -> memref<640x32xf32, #tpu.memory_space<vmem_shared>>
      %dma_wait3A_81 = arith.constant 0 : i32
      %dma_wait3A_82 = tpu.memref_slice %arg7[%mul3A_2, %dma_wait3A_81] : memref<10240x32xf32, #tpu.memory_space<vmem_shared>> -> memref<640x32xf32, #tpu.memory_space<vmem_shared>>
      tpu.wait_dma2 semaphore(%run_scoped3A_74 : memref<!tpu.dma_semaphore, #tpu.memory_space<semaphore_mem>>) src(%arg11 : memref<640x32xf32, #tpu.memory_space<vmem>>) dst(%dma_wait3A_82 : memref<640x32xf32, #tpu.memory_space<vmem_shared>>)
      tpu.yield
    }) : () -> ()
    %barrier3A = arith.constant 0 : index
    tpu.barrier barrier_id(%barrier3A)
    %dma_start3A = arith.constant 0 : i32
    %dma_start3A_23 = arith.constant 0 : i32
    %dma_start3A_24 = tpu.memref_slice %arg9[%dma_start3A, %dma_start3A_23] : memref<80x128xi32, #tpu.memory_space<vmem>> -> memref<1x128xi32, #tpu.memory_space<vmem>>
    %dma_start3A_25 = tpu.memref_squeeze %dma_start3A_24 : memref<1x128xi32, #tpu.memory_space<vmem>> -> memref<128xi32, #tpu.memory_space<vmem>>
    %dma_start3A_26 = arith.constant 0 : i32
    %dma_start3A_27 = arith.constant 0 : i32
    %dma_start3A_28 = tpu.memref_slice %arg8[%dma_start3A_26, %dma_start3A_27] : memref<10240x32xf32, #tpu.memory_space<vmem_shared>> -> memref<10240x32xf32, #tpu.memory_space<vmem_shared>>
    tpu.enqueue_indirect_dma source(%dma_start3A_28 : memref<10240x32xf32, #tpu.memory_space<vmem_shared>>) target(%arg15 : memref<128x32xf32, #tpu.memory_space<vmem>>) offsets(%dma_start3A_25 : memref<128xi32, #tpu.memory_space<vmem>>) semaphore(%arg19 : memref<!tpu.dma_semaphore, #tpu.memory_space<semaphore_mem>>)
    %dma_start3A_29 = arith.constant 1 : i32
    %dma_start3A_30 = arith.constant 0 : i32
    %dma_start3A_31 = tpu.memref_slice %arg9[%dma_start3A_29, %dma_start3A_30] : memref<80x128xi32, #tpu.memory_space<vmem>> -> memref<1x128xi32, #tpu.memory_space<vmem>>
    %dma_start3A_32 = tpu.memref_squeeze %dma_start3A_31 : memref<1x128xi32, #tpu.memory_space<vmem>> -> memref<128xi32, #tpu.memory_space<vmem>>
    %dma_start3A_33 = arith.constant 0 : i32
    %dma_start3A_34 = arith.constant 0 : i32
    %dma_start3A_35 = tpu.memref_slice %arg8[%dma_start3A_33, %dma_start3A_34] : memref<10240x32xf32, #tpu.memory_space<vmem_shared>> -> memref<10240x32xf32, #tpu.memory_space<vmem_shared>>
    tpu.enqueue_indirect_dma source(%dma_start3A_35 : memref<10240x32xf32, #tpu.memory_space<vmem_shared>>) target(%arg16 : memref<128x32xf32, #tpu.memory_space<vmem>>) offsets(%dma_start3A_32 : memref<128xi32, #tpu.memory_space<vmem>>) semaphore(%arg20 : memref<!tpu.dma_semaphore, #tpu.memory_space<semaphore_mem>>)
    %scan3A_36 = arith.constant 0 : i32
    %scan3A_37 = arith.constant 20 : i32
    %scan3A_38 = arith.addi %scan3A_36, %scan3A_37 : i32
    %scan3A_39 = arith.constant 1 : i32
    scf.for %scan3A_74 = %scan3A_36 to %scan3A_38 step %scan3A_39  : i32 {
      %mul3A_75 = arith.constant 4 : i32
      %mul3A_76 = arith.muli %mul3A_75, %scan3A_74 : i32
      %add3A_77 = arith.constant 0 : i32
      %add3A_78 = arith.addi %mul3A_76, %add3A_77 : i32
      %dma_wait3A_79 = arith.constant 0 : i32
      %dma_wait3A_80 = arith.constant 0 : i32
      %dma_wait3A_81 = tpu.memref_slice %arg9[%dma_wait3A_79, %dma_wait3A_80] : memref<80x128xi32, #tpu.memory_space<vmem>> -> memref<1x128xi32, #tpu.memory_space<vmem>>
      %dma_wait3A_82 = tpu.memref_squeeze %dma_wait3A_81 : memref<1x128xi32, #tpu.memory_space<vmem>> -> memref<128xi32, #tpu.memory_space<vmem>>
      %dma_wait3A_83 = arith.constant 0 : i32
      %dma_wait3A_84 = arith.constant 0 : i32
      %dma_wait3A_85 = tpu.memref_slice %arg8[%dma_wait3A_83, %dma_wait3A_84] : memref<10240x32xf32, #tpu.memory_space<vmem_shared>> -> memref<10240x32xf32, #tpu.memory_space<vmem_shared>>
      tpu.wait_indirect_dma semaphore(%arg19 : memref<!tpu.dma_semaphore, #tpu.memory_space<semaphore_mem>>) src(%dma_wait3A_85 : memref<10240x32xf32, #tpu.memory_space<vmem_shared>>) dst(%arg15 : memref<128x32xf32, #tpu.memory_space<vmem>>)
      %dma_start3A_86 = arith.constant 0 : i32
      %dma_start3A_87 = tpu.memref_slice %arg10[%add3A_78, %dma_start3A_86] : memref<80x128xi32, #tpu.memory_space<vmem>> -> memref<1x128xi32, #tpu.memory_space<vmem>>
      %dma_start3A_88 = tpu.memref_squeeze %dma_start3A_87 : memref<1x128xi32, #tpu.memory_space<vmem>> -> memref<128xi32, #tpu.memory_space<vmem>>
      %dma_start3A_89 = arith.constant 0 : i32
      %dma_start3A_90 = arith.constant 0 : i32
      %dma_start3A_91 = tpu.memref_slice %arg7[%dma_start3A_89, %dma_start3A_90] : memref<10240x32xf32, #tpu.memory_space<vmem_shared>> -> memref<10240x32xf32, #tpu.memory_space<vmem_shared>>
      tpu.enqueue_indirect_dma source(%arg15 : memref<128x32xf32, #tpu.memory_space<vmem>>) target(%dma_start3A_91 : memref<10240x32xf32, #tpu.memory_space<vmem_shared>>) offsets(%dma_start3A_88 : memref<128xi32, #tpu.memory_space<vmem>>) semaphore(%arg23 : memref<!tpu.dma_semaphore, #tpu.memory_space<semaphore_mem>>) {add = true}
      %add3A_92 = arith.constant 2 : i32
      %add3A_93 = arith.addi %add3A_78, %add3A_92 : i32
      %lt3A = arith.constant 80 : i32
      %lt3A_94 = arith.cmpi slt, %add3A_93, %lt3A : i32
      %convert_element_type3A_95 = arith.extui %lt3A_94 : i1 to i32
      %cond3A_96 = arith.constant 0 : i32
      %cond3A_97 = arith.cmpi ne, %convert_element_type3A_95, %cond3A_96 : i32
      scf.if %cond3A_97 {
        %ge3A = arith.constant 2 : i32
        %ge3A_164 = arith.cmpi sge, %add3A_78, %ge3A : i32
        %convert_element_type3A_165 = arith.extui %ge3A_164 : i1 to i32
        %cond3A_166 = arith.constant 0 : i32
        %cond3A_167 = arith.cmpi ne, %convert_element_type3A_165, %cond3A_166 : i32
        scf.if %cond3A_167 {
          %dma_wait3A_176 = arith.constant 0 : i32
          %dma_wait3A_177 = arith.constant 0 : i32
          %dma_wait3A_178 = tpu.memref_slice %arg10[%dma_wait3A_176, %dma_wait3A_177] : memref<80x128xi32, #tpu.memory_space<vmem>> -> memref<1x128xi32, #tpu.memory_space<vmem>>
          %dma_wait3A_179 = tpu.memref_squeeze %dma_wait3A_178 : memref<1x128xi32, #tpu.memory_space<vmem>> -> memref<128xi32, #tpu.memory_space<vmem>>
          %dma_wait3A_180 = arith.constant 0 : i32
          %dma_wait3A_181 = arith.constant 0 : i32
          %dma_wait3A_182 = tpu.memref_slice %arg7[%dma_wait3A_180, %dma_wait3A_181] : memref<10240x32xf32, #tpu.memory_space<vmem_shared>> -> memref<10240x32xf32, #tpu.memory_space<vmem_shared>>
          tpu.wait_indirect_dma semaphore(%arg25 : memref<!tpu.dma_semaphore, #tpu.memory_space<semaphore_mem>>) src(%arg17 : memref<128x32xf32, #tpu.memory_space<vmem>>) dst(%dma_wait3A_182 : memref<10240x32xf32, #tpu.memory_space<vmem_shared>>)
        } else {
        }
        %add3A_168 = arith.constant 2 : i32
        %add3A_169 = arith.addi %add3A_78, %add3A_168 : i32
        %dma_start3A_170 = arith.constant 0 : i32
        %dma_start3A_171 = tpu.memref_slice %arg9[%add3A_169, %dma_start3A_170] : memref<80x128xi32, #tpu.memory_space<vmem>> -> memref<1x128xi32, #tpu.memory_space<vmem>>
        %dma_start3A_172 = tpu.memref_squeeze %dma_start3A_171 : memref<1x128xi32, #tpu.memory_space<vmem>> -> memref<128xi32, #tpu.memory_space<vmem>>
        %dma_start3A_173 = arith.constant 0 : i32
        %dma_start3A_174 = arith.constant 0 : i32
        %dma_start3A_175 = tpu.memref_slice %arg8[%dma_start3A_173, %dma_start3A_174] : memref<10240x32xf32, #tpu.memory_space<vmem_shared>> -> memref<10240x32xf32, #tpu.memory_space<vmem_shared>>
        tpu.enqueue_indirect_dma source(%dma_start3A_175 : memref<10240x32xf32, #tpu.memory_space<vmem_shared>>) target(%arg17 : memref<128x32xf32, #tpu.memory_space<vmem>>) offsets(%dma_start3A_172 : memref<128xi32, #tpu.memory_space<vmem>>) semaphore(%arg21 : memref<!tpu.dma_semaphore, #tpu.memory_space<semaphore_mem>>)
      } else {
      }
      %add3A_98 = arith.constant 1 : i32
      %add3A_99 = arith.addi %mul3A_76, %add3A_98 : i32
      %dma_wait3A_100 = arith.constant 0 : i32
      %dma_wait3A_101 = arith.constant 0 : i32
      %dma_wait3A_102 = tpu.memref_slice %arg9[%dma_wait3A_100, %dma_wait3A_101] : memref<80x128xi32, #tpu.memory_space<vmem>> -> memref<1x128xi32, #tpu.memory_space<vmem>>
      %dma_wait3A_103 = tpu.memref_squeeze %dma_wait3A_102 : memref<1x128xi32, #tpu.memory_space<vmem>> -> memref<128xi32, #tpu.memory_space<vmem>>
      %dma_wait3A_104 = arith.constant 0 : i32
      %dma_wait3A_105 = arith.constant 0 : i32
      %dma_wait3A_106 = tpu.memref_slice %arg8[%dma_wait3A_104, %dma_wait3A_105] : memref<10240x32xf32, #tpu.memory_space<vmem_shared>> -> memref<10240x32xf32, #tpu.memory_space<vmem_shared>>
      tpu.wait_indirect_dma semaphore(%arg20 : memref<!tpu.dma_semaphore, #tpu.memory_space<semaphore_mem>>) src(%dma_wait3A_106 : memref<10240x32xf32, #tpu.memory_space<vmem_shared>>) dst(%arg16 : memref<128x32xf32, #tpu.memory_space<vmem>>)
      %dma_start3A_107 = arith.constant 0 : i32
      %dma_start3A_108 = tpu.memref_slice %arg10[%add3A_99, %dma_start3A_107] : memref<80x128xi32, #tpu.memory_space<vmem>> -> memref<1x128xi32, #tpu.memory_space<vmem>>
      %dma_start3A_109 = tpu.memref_squeeze %dma_start3A_108 : memref<1x128xi32, #tpu.memory_space<vmem>> -> memref<128xi32, #tpu.memory_space<vmem>>
      %dma_start3A_110 = arith.constant 0 : i32
      %dma_start3A_111 = arith.constant 0 : i32
      %dma_start3A_112 = tpu.memref_slice %arg7[%dma_start3A_110, %dma_start3A_111] : memref<10240x32xf32, #tpu.memory_space<vmem_shared>> -> memref<10240x32xf32, #tpu.memory_space<vmem_shared>>
      tpu.enqueue_indirect_dma source(%arg16 : memref<128x32xf32, #tpu.memory_space<vmem>>) target(%dma_start3A_112 : memref<10240x32xf32, #tpu.memory_space<vmem_shared>>) offsets(%dma_start3A_109 : memref<128xi32, #tpu.memory_space<vmem>>) semaphore(%arg24 : memref<!tpu.dma_semaphore, #tpu.memory_space<semaphore_mem>>) {add = true}
      %add3A_113 = arith.constant 2 : i32
      %add3A_114 = arith.addi %add3A_99, %add3A_113 : i32
      %lt3A_115 = arith.constant 80 : i32
      %lt3A_116 = arith.cmpi slt, %add3A_114, %lt3A_115 : i32
      %convert_element_type3A_117 = arith.extui %lt3A_116 : i1 to i32
      %cond3A_118 = arith.constant 0 : i32
      %cond3A_119 = arith.cmpi ne, %convert_element_type3A_117, %cond3A_118 : i32
      scf.if %cond3A_119 {
        %ge3A = arith.constant 2 : i32
        %ge3A_164 = arith.cmpi sge, %add3A_99, %ge3A : i32
        %convert_element_type3A_165 = arith.extui %ge3A_164 : i1 to i32
        %cond3A_166 = arith.constant 0 : i32
        %cond3A_167 = arith.cmpi ne, %convert_element_type3A_165, %cond3A_166 : i32
        scf.if %cond3A_167 {
          %dma_wait3A_176 = arith.constant 0 : i32
          %dma_wait3A_177 = arith.constant 0 : i32
          %dma_wait3A_178 = tpu.memref_slice %arg10[%dma_wait3A_176, %dma_wait3A_177] : memref<80x128xi32, #tpu.memory_space<vmem>> -> memref<1x128xi32, #tpu.memory_space<vmem>>
          %dma_wait3A_179 = tpu.memref_squeeze %dma_wait3A_178 : memref<1x128xi32, #tpu.memory_space<vmem>> -> memref<128xi32, #tpu.memory_space<vmem>>
          %dma_wait3A_180 = arith.constant 0 : i32
          %dma_wait3A_181 = arith.constant 0 : i32
          %dma_wait3A_182 = tpu.memref_slice %arg7[%dma_wait3A_180, %dma_wait3A_181] : memref<10240x32xf32, #tpu.memory_space<vmem_shared>> -> memref<10240x32xf32, #tpu.memory_space<vmem_shared>>
          tpu.wait_indirect_dma semaphore(%arg26 : memref<!tpu.dma_semaphore, #tpu.memory_space<semaphore_mem>>) src(%arg18 : memref<128x32xf32, #tpu.memory_space<vmem>>) dst(%dma_wait3A_182 : memref<10240x32xf32, #tpu.memory_space<vmem_shared>>)
        } else {
        }
        %add3A_168 = arith.constant 2 : i32
        %add3A_169 = arith.addi %add3A_99, %add3A_168 : i32
        %dma_start3A_170 = arith.constant 0 : i32
        %dma_start3A_171 = tpu.memref_slice %arg9[%add3A_169, %dma_start3A_170] : memref<80x128xi32, #tpu.memory_space<vmem>> -> memref<1x128xi32, #tpu.memory_space<vmem>>
        %dma_start3A_172 = tpu.memref_squeeze %dma_start3A_171 : memref<1x128xi32, #tpu.memory_space<vmem>> -> memref<128xi32, #tpu.memory_space<vmem>>
        %dma_start3A_173 = arith.constant 0 : i32
        %dma_start3A_174 = arith.constant 0 : i32
        %dma_start3A_175 = tpu.memref_slice %arg8[%dma_start3A_173, %dma_start3A_174] : memref<10240x32xf32, #tpu.memory_space<vmem_shared>> -> memref<10240x32xf32, #tpu.memory_space<vmem_shared>>
        tpu.enqueue_indirect_dma source(%dma_start3A_175 : memref<10240x32xf32, #tpu.memory_space<vmem_shared>>) target(%arg18 : memref<128x32xf32, #tpu.memory_space<vmem>>) offsets(%dma_start3A_172 : memref<128xi32, #tpu.memory_space<vmem>>) semaphore(%arg22 : memref<!tpu.dma_semaphore, #tpu.memory_space<semaphore_mem>>)
      } else {
      }
      %add3A_120 = arith.constant 2 : i32
      %add3A_121 = arith.addi %mul3A_76, %add3A_120 : i32
      %dma_wait3A_122 = arith.constant 0 : i32
      %dma_wait3A_123 = arith.constant 0 : i32
      %dma_wait3A_124 = tpu.memref_slice %arg9[%dma_wait3A_122, %dma_wait3A_123] : memref<80x128xi32, #tpu.memory_space<vmem>> -> memref<1x128xi32, #tpu.memory_space<vmem>>
      %dma_wait3A_125 = tpu.memref_squeeze %dma_wait3A_124 : memref<1x128xi32, #tpu.memory_space<vmem>> -> memref<128xi32, #tpu.memory_space<vmem>>
      %dma_wait3A_126 = arith.constant 0 : i32
      %dma_wait3A_127 = arith.constant 0 : i32
      %dma_wait3A_128 = tpu.memref_slice %arg8[%dma_wait3A_126, %dma_wait3A_127] : memref<10240x32xf32, #tpu.memory_space<vmem_shared>> -> memref<10240x32xf32, #tpu.memory_space<vmem_shared>>
      tpu.wait_indirect_dma semaphore(%arg21 : memref<!tpu.dma_semaphore, #tpu.memory_space<semaphore_mem>>) src(%dma_wait3A_128 : memref<10240x32xf32, #tpu.memory_space<vmem_shared>>) dst(%arg17 : memref<128x32xf32, #tpu.memory_space<vmem>>)
      %dma_start3A_129 = arith.constant 0 : i32
      %dma_start3A_130 = tpu.memref_slice %arg10[%add3A_121, %dma_start3A_129] : memref<80x128xi32, #tpu.memory_space<vmem>> -> memref<1x128xi32, #tpu.memory_space<vmem>>
      %dma_start3A_131 = tpu.memref_squeeze %dma_start3A_130 : memref<1x128xi32, #tpu.memory_space<vmem>> -> memref<128xi32, #tpu.memory_space<vmem>>
      %dma_start3A_132 = arith.constant 0 : i32
      %dma_start3A_133 = arith.constant 0 : i32
      %dma_start3A_134 = tpu.memref_slice %arg7[%dma_start3A_132, %dma_start3A_133] : memref<10240x32xf32, #tpu.memory_space<vmem_shared>> -> memref<10240x32xf32, #tpu.memory_space<vmem_shared>>
      tpu.enqueue_indirect_dma source(%arg17 : memref<128x32xf32, #tpu.memory_space<vmem>>) target(%dma_start3A_134 : memref<10240x32xf32, #tpu.memory_space<vmem_shared>>) offsets(%dma_start3A_131 : memref<128xi32, #tpu.memory_space<vmem>>) semaphore(%arg25 : memref<!tpu.dma_semaphore, #tpu.memory_space<semaphore_mem>>) {add = true}
      %add3A_135 = arith.constant 2 : i32
      %add3A_136 = arith.addi %add3A_121, %add3A_135 : i32
      %lt3A_137 = arith.constant 80 : i32
      %lt3A_138 = arith.cmpi slt, %add3A_136, %lt3A_137 : i32
      %convert_element_type3A_139 = arith.extui %lt3A_138 : i1 to i32
      %cond3A_140 = arith.constant 0 : i32
      %cond3A_141 = arith.cmpi ne, %convert_element_type3A_139, %cond3A_140 : i32
      scf.if %cond3A_141 {
        %ge3A = arith.constant 2 : i32
        %ge3A_164 = arith.cmpi sge, %add3A_121, %ge3A : i32
        %convert_element_type3A_165 = arith.extui %ge3A_164 : i1 to i32
        %cond3A_166 = arith.constant 0 : i32
        %cond3A_167 = arith.cmpi ne, %convert_element_type3A_165, %cond3A_166 : i32
        scf.if %cond3A_167 {
          %dma_wait3A_176 = arith.constant 0 : i32
          %dma_wait3A_177 = arith.constant 0 : i32
          %dma_wait3A_178 = tpu.memref_slice %arg10[%dma_wait3A_176, %dma_wait3A_177] : memref<80x128xi32, #tpu.memory_space<vmem>> -> memref<1x128xi32, #tpu.memory_space<vmem>>
          %dma_wait3A_179 = tpu.memref_squeeze %dma_wait3A_178 : memref<1x128xi32, #tpu.memory_space<vmem>> -> memref<128xi32, #tpu.memory_space<vmem>>
          %dma_wait3A_180 = arith.constant 0 : i32
          %dma_wait3A_181 = arith.constant 0 : i32
          %dma_wait3A_182 = tpu.memref_slice %arg7[%dma_wait3A_180, %dma_wait3A_181] : memref<10240x32xf32, #tpu.memory_space<vmem_shared>> -> memref<10240x32xf32, #tpu.memory_space<vmem_shared>>
          tpu.wait_indirect_dma semaphore(%arg23 : memref<!tpu.dma_semaphore, #tpu.memory_space<semaphore_mem>>) src(%arg15 : memref<128x32xf32, #tpu.memory_space<vmem>>) dst(%dma_wait3A_182 : memref<10240x32xf32, #tpu.memory_space<vmem_shared>>)
        } else {
        }
        %add3A_168 = arith.constant 2 : i32
        %add3A_169 = arith.addi %add3A_121, %add3A_168 : i32
        %dma_start3A_170 = arith.constant 0 : i32
        %dma_start3A_171 = tpu.memref_slice %arg9[%add3A_169, %dma_start3A_170] : memref<80x128xi32, #tpu.memory_space<vmem>> -> memref<1x128xi32, #tpu.memory_space<vmem>>
        %dma_start3A_172 = tpu.memref_squeeze %dma_start3A_171 : memref<1x128xi32, #tpu.memory_space<vmem>> -> memref<128xi32, #tpu.memory_space<vmem>>
        %dma_start3A_173 = arith.constant 0 : i32
        %dma_start3A_174 = arith.constant 0 : i32
        %dma_start3A_175 = tpu.memref_slice %arg8[%dma_start3A_173, %dma_start3A_174] : memref<10240x32xf32, #tpu.memory_space<vmem_shared>> -> memref<10240x32xf32, #tpu.memory_space<vmem_shared>>
        tpu.enqueue_indirect_dma source(%dma_start3A_175 : memref<10240x32xf32, #tpu.memory_space<vmem_shared>>) target(%arg15 : memref<128x32xf32, #tpu.memory_space<vmem>>) offsets(%dma_start3A_172 : memref<128xi32, #tpu.memory_space<vmem>>) semaphore(%arg19 : memref<!tpu.dma_semaphore, #tpu.memory_space<semaphore_mem>>)
      } else {
      }
      %add3A_142 = arith.constant 3 : i32
      %add3A_143 = arith.addi %mul3A_76, %add3A_142 : i32
      %dma_wait3A_144 = arith.constant 0 : i32
      %dma_wait3A_145 = arith.constant 0 : i32
      %dma_wait3A_146 = tpu.memref_slice %arg9[%dma_wait3A_144, %dma_wait3A_145] : memref<80x128xi32, #tpu.memory_space<vmem>> -> memref<1x128xi32, #tpu.memory_space<vmem>>
      %dma_wait3A_147 = tpu.memref_squeeze %dma_wait3A_146 : memref<1x128xi32, #tpu.memory_space<vmem>> -> memref<128xi32, #tpu.memory_space<vmem>>
      %dma_wait3A_148 = arith.constant 0 : i32
      %dma_wait3A_149 = arith.constant 0 : i32
      %dma_wait3A_150 = tpu.memref_slice %arg8[%dma_wait3A_148, %dma_wait3A_149] : memref<10240x32xf32, #tpu.memory_space<vmem_shared>> -> memref<10240x32xf32, #tpu.memory_space<vmem_shared>>
      tpu.wait_indirect_dma semaphore(%arg22 : memref<!tpu.dma_semaphore, #tpu.memory_space<semaphore_mem>>) src(%dma_wait3A_150 : memref<10240x32xf32, #tpu.memory_space<vmem_shared>>) dst(%arg18 : memref<128x32xf32, #tpu.memory_space<vmem>>)
      %dma_start3A_151 = arith.constant 0 : i32
      %dma_start3A_152 = tpu.memref_slice %arg10[%add3A_143, %dma_start3A_151] : memref<80x128xi32, #tpu.memory_space<vmem>> -> memref<1x128xi32, #tpu.memory_space<vmem>>
      %dma_start3A_153 = tpu.memref_squeeze %dma_start3A_152 : memref<1x128xi32, #tpu.memory_space<vmem>> -> memref<128xi32, #tpu.memory_space<vmem>>
      %dma_start3A_154 = arith.constant 0 : i32
      %dma_start3A_155 = arith.constant 0 : i32
      %dma_start3A_156 = tpu.memref_slice %arg7[%dma_start3A_154, %dma_start3A_155] : memref<10240x32xf32, #tpu.memory_space<vmem_shared>> -> memref<10240x32xf32, #tpu.memory_space<vmem_shared>>
      tpu.enqueue_indirect_dma source(%arg18 : memref<128x32xf32, #tpu.memory_space<vmem>>) target(%dma_start3A_156 : memref<10240x32xf32, #tpu.memory_space<vmem_shared>>) offsets(%dma_start3A_153 : memref<128xi32, #tpu.memory_space<vmem>>) semaphore(%arg26 : memref<!tpu.dma_semaphore, #tpu.memory_space<semaphore_mem>>) {add = true}
      %add3A_157 = arith.constant 2 : i32
      %add3A_158 = arith.addi %add3A_143, %add3A_157 : i32
      %lt3A_159 = arith.constant 80 : i32
      %lt3A_160 = arith.cmpi slt, %add3A_158, %lt3A_159 : i32
      %convert_element_type3A_161 = arith.extui %lt3A_160 : i1 to i32
      %cond3A_162 = arith.constant 0 : i32
      %cond3A_163 = arith.cmpi ne, %convert_element_type3A_161, %cond3A_162 : i32
      scf.if %cond3A_163 {
        %ge3A = arith.constant 2 : i32
        %ge3A_164 = arith.cmpi sge, %add3A_143, %ge3A : i32
        %convert_element_type3A_165 = arith.extui %ge3A_164 : i1 to i32
        %cond3A_166 = arith.constant 0 : i32
        %cond3A_167 = arith.cmpi ne, %convert_element_type3A_165, %cond3A_166 : i32
        scf.if %cond3A_167 {
          %dma_wait3A_176 = arith.constant 0 : i32
          %dma_wait3A_177 = arith.constant 0 : i32
          %dma_wait3A_178 = tpu.memref_slice %arg10[%dma_wait3A_176, %dma_wait3A_177] : memref<80x128xi32, #tpu.memory_space<vmem>> -> memref<1x128xi32, #tpu.memory_space<vmem>>
          %dma_wait3A_179 = tpu.memref_squeeze %dma_wait3A_178 : memref<1x128xi32, #tpu.memory_space<vmem>> -> memref<128xi32, #tpu.memory_space<vmem>>
          %dma_wait3A_180 = arith.constant 0 : i32
          %dma_wait3A_181 = arith.constant 0 : i32
          %dma_wait3A_182 = tpu.memref_slice %arg7[%dma_wait3A_180, %dma_wait3A_181] : memref<10240x32xf32, #tpu.memory_space<vmem_shared>> -> memref<10240x32xf32, #tpu.memory_space<vmem_shared>>
          tpu.wait_indirect_dma semaphore(%arg24 : memref<!tpu.dma_semaphore, #tpu.memory_space<semaphore_mem>>) src(%arg16 : memref<128x32xf32, #tpu.memory_space<vmem>>) dst(%dma_wait3A_182 : memref<10240x32xf32, #tpu.memory_space<vmem_shared>>)
        } else {
        }
        %add3A_168 = arith.constant 2 : i32
        %add3A_169 = arith.addi %add3A_143, %add3A_168 : i32
        %dma_start3A_170 = arith.constant 0 : i32
        %dma_start3A_171 = tpu.memref_slice %arg9[%add3A_169, %dma_start3A_170] : memref<80x128xi32, #tpu.memory_space<vmem>> -> memref<1x128xi32, #tpu.memory_space<vmem>>
        %dma_start3A_172 = tpu.memref_squeeze %dma_start3A_171 : memref<1x128xi32, #tpu.memory_space<vmem>> -> memref<128xi32, #tpu.memory_space<vmem>>
        %dma_start3A_173 = arith.constant 0 : i32
        %dma_start3A_174 = arith.constant 0 : i32
        %dma_start3A_175 = tpu.memref_slice %arg8[%dma_start3A_173, %dma_start3A_174] : memref<10240x32xf32, #tpu.memory_space<vmem_shared>> -> memref<10240x32xf32, #tpu.memory_space<vmem_shared>>
        tpu.enqueue_indirect_dma source(%dma_start3A_175 : memref<10240x32xf32, #tpu.memory_space<vmem_shared>>) target(%arg16 : memref<128x32xf32, #tpu.memory_space<vmem>>) offsets(%dma_start3A_172 : memref<128xi32, #tpu.memory_space<vmem>>) semaphore(%arg20 : memref<!tpu.dma_semaphore, #tpu.memory_space<semaphore_mem>>)
      } else {
      }
    }
    %scan3A_40 = arith.constant 20 : i32
    %dma_wait3A = arith.constant 0 : i32
    %dma_wait3A_41 = arith.constant 0 : i32
    %dma_wait3A_42 = tpu.memref_slice %arg10[%dma_wait3A, %dma_wait3A_41] : memref<80x128xi32, #tpu.memory_space<vmem>> -> memref<1x128xi32, #tpu.memory_space<vmem>>
    %dma_wait3A_43 = tpu.memref_squeeze %dma_wait3A_42 : memref<1x128xi32, #tpu.memory_space<vmem>> -> memref<128xi32, #tpu.memory_space<vmem>>
    %dma_wait3A_44 = arith.constant 0 : i32
    %dma_wait3A_45 = arith.constant 0 : i32
    %dma_wait3A_46 = tpu.memref_slice %arg7[%dma_wait3A_44, %dma_wait3A_45] : memref<10240x32xf32, #tpu.memory_space<vmem_shared>> -> memref<10240x32xf32, #tpu.memory_space<vmem_shared>>
    tpu.wait_indirect_dma semaphore(%arg23 : memref<!tpu.dma_semaphore, #tpu.memory_space<semaphore_mem>>) src(%arg15 : memref<128x32xf32, #tpu.memory_space<vmem>>) dst(%dma_wait3A_46 : memref<10240x32xf32, #tpu.memory_space<vmem_shared>>)
    %dma_wait3A_47 = arith.constant 0 : i32
    %dma_wait3A_48 = arith.constant 0 : i32
    %dma_wait3A_49 = tpu.memref_slice %arg10[%dma_wait3A_47, %dma_wait3A_48] : memref<80x128xi32, #tpu.memory_space<vmem>> -> memref<1x128xi32, #tpu.memory_space<vmem>>
    %dma_wait3A_50 = tpu.memref_squeeze %dma_wait3A_49 : memref<1x128xi32, #tpu.memory_space<vmem>> -> memref<128xi32, #tpu.memory_space<vmem>>
    %dma_wait3A_51 = arith.constant 0 : i32
    %dma_wait3A_52 = arith.constant 0 : i32
    %dma_wait3A_53 = tpu.memref_slice %arg7[%dma_wait3A_51, %dma_wait3A_52] : memref<10240x32xf32, #tpu.memory_space<vmem_shared>> -> memref<10240x32xf32, #tpu.memory_space<vmem_shared>>
    tpu.wait_indirect_dma semaphore(%arg24 : memref<!tpu.dma_semaphore, #tpu.memory_space<semaphore_mem>>) src(%arg16 : memref<128x32xf32, #tpu.memory_space<vmem>>) dst(%dma_wait3A_53 : memref<10240x32xf32, #tpu.memory_space<vmem_shared>>)
    %dma_wait3A_54 = arith.constant 0 : i32
    %dma_wait3A_55 = arith.constant 0 : i32
    %dma_wait3A_56 = tpu.memref_slice %arg10[%dma_wait3A_54, %dma_wait3A_55] : memref<80x128xi32, #tpu.memory_space<vmem>> -> memref<1x128xi32, #tpu.memory_space<vmem>>
    %dma_wait3A_57 = tpu.memref_squeeze %dma_wait3A_56 : memref<1x128xi32, #tpu.memory_space<vmem>> -> memref<128xi32, #tpu.memory_space<vmem>>
    %dma_wait3A_58 = arith.constant 0 : i32
    %dma_wait3A_59 = arith.constant 0 : i32
    %dma_wait3A_60 = tpu.memref_slice %arg7[%dma_wait3A_58, %dma_wait3A_59] : memref<10240x32xf32, #tpu.memory_space<vmem_shared>> -> memref<10240x32xf32, #tpu.memory_space<vmem_shared>>
    tpu.wait_indirect_dma semaphore(%arg25 : memref<!tpu.dma_semaphore, #tpu.memory_space<semaphore_mem>>) src(%arg17 : memref<128x32xf32, #tpu.memory_space<vmem>>) dst(%dma_wait3A_60 : memref<10240x32xf32, #tpu.memory_space<vmem_shared>>)
    %dma_wait3A_61 = arith.constant 0 : i32
    %dma_wait3A_62 = arith.constant 0 : i32
    %dma_wait3A_63 = tpu.memref_slice %arg10[%dma_wait3A_61, %dma_wait3A_62] : memref<80x128xi32, #tpu.memory_space<vmem>> -> memref<1x128xi32, #tpu.memory_space<vmem>>
    %dma_wait3A_64 = tpu.memref_squeeze %dma_wait3A_63 : memref<1x128xi32, #tpu.memory_space<vmem>> -> memref<128xi32, #tpu.memory_space<vmem>>
    %dma_wait3A_65 = arith.constant 0 : i32
    %dma_wait3A_66 = arith.constant 0 : i32
    %dma_wait3A_67 = tpu.memref_slice %arg7[%dma_wait3A_65, %dma_wait3A_66] : memref<10240x32xf32, #tpu.memory_space<vmem_shared>> -> memref<10240x32xf32, #tpu.memory_space<vmem_shared>>
    tpu.wait_indirect_dma semaphore(%arg26 : memref<!tpu.dma_semaphore, #tpu.memory_space<semaphore_mem>>) src(%arg18 : memref<128x32xf32, #tpu.memory_space<vmem>>) dst(%dma_wait3A_67 : memref<10240x32xf32, #tpu.memory_space<vmem_shared>>)
    %barrier3A_68 = arith.constant 0 : index
    tpu.barrier barrier_id(%barrier3A_68)
    "tpu.region"() ({
      %run_scoped3A_74 = tpu.sem_alloc : memref<!tpu.dma_semaphore, #tpu.memory_space<semaphore_mem>>
      %dma_start3A_75 = arith.constant 0 : i32
      %dma_start3A_76 = tpu.memref_slice %arg7[%mul3A_2, %dma_start3A_75] : memref<10240x32xf32, #tpu.memory_space<vmem_shared>> -> memref<640x32xf32, #tpu.memory_space<vmem_shared>>
      %dma_start3A_77 = arith.constant 0 : i32
      %dma_start3A_78 = tpu.memref_slice %arg7[%mul3A_2, %dma_start3A_77] : memref<10240x32xf32, #tpu.memory_space<vmem_shared>> -> memref<640x32xf32, #tpu.memory_space<vmem_shared>>
      tpu.enqueue_dma source(%dma_start3A_78 : memref<640x32xf32, #tpu.memory_space<vmem_shared>>) target(%arg11 : memref<640x32xf32, #tpu.memory_space<vmem>>) target_semaphore(%run_scoped3A_74 : memref<!tpu.dma_semaphore, #tpu.memory_space<semaphore_mem>>)
      %dma_wait3A_79 = arith.constant 0 : i32
      %dma_wait3A_80 = tpu.memref_slice %arg7[%mul3A_2, %dma_wait3A_79] : memref<10240x32xf32, #tpu.memory_space<vmem_shared>> -> memref<640x32xf32, #tpu.memory_space<vmem_shared>>
      %dma_wait3A_81 = arith.constant 0 : i32
      %dma_wait3A_82 = tpu.memref_slice %arg7[%mul3A_2, %dma_wait3A_81] : memref<10240x32xf32, #tpu.memory_space<vmem_shared>> -> memref<640x32xf32, #tpu.memory_space<vmem_shared>>
      tpu.wait_dma2 semaphore(%run_scoped3A_74 : memref<!tpu.dma_semaphore, #tpu.memory_space<semaphore_mem>>) src(%dma_wait3A_82 : memref<640x32xf32, #tpu.memory_space<vmem_shared>>) dst(%arg11 : memref<640x32xf32, #tpu.memory_space<vmem>>)
      tpu.yield
    }) : () -> ()
    %scan3A_69 = arith.constant 0 : i32
    %scan3A_70 = arith.constant 40 : i32
    %scan3A_71 = arith.addi %scan3A_69, %scan3A_70 : i32
    %scan3A_72 = arith.constant 1 : i32
    scf.for %scan3A_74 = %scan3A_69 to %scan3A_71 step %scan3A_72  : i32 {
      %mul3A_75 = arith.constant 16 : i32
      %mul3A_76 = arith.muli %scan3A_74, %mul3A_75 : i32
      %get3A = arith.index_cast %mul3A_76 : i32 to index
      %get3A_77 = tpu.vector_load %arg12[%get3A] {strides = array<i32>} : memref<640xf32, #tpu.memory_space<vmem>>, vector<16xf32>,
      %slice3A = vector.extract_strided_slice %get3A_77 {offsets = [0], sizes = [1], strides = [1]} : vector<16xf32> to vector<1xf32>
      %squeeze3A = vector.extract %slice3A[0] : f32 from vector<1xf32>
      %add3A_78 = arith.constant 0 : i32
      %add3A_79 = arith.addi %mul3A_76, %add3A_78 : i32
      %get3A_80 = arith.index_cast %add3A_79 : i32 to index
      %get3A_81 = arith.constant 0 : index
      %get3A_82 = tpu.vector_load %arg11[%get3A_80, %get3A_81] {strides = array<i32>} : memref<640x32xf32, #tpu.memory_space<vmem>>, vector<16xf32>,
      %mul3A_83 = vector.broadcast %squeeze3A : f32 to vector<16xf32>
      %mul3A_84 = arith.mulf %get3A_82, %mul3A_83 : vector<16xf32>
      %add3A_85 = arith.constant 0 : i32
      %add3A_86 = arith.addi %mul3A_76, %add3A_85 : i32
      %swap3A = arith.index_cast %add3A_86 : i32 to index
      %swap3A_87 = arith.constant 0 : index
      %swap3A_88 = tpu.vector_load %arg11[%swap3A, %swap3A_87] {strides = array<i32>} : memref<640x32xf32, #tpu.memory_space<vmem>>, vector<16xf32>,
      tpu.vector_store %arg11[%swap3A, %swap3A_87], %mul3A_84 {strides = array<i32>} : memref<640x32xf32, #tpu.memory_space<vmem>>, vector<16xf32>,
      %add3A_89 = arith.constant 0 : i32
      %add3A_90 = arith.addi %mul3A_76, %add3A_89 : i32
      %get3A_91 = arith.index_cast %add3A_90 : i32 to index
      %get3A_92 = arith.constant 16 : index
      %get3A_93 = tpu.vector_load %arg11[%get3A_91, %get3A_92] {strides = array<i32>} : memref<640x32xf32, #tpu.memory_space<vmem>>, vector<16xf32>,
      %mul3A_94 = vector.broadcast %squeeze3A : f32 to vector<16xf32>
      %mul3A_95 = arith.mulf %get3A_93, %mul3A_94 : vector<16xf32>
      %add3A_96 = arith.constant 0 : i32
      %add3A_97 = arith.addi %mul3A_76, %add3A_96 : i32
      %swap3A_98 = arith.index_cast %add3A_97 : i32 to index
      %swap3A_99 = arith.constant 16 : index
      %swap3A_100 = tpu.vector_load %arg11[%swap3A_98, %swap3A_99] {strides = array<i32>} : memref<640x32xf32, #tpu.memory_space<vmem>>, vector<16xf32>,
      tpu.vector_store %arg11[%swap3A_98, %swap3A_99], %mul3A_95 {strides = array<i32>} : memref<640x32xf32, #tpu.memory_space<vmem>>, vector<16xf32>,
      %slice3A_101 = vector.extract_strided_slice %get3A_77 {offsets = [1], sizes = [1], strides = [1]} : vector<16xf32> to vector<1xf32>
      %squeeze3A_102 = vector.extract %slice3A_101[0] : f32 from vector<1xf32>
      %add3A_103 = arith.constant 1 : i32
      %add3A_104 = arith.addi %mul3A_76, %add3A_103 : i32
      %get3A_105 = arith.index_cast %add3A_104 : i32 to index
      %get3A_106 = arith.constant 0 : index
      %get3A_107 = tpu.vector_load %arg11[%get3A_105, %get3A_106] {strides = array<i32>} : memref<640x32xf32, #tpu.memory_space<vmem>>, vector<16xf32>,
      %mul3A_108 = vector.broadcast %squeeze3A_102 : f32 to vector<16xf32>
      %mul3A_109 = arith.mulf %get3A_107, %mul3A_108 : vector<16xf32>
      %add3A_110 = arith.constant 1 : i32
      %add3A_111 = arith.addi %mul3A_76, %add3A_110 : i32
      %swap3A_112 = arith.index_cast %add3A_111 : i32 to index
      %swap3A_113 = arith.constant 0 : index
      %swap3A_114 = tpu.vector_load %arg11[%swap3A_112, %swap3A_113] {strides = array<i32>} : memref<640x32xf32, #tpu.memory_space<vmem>>, vector<16xf32>,
      tpu.vector_store %arg11[%swap3A_112, %swap3A_113], %mul3A_109 {strides = array<i32>} : memref<640x32xf32, #tpu.memory_space<vmem>>, vector<16xf32>,
      %add3A_115 = arith.constant 1 : i32
      %add3A_116 = arith.addi %mul3A_76, %add3A_115 : i32
      %get3A_117 = arith.index_cast %add3A_116 : i32 to index
      %get3A_118 = arith.constant 16 : index
      %get3A_119 = tpu.vector_load %arg11[%get3A_117, %get3A_118] {strides = array<i32>} : memref<640x32xf32, #tpu.memory_space<vmem>>, vector<16xf32>,
      %mul3A_120 = vector.broadcast %squeeze3A_102 : f32 to vector<16xf32>
      %mul3A_121 = arith.mulf %get3A_119, %mul3A_120 : vector<16xf32>
      %add3A_122 = arith.constant 1 : i32
      %add3A_123 = arith.addi %mul3A_76, %add3A_122 : i32
      %swap3A_124 = arith.index_cast %add3A_123 : i32 to index
      %swap3A_125 = arith.constant 16 : index
      %swap3A_126 = tpu.vector_load %arg11[%swap3A_124, %swap3A_125] {strides = array<i32>} : memref<640x32xf32, #tpu.memory_space<vmem>>, vector<16xf32>,
      tpu.vector_store %arg11[%swap3A_124, %swap3A_125], %mul3A_121 {strides = array<i32>} : memref<640x32xf32, #tpu.memory_space<vmem>>, vector<16xf32>,
      %slice3A_127 = vector.extract_strided_slice %get3A_77 {offsets = [2], sizes = [1], strides = [1]} : vector<16xf32> to vector<1xf32>
      %squeeze3A_128 = vector.extract %slice3A_127[0] : f32 from vector<1xf32>
      %add3A_129 = arith.constant 2 : i32
      %add3A_130 = arith.addi %mul3A_76, %add3A_129 : i32
      %get3A_131 = arith.index_cast %add3A_130 : i32 to index
      %get3A_132 = arith.constant 0 : index
      %get3A_133 = tpu.vector_load %arg11[%get3A_131, %get3A_132] {strides = array<i32>} : memref<640x32xf32, #tpu.memory_space<vmem>>, vector<16xf32>,
      %mul3A_134 = vector.broadcast %squeeze3A_128 : f32 to vector<16xf32>
      %mul3A_135 = arith.mulf %get3A_133, %mul3A_134 : vector<16xf32>
      %add3A_136 = arith.constant 2 : i32
      %add3A_137 = arith.addi %mul3A_76, %add3A_136 : i32
      %swap3A_138 = arith.index_cast %add3A_137 : i32 to index
      %swap3A_139 = arith.constant 0 : index
      %swap3A_140 = tpu.vector_load %arg11[%swap3A_138, %swap3A_139] {strides = array<i32>} : memref<640x32xf32, #tpu.memory_space<vmem>>, vector<16xf32>,
      tpu.vector_store %arg11[%swap3A_138, %swap3A_139], %mul3A_135 {strides = array<i32>} : memref<640x32xf32, #tpu.memory_space<vmem>>, vector<16xf32>,
      %add3A_141 = arith.constant 2 : i32
      %add3A_142 = arith.addi %mul3A_76, %add3A_141 : i32
      %get3A_143 = arith.index_cast %add3A_142 : i32 to index
      %get3A_144 = arith.constant 16 : index
      %get3A_145 = tpu.vector_load %arg11[%get3A_143, %get3A_144] {strides = array<i32>} : memref<640x32xf32, #tpu.memory_space<vmem>>, vector<16xf32>,
      %mul3A_146 = vector.broadcast %squeeze3A_128 : f32 to vector<16xf32>
      %mul3A_147 = arith.mulf %get3A_145, %mul3A_146 : vector<16xf32>
      %add3A_148 = arith.constant 2 : i32
      %add3A_149 = arith.addi %mul3A_76, %add3A_148 : i32
      %swap3A_150 = arith.index_cast %add3A_149 : i32 to index
      %swap3A_151 = arith.constant 16 : index
      %swap3A_152 = tpu.vector_load %arg11[%swap3A_150, %swap3A_151] {strides = array<i32>} : memref<640x32xf32, #tpu.memory_space<vmem>>, vector<16xf32>,
      tpu.vector_store %arg11[%swap3A_150, %swap3A_151], %mul3A_147 {strides = array<i32>} : memref<640x32xf32, #tpu.memory_space<vmem>>, vector<16xf32>,
      %slice3A_153 = vector.extract_strided_slice %get3A_77 {offsets = [3], sizes = [1], strides = [1]} : vector<16xf32> to vector<1xf32>
      %squeeze3A_154 = vector.extract %slice3A_153[0] : f32 from vector<1xf32>
      %add3A_155 = arith.constant 3 : i32
      %add3A_156 = arith.addi %mul3A_76, %add3A_155 : i32
      %get3A_157 = arith.index_cast %add3A_156 : i32 to index
      %get3A_158 = arith.constant 0 : index
      %get3A_159 = tpu.vector_load %arg11[%get3A_157, %get3A_158] {strides = array<i32>} : memref<640x32xf32, #tpu.memory_space<vmem>>, vector<16xf32>,
      %mul3A_160 = vector.broadcast %squeeze3A_154 : f32 to vector<16xf32>
      %mul3A_161 = arith.mulf %get3A_159, %mul3A_160 : vector<16xf32>
      %add3A_162 = arith.constant 3 : i32
      %add3A_163 = arith.addi %mul3A_76, %add3A_162 : i32
      %swap3A_164 = arith.index_cast %add3A_163 : i32 to index
      %swap3A_165 = arith.constant 0 : index
      %swap3A_166 = tpu.vector_load %arg11[%swap3A_164, %swap3A_165] {strides = array<i32>} : memref<640x32xf32, #tpu.memory_space<vmem>>, vector<16xf32>,
      tpu.vector_store %arg11[%swap3A_164, %swap3A_165], %mul3A_161 {strides = array<i32>} : memref<640x32xf32, #tpu.memory_space<vmem>>, vector<16xf32>,
      %add3A_167 = arith.constant 3 : i32
      %add3A_168 = arith.addi %mul3A_76, %add3A_167 : i32
      %get3A_169 = arith.index_cast %add3A_168 : i32 to index
      %get3A_170 = arith.constant 16 : index
      %get3A_171 = tpu.vector_load %arg11[%get3A_169, %get3A_170] {strides = array<i32>} : memref<640x32xf32, #tpu.memory_space<vmem>>, vector<16xf32>,
      %mul3A_172 = vector.broadcast %squeeze3A_154 : f32 to vector<16xf32>
      %mul3A_173 = arith.mulf %get3A_171, %mul3A_172 : vector<16xf32>
      %add3A_174 = arith.constant 3 : i32
      %add3A_175 = arith.addi %mul3A_76, %add3A_174 : i32
      %swap3A_176 = arith.index_cast %add3A_175 : i32 to index
      %swap3A_177 = arith.constant 16 : index
      %swap3A_178 = tpu.vector_load %arg11[%swap3A_176, %swap3A_177] {strides = array<i32>} : memref<640x32xf32, #tpu.memory_space<vmem>>, vector<16xf32>,
      tpu.vector_store %arg11[%swap3A_176, %swap3A_177], %mul3A_173 {strides = array<i32>} : memref<640x32xf32, #tpu.memory_space<vmem>>, vector<16xf32>,
      %slice3A_179 = vector.extract_strided_slice %get3A_77 {offsets = [4], sizes = [1], strides = [1]} : vector<16xf32> to vector<1xf32>
      %squeeze3A_180 = vector.extract %slice3A_179[0] : f32 from vector<1xf32>
      %add3A_181 = arith.constant 4 : i32
      %add3A_182 = arith.addi %mul3A_76, %add3A_181 : i32
      %get3A_183 = arith.index_cast %add3A_182 : i32 to index
      %get3A_184 = arith.constant 0 : index
      %get3A_185 = tpu.vector_load %arg11[%get3A_183, %get3A_184] {strides = array<i32>} : memref<640x32xf32, #tpu.memory_space<vmem>>, vector<16xf32>,
      %mul3A_186 = vector.broadcast %squeeze3A_180 : f32 to vector<16xf32>
      %mul3A_187 = arith.mulf %get3A_185, %mul3A_186 : vector<16xf32>
      %add3A_188 = arith.constant 4 : i32
      %add3A_189 = arith.addi %mul3A_76, %add3A_188 : i32
      %swap3A_190 = arith.index_cast %add3A_189 : i32 to index
      %swap3A_191 = arith.constant 0 : index
      %swap3A_192 = tpu.vector_load %arg11[%swap3A_190, %swap3A_191] {strides = array<i32>} : memref<640x32xf32, #tpu.memory_space<vmem>>, vector<16xf32>,
      tpu.vector_store %arg11[%swap3A_190, %swap3A_191], %mul3A_187 {strides = array<i32>} : memref<640x32xf32, #tpu.memory_space<vmem>>, vector<16xf32>,
      %add3A_193 = arith.constant 4 : i32
      %add3A_194 = arith.addi %mul3A_76, %add3A_193 : i32
      %get3A_195 = arith.index_cast %add3A_194 : i32 to index
      %get3A_196 = arith.constant 16 : index
      %get3A_197 = tpu.vector_load %arg11[%get3A_195, %get3A_196] {strides = array<i32>} : memref<640x32xf32, #tpu.memory_space<vmem>>, vector<16xf32>,
      %mul3A_198 = vector.broadcast %squeeze3A_180 : f32 to vector<16xf32>
      %mul3A_199 = arith.mulf %get3A_197, %mul3A_198 : vector<16xf32>
      %add3A_200 = arith.constant 4 : i32
      %add3A_201 = arith.addi %mul3A_76, %add3A_200 : i32
      %swap3A_202 = arith.index_cast %add3A_201 : i32 to index
      %swap3A_203 = arith.constant 16 : index
      %swap3A_204 = tpu.vector_load %arg11[%swap3A_202, %swap3A_203] {strides = array<i32>} : memref<640x32xf32, #tpu.memory_space<vmem>>, vector<16xf32>,
      tpu.vector_store %arg11[%swap3A_202, %swap3A_203], %mul3A_199 {strides = array<i32>} : memref<640x32xf32, #tpu.memory_space<vmem>>, vector<16xf32>,
      %slice3A_205 = vector.extract_strided_slice %get3A_77 {offsets = [5], sizes = [1], strides = [1]} : vector<16xf32> to vector<1xf32>
      %squeeze3A_206 = vector.extract %slice3A_205[0] : f32 from vector<1xf32>
      %add3A_207 = arith.constant 5 : i32
      %add3A_208 = arith.addi %mul3A_76, %add3A_207 : i32
      %get3A_209 = arith.index_cast %add3A_208 : i32 to index
      %get3A_210 = arith.constant 0 : index
      %get3A_211 = tpu.vector_load %arg11[%get3A_209, %get3A_210] {strides = array<i32>} : memref<640x32xf32, #tpu.memory_space<vmem>>, vector<16xf32>,
      %mul3A_212 = vector.broadcast %squeeze3A_206 : f32 to vector<16xf32>
      %mul3A_213 = arith.mulf %get3A_211, %mul3A_212 : vector<16xf32>
      %add3A_214 = arith.constant 5 : i32
      %add3A_215 = arith.addi %mul3A_76, %add3A_214 : i32
      %swap3A_216 = arith.index_cast %add3A_215 : i32 to index
      %swap3A_217 = arith.constant 0 : index
      %swap3A_218 = tpu.vector_load %arg11[%swap3A_216, %swap3A_217] {strides = array<i32>} : memref<640x32xf32, #tpu.memory_space<vmem>>, vector<16xf32>,
      tpu.vector_store %arg11[%swap3A_216, %swap3A_217], %mul3A_213 {strides = array<i32>} : memref<640x32xf32, #tpu.memory_space<vmem>>, vector<16xf32>,
      %add3A_219 = arith.constant 5 : i32
      %add3A_220 = arith.addi %mul3A_76, %add3A_219 : i32
      %get3A_221 = arith.index_cast %add3A_220 : i32 to index
      %get3A_222 = arith.constant 16 : index
      %get3A_223 = tpu.vector_load %arg11[%get3A_221, %get3A_222] {strides = array<i32>} : memref<640x32xf32, #tpu.memory_space<vmem>>, vector<16xf32>,
      %mul3A_224 = vector.broadcast %squeeze3A_206 : f32 to vector<16xf32>
      %mul3A_225 = arith.mulf %get3A_223, %mul3A_224 : vector<16xf32>
      %add3A_226 = arith.constant 5 : i32
      %add3A_227 = arith.addi %mul3A_76, %add3A_226 : i32
      %swap3A_228 = arith.index_cast %add3A_227 : i32 to index
      %swap3A_229 = arith.constant 16 : index
      %swap3A_230 = tpu.vector_load %arg11[%swap3A_228, %swap3A_229] {strides = array<i32>} : memref<640x32xf32, #tpu.memory_space<vmem>>, vector<16xf32>,
      tpu.vector_store %arg11[%swap3A_228, %swap3A_229], %mul3A_225 {strides = array<i32>} : memref<640x32xf32, #tpu.memory_space<vmem>>, vector<16xf32>,
      %slice3A_231 = vector.extract_strided_slice %get3A_77 {offsets = [6], sizes = [1], strides = [1]} : vector<16xf32> to vector<1xf32>
      %squeeze3A_232 = vector.extract %slice3A_231[0] : f32 from vector<1xf32>
      %add3A_233 = arith.constant 6 : i32
      %add3A_234 = arith.addi %mul3A_76, %add3A_233 : i32
      %get3A_235 = arith.index_cast %add3A_234 : i32 to index
      %get3A_236 = arith.constant 0 : index
      %get3A_237 = tpu.vector_load %arg11[%get3A_235, %get3A_236] {strides = array<i32>} : memref<640x32xf32, #tpu.memory_space<vmem>>, vector<16xf32>,
      %mul3A_238 = vector.broadcast %squeeze3A_232 : f32 to vector<16xf32>
      %mul3A_239 = arith.mulf %get3A_237, %mul3A_238 : vector<16xf32>
      %add3A_240 = arith.constant 6 : i32
      %add3A_241 = arith.addi %mul3A_76, %add3A_240 : i32
      %swap3A_242 = arith.index_cast %add3A_241 : i32 to index
      %swap3A_243 = arith.constant 0 : index
      %swap3A_244 = tpu.vector_load %arg11[%swap3A_242, %swap3A_243] {strides = array<i32>} : memref<640x32xf32, #tpu.memory_space<vmem>>, vector<16xf32>,
      tpu.vector_store %arg11[%swap3A_242, %swap3A_243], %mul3A_239 {strides = array<i32>} : memref<640x32xf32, #tpu.memory_space<vmem>>, vector<16xf32>,
      %add3A_245 = arith.constant 6 : i32
      %add3A_246 = arith.addi %mul3A_76, %add3A_245 : i32
      %get3A_247 = arith.index_cast %add3A_246 : i32 to index
      %get3A_248 = arith.constant 16 : index
      %get3A_249 = tpu.vector_load %arg11[%get3A_247, %get3A_248] {strides = array<i32>} : memref<640x32xf32, #tpu.memory_space<vmem>>, vector<16xf32>,
      %mul3A_250 = vector.broadcast %squeeze3A_232 : f32 to vector<16xf32>
      %mul3A_251 = arith.mulf %get3A_249, %mul3A_250 : vector<16xf32>
      %add3A_252 = arith.constant 6 : i32
      %add3A_253 = arith.addi %mul3A_76, %add3A_252 : i32
      %swap3A_254 = arith.index_cast %add3A_253 : i32 to index
      %swap3A_255 = arith.constant 16 : index
      %swap3A_256 = tpu.vector_load %arg11[%swap3A_254, %swap3A_255] {strides = array<i32>} : memref<640x32xf32, #tpu.memory_space<vmem>>, vector<16xf32>,
      tpu.vector_store %arg11[%swap3A_254, %swap3A_255], %mul3A_251 {strides = array<i32>} : memref<640x32xf32, #tpu.memory_space<vmem>>, vector<16xf32>,
      %slice3A_257 = vector.extract_strided_slice %get3A_77 {offsets = [7], sizes = [1], strides = [1]} : vector<16xf32> to vector<1xf32>
      %squeeze3A_258 = vector.extract %slice3A_257[0] : f32 from vector<1xf32>
      %add3A_259 = arith.constant 7 : i32
      %add3A_260 = arith.addi %mul3A_76, %add3A_259 : i32
      %get3A_261 = arith.index_cast %add3A_260 : i32 to index
      %get3A_262 = arith.constant 0 : index
      %get3A_263 = tpu.vector_load %arg11[%get3A_261, %get3A_262] {strides = array<i32>} : memref<640x32xf32, #tpu.memory_space<vmem>>, vector<16xf32>,
      %mul3A_264 = vector.broadcast %squeeze3A_258 : f32 to vector<16xf32>
      %mul3A_265 = arith.mulf %get3A_263, %mul3A_264 : vector<16xf32>
      %add3A_266 = arith.constant 7 : i32
      %add3A_267 = arith.addi %mul3A_76, %add3A_266 : i32
      %swap3A_268 = arith.index_cast %add3A_267 : i32 to index
      %swap3A_269 = arith.constant 0 : index
      %swap3A_270 = tpu.vector_load %arg11[%swap3A_268, %swap3A_269] {strides = array<i32>} : memref<640x32xf32, #tpu.memory_space<vmem>>, vector<16xf32>,
      tpu.vector_store %arg11[%swap3A_268, %swap3A_269], %mul3A_265 {strides = array<i32>} : memref<640x32xf32, #tpu.memory_space<vmem>>, vector<16xf32>,
      %add3A_271 = arith.constant 7 : i32
      %add3A_272 = arith.addi %mul3A_76, %add3A_271 : i32
      %get3A_273 = arith.index_cast %add3A_272 : i32 to index
      %get3A_274 = arith.constant 16 : index
      %get3A_275 = tpu.vector_load %arg11[%get3A_273, %get3A_274] {strides = array<i32>} : memref<640x32xf32, #tpu.memory_space<vmem>>, vector<16xf32>,
      %mul3A_276 = vector.broadcast %squeeze3A_258 : f32 to vector<16xf32>
      %mul3A_277 = arith.mulf %get3A_275, %mul3A_276 : vector<16xf32>
      %add3A_278 = arith.constant 7 : i32
      %add3A_279 = arith.addi %mul3A_76, %add3A_278 : i32
      %swap3A_280 = arith.index_cast %add3A_279 : i32 to index
      %swap3A_281 = arith.constant 16 : index
      %swap3A_282 = tpu.vector_load %arg11[%swap3A_280, %swap3A_281] {strides = array<i32>} : memref<640x32xf32, #tpu.memory_space<vmem>>, vector<16xf32>,
      tpu.vector_store %arg11[%swap3A_280, %swap3A_281], %mul3A_277 {strides = array<i32>} : memref<640x32xf32, #tpu.memory_space<vmem>>, vector<16xf32>,
      %slice3A_283 = vector.extract_strided_slice %get3A_77 {offsets = [8], sizes = [1], strides = [1]} : vector<16xf32> to vector<1xf32>
      %squeeze3A_284 = vector.extract %slice3A_283[0] : f32 from vector<1xf32>
      %add3A_285 = arith.constant 8 : i32
      %add3A_286 = arith.addi %mul3A_76, %add3A_285 : i32
      %get3A_287 = arith.index_cast %add3A_286 : i32 to index
      %get3A_288 = arith.constant 0 : index
      %get3A_289 = tpu.vector_load %arg11[%get3A_287, %get3A_288] {strides = array<i32>} : memref<640x32xf32, #tpu.memory_space<vmem>>, vector<16xf32>,
      %mul3A_290 = vector.broadcast %squeeze3A_284 : f32 to vector<16xf32>
      %mul3A_291 = arith.mulf %get3A_289, %mul3A_290 : vector<16xf32>
      %add3A_292 = arith.constant 8 : i32
      %add3A_293 = arith.addi %mul3A_76, %add3A_292 : i32
      %swap3A_294 = arith.index_cast %add3A_293 : i32 to index
      %swap3A_295 = arith.constant 0 : index
      %swap3A_296 = tpu.vector_load %arg11[%swap3A_294, %swap3A_295] {strides = array<i32>} : memref<640x32xf32, #tpu.memory_space<vmem>>, vector<16xf32>,
      tpu.vector_store %arg11[%swap3A_294, %swap3A_295], %mul3A_291 {strides = array<i32>} : memref<640x32xf32, #tpu.memory_space<vmem>>, vector<16xf32>,
      %add3A_297 = arith.constant 8 : i32
      %add3A_298 = arith.addi %mul3A_76, %add3A_297 : i32
      %get3A_299 = arith.index_cast %add3A_298 : i32 to index
      %get3A_300 = arith.constant 16 : index
      %get3A_301 = tpu.vector_load %arg11[%get3A_299, %get3A_300] {strides = array<i32>} : memref<640x32xf32, #tpu.memory_space<vmem>>, vector<16xf32>,
      %mul3A_302 = vector.broadcast %squeeze3A_284 : f32 to vector<16xf32>
      %mul3A_303 = arith.mulf %get3A_301, %mul3A_302 : vector<16xf32>
      %add3A_304 = arith.constant 8 : i32
      %add3A_305 = arith.addi %mul3A_76, %add3A_304 : i32
      %swap3A_306 = arith.index_cast %add3A_305 : i32 to index
      %swap3A_307 = arith.constant 16 : index
      %swap3A_308 = tpu.vector_load %arg11[%swap3A_306, %swap3A_307] {strides = array<i32>} : memref<640x32xf32, #tpu.memory_space<vmem>>, vector<16xf32>,
      tpu.vector_store %arg11[%swap3A_306, %swap3A_307], %mul3A_303 {strides = array<i32>} : memref<640x32xf32, #tpu.memory_space<vmem>>, vector<16xf32>,
      %slice3A_309 = vector.extract_strided_slice %get3A_77 {offsets = [9], sizes = [1], strides = [1]} : vector<16xf32> to vector<1xf32>
      %squeeze3A_310 = vector.extract %slice3A_309[0] : f32 from vector<1xf32>
      %add3A_311 = arith.constant 9 : i32
      %add3A_312 = arith.addi %mul3A_76, %add3A_311 : i32
      %get3A_313 = arith.index_cast %add3A_312 : i32 to index
      %get3A_314 = arith.constant 0 : index
      %get3A_315 = tpu.vector_load %arg11[%get3A_313, %get3A_314] {strides = array<i32>} : memref<640x32xf32, #tpu.memory_space<vmem>>, vector<16xf32>,
      %mul3A_316 = vector.broadcast %squeeze3A_310 : f32 to vector<16xf32>
      %mul3A_317 = arith.mulf %get3A_315, %mul3A_316 : vector<16xf32>
      %add3A_318 = arith.constant 9 : i32
      %add3A_319 = arith.addi %mul3A_76, %add3A_318 : i32
      %swap3A_320 = arith.index_cast %add3A_319 : i32 to index
      %swap3A_321 = arith.constant 0 : index
      %swap3A_322 = tpu.vector_load %arg11[%swap3A_320, %swap3A_321] {strides = array<i32>} : memref<640x32xf32, #tpu.memory_space<vmem>>, vector<16xf32>,
      tpu.vector_store %arg11[%swap3A_320, %swap3A_321], %mul3A_317 {strides = array<i32>} : memref<640x32xf32, #tpu.memory_space<vmem>>, vector<16xf32>,
      %add3A_323 = arith.constant 9 : i32
      %add3A_324 = arith.addi %mul3A_76, %add3A_323 : i32
      %get3A_325 = arith.index_cast %add3A_324 : i32 to index
      %get3A_326 = arith.constant 16 : index
      %get3A_327 = tpu.vector_load %arg11[%get3A_325, %get3A_326] {strides = array<i32>} : memref<640x32xf32, #tpu.memory_space<vmem>>, vector<16xf32>,
      %mul3A_328 = vector.broadcast %squeeze3A_310 : f32 to vector<16xf32>
      %mul3A_329 = arith.mulf %get3A_327, %mul3A_328 : vector<16xf32>
      %add3A_330 = arith.constant 9 : i32
      %add3A_331 = arith.addi %mul3A_76, %add3A_330 : i32
      %swap3A_332 = arith.index_cast %add3A_331 : i32 to index
      %swap3A_333 = arith.constant 16 : index
      %swap3A_334 = tpu.vector_load %arg11[%swap3A_332, %swap3A_333] {strides = array<i32>} : memref<640x32xf32, #tpu.memory_space<vmem>>, vector<16xf32>,
      tpu.vector_store %arg11[%swap3A_332, %swap3A_333], %mul3A_329 {strides = array<i32>} : memref<640x32xf32, #tpu.memory_space<vmem>>, vector<16xf32>,
      %slice3A_335 = vector.extract_strided_slice %get3A_77 {offsets = [10], sizes = [1], strides = [1]} : vector<16xf32> to vector<1xf32>
      %squeeze3A_336 = vector.extract %slice3A_335[0] : f32 from vector<1xf32>
      %add3A_337 = arith.constant 10 : i32
      %add3A_338 = arith.addi %mul3A_76, %add3A_337 : i32
      %get3A_339 = arith.index_cast %add3A_338 : i32 to index
      %get3A_340 = arith.constant 0 : index
      %get3A_341 = tpu.vector_load %arg11[%get3A_339, %get3A_340] {strides = array<i32>} : memref<640x32xf32, #tpu.memory_space<vmem>>, vector<16xf32>,
      %mul3A_342 = vector.broadcast %squeeze3A_336 : f32 to vector<16xf32>
      %mul3A_343 = arith.mulf %get3A_341, %mul3A_342 : vector<16xf32>
      %add3A_344 = arith.constant 10 : i32
      %add3A_345 = arith.addi %mul3A_76, %add3A_344 : i32
      %swap3A_346 = arith.index_cast %add3A_345 : i32 to index
      %swap3A_347 = arith.constant 0 : index
      %swap3A_348 = tpu.vector_load %arg11[%swap3A_346, %swap3A_347] {strides = array<i32>} : memref<640x32xf32, #tpu.memory_space<vmem>>, vector<16xf32>,
      tpu.vector_store %arg11[%swap3A_346, %swap3A_347], %mul3A_343 {strides = array<i32>} : memref<640x32xf32, #tpu.memory_space<vmem>>, vector<16xf32>,
      %add3A_349 = arith.constant 10 : i32
      %add3A_350 = arith.addi %mul3A_76, %add3A_349 : i32
      %get3A_351 = arith.index_cast %add3A_350 : i32 to index
      %get3A_352 = arith.constant 16 : index
      %get3A_353 = tpu.vector_load %arg11[%get3A_351, %get3A_352] {strides = array<i32>} : memref<640x32xf32, #tpu.memory_space<vmem>>, vector<16xf32>,
      %mul3A_354 = vector.broadcast %squeeze3A_336 : f32 to vector<16xf32>
      %mul3A_355 = arith.mulf %get3A_353, %mul3A_354 : vector<16xf32>
      %add3A_356 = arith.constant 10 : i32
      %add3A_357 = arith.addi %mul3A_76, %add3A_356 : i32
      %swap3A_358 = arith.index_cast %add3A_357 : i32 to index
      %swap3A_359 = arith.constant 16 : index
      %swap3A_360 = tpu.vector_load %arg11[%swap3A_358, %swap3A_359] {strides = array<i32>} : memref<640x32xf32, #tpu.memory_space<vmem>>, vector<16xf32>,
      tpu.vector_store %arg11[%swap3A_358, %swap3A_359], %mul3A_355 {strides = array<i32>} : memref<640x32xf32, #tpu.memory_space<vmem>>, vector<16xf32>,
      %slice3A_361 = vector.extract_strided_slice %get3A_77 {offsets = [11], sizes = [1], strides = [1]} : vector<16xf32> to vector<1xf32>
      %squeeze3A_362 = vector.extract %slice3A_361[0] : f32 from vector<1xf32>
      %add3A_363 = arith.constant 11 : i32
      %add3A_364 = arith.addi %mul3A_76, %add3A_363 : i32
      %get3A_365 = arith.index_cast %add3A_364 : i32 to index
      %get3A_366 = arith.constant 0 : index
      %get3A_367 = tpu.vector_load %arg11[%get3A_365, %get3A_366] {strides = array<i32>} : memref<640x32xf32, #tpu.memory_space<vmem>>, vector<16xf32>,
      %mul3A_368 = vector.broadcast %squeeze3A_362 : f32 to vector<16xf32>
      %mul3A_369 = arith.mulf %get3A_367, %mul3A_368 : vector<16xf32>
      %add3A_370 = arith.constant 11 : i32
      %add3A_371 = arith.addi %mul3A_76, %add3A_370 : i32
      %swap3A_372 = arith.index_cast %add3A_371 : i32 to index
      %swap3A_373 = arith.constant 0 : index
      %swap3A_374 = tpu.vector_load %arg11[%swap3A_372, %swap3A_373] {strides = array<i32>} : memref<640x32xf32, #tpu.memory_space<vmem>>, vector<16xf32>,
      tpu.vector_store %arg11[%swap3A_372, %swap3A_373], %mul3A_369 {strides = array<i32>} : memref<640x32xf32, #tpu.memory_space<vmem>>, vector<16xf32>,
      %add3A_375 = arith.constant 11 : i32
      %add3A_376 = arith.addi %mul3A_76, %add3A_375 : i32
      %get3A_377 = arith.index_cast %add3A_376 : i32 to index
      %get3A_378 = arith.constant 16 : index
      %get3A_379 = tpu.vector_load %arg11[%get3A_377, %get3A_378] {strides = array<i32>} : memref<640x32xf32, #tpu.memory_space<vmem>>, vector<16xf32>,
      %mul3A_380 = vector.broadcast %squeeze3A_362 : f32 to vector<16xf32>
      %mul3A_381 = arith.mulf %get3A_379, %mul3A_380 : vector<16xf32>
      %add3A_382 = arith.constant 11 : i32
      %add3A_383 = arith.addi %mul3A_76, %add3A_382 : i32
      %swap3A_384 = arith.index_cast %add3A_383 : i32 to index
      %swap3A_385 = arith.constant 16 : index
      %swap3A_386 = tpu.vector_load %arg11[%swap3A_384, %swap3A_385] {strides = array<i32>} : memref<640x32xf32, #tpu.memory_space<vmem>>, vector<16xf32>,
      tpu.vector_store %arg11[%swap3A_384, %swap3A_385], %mul3A_381 {strides = array<i32>} : memref<640x32xf32, #tpu.memory_space<vmem>>, vector<16xf32>,
      %slice3A_387 = vector.extract_strided_slice %get3A_77 {offsets = [12], sizes = [1], strides = [1]} : vector<16xf32> to vector<1xf32>
      %squeeze3A_388 = vector.extract %slice3A_387[0] : f32 from vector<1xf32>
      %add3A_389 = arith.constant 12 : i32
      %add3A_390 = arith.addi %mul3A_76, %add3A_389 : i32
      %get3A_391 = arith.index_cast %add3A_390 : i32 to index
      %get3A_392 = arith.constant 0 : index
      %get3A_393 = tpu.vector_load %arg11[%get3A_391, %get3A_392] {strides = array<i32>} : memref<640x32xf32, #tpu.memory_space<vmem>>, vector<16xf32>,
      %mul3A_394 = vector.broadcast %squeeze3A_388 : f32 to vector<16xf32>
      %mul3A_395 = arith.mulf %get3A_393, %mul3A_394 : vector<16xf32>
      %add3A_396 = arith.constant 12 : i32
      %add3A_397 = arith.addi %mul3A_76, %add3A_396 : i32
      %swap3A_398 = arith.index_cast %add3A_397 : i32 to index
      %swap3A_399 = arith.constant 0 : index
      %swap3A_400 = tpu.vector_load %arg11[%swap3A_398, %swap3A_399] {strides = array<i32>} : memref<640x32xf32, #tpu.memory_space<vmem>>, vector<16xf32>,
      tpu.vector_store %arg11[%swap3A_398, %swap3A_399], %mul3A_395 {strides = array<i32>} : memref<640x32xf32, #tpu.memory_space<vmem>>, vector<16xf32>,
      %add3A_401 = arith.constant 12 : i32
      %add3A_402 = arith.addi %mul3A_76, %add3A_401 : i32
      %get3A_403 = arith.index_cast %add3A_402 : i32 to index
      %get3A_404 = arith.constant 16 : index
      %get3A_405 = tpu.vector_load %arg11[%get3A_403, %get3A_404] {strides = array<i32>} : memref<640x32xf32, #tpu.memory_space<vmem>>, vector<16xf32>,
      %mul3A_406 = vector.broadcast %squeeze3A_388 : f32 to vector<16xf32>
      %mul3A_407 = arith.mulf %get3A_405, %mul3A_406 : vector<16xf32>
      %add3A_408 = arith.constant 12 : i32
      %add3A_409 = arith.addi %mul3A_76, %add3A_408 : i32
      %swap3A_410 = arith.index_cast %add3A_409 : i32 to index
      %swap3A_411 = arith.constant 16 : index
      %swap3A_412 = tpu.vector_load %arg11[%swap3A_410, %swap3A_411] {strides = array<i32>} : memref<640x32xf32, #tpu.memory_space<vmem>>, vector<16xf32>,
      tpu.vector_store %arg11[%swap3A_410, %swap3A_411], %mul3A_407 {strides = array<i32>} : memref<640x32xf32, #tpu.memory_space<vmem>>, vector<16xf32>,
      %slice3A_413 = vector.extract_strided_slice %get3A_77 {offsets = [13], sizes = [1], strides = [1]} : vector<16xf32> to vector<1xf32>
      %squeeze3A_414 = vector.extract %slice3A_413[0] : f32 from vector<1xf32>
      %add3A_415 = arith.constant 13 : i32
      %add3A_416 = arith.addi %mul3A_76, %add3A_415 : i32
      %get3A_417 = arith.index_cast %add3A_416 : i32 to index
      %get3A_418 = arith.constant 0 : index
      %get3A_419 = tpu.vector_load %arg11[%get3A_417, %get3A_418] {strides = array<i32>} : memref<640x32xf32, #tpu.memory_space<vmem>>, vector<16xf32>,
      %mul3A_420 = vector.broadcast %squeeze3A_414 : f32 to vector<16xf32>
      %mul3A_421 = arith.mulf %get3A_419, %mul3A_420 : vector<16xf32>
      %add3A_422 = arith.constant 13 : i32
      %add3A_423 = arith.addi %mul3A_76, %add3A_422 : i32
      %swap3A_424 = arith.index_cast %add3A_423 : i32 to index
      %swap3A_425 = arith.constant 0 : index
      %swap3A_426 = tpu.vector_load %arg11[%swap3A_424, %swap3A_425] {strides = array<i32>} : memref<640x32xf32, #tpu.memory_space<vmem>>, vector<16xf32>,
      tpu.vector_store %arg11[%swap3A_424, %swap3A_425], %mul3A_421 {strides = array<i32>} : memref<640x32xf32, #tpu.memory_space<vmem>>, vector<16xf32>,
      %add3A_427 = arith.constant 13 : i32
      %add3A_428 = arith.addi %mul3A_76, %add3A_427 : i32
      %get3A_429 = arith.index_cast %add3A_428 : i32 to index
      %get3A_430 = arith.constant 16 : index
      %get3A_431 = tpu.vector_load %arg11[%get3A_429, %get3A_430] {strides = array<i32>} : memref<640x32xf32, #tpu.memory_space<vmem>>, vector<16xf32>,
      %mul3A_432 = vector.broadcast %squeeze3A_414 : f32 to vector<16xf32>
      %mul3A_433 = arith.mulf %get3A_431, %mul3A_432 : vector<16xf32>
      %add3A_434 = arith.constant 13 : i32
      %add3A_435 = arith.addi %mul3A_76, %add3A_434 : i32
      %swap3A_436 = arith.index_cast %add3A_435 : i32 to index
      %swap3A_437 = arith.constant 16 : index
      %swap3A_438 = tpu.vector_load %arg11[%swap3A_436, %swap3A_437] {strides = array<i32>} : memref<640x32xf32, #tpu.memory_space<vmem>>, vector<16xf32>,
      tpu.vector_store %arg11[%swap3A_436, %swap3A_437], %mul3A_433 {strides = array<i32>} : memref<640x32xf32, #tpu.memory_space<vmem>>, vector<16xf32>,
      %slice3A_439 = vector.extract_strided_slice %get3A_77 {offsets = [14], sizes = [1], strides = [1]} : vector<16xf32> to vector<1xf32>
      %squeeze3A_440 = vector.extract %slice3A_439[0] : f32 from vector<1xf32>
      %add3A_441 = arith.constant 14 : i32
      %add3A_442 = arith.addi %mul3A_76, %add3A_441 : i32
      %get3A_443 = arith.index_cast %add3A_442 : i32 to index
      %get3A_444 = arith.constant 0 : index
      %get3A_445 = tpu.vector_load %arg11[%get3A_443, %get3A_444] {strides = array<i32>} : memref<640x32xf32, #tpu.memory_space<vmem>>, vector<16xf32>,
      %mul3A_446 = vector.broadcast %squeeze3A_440 : f32 to vector<16xf32>
      %mul3A_447 = arith.mulf %get3A_445, %mul3A_446 : vector<16xf32>
      %add3A_448 = arith.constant 14 : i32
      %add3A_449 = arith.addi %mul3A_76, %add3A_448 : i32
      %swap3A_450 = arith.index_cast %add3A_449 : i32 to index
      %swap3A_451 = arith.constant 0 : index
      %swap3A_452 = tpu.vector_load %arg11[%swap3A_450, %swap3A_451] {strides = array<i32>} : memref<640x32xf32, #tpu.memory_space<vmem>>, vector<16xf32>,
      tpu.vector_store %arg11[%swap3A_450, %swap3A_451], %mul3A_447 {strides = array<i32>} : memref<640x32xf32, #tpu.memory_space<vmem>>, vector<16xf32>,
      %add3A_453 = arith.constant 14 : i32
      %add3A_454 = arith.addi %mul3A_76, %add3A_453 : i32
      %get3A_455 = arith.index_cast %add3A_454 : i32 to index
      %get3A_456 = arith.constant 16 : index
      %get3A_457 = tpu.vector_load %arg11[%get3A_455, %get3A_456] {strides = array<i32>} : memref<640x32xf32, #tpu.memory_space<vmem>>, vector<16xf32>,
      %mul3A_458 = vector.broadcast %squeeze3A_440 : f32 to vector<16xf32>
      %mul3A_459 = arith.mulf %get3A_457, %mul3A_458 : vector<16xf32>
      %add3A_460 = arith.constant 14 : i32
      %add3A_461 = arith.addi %mul3A_76, %add3A_460 : i32
      %swap3A_462 = arith.index_cast %add3A_461 : i32 to index
      %swap3A_463 = arith.constant 16 : index
      %swap3A_464 = tpu.vector_load %arg11[%swap3A_462, %swap3A_463] {strides = array<i32>} : memref<640x32xf32, #tpu.memory_space<vmem>>, vector<16xf32>,
      tpu.vector_store %arg11[%swap3A_462, %swap3A_463], %mul3A_459 {strides = array<i32>} : memref<640x32xf32, #tpu.memory_space<vmem>>, vector<16xf32>,
      %slice3A_465 = vector.extract_strided_slice %get3A_77 {offsets = [15], sizes = [1], strides = [1]} : vector<16xf32> to vector<1xf32>
      %squeeze3A_466 = vector.extract %slice3A_465[0] : f32 from vector<1xf32>
      %add3A_467 = arith.constant 15 : i32
      %add3A_468 = arith.addi %mul3A_76, %add3A_467 : i32
      %get3A_469 = arith.index_cast %add3A_468 : i32 to index
      %get3A_470 = arith.constant 0 : index
      %get3A_471 = tpu.vector_load %arg11[%get3A_469, %get3A_470] {strides = array<i32>} : memref<640x32xf32, #tpu.memory_space<vmem>>, vector<16xf32>,
      %mul3A_472 = vector.broadcast %squeeze3A_466 : f32 to vector<16xf32>
      %mul3A_473 = arith.mulf %get3A_471, %mul3A_472 : vector<16xf32>
      %add3A_474 = arith.constant 15 : i32
      %add3A_475 = arith.addi %mul3A_76, %add3A_474 : i32
      %swap3A_476 = arith.index_cast %add3A_475 : i32 to index
      %swap3A_477 = arith.constant 0 : index
      %swap3A_478 = tpu.vector_load %arg11[%swap3A_476, %swap3A_477] {strides = array<i32>} : memref<640x32xf32, #tpu.memory_space<vmem>>, vector<16xf32>,
      tpu.vector_store %arg11[%swap3A_476, %swap3A_477], %mul3A_473 {strides = array<i32>} : memref<640x32xf32, #tpu.memory_space<vmem>>, vector<16xf32>,
      %add3A_479 = arith.constant 15 : i32
      %add3A_480 = arith.addi %mul3A_76, %add3A_479 : i32
      %get3A_481 = arith.index_cast %add3A_480 : i32 to index
      %get3A_482 = arith.constant 16 : index
      %get3A_483 = tpu.vector_load %arg11[%get3A_481, %get3A_482] {strides = array<i32>} : memref<640x32xf32, #tpu.memory_space<vmem>>, vector<16xf32>,
      %mul3A_484 = vector.broadcast %squeeze3A_466 : f32 to vector<16xf32>
      %mul3A_485 = arith.mulf %get3A_483, %mul3A_484 : vector<16xf32>
      %add3A_486 = arith.constant 15 : i32
      %add3A_487 = arith.addi %mul3A_76, %add3A_486 : i32
      %swap3A_488 = arith.index_cast %add3A_487 : i32 to index
      %swap3A_489 = arith.constant 16 : index
      %swap3A_490 = tpu.vector_load %arg11[%swap3A_488, %swap3A_489] {strides = array<i32>} : memref<640x32xf32, #tpu.memory_space<vmem>>, vector<16xf32>,
      tpu.vector_store %arg11[%swap3A_488, %swap3A_489], %mul3A_485 {strides = array<i32>} : memref<640x32xf32, #tpu.memory_space<vmem>>, vector<16xf32>,
    }
    %scan3A_73 = arith.constant 40 : i32
    "tpu.region"() ({
      %run_scoped3A_74 = tpu.sem_alloc : memref<!tpu.dma_semaphore, #tpu.memory_space<semaphore_mem>>
      %dma_start3A_75 = arith.constant 0 : i32
      %dma_start3A_76 = tpu.memref_slice %arg6[%arg0, %mul3A_2, %dma_start3A_75] : memref<2x10240x32xf32, #tpu.memory_space<hbm>> -> memref<1x640x32xf32, #tpu.memory_space<hbm>>
      %dma_start3A_77 = tpu.memref_squeeze %dma_start3A_76 : memref<1x640x32xf32, #tpu.memory_space<hbm>> -> memref<640x32xf32, #tpu.memory_space<hbm>>
      %dma_start3A_78 = arith.constant 0 : i32
      %dma_start3A_79 = tpu.memref_slice %arg6[%arg0, %mul3A_2, %dma_start3A_78] : memref<2x10240x32xf32, #tpu.memory_space<hbm>> -> memref<1x640x32xf32, #tpu.memory_space<hbm>>
      %dma_start3A_80 = tpu.memref_squeeze %dma_start3A_79 : memref<1x640x32xf32, #tpu.memory_space<hbm>> -> memref<640x32xf32, #tpu.memory_space<hbm>>
      tpu.enqueue_dma source(%arg11 : memref<640x32xf32, #tpu.memory_space<vmem>>) target(%dma_start3A_80 : memref<640x32xf32, #tpu.memory_space<hbm>>) target_semaphore(%run_scoped3A_74 : memref<!tpu.dma_semaphore, #tpu.memory_space<semaphore_mem>>)
      %dma_wait3A_81 = arith.constant 0 : i32
      %dma_wait3A_82 = tpu.memref_slice %arg6[%arg0, %mul3A_2, %dma_wait3A_81] : memref<2x10240x32xf32, #tpu.memory_space<hbm>> -> memref<1x640x32xf32, #tpu.memory_space<hbm>>
      %dma_wait3A_83 = tpu.memref_squeeze %dma_wait3A_82 : memref<1x640x32xf32, #tpu.memory_space<hbm>> -> memref<640x32xf32, #tpu.memory_space<hbm>>
      %dma_wait3A_84 = arith.constant 0 : i32
      %dma_wait3A_85 = tpu.memref_slice %arg6[%arg0, %mul3A_2, %dma_wait3A_84] : memref<2x10240x32xf32, #tpu.memory_space<hbm>> -> memref<1x640x32xf32, #tpu.memory_space<hbm>>
      %dma_wait3A_86 = tpu.memref_squeeze %dma_wait3A_85 : memref<1x640x32xf32, #tpu.memory_space<hbm>> -> memref<640x32xf32, #tpu.memory_space<hbm>>
      tpu.wait_dma2 semaphore(%run_scoped3A_74 : memref<!tpu.dma_semaphore, #tpu.memory_space<semaphore_mem>>) src(%arg11 : memref<640x32xf32, #tpu.memory_space<vmem>>) dst(%dma_wait3A_86 : memref<640x32xf32, #tpu.memory_space<hbm>>)
      tpu.yield
    }) : () -> ()
    return
  }
}

#map = affine_map<(d0, d1) -> (0, 0)>
#map1 = affine_map<(d0, d1) -> (0, 0, 0)>
module attributes {stable_mosaic.version = 14 : i64} {
  func.func @_deg_kernel(%arg0: i32, %arg1: i32, %arg2: memref<2560x128xi32, #tpu.memory_space<hbm>>, %arg3: memref<640x8xf32, #tpu.memory_space<hbm>>, %arg4: memref<128x8xf32, #tpu.memory_space<hbm>>, %arg5: memref<2x10240x8xf32, #tpu.memory_space<hbm>>, %arg6: memref<10240x8xf32, #tpu.memory_space<vmem_shared>>, %arg7: memref<128x8xf32, #tpu.memory_space<vmem>>, %arg8: memref<80x128xi32, #tpu.memory_space<vmem>>, %arg9: memref<!tpu.dma_semaphore, #tpu.memory_space<semaphore_mem>>) attributes {dimension_semantics = [#tpu.dimension_semantics<core_parallel>, #tpu.dimension_semantics<subcore_parallel>], iteration_bounds = array<i64: 2, 16>, scalar_prefetch = 0 : i64, scratch_operands = 4 : i64, tpu.core_type = #tpu.core_type<sc_vector_subcore>, window_params = [{transform_indices = #map}, {transform_indices = #map}, {transform_indices = #map}, {transform_indices = #map1}]} {
    %mul3A = arith.constant 2 : i32
    %mul3A_0 = arith.muli %arg1, %mul3A : i32
    %add3A = arith.addi %mul3A_0, %arg0 : i32
    %mul3A_1 = arith.constant 640 : i32
    %mul3A_2 = arith.muli %arg1, %mul3A_1 : i32
    "tpu.region"() ({
      %run_scoped3A = tpu.sem_alloc : memref<!tpu.dma_semaphore, #tpu.memory_space<semaphore_mem>>
      tpu.enqueue_dma source(%arg4 : memref<128x8xf32, #tpu.memory_space<hbm>>) target(%arg7 : memref<128x8xf32, #tpu.memory_space<vmem>>) target_semaphore(%run_scoped3A : memref<!tpu.dma_semaphore, #tpu.memory_space<semaphore_mem>>)
      tpu.wait_dma2 semaphore(%run_scoped3A : memref<!tpu.dma_semaphore, #tpu.memory_space<semaphore_mem>>) src(%arg4 : memref<128x8xf32, #tpu.memory_space<hbm>>) dst(%arg7 : memref<128x8xf32, #tpu.memory_space<vmem>>)
      tpu.yield
    }) : () -> ()
    %mul3A_3 = arith.constant 80 : i32
    %mul3A_4 = arith.muli %add3A, %mul3A_3 : i32
    "tpu.region"() ({
      %run_scoped3A = tpu.sem_alloc : memref<!tpu.dma_semaphore, #tpu.memory_space<semaphore_mem>>
      %dma_start3A = arith.constant 0 : i32
      %dma_start3A_10 = tpu.memref_slice %arg2[%mul3A_4, %dma_start3A] : memref<2560x128xi32, #tpu.memory_space<hbm>> -> memref<80x128xi32, #tpu.memory_space<hbm>>
      %dma_start3A_11 = arith.constant 0 : i32
      %dma_start3A_12 = tpu.memref_slice %arg2[%mul3A_4, %dma_start3A_11] : memref<2560x128xi32, #tpu.memory_space<hbm>> -> memref<80x128xi32, #tpu.memory_space<hbm>>
      tpu.enqueue_dma source(%dma_start3A_12 : memref<80x128xi32, #tpu.memory_space<hbm>>) target(%arg8 : memref<80x128xi32, #tpu.memory_space<vmem>>) target_semaphore(%run_scoped3A : memref<!tpu.dma_semaphore, #tpu.memory_space<semaphore_mem>>)
      %dma_wait3A = arith.constant 0 : i32
      %dma_wait3A_13 = tpu.memref_slice %arg2[%mul3A_4, %dma_wait3A] : memref<2560x128xi32, #tpu.memory_space<hbm>> -> memref<80x128xi32, #tpu.memory_space<hbm>>
      %dma_wait3A_14 = arith.constant 0 : i32
      %dma_wait3A_15 = tpu.memref_slice %arg2[%mul3A_4, %dma_wait3A_14] : memref<2560x128xi32, #tpu.memory_space<hbm>> -> memref<80x128xi32, #tpu.memory_space<hbm>>
      tpu.wait_dma2 semaphore(%run_scoped3A : memref<!tpu.dma_semaphore, #tpu.memory_space<semaphore_mem>>) src(%dma_wait3A_15 : memref<80x128xi32, #tpu.memory_space<hbm>>) dst(%arg8 : memref<80x128xi32, #tpu.memory_space<vmem>>)
      tpu.yield
    }) : () -> ()
    "tpu.region"() ({
      %run_scoped3A = tpu.sem_alloc : memref<!tpu.dma_semaphore, #tpu.memory_space<semaphore_mem>>
      %dma_start3A = arith.constant 0 : i32
      %dma_start3A_10 = tpu.memref_slice %arg6[%mul3A_2, %dma_start3A] : memref<10240x8xf32, #tpu.memory_space<vmem_shared>> -> memref<640x8xf32, #tpu.memory_space<vmem_shared>>
      tpu.enqueue_dma source(%arg3 : memref<640x8xf32, #tpu.memory_space<hbm>>) target(%dma_start3A_10 : memref<640x8xf32, #tpu.memory_space<vmem_shared>>) target_semaphore(%run_scoped3A : memref<!tpu.dma_semaphore, #tpu.memory_space<semaphore_mem>>)
      %dma_wait3A = arith.constant 0 : i32
      %dma_wait3A_11 = tpu.memref_slice %arg6[%mul3A_2, %dma_wait3A] : memref<10240x8xf32, #tpu.memory_space<vmem_shared>> -> memref<640x8xf32, #tpu.memory_space<vmem_shared>>
      tpu.wait_dma2 semaphore(%run_scoped3A : memref<!tpu.dma_semaphore, #tpu.memory_space<semaphore_mem>>) src(%arg3 : memref<640x8xf32, #tpu.memory_space<hbm>>) dst(%dma_wait3A_11 : memref<640x8xf32, #tpu.memory_space<vmem_shared>>)
      tpu.yield
    }) : () -> ()
    %barrier3A = arith.constant 0 : index
    tpu.barrier barrier_id(%barrier3A)
    %scan3A = arith.constant 0 : i32
    %scan3A_5 = arith.constant 10 : i32
    %scan3A_6 = arith.addi %scan3A, %scan3A_5 : i32
    %scan3A_7 = arith.constant 1 : i32
    scf.for %scan3A_10 = %scan3A to %scan3A_6 step %scan3A_7  : i32 {
      %mul3A_11 = arith.constant 8 : i32
      %mul3A_12 = arith.muli %scan3A_10, %mul3A_11 : i32
      %add3A_13 = arith.constant 0 : i32
      %add3A_14 = arith.addi %mul3A_12, %add3A_13 : i32
      %dma_start3A = arith.constant 0 : i32
      %dma_start3A_15 = tpu.memref_slice %arg8[%add3A_14, %dma_start3A] : memref<80x128xi32, #tpu.memory_space<vmem>> -> memref<1x128xi32, #tpu.memory_space<vmem>>
      %dma_start3A_16 = tpu.memref_squeeze %dma_start3A_15 : memref<1x128xi32, #tpu.memory_space<vmem>> -> memref<128xi32, #tpu.memory_space<vmem>>
      %dma_start3A_17 = arith.constant 0 : i32
      %dma_start3A_18 = arith.constant 0 : i32
      %dma_start3A_19 = tpu.memref_slice %arg6[%dma_start3A_17, %dma_start3A_18] : memref<10240x8xf32, #tpu.memory_space<vmem_shared>> -> memref<10240x8xf32, #tpu.memory_space<vmem_shared>>
      tpu.enqueue_indirect_dma source(%arg7 : memref<128x8xf32, #tpu.memory_space<vmem>>) target(%dma_start3A_19 : memref<10240x8xf32, #tpu.memory_space<vmem_shared>>) offsets(%dma_start3A_16 : memref<128xi32, #tpu.memory_space<vmem>>) semaphore(%arg9 : memref<!tpu.dma_semaphore, #tpu.memory_space<semaphore_mem>>) {add = true}
      %mul3A_20 = arith.constant 8 : i32
      %mul3A_21 = arith.muli %scan3A_10, %mul3A_20 : i32
      %add3A_22 = arith.constant 1 : i32
      %add3A_23 = arith.addi %mul3A_21, %add3A_22 : i32
      %dma_start3A_24 = arith.constant 0 : i32
      %dma_start3A_25 = tpu.memref_slice %arg8[%add3A_23, %dma_start3A_24] : memref<80x128xi32, #tpu.memory_space<vmem>> -> memref<1x128xi32, #tpu.memory_space<vmem>>
      %dma_start3A_26 = tpu.memref_squeeze %dma_start3A_25 : memref<1x128xi32, #tpu.memory_space<vmem>> -> memref<128xi32, #tpu.memory_space<vmem>>
      %dma_start3A_27 = arith.constant 0 : i32
      %dma_start3A_28 = arith.constant 0 : i32
      %dma_start3A_29 = tpu.memref_slice %arg6[%dma_start3A_27, %dma_start3A_28] : memref<10240x8xf32, #tpu.memory_space<vmem_shared>> -> memref<10240x8xf32, #tpu.memory_space<vmem_shared>>
      tpu.enqueue_indirect_dma source(%arg7 : memref<128x8xf32, #tpu.memory_space<vmem>>) target(%dma_start3A_29 : memref<10240x8xf32, #tpu.memory_space<vmem_shared>>) offsets(%dma_start3A_26 : memref<128xi32, #tpu.memory_space<vmem>>) semaphore(%arg9 : memref<!tpu.dma_semaphore, #tpu.memory_space<semaphore_mem>>) {add = true}
      %mul3A_30 = arith.constant 8 : i32
      %mul3A_31 = arith.muli %scan3A_10, %mul3A_30 : i32
      %add3A_32 = arith.constant 2 : i32
      %add3A_33 = arith.addi %mul3A_31, %add3A_32 : i32
      %dma_start3A_34 = arith.constant 0 : i32
      %dma_start3A_35 = tpu.memref_slice %arg8[%add3A_33, %dma_start3A_34] : memref<80x128xi32, #tpu.memory_space<vmem>> -> memref<1x128xi32, #tpu.memory_space<vmem>>
      %dma_start3A_36 = tpu.memref_squeeze %dma_start3A_35 : memref<1x128xi32, #tpu.memory_space<vmem>> -> memref<128xi32, #tpu.memory_space<vmem>>
      %dma_start3A_37 = arith.constant 0 : i32
      %dma_start3A_38 = arith.constant 0 : i32
      %dma_start3A_39 = tpu.memref_slice %arg6[%dma_start3A_37, %dma_start3A_38] : memref<10240x8xf32, #tpu.memory_space<vmem_shared>> -> memref<10240x8xf32, #tpu.memory_space<vmem_shared>>
      tpu.enqueue_indirect_dma source(%arg7 : memref<128x8xf32, #tpu.memory_space<vmem>>) target(%dma_start3A_39 : memref<10240x8xf32, #tpu.memory_space<vmem_shared>>) offsets(%dma_start3A_36 : memref<128xi32, #tpu.memory_space<vmem>>) semaphore(%arg9 : memref<!tpu.dma_semaphore, #tpu.memory_space<semaphore_mem>>) {add = true}
      %mul3A_40 = arith.constant 8 : i32
      %mul3A_41 = arith.muli %scan3A_10, %mul3A_40 : i32
      %add3A_42 = arith.constant 3 : i32
      %add3A_43 = arith.addi %mul3A_41, %add3A_42 : i32
      %dma_start3A_44 = arith.constant 0 : i32
      %dma_start3A_45 = tpu.memref_slice %arg8[%add3A_43, %dma_start3A_44] : memref<80x128xi32, #tpu.memory_space<vmem>> -> memref<1x128xi32, #tpu.memory_space<vmem>>
      %dma_start3A_46 = tpu.memref_squeeze %dma_start3A_45 : memref<1x128xi32, #tpu.memory_space<vmem>> -> memref<128xi32, #tpu.memory_space<vmem>>
      %dma_start3A_47 = arith.constant 0 : i32
      %dma_start3A_48 = arith.constant 0 : i32
      %dma_start3A_49 = tpu.memref_slice %arg6[%dma_start3A_47, %dma_start3A_48] : memref<10240x8xf32, #tpu.memory_space<vmem_shared>> -> memref<10240x8xf32, #tpu.memory_space<vmem_shared>>
      tpu.enqueue_indirect_dma source(%arg7 : memref<128x8xf32, #tpu.memory_space<vmem>>) target(%dma_start3A_49 : memref<10240x8xf32, #tpu.memory_space<vmem_shared>>) offsets(%dma_start3A_46 : memref<128xi32, #tpu.memory_space<vmem>>) semaphore(%arg9 : memref<!tpu.dma_semaphore, #tpu.memory_space<semaphore_mem>>) {add = true}
      %mul3A_50 = arith.constant 8 : i32
      %mul3A_51 = arith.muli %scan3A_10, %mul3A_50 : i32
      %add3A_52 = arith.constant 4 : i32
      %add3A_53 = arith.addi %mul3A_51, %add3A_52 : i32
      %dma_start3A_54 = arith.constant 0 : i32
      %dma_start3A_55 = tpu.memref_slice %arg8[%add3A_53, %dma_start3A_54] : memref<80x128xi32, #tpu.memory_space<vmem>> -> memref<1x128xi32, #tpu.memory_space<vmem>>
      %dma_start3A_56 = tpu.memref_squeeze %dma_start3A_55 : memref<1x128xi32, #tpu.memory_space<vmem>> -> memref<128xi32, #tpu.memory_space<vmem>>
      %dma_start3A_57 = arith.constant 0 : i32
      %dma_start3A_58 = arith.constant 0 : i32
      %dma_start3A_59 = tpu.memref_slice %arg6[%dma_start3A_57, %dma_start3A_58] : memref<10240x8xf32, #tpu.memory_space<vmem_shared>> -> memref<10240x8xf32, #tpu.memory_space<vmem_shared>>
      tpu.enqueue_indirect_dma source(%arg7 : memref<128x8xf32, #tpu.memory_space<vmem>>) target(%dma_start3A_59 : memref<10240x8xf32, #tpu.memory_space<vmem_shared>>) offsets(%dma_start3A_56 : memref<128xi32, #tpu.memory_space<vmem>>) semaphore(%arg9 : memref<!tpu.dma_semaphore, #tpu.memory_space<semaphore_mem>>) {add = true}
      %mul3A_60 = arith.constant 8 : i32
      %mul3A_61 = arith.muli %scan3A_10, %mul3A_60 : i32
      %add3A_62 = arith.constant 5 : i32
      %add3A_63 = arith.addi %mul3A_61, %add3A_62 : i32
      %dma_start3A_64 = arith.constant 0 : i32
      %dma_start3A_65 = tpu.memref_slice %arg8[%add3A_63, %dma_start3A_64] : memref<80x128xi32, #tpu.memory_space<vmem>> -> memref<1x128xi32, #tpu.memory_space<vmem>>
      %dma_start3A_66 = tpu.memref_squeeze %dma_start3A_65 : memref<1x128xi32, #tpu.memory_space<vmem>> -> memref<128xi32, #tpu.memory_space<vmem>>
      %dma_start3A_67 = arith.constant 0 : i32
      %dma_start3A_68 = arith.constant 0 : i32
      %dma_start3A_69 = tpu.memref_slice %arg6[%dma_start3A_67, %dma_start3A_68] : memref<10240x8xf32, #tpu.memory_space<vmem_shared>> -> memref<10240x8xf32, #tpu.memory_space<vmem_shared>>
      tpu.enqueue_indirect_dma source(%arg7 : memref<128x8xf32, #tpu.memory_space<vmem>>) target(%dma_start3A_69 : memref<10240x8xf32, #tpu.memory_space<vmem_shared>>) offsets(%dma_start3A_66 : memref<128xi32, #tpu.memory_space<vmem>>) semaphore(%arg9 : memref<!tpu.dma_semaphore, #tpu.memory_space<semaphore_mem>>) {add = true}
      %mul3A_70 = arith.constant 8 : i32
      %mul3A_71 = arith.muli %scan3A_10, %mul3A_70 : i32
      %add3A_72 = arith.constant 6 : i32
      %add3A_73 = arith.addi %mul3A_71, %add3A_72 : i32
      %dma_start3A_74 = arith.constant 0 : i32
      %dma_start3A_75 = tpu.memref_slice %arg8[%add3A_73, %dma_start3A_74] : memref<80x128xi32, #tpu.memory_space<vmem>> -> memref<1x128xi32, #tpu.memory_space<vmem>>
      %dma_start3A_76 = tpu.memref_squeeze %dma_start3A_75 : memref<1x128xi32, #tpu.memory_space<vmem>> -> memref<128xi32, #tpu.memory_space<vmem>>
      %dma_start3A_77 = arith.constant 0 : i32
      %dma_start3A_78 = arith.constant 0 : i32
      %dma_start3A_79 = tpu.memref_slice %arg6[%dma_start3A_77, %dma_start3A_78] : memref<10240x8xf32, #tpu.memory_space<vmem_shared>> -> memref<10240x8xf32, #tpu.memory_space<vmem_shared>>
      tpu.enqueue_indirect_dma source(%arg7 : memref<128x8xf32, #tpu.memory_space<vmem>>) target(%dma_start3A_79 : memref<10240x8xf32, #tpu.memory_space<vmem_shared>>) offsets(%dma_start3A_76 : memref<128xi32, #tpu.memory_space<vmem>>) semaphore(%arg9 : memref<!tpu.dma_semaphore, #tpu.memory_space<semaphore_mem>>) {add = true}
      %mul3A_80 = arith.constant 8 : i32
      %mul3A_81 = arith.muli %scan3A_10, %mul3A_80 : i32
      %add3A_82 = arith.constant 7 : i32
      %add3A_83 = arith.addi %mul3A_81, %add3A_82 : i32
      %dma_start3A_84 = arith.constant 0 : i32
      %dma_start3A_85 = tpu.memref_slice %arg8[%add3A_83, %dma_start3A_84] : memref<80x128xi32, #tpu.memory_space<vmem>> -> memref<1x128xi32, #tpu.memory_space<vmem>>
      %dma_start3A_86 = tpu.memref_squeeze %dma_start3A_85 : memref<1x128xi32, #tpu.memory_space<vmem>> -> memref<128xi32, #tpu.memory_space<vmem>>
      %dma_start3A_87 = arith.constant 0 : i32
      %dma_start3A_88 = arith.constant 0 : i32
      %dma_start3A_89 = tpu.memref_slice %arg6[%dma_start3A_87, %dma_start3A_88] : memref<10240x8xf32, #tpu.memory_space<vmem_shared>> -> memref<10240x8xf32, #tpu.memory_space<vmem_shared>>
      tpu.enqueue_indirect_dma source(%arg7 : memref<128x8xf32, #tpu.memory_space<vmem>>) target(%dma_start3A_89 : memref<10240x8xf32, #tpu.memory_space<vmem_shared>>) offsets(%dma_start3A_86 : memref<128xi32, #tpu.memory_space<vmem>>) semaphore(%arg9 : memref<!tpu.dma_semaphore, #tpu.memory_space<semaphore_mem>>) {add = true}
      %dma_wait3A = arith.constant 0 : i32
      %dma_wait3A_90 = arith.constant 0 : i32
      %dma_wait3A_91 = tpu.memref_slice %arg8[%dma_wait3A, %dma_wait3A_90] : memref<80x128xi32, #tpu.memory_space<vmem>> -> memref<1x128xi32, #tpu.memory_space<vmem>>
      %dma_wait3A_92 = tpu.memref_squeeze %dma_wait3A_91 : memref<1x128xi32, #tpu.memory_space<vmem>> -> memref<128xi32, #tpu.memory_space<vmem>>
      %dma_wait3A_93 = arith.constant 0 : i32
      %dma_wait3A_94 = arith.constant 0 : i32
      %dma_wait3A_95 = tpu.memref_slice %arg6[%dma_wait3A_93, %dma_wait3A_94] : memref<10240x8xf32, #tpu.memory_space<vmem_shared>> -> memref<10240x8xf32, #tpu.memory_space<vmem_shared>>
      tpu.wait_indirect_dma semaphore(%arg9 : memref<!tpu.dma_semaphore, #tpu.memory_space<semaphore_mem>>) src(%arg7 : memref<128x8xf32, #tpu.memory_space<vmem>>) dst(%dma_wait3A_95 : memref<10240x8xf32, #tpu.memory_space<vmem_shared>>)
      %dma_wait3A_96 = arith.constant 0 : i32
      %dma_wait3A_97 = arith.constant 0 : i32
      %dma_wait3A_98 = tpu.memref_slice %arg8[%dma_wait3A_96, %dma_wait3A_97] : memref<80x128xi32, #tpu.memory_space<vmem>> -> memref<1x128xi32, #tpu.memory_space<vmem>>
      %dma_wait3A_99 = tpu.memref_squeeze %dma_wait3A_98 : memref<1x128xi32, #tpu.memory_space<vmem>> -> memref<128xi32, #tpu.memory_space<vmem>>
      %dma_wait3A_100 = arith.constant 0 : i32
      %dma_wait3A_101 = arith.constant 0 : i32
      %dma_wait3A_102 = tpu.memref_slice %arg6[%dma_wait3A_100, %dma_wait3A_101] : memref<10240x8xf32, #tpu.memory_space<vmem_shared>> -> memref<10240x8xf32, #tpu.memory_space<vmem_shared>>
      tpu.wait_indirect_dma semaphore(%arg9 : memref<!tpu.dma_semaphore, #tpu.memory_space<semaphore_mem>>) src(%arg7 : memref<128x8xf32, #tpu.memory_space<vmem>>) dst(%dma_wait3A_102 : memref<10240x8xf32, #tpu.memory_space<vmem_shared>>)
      %dma_wait3A_103 = arith.constant 0 : i32
      %dma_wait3A_104 = arith.constant 0 : i32
      %dma_wait3A_105 = tpu.memref_slice %arg8[%dma_wait3A_103, %dma_wait3A_104] : memref<80x128xi32, #tpu.memory_space<vmem>> -> memref<1x128xi32, #tpu.memory_space<vmem>>
      %dma_wait3A_106 = tpu.memref_squeeze %dma_wait3A_105 : memref<1x128xi32, #tpu.memory_space<vmem>> -> memref<128xi32, #tpu.memory_space<vmem>>
      %dma_wait3A_107 = arith.constant 0 : i32
      %dma_wait3A_108 = arith.constant 0 : i32
      %dma_wait3A_109 = tpu.memref_slice %arg6[%dma_wait3A_107, %dma_wait3A_108] : memref<10240x8xf32, #tpu.memory_space<vmem_shared>> -> memref<10240x8xf32, #tpu.memory_space<vmem_shared>>
      tpu.wait_indirect_dma semaphore(%arg9 : memref<!tpu.dma_semaphore, #tpu.memory_space<semaphore_mem>>) src(%arg7 : memref<128x8xf32, #tpu.memory_space<vmem>>) dst(%dma_wait3A_109 : memref<10240x8xf32, #tpu.memory_space<vmem_shared>>)
      %dma_wait3A_110 = arith.constant 0 : i32
      %dma_wait3A_111 = arith.constant 0 : i32
      %dma_wait3A_112 = tpu.memref_slice %arg8[%dma_wait3A_110, %dma_wait3A_111] : memref<80x128xi32, #tpu.memory_space<vmem>> -> memref<1x128xi32, #tpu.memory_space<vmem>>
      %dma_wait3A_113 = tpu.memref_squeeze %dma_wait3A_112 : memref<1x128xi32, #tpu.memory_space<vmem>> -> memref<128xi32, #tpu.memory_space<vmem>>
      %dma_wait3A_114 = arith.constant 0 : i32
      %dma_wait3A_115 = arith.constant 0 : i32
      %dma_wait3A_116 = tpu.memref_slice %arg6[%dma_wait3A_114, %dma_wait3A_115] : memref<10240x8xf32, #tpu.memory_space<vmem_shared>> -> memref<10240x8xf32, #tpu.memory_space<vmem_shared>>
      tpu.wait_indirect_dma semaphore(%arg9 : memref<!tpu.dma_semaphore, #tpu.memory_space<semaphore_mem>>) src(%arg7 : memref<128x8xf32, #tpu.memory_space<vmem>>) dst(%dma_wait3A_116 : memref<10240x8xf32, #tpu.memory_space<vmem_shared>>)
      %dma_wait3A_117 = arith.constant 0 : i32
      %dma_wait3A_118 = arith.constant 0 : i32
      %dma_wait3A_119 = tpu.memref_slice %arg8[%dma_wait3A_117, %dma_wait3A_118] : memref<80x128xi32, #tpu.memory_space<vmem>> -> memref<1x128xi32, #tpu.memory_space<vmem>>
      %dma_wait3A_120 = tpu.memref_squeeze %dma_wait3A_119 : memref<1x128xi32, #tpu.memory_space<vmem>> -> memref<128xi32, #tpu.memory_space<vmem>>
      %dma_wait3A_121 = arith.constant 0 : i32
      %dma_wait3A_122 = arith.constant 0 : i32
      %dma_wait3A_123 = tpu.memref_slice %arg6[%dma_wait3A_121, %dma_wait3A_122] : memref<10240x8xf32, #tpu.memory_space<vmem_shared>> -> memref<10240x8xf32, #tpu.memory_space<vmem_shared>>
      tpu.wait_indirect_dma semaphore(%arg9 : memref<!tpu.dma_semaphore, #tpu.memory_space<semaphore_mem>>) src(%arg7 : memref<128x8xf32, #tpu.memory_space<vmem>>) dst(%dma_wait3A_123 : memref<10240x8xf32, #tpu.memory_space<vmem_shared>>)
      %dma_wait3A_124 = arith.constant 0 : i32
      %dma_wait3A_125 = arith.constant 0 : i32
      %dma_wait3A_126 = tpu.memref_slice %arg8[%dma_wait3A_124, %dma_wait3A_125] : memref<80x128xi32, #tpu.memory_space<vmem>> -> memref<1x128xi32, #tpu.memory_space<vmem>>
      %dma_wait3A_127 = tpu.memref_squeeze %dma_wait3A_126 : memref<1x128xi32, #tpu.memory_space<vmem>> -> memref<128xi32, #tpu.memory_space<vmem>>
      %dma_wait3A_128 = arith.constant 0 : i32
      %dma_wait3A_129 = arith.constant 0 : i32
      %dma_wait3A_130 = tpu.memref_slice %arg6[%dma_wait3A_128, %dma_wait3A_129] : memref<10240x8xf32, #tpu.memory_space<vmem_shared>> -> memref<10240x8xf32, #tpu.memory_space<vmem_shared>>
      tpu.wait_indirect_dma semaphore(%arg9 : memref<!tpu.dma_semaphore, #tpu.memory_space<semaphore_mem>>) src(%arg7 : memref<128x8xf32, #tpu.memory_space<vmem>>) dst(%dma_wait3A_130 : memref<10240x8xf32, #tpu.memory_space<vmem_shared>>)
      %dma_wait3A_131 = arith.constant 0 : i32
      %dma_wait3A_132 = arith.constant 0 : i32
      %dma_wait3A_133 = tpu.memref_slice %arg8[%dma_wait3A_131, %dma_wait3A_132] : memref<80x128xi32, #tpu.memory_space<vmem>> -> memref<1x128xi32, #tpu.memory_space<vmem>>
      %dma_wait3A_134 = tpu.memref_squeeze %dma_wait3A_133 : memref<1x128xi32, #tpu.memory_space<vmem>> -> memref<128xi32, #tpu.memory_space<vmem>>
      %dma_wait3A_135 = arith.constant 0 : i32
      %dma_wait3A_136 = arith.constant 0 : i32
      %dma_wait3A_137 = tpu.memref_slice %arg6[%dma_wait3A_135, %dma_wait3A_136] : memref<10240x8xf32, #tpu.memory_space<vmem_shared>> -> memref<10240x8xf32, #tpu.memory_space<vmem_shared>>
      tpu.wait_indirect_dma semaphore(%arg9 : memref<!tpu.dma_semaphore, #tpu.memory_space<semaphore_mem>>) src(%arg7 : memref<128x8xf32, #tpu.memory_space<vmem>>) dst(%dma_wait3A_137 : memref<10240x8xf32, #tpu.memory_space<vmem_shared>>)
      %dma_wait3A_138 = arith.constant 0 : i32
      %dma_wait3A_139 = arith.constant 0 : i32
      %dma_wait3A_140 = tpu.memref_slice %arg8[%dma_wait3A_138, %dma_wait3A_139] : memref<80x128xi32, #tpu.memory_space<vmem>> -> memref<1x128xi32, #tpu.memory_space<vmem>>
      %dma_wait3A_141 = tpu.memref_squeeze %dma_wait3A_140 : memref<1x128xi32, #tpu.memory_space<vmem>> -> memref<128xi32, #tpu.memory_space<vmem>>
      %dma_wait3A_142 = arith.constant 0 : i32
      %dma_wait3A_143 = arith.constant 0 : i32
      %dma_wait3A_144 = tpu.memref_slice %arg6[%dma_wait3A_142, %dma_wait3A_143] : memref<10240x8xf32, #tpu.memory_space<vmem_shared>> -> memref<10240x8xf32, #tpu.memory_space<vmem_shared>>
      tpu.wait_indirect_dma semaphore(%arg9 : memref<!tpu.dma_semaphore, #tpu.memory_space<semaphore_mem>>) src(%arg7 : memref<128x8xf32, #tpu.memory_space<vmem>>) dst(%dma_wait3A_144 : memref<10240x8xf32, #tpu.memory_space<vmem_shared>>)
    }
    %scan3A_8 = arith.constant 10 : i32
    %barrier3A_9 = arith.constant 0 : index
    tpu.barrier barrier_id(%barrier3A_9)
    "tpu.region"() ({
      %run_scoped3A = tpu.sem_alloc : memref<!tpu.dma_semaphore, #tpu.memory_space<semaphore_mem>>
      %dma_start3A = arith.constant 0 : i32
      %dma_start3A_10 = tpu.memref_slice %arg5[%arg0, %mul3A_2, %dma_start3A] : memref<2x10240x8xf32, #tpu.memory_space<hbm>> -> memref<1x640x8xf32, #tpu.memory_space<hbm>>
      %dma_start3A_11 = tpu.memref_squeeze %dma_start3A_10 : memref<1x640x8xf32, #tpu.memory_space<hbm>> -> memref<640x8xf32, #tpu.memory_space<hbm>>
      %dma_start3A_12 = arith.constant 0 : i32
      %dma_start3A_13 = tpu.memref_slice %arg6[%mul3A_2, %dma_start3A_12] : memref<10240x8xf32, #tpu.memory_space<vmem_shared>> -> memref<640x8xf32, #tpu.memory_space<vmem_shared>>
      tpu.enqueue_dma source(%dma_start3A_13 : memref<640x8xf32, #tpu.memory_space<vmem_shared>>) target(%dma_start3A_11 : memref<640x8xf32, #tpu.memory_space<hbm>>) target_semaphore(%run_scoped3A : memref<!tpu.dma_semaphore, #tpu.memory_space<semaphore_mem>>)
      %dma_wait3A = arith.constant 0 : i32
      %dma_wait3A_14 = tpu.memref_slice %arg5[%arg0, %mul3A_2, %dma_wait3A] : memref<2x10240x8xf32, #tpu.memory_space<hbm>> -> memref<1x640x8xf32, #tpu.memory_space<hbm>>
      %dma_wait3A_15 = tpu.memref_squeeze %dma_wait3A_14 : memref<1x640x8xf32, #tpu.memory_space<hbm>> -> memref<640x8xf32, #tpu.memory_space<hbm>>
      %dma_wait3A_16 = arith.constant 0 : i32
      %dma_wait3A_17 = tpu.memref_slice %arg6[%mul3A_2, %dma_wait3A_16] : memref<10240x8xf32, #tpu.memory_space<vmem_shared>> -> memref<640x8xf32, #tpu.memory_space<vmem_shared>>
      tpu.wait_dma2 semaphore(%run_scoped3A : memref<!tpu.dma_semaphore, #tpu.memory_space<semaphore_mem>>) src(%dma_wait3A_17 : memref<640x8xf32, #tpu.memory_space<vmem_shared>>) dst(%dma_wait3A_15 : memref<640x8xf32, #tpu.memory_space<hbm>>)
      tpu.yield
    }) : () -> ()
    return
  }
}

#map = affine_map<(d0, d1) -> (0, 0)>
#map1 = affine_map<(d0, d1) -> (0, 0, 0)>
module attributes {stable_mosaic.version = 14 : i64} {
  func.func @_agg_kernel(%arg0: i32, %arg1: i32, %arg2: memref<10240x32xf32, #tpu.memory_space<hbm>>, %arg3: memref<2x10240x8xf32, #tpu.memory_space<hbm>>, %arg4: memref<2560x128xi32, #tpu.memory_space<hbm>>, %arg5: memref<2560x128xi32, #tpu.memory_space<hbm>>, %arg6: memref<2x10240x32xf32, #tpu.memory_space<hbm>>, %arg7: memref<10240x32xf32, #tpu.memory_space<vmem_shared>>, %arg8: memref<10240x32xf32, #tpu.memory_space<vmem_shared>>, %arg9: memref<80x128xi32, #tpu.memory_space<vmem>>, %arg10: memref<80x128xi32, #tpu.memory_space<vmem>>, %arg11: memref<640x32xf32, #tpu.memory_space<vmem>>, %arg12: memref<640xf32, #tpu.memory_space<vmem>>, %arg13: memref<640x8xf32, #tpu.memory_space<vmem>>, %arg14: memref<640x8xf32, #tpu.memory_space<vmem>>, %arg15: memref<128x32xf32, #tpu.memory_space<vmem>>, %arg16: memref<128x32xf32, #tpu.memory_space<vmem>>, %arg17: memref<128x32xf32, #tpu.memory_space<vmem>>, %arg18: memref<128x32xf32, #tpu.memory_space<vmem>>, %arg19: memref<!tpu.dma_semaphore, #tpu.memory_space<semaphore_mem>>, %arg20: memref<!tpu.dma_semaphore, #tpu.memory_space<semaphore_mem>>, %arg21: memref<!tpu.dma_semaphore, #tpu.memory_space<semaphore_mem>>, %arg22: memref<!tpu.dma_semaphore, #tpu.memory_space<semaphore_mem>>, %arg23: memref<!tpu.dma_semaphore, #tpu.memory_space<semaphore_mem>>, %arg24: memref<!tpu.dma_semaphore, #tpu.memory_space<semaphore_mem>>, %arg25: memref<!tpu.dma_semaphore, #tpu.memory_space<semaphore_mem>>, %arg26: memref<!tpu.dma_semaphore, #tpu.memory_space<semaphore_mem>>) attributes {dimension_semantics = [#tpu.dimension_semantics<core_parallel>, #tpu.dimension_semantics<subcore_parallel>], iteration_bounds = array<i64: 2, 16>, scalar_prefetch = 0 : i64, scratch_operands = 20 : i64, tpu.core_type = #tpu.core_type<sc_vector_subcore>, window_params = [{transform_indices = #map}, {transform_indices = #map1}, {transform_indices = #map}, {transform_indices = #map}, {transform_indices = #map1}]} {
    %mul3A = arith.constant 2 : i32
    %mul3A_0 = arith.muli %arg1, %mul3A : i32
    %add3A = arith.addi %mul3A_0, %arg0 : i32
    %mul3A_1 = arith.constant 640 : i32
    %mul3A_2 = arith.muli %arg1, %mul3A_1 : i32
    %mul3A_3 = arith.constant 80 : i32
    %mul3A_4 = arith.muli %add3A, %mul3A_3 : i32
    "tpu.region"() ({
      %run_scoped3A_74 = tpu.sem_alloc : memref<!tpu.dma_semaphore, #tpu.memory_space<semaphore_mem>>
      %dma_start3A_75 = arith.constant 0 : i32
      %dma_start3A_76 = tpu.memref_slice %arg4[%mul3A_4, %dma_start3A_75] : memref<2560x128xi32, #tpu.memory_space<hbm>> -> memref<80x128xi32, #tpu.memory_space<hbm>>
      %dma_start3A_77 = arith.constant 0 : i32
      %dma_start3A_78 = tpu.memref_slice %arg4[%mul3A_4, %dma_start3A_77] : memref<2560x128xi32, #tpu.memory_space<hbm>> -> memref<80x128xi32, #tpu.memory_space<hbm>>
      tpu.enqueue_dma source(%dma_start3A_78 : memref<80x128xi32, #tpu.memory_space<hbm>>) target(%arg9 : memref<80x128xi32, #tpu.memory_space<vmem>>) target_semaphore(%run_scoped3A_74 : memref<!tpu.dma_semaphore, #tpu.memory_space<semaphore_mem>>)
      %dma_wait3A_79 = arith.constant 0 : i32
      %dma_wait3A_80 = tpu.memref_slice %arg4[%mul3A_4, %dma_wait3A_79] : memref<2560x128xi32, #tpu.memory_space<hbm>> -> memref<80x128xi32, #tpu.memory_space<hbm>>
      %dma_wait3A_81 = arith.constant 0 : i32
      %dma_wait3A_82 = tpu.memref_slice %arg4[%mul3A_4, %dma_wait3A_81] : memref<2560x128xi32, #tpu.memory_space<hbm>> -> memref<80x128xi32, #tpu.memory_space<hbm>>
      tpu.wait_dma2 semaphore(%run_scoped3A_74 : memref<!tpu.dma_semaphore, #tpu.memory_space<semaphore_mem>>) src(%dma_wait3A_82 : memref<80x128xi32, #tpu.memory_space<hbm>>) dst(%arg9 : memref<80x128xi32, #tpu.memory_space<vmem>>)
      tpu.yield
    }) : () -> ()
    %mul3A_5 = arith.constant 80 : i32
    %mul3A_6 = arith.muli %add3A, %mul3A_5 : i32
    "tpu.region"() ({
      %run_scoped3A_74 = tpu.sem_alloc : memref<!tpu.dma_semaphore, #tpu.memory_space<semaphore_mem>>
      %dma_start3A_75 = arith.constant 0 : i32
      %dma_start3A_76 = tpu.memref_slice %arg5[%mul3A_6, %dma_start3A_75] : memref<2560x128xi32, #tpu.memory_space<hbm>> -> memref<80x128xi32, #tpu.memory_space<hbm>>
      %dma_start3A_77 = arith.constant 0 : i32
      %dma_start3A_78 = tpu.memref_slice %arg5[%mul3A_6, %dma_start3A_77] : memref<2560x128xi32, #tpu.memory_space<hbm>> -> memref<80x128xi32, #tpu.memory_space<hbm>>
      tpu.enqueue_dma source(%dma_start3A_78 : memref<80x128xi32, #tpu.memory_space<hbm>>) target(%arg10 : memref<80x128xi32, #tpu.memory_space<vmem>>) target_semaphore(%run_scoped3A_74 : memref<!tpu.dma_semaphore, #tpu.memory_space<semaphore_mem>>)
      %dma_wait3A_79 = arith.constant 0 : i32
      %dma_wait3A_80 = tpu.memref_slice %arg5[%mul3A_6, %dma_wait3A_79] : memref<2560x128xi32, #tpu.memory_space<hbm>> -> memref<80x128xi32, #tpu.memory_space<hbm>>
      %dma_wait3A_81 = arith.constant 0 : i32
      %dma_wait3A_82 = tpu.memref_slice %arg5[%mul3A_6, %dma_wait3A_81] : memref<2560x128xi32, #tpu.memory_space<hbm>> -> memref<80x128xi32, #tpu.memory_space<hbm>>
      tpu.wait_dma2 semaphore(%run_scoped3A_74 : memref<!tpu.dma_semaphore, #tpu.memory_space<semaphore_mem>>) src(%dma_wait3A_82 : memref<80x128xi32, #tpu.memory_space<hbm>>) dst(%arg10 : memref<80x128xi32, #tpu.memory_space<vmem>>)
      tpu.yield
    }) : () -> ()
    "tpu.region"() ({
      %run_scoped3A_74 = tpu.sem_alloc : memref<!tpu.dma_semaphore, #tpu.memory_space<semaphore_mem>>
      %dma_start3A_75 = arith.constant 0 : i32
      %dma_start3A_76 = tpu.memref_slice %arg2[%mul3A_2, %dma_start3A_75] : memref<10240x32xf32, #tpu.memory_space<hbm>> -> memref<640x32xf32, #tpu.memory_space<hbm>>
      %dma_start3A_77 = arith.constant 0 : i32
      %dma_start3A_78 = tpu.memref_slice %arg2[%mul3A_2, %dma_start3A_77] : memref<10240x32xf32, #tpu.memory_space<hbm>> -> memref<640x32xf32, #tpu.memory_space<hbm>>
      tpu.enqueue_dma source(%dma_start3A_78 : memref<640x32xf32, #tpu.memory_space<hbm>>) target(%arg11 : memref<640x32xf32, #tpu.memory_space<vmem>>) target_semaphore(%run_scoped3A_74 : memref<!tpu.dma_semaphore, #tpu.memory_space<semaphore_mem>>)
      %dma_wait3A_79 = arith.constant 0 : i32
      %dma_wait3A_80 = tpu.memref_slice %arg2[%mul3A_2, %dma_wait3A_79] : memref<10240x32xf32, #tpu.memory_space<hbm>> -> memref<640x32xf32, #tpu.memory_space<hbm>>
      %dma_wait3A_81 = arith.constant 0 : i32
      %dma_wait3A_82 = tpu.memref_slice %arg2[%mul3A_2, %dma_wait3A_81] : memref<10240x32xf32, #tpu.memory_space<hbm>> -> memref<640x32xf32, #tpu.memory_space<hbm>>
      tpu.wait_dma2 semaphore(%run_scoped3A_74 : memref<!tpu.dma_semaphore, #tpu.memory_space<semaphore_mem>>) src(%dma_wait3A_82 : memref<640x32xf32, #tpu.memory_space<hbm>>) dst(%arg11 : memref<640x32xf32, #tpu.memory_space<vmem>>)
      tpu.yield
    }) : () -> ()
    %run_scoped3A = arith.constant 0 : i32
    "tpu.region"() ({
      %run_scoped3A_74 = tpu.sem_alloc : memref<!tpu.dma_semaphore, #tpu.memory_space<semaphore_mem>>
      %dma_start3A_75 = arith.constant 0 : i32
      %dma_start3A_76 = tpu.memref_slice %arg3[%run_scoped3A, %mul3A_2, %dma_start3A_75] : memref<2x10240x8xf32, #tpu.memory_space<hbm>> -> memref<1x640x8xf32, #tpu.memory_space<hbm>>
      %dma_start3A_77 = tpu.memref_squeeze %dma_start3A_76 : memref<1x640x8xf32, #tpu.memory_space<hbm>> -> memref<640x8xf32, #tpu.memory_space<hbm>>
      %dma_start3A_78 = arith.constant 0 : i32
      %dma_start3A_79 = tpu.memref_slice %arg3[%run_scoped3A, %mul3A_2, %dma_start3A_78] : memref<2x10240x8xf32, #tpu.memory_space<hbm>> -> memref<1x640x8xf32, #tpu.memory_space<hbm>>
      %dma_start3A_80 = tpu.memref_squeeze %dma_start3A_79 : memref<1x640x8xf32, #tpu.memory_space<hbm>> -> memref<640x8xf32, #tpu.memory_space<hbm>>
      tpu.enqueue_dma source(%dma_start3A_80 : memref<640x8xf32, #tpu.memory_space<hbm>>) target(%arg13 : memref<640x8xf32, #tpu.memory_space<vmem>>) target_semaphore(%run_scoped3A_74 : memref<!tpu.dma_semaphore, #tpu.memory_space<semaphore_mem>>)
      %dma_wait3A_81 = arith.constant 0 : i32
      %dma_wait3A_82 = tpu.memref_slice %arg3[%run_scoped3A, %mul3A_2, %dma_wait3A_81] : memref<2x10240x8xf32, #tpu.memory_space<hbm>> -> memref<1x640x8xf32, #tpu.memory_space<hbm>>
      %dma_wait3A_83 = tpu.memref_squeeze %dma_wait3A_82 : memref<1x640x8xf32, #tpu.memory_space<hbm>> -> memref<640x8xf32, #tpu.memory_space<hbm>>
      %dma_wait3A_84 = arith.constant 0 : i32
      %dma_wait3A_85 = tpu.memref_slice %arg3[%run_scoped3A, %mul3A_2, %dma_wait3A_84] : memref<2x10240x8xf32, #tpu.memory_space<hbm>> -> memref<1x640x8xf32, #tpu.memory_space<hbm>>
      %dma_wait3A_86 = tpu.memref_squeeze %dma_wait3A_85 : memref<1x640x8xf32, #tpu.memory_space<hbm>> -> memref<640x8xf32, #tpu.memory_space<hbm>>
      tpu.wait_dma2 semaphore(%run_scoped3A_74 : memref<!tpu.dma_semaphore, #tpu.memory_space<semaphore_mem>>) src(%dma_wait3A_86 : memref<640x8xf32, #tpu.memory_space<hbm>>) dst(%arg13 : memref<640x8xf32, #tpu.memory_space<vmem>>)
      tpu.yield
    }) : () -> ()
    %run_scoped3A_7 = arith.constant 1 : i32
    "tpu.region"() ({
      %run_scoped3A_74 = tpu.sem_alloc : memref<!tpu.dma_semaphore, #tpu.memory_space<semaphore_mem>>
      %dma_start3A_75 = arith.constant 0 : i32
      %dma_start3A_76 = tpu.memref_slice %arg3[%run_scoped3A_7, %mul3A_2, %dma_start3A_75] : memref<2x10240x8xf32, #tpu.memory_space<hbm>> -> memref<1x640x8xf32, #tpu.memory_space<hbm>>
      %dma_start3A_77 = tpu.memref_squeeze %dma_start3A_76 : memref<1x640x8xf32, #tpu.memory_space<hbm>> -> memref<640x8xf32, #tpu.memory_space<hbm>>
      %dma_start3A_78 = arith.constant 0 : i32
      %dma_start3A_79 = tpu.memref_slice %arg3[%run_scoped3A_7, %mul3A_2, %dma_start3A_78] : memref<2x10240x8xf32, #tpu.memory_space<hbm>> -> memref<1x640x8xf32, #tpu.memory_space<hbm>>
      %dma_start3A_80 = tpu.memref_squeeze %dma_start3A_79 : memref<1x640x8xf32, #tpu.memory_space<hbm>> -> memref<640x8xf32, #tpu.memory_space<hbm>>
      tpu.enqueue_dma source(%dma_start3A_80 : memref<640x8xf32, #tpu.memory_space<hbm>>) target(%arg14 : memref<640x8xf32, #tpu.memory_space<vmem>>) target_semaphore(%run_scoped3A_74 : memref<!tpu.dma_semaphore, #tpu.memory_space<semaphore_mem>>)
      %dma_wait3A_81 = arith.constant 0 : i32
      %dma_wait3A_82 = tpu.memref_slice %arg3[%run_scoped3A_7, %mul3A_2, %dma_wait3A_81] : memref<2x10240x8xf32, #tpu.memory_space<hbm>> -> memref<1x640x8xf32, #tpu.memory_space<hbm>>
      %dma_wait3A_83 = tpu.memref_squeeze %dma_wait3A_82 : memref<1x640x8xf32, #tpu.memory_space<hbm>> -> memref<640x8xf32, #tpu.memory_space<hbm>>
      %dma_wait3A_84 = arith.constant 0 : i32
      %dma_wait3A_85 = tpu.memref_slice %arg3[%run_scoped3A_7, %mul3A_2, %dma_wait3A_84] : memref<2x10240x8xf32, #tpu.memory_space<hbm>> -> memref<1x640x8xf32, #tpu.memory_space<hbm>>
      %dma_wait3A_86 = tpu.memref_squeeze %dma_wait3A_85 : memref<1x640x8xf32, #tpu.memory_space<hbm>> -> memref<640x8xf32, #tpu.memory_space<hbm>>
      tpu.wait_dma2 semaphore(%run_scoped3A_74 : memref<!tpu.dma_semaphore, #tpu.memory_space<semaphore_mem>>) src(%dma_wait3A_86 : memref<640x8xf32, #tpu.memory_space<hbm>>) dst(%arg14 : memref<640x8xf32, #tpu.memory_space<vmem>>)
      tpu.yield
    }) : () -> ()
    %scan3A = arith.constant 0 : i32
    %scan3A_8 = arith.constant 40 : i32
    %scan3A_9 = arith.addi %scan3A, %scan3A_8 : i32
    %scan3A_10 = arith.constant 1 : i32
    scf.for %scan3A_74 = %scan3A to %scan3A_9 step %scan3A_10  : i32 {
      %iota3A = tpu.iota {dimensions = array<i32: 0>} : vector<16xi32>
      %mul3A_75 = arith.constant 16 : i32
      %mul3A_76 = arith.muli %scan3A_74, %mul3A_75 : i32
      %add3A_77 = vector.broadcast %mul3A_76 : i32 to vector<16xi32>
      %add3A_78 = arith.addi %iota3A, %add3A_77 : vector<16xi32>
      %broadcast_in_dim3A = arith.constant 0 : i32
      %broadcast_in_dim3A_79 = vector.broadcast %broadcast_in_dim3A : i32 to vector<16xi32>
      %gather3A = tpu.vector_load_idx %arg13[%add3A_78, %broadcast_in_dim3A_79] : memref<640x8xf32, #tpu.memory_space<vmem>>[vector<16xi32>, vector<16xi32>], vector<16xf32>,
      %gather3A_80 = tpu.vector_load_idx %arg14[%add3A_78, %broadcast_in_dim3A_79] : memref<640x8xf32, #tpu.memory_space<vmem>>[vector<16xi32>, vector<16xi32>], vector<16xf32>,
      %iota3A_81 = tpu.iota {dimensions = array<i32: 0>} : vector<16xi32>
      %mul3A_82 = arith.constant 16 : i32
      %mul3A_83 = arith.muli %scan3A_74, %mul3A_82 : i32
      %add3A_84 = arith.addi %mul3A_2, %mul3A_83 : i32
      %add3A_85 = vector.broadcast %add3A_84 : i32 to vector<16xi32>
      %add3A_86 = arith.addi %iota3A_81, %add3A_85 : vector<16xi32>
      %lt3A = arith.constant 7680 : i32
      %lt3A_87 = vector.broadcast %lt3A : i32 to vector<16xi32>
      %lt3A_88 = arith.cmpi slt, %add3A_86, %lt3A_87 : vector<16xi32>
      %jit3A = arith.constant 1.000000e+00 : f32
      %jit3A_89 = arith.constant 0.000000e+00 : f32
      %broadcast_in_dim3A_90 = vector.broadcast %jit3A : f32 to vector<16xf32>
      %broadcast_in_dim3A_91 = vector.broadcast %jit3A_89 : f32 to vector<16xf32>
      %select_n3A = arith.select %lt3A_88, %broadcast_in_dim3A_90, %broadcast_in_dim3A_91 : vector<16xi1>, vector<16xf32>
      %add3A_92 = arith.addf %gather3A, %gather3A_80 : vector<16xf32>
      %add3A_93 = arith.constant 2.000000e+00 : f32
      %add3A_94 = vector.broadcast %add3A_93 : f32 to vector<16xf32>
      %add3A_95 = arith.addf %add3A_92, %add3A_94 : vector<16xf32>
      %sub3A = arith.subf %add3A_95, %select_n3A : vector<16xf32>
      %bitcast3A = vector.bitcast %sub3A : vector<16xf32> to vector<16xi32>
      %shift_right_arithmetic3A = arith.constant 1 : i32
      %shift_right_arithmetic3A_96 = vector.broadcast %shift_right_arithmetic3A : i32 to vector<16xi32>
      %shift_right_arithmetic3A_97 = arith.shrsi %bitcast3A, %shift_right_arithmetic3A_96 : vector<16xi32>
      %sub3A_98 = arith.constant 1597463007 : i32
      %sub3A_99 = vector.broadcast %sub3A_98 : i32 to vector<16xi32>
      %sub3A_100 = arith.subi %sub3A_99, %shift_right_arithmetic3A_97 : vector<16xi32>
      %bitcast3A_101 = vector.bitcast %sub3A_100 : vector<16xi32> to vector<16xf32>
      %mul3A_102 = arith.constant 5.000000e-01 : f32
      %mul3A_103 = vector.broadcast %mul3A_102 : f32 to vector<16xf32>
      %mul3A_104 = arith.mulf %mul3A_103, %sub3A : vector<16xf32>
      %mul3A_105 = arith.mulf %mul3A_104, %bitcast3A_101 : vector<16xf32>
      %mul3A_106 = arith.mulf %mul3A_105, %bitcast3A_101 : vector<16xf32>
      %sub3A_107 = arith.constant 1.500000e+00 : f32
      %sub3A_108 = vector.broadcast %sub3A_107 : f32 to vector<16xf32>
      %sub3A_109 = arith.subf %sub3A_108, %mul3A_106 : vector<16xf32>
      %mul3A_110 = arith.mulf %bitcast3A_101, %sub3A_109 : vector<16xf32>
      %mul3A_111 = arith.constant 5.000000e-01 : f32
      %mul3A_112 = vector.broadcast %mul3A_111 : f32 to vector<16xf32>
      %mul3A_113 = arith.mulf %mul3A_112, %sub3A : vector<16xf32>
      %mul3A_114 = arith.mulf %mul3A_113, %mul3A_110 : vector<16xf32>
      %mul3A_115 = arith.mulf %mul3A_114, %mul3A_110 : vector<16xf32>
      %sub3A_116 = arith.constant 1.500000e+00 : f32
      %sub3A_117 = vector.broadcast %sub3A_116 : f32 to vector<16xf32>
      %sub3A_118 = arith.subf %sub3A_117, %mul3A_115 : vector<16xf32>
      %mul3A_119 = arith.mulf %mul3A_110, %sub3A_118 : vector<16xf32>
      %mul3A_120 = arith.constant 5.000000e-01 : f32
      %mul3A_121 = vector.broadcast %mul3A_120 : f32 to vector<16xf32>
      %mul3A_122 = arith.mulf %mul3A_121, %sub3A : vector<16xf32>
      %mul3A_123 = arith.mulf %mul3A_122, %mul3A_119 : vector<16xf32>
      %mul3A_124 = arith.mulf %mul3A_123, %mul3A_119 : vector<16xf32>
      %sub3A_125 = arith.constant 1.500000e+00 : f32
      %sub3A_126 = vector.broadcast %sub3A_125 : f32 to vector<16xf32>
      %sub3A_127 = arith.subf %sub3A_126, %mul3A_124 : vector<16xf32>
      %mul3A_128 = arith.mulf %mul3A_119, %sub3A_127 : vector<16xf32>
      %mul3A_129 = arith.constant 16 : i32
      %mul3A_130 = arith.muli %scan3A_74, %mul3A_129 : i32
      %swap3A = arith.index_cast %mul3A_130 : i32 to index
      %swap3A_131 = tpu.vector_load %arg12[%swap3A] {strides = array<i32>} : memref<640xf32, #tpu.memory_space<vmem>>, vector<16xf32>,
      tpu.vector_store %arg12[%swap3A], %mul3A_128 {strides = array<i32>} : memref<640xf32, #tpu.memory_space<vmem>>, vector<16xf32>,
    }
    %scan3A_11 = arith.constant 40 : i32
    %scan3A_12 = arith.constant 0 : i32
    %scan3A_13 = arith.constant 40 : i32
    %scan3A_14 = arith.addi %scan3A_12, %scan3A_13 : i32
    %scan3A_15 = arith.constant 1 : i32
    scf.for %scan3A_74 = %scan3A_12 to %scan3A_14 step %scan3A_15  : i32 {
      %mul3A_75 = arith.constant 16 : i32
      %mul3A_76 = arith.muli %scan3A_74, %mul3A_75 : i32
      %get3A = arith.index_cast %mul3A_76 : i32 to index
      %get3A_77 = tpu.vector_load %arg12[%get3A] {strides = array<i32>} : memref<640xf32, #tpu.memory_space<vmem>>, vector<16xf32>,
      %slice3A = vector.extract_strided_slice %get3A_77 {offsets = [0], sizes = [1], strides = [1]} : vector<16xf32> to vector<1xf32>
      %squeeze3A = vector.extract %slice3A[0] : f32 from vector<1xf32>
      %add3A_78 = arith.constant 0 : i32
      %add3A_79 = arith.addi %mul3A_76, %add3A_78 : i32
      %get3A_80 = arith.index_cast %add3A_79 : i32 to index
      %get3A_81 = arith.constant 0 : index
      %get3A_82 = tpu.vector_load %arg11[%get3A_80, %get3A_81] {strides = array<i32>} : memref<640x32xf32, #tpu.memory_space<vmem>>, vector<16xf32>,
      %mul3A_83 = vector.broadcast %squeeze3A : f32 to vector<16xf32>
      %mul3A_84 = arith.mulf %get3A_82, %mul3A_83 : vector<16xf32>
      %add3A_85 = arith.constant 0 : i32
      %add3A_86 = arith.addi %mul3A_76, %add3A_85 : i32
      %swap3A = arith.index_cast %add3A_86 : i32 to index
      %swap3A_87 = arith.constant 0 : index
      %swap3A_88 = tpu.vector_load %arg11[%swap3A, %swap3A_87] {strides = array<i32>} : memref<640x32xf32, #tpu.memory_space<vmem>>, vector<16xf32>,
      tpu.vector_store %arg11[%swap3A, %swap3A_87], %mul3A_84 {strides = array<i32>} : memref<640x32xf32, #tpu.memory_space<vmem>>, vector<16xf32>,
      %add3A_89 = arith.constant 0 : i32
      %add3A_90 = arith.addi %mul3A_76, %add3A_89 : i32
      %get3A_91 = arith.index_cast %add3A_90 : i32 to index
      %get3A_92 = arith.constant 16 : index
      %get3A_93 = tpu.vector_load %arg11[%get3A_91, %get3A_92] {strides = array<i32>} : memref<640x32xf32, #tpu.memory_space<vmem>>, vector<16xf32>,
      %mul3A_94 = vector.broadcast %squeeze3A : f32 to vector<16xf32>
      %mul3A_95 = arith.mulf %get3A_93, %mul3A_94 : vector<16xf32>
      %add3A_96 = arith.constant 0 : i32
      %add3A_97 = arith.addi %mul3A_76, %add3A_96 : i32
      %swap3A_98 = arith.index_cast %add3A_97 : i32 to index
      %swap3A_99 = arith.constant 16 : index
      %swap3A_100 = tpu.vector_load %arg11[%swap3A_98, %swap3A_99] {strides = array<i32>} : memref<640x32xf32, #tpu.memory_space<vmem>>, vector<16xf32>,
      tpu.vector_store %arg11[%swap3A_98, %swap3A_99], %mul3A_95 {strides = array<i32>} : memref<640x32xf32, #tpu.memory_space<vmem>>, vector<16xf32>,
      %slice3A_101 = vector.extract_strided_slice %get3A_77 {offsets = [1], sizes = [1], strides = [1]} : vector<16xf32> to vector<1xf32>
      %squeeze3A_102 = vector.extract %slice3A_101[0] : f32 from vector<1xf32>
      %add3A_103 = arith.constant 1 : i32
      %add3A_104 = arith.addi %mul3A_76, %add3A_103 : i32
      %get3A_105 = arith.index_cast %add3A_104 : i32 to index
      %get3A_106 = arith.constant 0 : index
      %get3A_107 = tpu.vector_load %arg11[%get3A_105, %get3A_106] {strides = array<i32>} : memref<640x32xf32, #tpu.memory_space<vmem>>, vector<16xf32>,
      %mul3A_108 = vector.broadcast %squeeze3A_102 : f32 to vector<16xf32>
      %mul3A_109 = arith.mulf %get3A_107, %mul3A_108 : vector<16xf32>
      %add3A_110 = arith.constant 1 : i32
      %add3A_111 = arith.addi %mul3A_76, %add3A_110 : i32
      %swap3A_112 = arith.index_cast %add3A_111 : i32 to index
      %swap3A_113 = arith.constant 0 : index
      %swap3A_114 = tpu.vector_load %arg11[%swap3A_112, %swap3A_113] {strides = array<i32>} : memref<640x32xf32, #tpu.memory_space<vmem>>, vector<16xf32>,
      tpu.vector_store %arg11[%swap3A_112, %swap3A_113], %mul3A_109 {strides = array<i32>} : memref<640x32xf32, #tpu.memory_space<vmem>>, vector<16xf32>,
      %add3A_115 = arith.constant 1 : i32
      %add3A_116 = arith.addi %mul3A_76, %add3A_115 : i32
      %get3A_117 = arith.index_cast %add3A_116 : i32 to index
      %get3A_118 = arith.constant 16 : index
      %get3A_119 = tpu.vector_load %arg11[%get3A_117, %get3A_118] {strides = array<i32>} : memref<640x32xf32, #tpu.memory_space<vmem>>, vector<16xf32>,
      %mul3A_120 = vector.broadcast %squeeze3A_102 : f32 to vector<16xf32>
      %mul3A_121 = arith.mulf %get3A_119, %mul3A_120 : vector<16xf32>
      %add3A_122 = arith.constant 1 : i32
      %add3A_123 = arith.addi %mul3A_76, %add3A_122 : i32
      %swap3A_124 = arith.index_cast %add3A_123 : i32 to index
      %swap3A_125 = arith.constant 16 : index
      %swap3A_126 = tpu.vector_load %arg11[%swap3A_124, %swap3A_125] {strides = array<i32>} : memref<640x32xf32, #tpu.memory_space<vmem>>, vector<16xf32>,
      tpu.vector_store %arg11[%swap3A_124, %swap3A_125], %mul3A_121 {strides = array<i32>} : memref<640x32xf32, #tpu.memory_space<vmem>>, vector<16xf32>,
      %slice3A_127 = vector.extract_strided_slice %get3A_77 {offsets = [2], sizes = [1], strides = [1]} : vector<16xf32> to vector<1xf32>
      %squeeze3A_128 = vector.extract %slice3A_127[0] : f32 from vector<1xf32>
      %add3A_129 = arith.constant 2 : i32
      %add3A_130 = arith.addi %mul3A_76, %add3A_129 : i32
      %get3A_131 = arith.index_cast %add3A_130 : i32 to index
      %get3A_132 = arith.constant 0 : index
      %get3A_133 = tpu.vector_load %arg11[%get3A_131, %get3A_132] {strides = array<i32>} : memref<640x32xf32, #tpu.memory_space<vmem>>, vector<16xf32>,
      %mul3A_134 = vector.broadcast %squeeze3A_128 : f32 to vector<16xf32>
      %mul3A_135 = arith.mulf %get3A_133, %mul3A_134 : vector<16xf32>
      %add3A_136 = arith.constant 2 : i32
      %add3A_137 = arith.addi %mul3A_76, %add3A_136 : i32
      %swap3A_138 = arith.index_cast %add3A_137 : i32 to index
      %swap3A_139 = arith.constant 0 : index
      %swap3A_140 = tpu.vector_load %arg11[%swap3A_138, %swap3A_139] {strides = array<i32>} : memref<640x32xf32, #tpu.memory_space<vmem>>, vector<16xf32>,
      tpu.vector_store %arg11[%swap3A_138, %swap3A_139], %mul3A_135 {strides = array<i32>} : memref<640x32xf32, #tpu.memory_space<vmem>>, vector<16xf32>,
      %add3A_141 = arith.constant 2 : i32
      %add3A_142 = arith.addi %mul3A_76, %add3A_141 : i32
      %get3A_143 = arith.index_cast %add3A_142 : i32 to index
      %get3A_144 = arith.constant 16 : index
      %get3A_145 = tpu.vector_load %arg11[%get3A_143, %get3A_144] {strides = array<i32>} : memref<640x32xf32, #tpu.memory_space<vmem>>, vector<16xf32>,
      %mul3A_146 = vector.broadcast %squeeze3A_128 : f32 to vector<16xf32>
      %mul3A_147 = arith.mulf %get3A_145, %mul3A_146 : vector<16xf32>
      %add3A_148 = arith.constant 2 : i32
      %add3A_149 = arith.addi %mul3A_76, %add3A_148 : i32
      %swap3A_150 = arith.index_cast %add3A_149 : i32 to index
      %swap3A_151 = arith.constant 16 : index
      %swap3A_152 = tpu.vector_load %arg11[%swap3A_150, %swap3A_151] {strides = array<i32>} : memref<640x32xf32, #tpu.memory_space<vmem>>, vector<16xf32>,
      tpu.vector_store %arg11[%swap3A_150, %swap3A_151], %mul3A_147 {strides = array<i32>} : memref<640x32xf32, #tpu.memory_space<vmem>>, vector<16xf32>,
      %slice3A_153 = vector.extract_strided_slice %get3A_77 {offsets = [3], sizes = [1], strides = [1]} : vector<16xf32> to vector<1xf32>
      %squeeze3A_154 = vector.extract %slice3A_153[0] : f32 from vector<1xf32>
      %add3A_155 = arith.constant 3 : i32
      %add3A_156 = arith.addi %mul3A_76, %add3A_155 : i32
      %get3A_157 = arith.index_cast %add3A_156 : i32 to index
      %get3A_158 = arith.constant 0 : index
      %get3A_159 = tpu.vector_load %arg11[%get3A_157, %get3A_158] {strides = array<i32>} : memref<640x32xf32, #tpu.memory_space<vmem>>, vector<16xf32>,
      %mul3A_160 = vector.broadcast %squeeze3A_154 : f32 to vector<16xf32>
      %mul3A_161 = arith.mulf %get3A_159, %mul3A_160 : vector<16xf32>
      %add3A_162 = arith.constant 3 : i32
      %add3A_163 = arith.addi %mul3A_76, %add3A_162 : i32
      %swap3A_164 = arith.index_cast %add3A_163 : i32 to index
      %swap3A_165 = arith.constant 0 : index
      %swap3A_166 = tpu.vector_load %arg11[%swap3A_164, %swap3A_165] {strides = array<i32>} : memref<640x32xf32, #tpu.memory_space<vmem>>, vector<16xf32>,
      tpu.vector_store %arg11[%swap3A_164, %swap3A_165], %mul3A_161 {strides = array<i32>} : memref<640x32xf32, #tpu.memory_space<vmem>>, vector<16xf32>,
      %add3A_167 = arith.constant 3 : i32
      %add3A_168 = arith.addi %mul3A_76, %add3A_167 : i32
      %get3A_169 = arith.index_cast %add3A_168 : i32 to index
      %get3A_170 = arith.constant 16 : index
      %get3A_171 = tpu.vector_load %arg11[%get3A_169, %get3A_170] {strides = array<i32>} : memref<640x32xf32, #tpu.memory_space<vmem>>, vector<16xf32>,
      %mul3A_172 = vector.broadcast %squeeze3A_154 : f32 to vector<16xf32>
      %mul3A_173 = arith.mulf %get3A_171, %mul3A_172 : vector<16xf32>
      %add3A_174 = arith.constant 3 : i32
      %add3A_175 = arith.addi %mul3A_76, %add3A_174 : i32
      %swap3A_176 = arith.index_cast %add3A_175 : i32 to index
      %swap3A_177 = arith.constant 16 : index
      %swap3A_178 = tpu.vector_load %arg11[%swap3A_176, %swap3A_177] {strides = array<i32>} : memref<640x32xf32, #tpu.memory_space<vmem>>, vector<16xf32>,
      tpu.vector_store %arg11[%swap3A_176, %swap3A_177], %mul3A_173 {strides = array<i32>} : memref<640x32xf32, #tpu.memory_space<vmem>>, vector<16xf32>,
      %slice3A_179 = vector.extract_strided_slice %get3A_77 {offsets = [4], sizes = [1], strides = [1]} : vector<16xf32> to vector<1xf32>
      %squeeze3A_180 = vector.extract %slice3A_179[0] : f32 from vector<1xf32>
      %add3A_181 = arith.constant 4 : i32
      %add3A_182 = arith.addi %mul3A_76, %add3A_181 : i32
      %get3A_183 = arith.index_cast %add3A_182 : i32 to index
      %get3A_184 = arith.constant 0 : index
      %get3A_185 = tpu.vector_load %arg11[%get3A_183, %get3A_184] {strides = array<i32>} : memref<640x32xf32, #tpu.memory_space<vmem>>, vector<16xf32>,
      %mul3A_186 = vector.broadcast %squeeze3A_180 : f32 to vector<16xf32>
      %mul3A_187 = arith.mulf %get3A_185, %mul3A_186 : vector<16xf32>
      %add3A_188 = arith.constant 4 : i32
      %add3A_189 = arith.addi %mul3A_76, %add3A_188 : i32
      %swap3A_190 = arith.index_cast %add3A_189 : i32 to index
      %swap3A_191 = arith.constant 0 : index
      %swap3A_192 = tpu.vector_load %arg11[%swap3A_190, %swap3A_191] {strides = array<i32>} : memref<640x32xf32, #tpu.memory_space<vmem>>, vector<16xf32>,
      tpu.vector_store %arg11[%swap3A_190, %swap3A_191], %mul3A_187 {strides = array<i32>} : memref<640x32xf32, #tpu.memory_space<vmem>>, vector<16xf32>,
      %add3A_193 = arith.constant 4 : i32
      %add3A_194 = arith.addi %mul3A_76, %add3A_193 : i32
      %get3A_195 = arith.index_cast %add3A_194 : i32 to index
      %get3A_196 = arith.constant 16 : index
      %get3A_197 = tpu.vector_load %arg11[%get3A_195, %get3A_196] {strides = array<i32>} : memref<640x32xf32, #tpu.memory_space<vmem>>, vector<16xf32>,
      %mul3A_198 = vector.broadcast %squeeze3A_180 : f32 to vector<16xf32>
      %mul3A_199 = arith.mulf %get3A_197, %mul3A_198 : vector<16xf32>
      %add3A_200 = arith.constant 4 : i32
      %add3A_201 = arith.addi %mul3A_76, %add3A_200 : i32
      %swap3A_202 = arith.index_cast %add3A_201 : i32 to index
      %swap3A_203 = arith.constant 16 : index
      %swap3A_204 = tpu.vector_load %arg11[%swap3A_202, %swap3A_203] {strides = array<i32>} : memref<640x32xf32, #tpu.memory_space<vmem>>, vector<16xf32>,
      tpu.vector_store %arg11[%swap3A_202, %swap3A_203], %mul3A_199 {strides = array<i32>} : memref<640x32xf32, #tpu.memory_space<vmem>>, vector<16xf32>,
      %slice3A_205 = vector.extract_strided_slice %get3A_77 {offsets = [5], sizes = [1], strides = [1]} : vector<16xf32> to vector<1xf32>
      %squeeze3A_206 = vector.extract %slice3A_205[0] : f32 from vector<1xf32>
      %add3A_207 = arith.constant 5 : i32
      %add3A_208 = arith.addi %mul3A_76, %add3A_207 : i32
      %get3A_209 = arith.index_cast %add3A_208 : i32 to index
      %get3A_210 = arith.constant 0 : index
      %get3A_211 = tpu.vector_load %arg11[%get3A_209, %get3A_210] {strides = array<i32>} : memref<640x32xf32, #tpu.memory_space<vmem>>, vector<16xf32>,
      %mul3A_212 = vector.broadcast %squeeze3A_206 : f32 to vector<16xf32>
      %mul3A_213 = arith.mulf %get3A_211, %mul3A_212 : vector<16xf32>
      %add3A_214 = arith.constant 5 : i32
      %add3A_215 = arith.addi %mul3A_76, %add3A_214 : i32
      %swap3A_216 = arith.index_cast %add3A_215 : i32 to index
      %swap3A_217 = arith.constant 0 : index
      %swap3A_218 = tpu.vector_load %arg11[%swap3A_216, %swap3A_217] {strides = array<i32>} : memref<640x32xf32, #tpu.memory_space<vmem>>, vector<16xf32>,
      tpu.vector_store %arg11[%swap3A_216, %swap3A_217], %mul3A_213 {strides = array<i32>} : memref<640x32xf32, #tpu.memory_space<vmem>>, vector<16xf32>,
      %add3A_219 = arith.constant 5 : i32
      %add3A_220 = arith.addi %mul3A_76, %add3A_219 : i32
      %get3A_221 = arith.index_cast %add3A_220 : i32 to index
      %get3A_222 = arith.constant 16 : index
      %get3A_223 = tpu.vector_load %arg11[%get3A_221, %get3A_222] {strides = array<i32>} : memref<640x32xf32, #tpu.memory_space<vmem>>, vector<16xf32>,
      %mul3A_224 = vector.broadcast %squeeze3A_206 : f32 to vector<16xf32>
      %mul3A_225 = arith.mulf %get3A_223, %mul3A_224 : vector<16xf32>
      %add3A_226 = arith.constant 5 : i32
      %add3A_227 = arith.addi %mul3A_76, %add3A_226 : i32
      %swap3A_228 = arith.index_cast %add3A_227 : i32 to index
      %swap3A_229 = arith.constant 16 : index
      %swap3A_230 = tpu.vector_load %arg11[%swap3A_228, %swap3A_229] {strides = array<i32>} : memref<640x32xf32, #tpu.memory_space<vmem>>, vector<16xf32>,
      tpu.vector_store %arg11[%swap3A_228, %swap3A_229], %mul3A_225 {strides = array<i32>} : memref<640x32xf32, #tpu.memory_space<vmem>>, vector<16xf32>,
      %slice3A_231 = vector.extract_strided_slice %get3A_77 {offsets = [6], sizes = [1], strides = [1]} : vector<16xf32> to vector<1xf32>
      %squeeze3A_232 = vector.extract %slice3A_231[0] : f32 from vector<1xf32>
      %add3A_233 = arith.constant 6 : i32
      %add3A_234 = arith.addi %mul3A_76, %add3A_233 : i32
      %get3A_235 = arith.index_cast %add3A_234 : i32 to index
      %get3A_236 = arith.constant 0 : index
      %get3A_237 = tpu.vector_load %arg11[%get3A_235, %get3A_236] {strides = array<i32>} : memref<640x32xf32, #tpu.memory_space<vmem>>, vector<16xf32>,
      %mul3A_238 = vector.broadcast %squeeze3A_232 : f32 to vector<16xf32>
      %mul3A_239 = arith.mulf %get3A_237, %mul3A_238 : vector<16xf32>
      %add3A_240 = arith.constant 6 : i32
      %add3A_241 = arith.addi %mul3A_76, %add3A_240 : i32
      %swap3A_242 = arith.index_cast %add3A_241 : i32 to index
      %swap3A_243 = arith.constant 0 : index
      %swap3A_244 = tpu.vector_load %arg11[%swap3A_242, %swap3A_243] {strides = array<i32>} : memref<640x32xf32, #tpu.memory_space<vmem>>, vector<16xf32>,
      tpu.vector_store %arg11[%swap3A_242, %swap3A_243], %mul3A_239 {strides = array<i32>} : memref<640x32xf32, #tpu.memory_space<vmem>>, vector<16xf32>,
      %add3A_245 = arith.constant 6 : i32
      %add3A_246 = arith.addi %mul3A_76, %add3A_245 : i32
      %get3A_247 = arith.index_cast %add3A_246 : i32 to index
      %get3A_248 = arith.constant 16 : index
      %get3A_249 = tpu.vector_load %arg11[%get3A_247, %get3A_248] {strides = array<i32>} : memref<640x32xf32, #tpu.memory_space<vmem>>, vector<16xf32>,
      %mul3A_250 = vector.broadcast %squeeze3A_232 : f32 to vector<16xf32>
      %mul3A_251 = arith.mulf %get3A_249, %mul3A_250 : vector<16xf32>
      %add3A_252 = arith.constant 6 : i32
      %add3A_253 = arith.addi %mul3A_76, %add3A_252 : i32
      %swap3A_254 = arith.index_cast %add3A_253 : i32 to index
      %swap3A_255 = arith.constant 16 : index
      %swap3A_256 = tpu.vector_load %arg11[%swap3A_254, %swap3A_255] {strides = array<i32>} : memref<640x32xf32, #tpu.memory_space<vmem>>, vector<16xf32>,
      tpu.vector_store %arg11[%swap3A_254, %swap3A_255], %mul3A_251 {strides = array<i32>} : memref<640x32xf32, #tpu.memory_space<vmem>>, vector<16xf32>,
      %slice3A_257 = vector.extract_strided_slice %get3A_77 {offsets = [7], sizes = [1], strides = [1]} : vector<16xf32> to vector<1xf32>
      %squeeze3A_258 = vector.extract %slice3A_257[0] : f32 from vector<1xf32>
      %add3A_259 = arith.constant 7 : i32
      %add3A_260 = arith.addi %mul3A_76, %add3A_259 : i32
      %get3A_261 = arith.index_cast %add3A_260 : i32 to index
      %get3A_262 = arith.constant 0 : index
      %get3A_263 = tpu.vector_load %arg11[%get3A_261, %get3A_262] {strides = array<i32>} : memref<640x32xf32, #tpu.memory_space<vmem>>, vector<16xf32>,
      %mul3A_264 = vector.broadcast %squeeze3A_258 : f32 to vector<16xf32>
      %mul3A_265 = arith.mulf %get3A_263, %mul3A_264 : vector<16xf32>
      %add3A_266 = arith.constant 7 : i32
      %add3A_267 = arith.addi %mul3A_76, %add3A_266 : i32
      %swap3A_268 = arith.index_cast %add3A_267 : i32 to index
      %swap3A_269 = arith.constant 0 : index
      %swap3A_270 = tpu.vector_load %arg11[%swap3A_268, %swap3A_269] {strides = array<i32>} : memref<640x32xf32, #tpu.memory_space<vmem>>, vector<16xf32>,
      tpu.vector_store %arg11[%swap3A_268, %swap3A_269], %mul3A_265 {strides = array<i32>} : memref<640x32xf32, #tpu.memory_space<vmem>>, vector<16xf32>,
      %add3A_271 = arith.constant 7 : i32
      %add3A_272 = arith.addi %mul3A_76, %add3A_271 : i32
      %get3A_273 = arith.index_cast %add3A_272 : i32 to index
      %get3A_274 = arith.constant 16 : index
      %get3A_275 = tpu.vector_load %arg11[%get3A_273, %get3A_274] {strides = array<i32>} : memref<640x32xf32, #tpu.memory_space<vmem>>, vector<16xf32>,
      %mul3A_276 = vector.broadcast %squeeze3A_258 : f32 to vector<16xf32>
      %mul3A_277 = arith.mulf %get3A_275, %mul3A_276 : vector<16xf32>
      %add3A_278 = arith.constant 7 : i32
      %add3A_279 = arith.addi %mul3A_76, %add3A_278 : i32
      %swap3A_280 = arith.index_cast %add3A_279 : i32 to index
      %swap3A_281 = arith.constant 16 : index
      %swap3A_282 = tpu.vector_load %arg11[%swap3A_280, %swap3A_281] {strides = array<i32>} : memref<640x32xf32, #tpu.memory_space<vmem>>, vector<16xf32>,
      tpu.vector_store %arg11[%swap3A_280, %swap3A_281], %mul3A_277 {strides = array<i32>} : memref<640x32xf32, #tpu.memory_space<vmem>>, vector<16xf32>,
      %slice3A_283 = vector.extract_strided_slice %get3A_77 {offsets = [8], sizes = [1], strides = [1]} : vector<16xf32> to vector<1xf32>
      %squeeze3A_284 = vector.extract %slice3A_283[0] : f32 from vector<1xf32>
      %add3A_285 = arith.constant 8 : i32
      %add3A_286 = arith.addi %mul3A_76, %add3A_285 : i32
      %get3A_287 = arith.index_cast %add3A_286 : i32 to index
      %get3A_288 = arith.constant 0 : index
      %get3A_289 = tpu.vector_load %arg11[%get3A_287, %get3A_288] {strides = array<i32>} : memref<640x32xf32, #tpu.memory_space<vmem>>, vector<16xf32>,
      %mul3A_290 = vector.broadcast %squeeze3A_284 : f32 to vector<16xf32>
      %mul3A_291 = arith.mulf %get3A_289, %mul3A_290 : vector<16xf32>
      %add3A_292 = arith.constant 8 : i32
      %add3A_293 = arith.addi %mul3A_76, %add3A_292 : i32
      %swap3A_294 = arith.index_cast %add3A_293 : i32 to index
      %swap3A_295 = arith.constant 0 : index
      %swap3A_296 = tpu.vector_load %arg11[%swap3A_294, %swap3A_295] {strides = array<i32>} : memref<640x32xf32, #tpu.memory_space<vmem>>, vector<16xf32>,
      tpu.vector_store %arg11[%swap3A_294, %swap3A_295], %mul3A_291 {strides = array<i32>} : memref<640x32xf32, #tpu.memory_space<vmem>>, vector<16xf32>,
      %add3A_297 = arith.constant 8 : i32
      %add3A_298 = arith.addi %mul3A_76, %add3A_297 : i32
      %get3A_299 = arith.index_cast %add3A_298 : i32 to index
      %get3A_300 = arith.constant 16 : index
      %get3A_301 = tpu.vector_load %arg11[%get3A_299, %get3A_300] {strides = array<i32>} : memref<640x32xf32, #tpu.memory_space<vmem>>, vector<16xf32>,
      %mul3A_302 = vector.broadcast %squeeze3A_284 : f32 to vector<16xf32>
      %mul3A_303 = arith.mulf %get3A_301, %mul3A_302 : vector<16xf32>
      %add3A_304 = arith.constant 8 : i32
      %add3A_305 = arith.addi %mul3A_76, %add3A_304 : i32
      %swap3A_306 = arith.index_cast %add3A_305 : i32 to index
      %swap3A_307 = arith.constant 16 : index
      %swap3A_308 = tpu.vector_load %arg11[%swap3A_306, %swap3A_307] {strides = array<i32>} : memref<640x32xf32, #tpu.memory_space<vmem>>, vector<16xf32>,
      tpu.vector_store %arg11[%swap3A_306, %swap3A_307], %mul3A_303 {strides = array<i32>} : memref<640x32xf32, #tpu.memory_space<vmem>>, vector<16xf32>,
      %slice3A_309 = vector.extract_strided_slice %get3A_77 {offsets = [9], sizes = [1], strides = [1]} : vector<16xf32> to vector<1xf32>
      %squeeze3A_310 = vector.extract %slice3A_309[0] : f32 from vector<1xf32>
      %add3A_311 = arith.constant 9 : i32
      %add3A_312 = arith.addi %mul3A_76, %add3A_311 : i32
      %get3A_313 = arith.index_cast %add3A_312 : i32 to index
      %get3A_314 = arith.constant 0 : index
      %get3A_315 = tpu.vector_load %arg11[%get3A_313, %get3A_314] {strides = array<i32>} : memref<640x32xf32, #tpu.memory_space<vmem>>, vector<16xf32>,
      %mul3A_316 = vector.broadcast %squeeze3A_310 : f32 to vector<16xf32>
      %mul3A_317 = arith.mulf %get3A_315, %mul3A_316 : vector<16xf32>
      %add3A_318 = arith.constant 9 : i32
      %add3A_319 = arith.addi %mul3A_76, %add3A_318 : i32
      %swap3A_320 = arith.index_cast %add3A_319 : i32 to index
      %swap3A_321 = arith.constant 0 : index
      %swap3A_322 = tpu.vector_load %arg11[%swap3A_320, %swap3A_321] {strides = array<i32>} : memref<640x32xf32, #tpu.memory_space<vmem>>, vector<16xf32>,
      tpu.vector_store %arg11[%swap3A_320, %swap3A_321], %mul3A_317 {strides = array<i32>} : memref<640x32xf32, #tpu.memory_space<vmem>>, vector<16xf32>,
      %add3A_323 = arith.constant 9 : i32
      %add3A_324 = arith.addi %mul3A_76, %add3A_323 : i32
      %get3A_325 = arith.index_cast %add3A_324 : i32 to index
      %get3A_326 = arith.constant 16 : index
      %get3A_327 = tpu.vector_load %arg11[%get3A_325, %get3A_326] {strides = array<i32>} : memref<640x32xf32, #tpu.memory_space<vmem>>, vector<16xf32>,
      %mul3A_328 = vector.broadcast %squeeze3A_310 : f32 to vector<16xf32>
      %mul3A_329 = arith.mulf %get3A_327, %mul3A_328 : vector<16xf32>
      %add3A_330 = arith.constant 9 : i32
      %add3A_331 = arith.addi %mul3A_76, %add3A_330 : i32
      %swap3A_332 = arith.index_cast %add3A_331 : i32 to index
      %swap3A_333 = arith.constant 16 : index
      %swap3A_334 = tpu.vector_load %arg11[%swap3A_332, %swap3A_333] {strides = array<i32>} : memref<640x32xf32, #tpu.memory_space<vmem>>, vector<16xf32>,
      tpu.vector_store %arg11[%swap3A_332, %swap3A_333], %mul3A_329 {strides = array<i32>} : memref<640x32xf32, #tpu.memory_space<vmem>>, vector<16xf32>,
      %slice3A_335 = vector.extract_strided_slice %get3A_77 {offsets = [10], sizes = [1], strides = [1]} : vector<16xf32> to vector<1xf32>
      %squeeze3A_336 = vector.extract %slice3A_335[0] : f32 from vector<1xf32>
      %add3A_337 = arith.constant 10 : i32
      %add3A_338 = arith.addi %mul3A_76, %add3A_337 : i32
      %get3A_339 = arith.index_cast %add3A_338 : i32 to index
      %get3A_340 = arith.constant 0 : index
      %get3A_341 = tpu.vector_load %arg11[%get3A_339, %get3A_340] {strides = array<i32>} : memref<640x32xf32, #tpu.memory_space<vmem>>, vector<16xf32>,
      %mul3A_342 = vector.broadcast %squeeze3A_336 : f32 to vector<16xf32>
      %mul3A_343 = arith.mulf %get3A_341, %mul3A_342 : vector<16xf32>
      %add3A_344 = arith.constant 10 : i32
      %add3A_345 = arith.addi %mul3A_76, %add3A_344 : i32
      %swap3A_346 = arith.index_cast %add3A_345 : i32 to index
      %swap3A_347 = arith.constant 0 : index
      %swap3A_348 = tpu.vector_load %arg11[%swap3A_346, %swap3A_347] {strides = array<i32>} : memref<640x32xf32, #tpu.memory_space<vmem>>, vector<16xf32>,
      tpu.vector_store %arg11[%swap3A_346, %swap3A_347], %mul3A_343 {strides = array<i32>} : memref<640x32xf32, #tpu.memory_space<vmem>>, vector<16xf32>,
      %add3A_349 = arith.constant 10 : i32
      %add3A_350 = arith.addi %mul3A_76, %add3A_349 : i32
      %get3A_351 = arith.index_cast %add3A_350 : i32 to index
      %get3A_352 = arith.constant 16 : index
      %get3A_353 = tpu.vector_load %arg11[%get3A_351, %get3A_352] {strides = array<i32>} : memref<640x32xf32, #tpu.memory_space<vmem>>, vector<16xf32>,
      %mul3A_354 = vector.broadcast %squeeze3A_336 : f32 to vector<16xf32>
      %mul3A_355 = arith.mulf %get3A_353, %mul3A_354 : vector<16xf32>
      %add3A_356 = arith.constant 10 : i32
      %add3A_357 = arith.addi %mul3A_76, %add3A_356 : i32
      %swap3A_358 = arith.index_cast %add3A_357 : i32 to index
      %swap3A_359 = arith.constant 16 : index
      %swap3A_360 = tpu.vector_load %arg11[%swap3A_358, %swap3A_359] {strides = array<i32>} : memref<640x32xf32, #tpu.memory_space<vmem>>, vector<16xf32>,
      tpu.vector_store %arg11[%swap3A_358, %swap3A_359], %mul3A_355 {strides = array<i32>} : memref<640x32xf32, #tpu.memory_space<vmem>>, vector<16xf32>,
      %slice3A_361 = vector.extract_strided_slice %get3A_77 {offsets = [11], sizes = [1], strides = [1]} : vector<16xf32> to vector<1xf32>
      %squeeze3A_362 = vector.extract %slice3A_361[0] : f32 from vector<1xf32>
      %add3A_363 = arith.constant 11 : i32
      %add3A_364 = arith.addi %mul3A_76, %add3A_363 : i32
      %get3A_365 = arith.index_cast %add3A_364 : i32 to index
      %get3A_366 = arith.constant 0 : index
      %get3A_367 = tpu.vector_load %arg11[%get3A_365, %get3A_366] {strides = array<i32>} : memref<640x32xf32, #tpu.memory_space<vmem>>, vector<16xf32>,
      %mul3A_368 = vector.broadcast %squeeze3A_362 : f32 to vector<16xf32>
      %mul3A_369 = arith.mulf %get3A_367, %mul3A_368 : vector<16xf32>
      %add3A_370 = arith.constant 11 : i32
      %add3A_371 = arith.addi %mul3A_76, %add3A_370 : i32
      %swap3A_372 = arith.index_cast %add3A_371 : i32 to index
      %swap3A_373 = arith.constant 0 : index
      %swap3A_374 = tpu.vector_load %arg11[%swap3A_372, %swap3A_373] {strides = array<i32>} : memref<640x32xf32, #tpu.memory_space<vmem>>, vector<16xf32>,
      tpu.vector_store %arg11[%swap3A_372, %swap3A_373], %mul3A_369 {strides = array<i32>} : memref<640x32xf32, #tpu.memory_space<vmem>>, vector<16xf32>,
      %add3A_375 = arith.constant 11 : i32
      %add3A_376 = arith.addi %mul3A_76, %add3A_375 : i32
      %get3A_377 = arith.index_cast %add3A_376 : i32 to index
      %get3A_378 = arith.constant 16 : index
      %get3A_379 = tpu.vector_load %arg11[%get3A_377, %get3A_378] {strides = array<i32>} : memref<640x32xf32, #tpu.memory_space<vmem>>, vector<16xf32>,
      %mul3A_380 = vector.broadcast %squeeze3A_362 : f32 to vector<16xf32>
      %mul3A_381 = arith.mulf %get3A_379, %mul3A_380 : vector<16xf32>
      %add3A_382 = arith.constant 11 : i32
      %add3A_383 = arith.addi %mul3A_76, %add3A_382 : i32
      %swap3A_384 = arith.index_cast %add3A_383 : i32 to index
      %swap3A_385 = arith.constant 16 : index
      %swap3A_386 = tpu.vector_load %arg11[%swap3A_384, %swap3A_385] {strides = array<i32>} : memref<640x32xf32, #tpu.memory_space<vmem>>, vector<16xf32>,
      tpu.vector_store %arg11[%swap3A_384, %swap3A_385], %mul3A_381 {strides = array<i32>} : memref<640x32xf32, #tpu.memory_space<vmem>>, vector<16xf32>,
      %slice3A_387 = vector.extract_strided_slice %get3A_77 {offsets = [12], sizes = [1], strides = [1]} : vector<16xf32> to vector<1xf32>
      %squeeze3A_388 = vector.extract %slice3A_387[0] : f32 from vector<1xf32>
      %add3A_389 = arith.constant 12 : i32
      %add3A_390 = arith.addi %mul3A_76, %add3A_389 : i32
      %get3A_391 = arith.index_cast %add3A_390 : i32 to index
      %get3A_392 = arith.constant 0 : index
      %get3A_393 = tpu.vector_load %arg11[%get3A_391, %get3A_392] {strides = array<i32>} : memref<640x32xf32, #tpu.memory_space<vmem>>, vector<16xf32>,
      %mul3A_394 = vector.broadcast %squeeze3A_388 : f32 to vector<16xf32>
      %mul3A_395 = arith.mulf %get3A_393, %mul3A_394 : vector<16xf32>
      %add3A_396 = arith.constant 12 : i32
      %add3A_397 = arith.addi %mul3A_76, %add3A_396 : i32
      %swap3A_398 = arith.index_cast %add3A_397 : i32 to index
      %swap3A_399 = arith.constant 0 : index
      %swap3A_400 = tpu.vector_load %arg11[%swap3A_398, %swap3A_399] {strides = array<i32>} : memref<640x32xf32, #tpu.memory_space<vmem>>, vector<16xf32>,
      tpu.vector_store %arg11[%swap3A_398, %swap3A_399], %mul3A_395 {strides = array<i32>} : memref<640x32xf32, #tpu.memory_space<vmem>>, vector<16xf32>,
      %add3A_401 = arith.constant 12 : i32
      %add3A_402 = arith.addi %mul3A_76, %add3A_401 : i32
      %get3A_403 = arith.index_cast %add3A_402 : i32 to index
      %get3A_404 = arith.constant 16 : index
      %get3A_405 = tpu.vector_load %arg11[%get3A_403, %get3A_404] {strides = array<i32>} : memref<640x32xf32, #tpu.memory_space<vmem>>, vector<16xf32>,
      %mul3A_406 = vector.broadcast %squeeze3A_388 : f32 to vector<16xf32>
      %mul3A_407 = arith.mulf %get3A_405, %mul3A_406 : vector<16xf32>
      %add3A_408 = arith.constant 12 : i32
      %add3A_409 = arith.addi %mul3A_76, %add3A_408 : i32
      %swap3A_410 = arith.index_cast %add3A_409 : i32 to index
      %swap3A_411 = arith.constant 16 : index
      %swap3A_412 = tpu.vector_load %arg11[%swap3A_410, %swap3A_411] {strides = array<i32>} : memref<640x32xf32, #tpu.memory_space<vmem>>, vector<16xf32>,
      tpu.vector_store %arg11[%swap3A_410, %swap3A_411], %mul3A_407 {strides = array<i32>} : memref<640x32xf32, #tpu.memory_space<vmem>>, vector<16xf32>,
      %slice3A_413 = vector.extract_strided_slice %get3A_77 {offsets = [13], sizes = [1], strides = [1]} : vector<16xf32> to vector<1xf32>
      %squeeze3A_414 = vector.extract %slice3A_413[0] : f32 from vector<1xf32>
      %add3A_415 = arith.constant 13 : i32
      %add3A_416 = arith.addi %mul3A_76, %add3A_415 : i32
      %get3A_417 = arith.index_cast %add3A_416 : i32 to index
      %get3A_418 = arith.constant 0 : index
      %get3A_419 = tpu.vector_load %arg11[%get3A_417, %get3A_418] {strides = array<i32>} : memref<640x32xf32, #tpu.memory_space<vmem>>, vector<16xf32>,
      %mul3A_420 = vector.broadcast %squeeze3A_414 : f32 to vector<16xf32>
      %mul3A_421 = arith.mulf %get3A_419, %mul3A_420 : vector<16xf32>
      %add3A_422 = arith.constant 13 : i32
      %add3A_423 = arith.addi %mul3A_76, %add3A_422 : i32
      %swap3A_424 = arith.index_cast %add3A_423 : i32 to index
      %swap3A_425 = arith.constant 0 : index
      %swap3A_426 = tpu.vector_load %arg11[%swap3A_424, %swap3A_425] {strides = array<i32>} : memref<640x32xf32, #tpu.memory_space<vmem>>, vector<16xf32>,
      tpu.vector_store %arg11[%swap3A_424, %swap3A_425], %mul3A_421 {strides = array<i32>} : memref<640x32xf32, #tpu.memory_space<vmem>>, vector<16xf32>,
      %add3A_427 = arith.constant 13 : i32
      %add3A_428 = arith.addi %mul3A_76, %add3A_427 : i32
      %get3A_429 = arith.index_cast %add3A_428 : i32 to index
      %get3A_430 = arith.constant 16 : index
      %get3A_431 = tpu.vector_load %arg11[%get3A_429, %get3A_430] {strides = array<i32>} : memref<640x32xf32, #tpu.memory_space<vmem>>, vector<16xf32>,
      %mul3A_432 = vector.broadcast %squeeze3A_414 : f32 to vector<16xf32>
      %mul3A_433 = arith.mulf %get3A_431, %mul3A_432 : vector<16xf32>
      %add3A_434 = arith.constant 13 : i32
      %add3A_435 = arith.addi %mul3A_76, %add3A_434 : i32
      %swap3A_436 = arith.index_cast %add3A_435 : i32 to index
      %swap3A_437 = arith.constant 16 : index
      %swap3A_438 = tpu.vector_load %arg11[%swap3A_436, %swap3A_437] {strides = array<i32>} : memref<640x32xf32, #tpu.memory_space<vmem>>, vector<16xf32>,
      tpu.vector_store %arg11[%swap3A_436, %swap3A_437], %mul3A_433 {strides = array<i32>} : memref<640x32xf32, #tpu.memory_space<vmem>>, vector<16xf32>,
      %slice3A_439 = vector.extract_strided_slice %get3A_77 {offsets = [14], sizes = [1], strides = [1]} : vector<16xf32> to vector<1xf32>
      %squeeze3A_440 = vector.extract %slice3A_439[0] : f32 from vector<1xf32>
      %add3A_441 = arith.constant 14 : i32
      %add3A_442 = arith.addi %mul3A_76, %add3A_441 : i32
      %get3A_443 = arith.index_cast %add3A_442 : i32 to index
      %get3A_444 = arith.constant 0 : index
      %get3A_445 = tpu.vector_load %arg11[%get3A_443, %get3A_444] {strides = array<i32>} : memref<640x32xf32, #tpu.memory_space<vmem>>, vector<16xf32>,
      %mul3A_446 = vector.broadcast %squeeze3A_440 : f32 to vector<16xf32>
      %mul3A_447 = arith.mulf %get3A_445, %mul3A_446 : vector<16xf32>
      %add3A_448 = arith.constant 14 : i32
      %add3A_449 = arith.addi %mul3A_76, %add3A_448 : i32
      %swap3A_450 = arith.index_cast %add3A_449 : i32 to index
      %swap3A_451 = arith.constant 0 : index
      %swap3A_452 = tpu.vector_load %arg11[%swap3A_450, %swap3A_451] {strides = array<i32>} : memref<640x32xf32, #tpu.memory_space<vmem>>, vector<16xf32>,
      tpu.vector_store %arg11[%swap3A_450, %swap3A_451], %mul3A_447 {strides = array<i32>} : memref<640x32xf32, #tpu.memory_space<vmem>>, vector<16xf32>,
      %add3A_453 = arith.constant 14 : i32
      %add3A_454 = arith.addi %mul3A_76, %add3A_453 : i32
      %get3A_455 = arith.index_cast %add3A_454 : i32 to index
      %get3A_456 = arith.constant 16 : index
      %get3A_457 = tpu.vector_load %arg11[%get3A_455, %get3A_456] {strides = array<i32>} : memref<640x32xf32, #tpu.memory_space<vmem>>, vector<16xf32>,
      %mul3A_458 = vector.broadcast %squeeze3A_440 : f32 to vector<16xf32>
      %mul3A_459 = arith.mulf %get3A_457, %mul3A_458 : vector<16xf32>
      %add3A_460 = arith.constant 14 : i32
      %add3A_461 = arith.addi %mul3A_76, %add3A_460 : i32
      %swap3A_462 = arith.index_cast %add3A_461 : i32 to index
      %swap3A_463 = arith.constant 16 : index
      %swap3A_464 = tpu.vector_load %arg11[%swap3A_462, %swap3A_463] {strides = array<i32>} : memref<640x32xf32, #tpu.memory_space<vmem>>, vector<16xf32>,
      tpu.vector_store %arg11[%swap3A_462, %swap3A_463], %mul3A_459 {strides = array<i32>} : memref<640x32xf32, #tpu.memory_space<vmem>>, vector<16xf32>,
      %slice3A_465 = vector.extract_strided_slice %get3A_77 {offsets = [15], sizes = [1], strides = [1]} : vector<16xf32> to vector<1xf32>
      %squeeze3A_466 = vector.extract %slice3A_465[0] : f32 from vector<1xf32>
      %add3A_467 = arith.constant 15 : i32
      %add3A_468 = arith.addi %mul3A_76, %add3A_467 : i32
      %get3A_469 = arith.index_cast %add3A_468 : i32 to index
      %get3A_470 = arith.constant 0 : index
      %get3A_471 = tpu.vector_load %arg11[%get3A_469, %get3A_470] {strides = array<i32>} : memref<640x32xf32, #tpu.memory_space<vmem>>, vector<16xf32>,
      %mul3A_472 = vector.broadcast %squeeze3A_466 : f32 to vector<16xf32>
      %mul3A_473 = arith.mulf %get3A_471, %mul3A_472 : vector<16xf32>
      %add3A_474 = arith.constant 15 : i32
      %add3A_475 = arith.addi %mul3A_76, %add3A_474 : i32
      %swap3A_476 = arith.index_cast %add3A_475 : i32 to index
      %swap3A_477 = arith.constant 0 : index
      %swap3A_478 = tpu.vector_load %arg11[%swap3A_476, %swap3A_477] {strides = array<i32>} : memref<640x32xf32, #tpu.memory_space<vmem>>, vector<16xf32>,
      tpu.vector_store %arg11[%swap3A_476, %swap3A_477], %mul3A_473 {strides = array<i32>} : memref<640x32xf32, #tpu.memory_space<vmem>>, vector<16xf32>,
      %add3A_479 = arith.constant 15 : i32
      %add3A_480 = arith.addi %mul3A_76, %add3A_479 : i32
      %get3A_481 = arith.index_cast %add3A_480 : i32 to index
      %get3A_482 = arith.constant 16 : index
      %get3A_483 = tpu.vector_load %arg11[%get3A_481, %get3A_482] {strides = array<i32>} : memref<640x32xf32, #tpu.memory_space<vmem>>, vector<16xf32>,
      %mul3A_484 = vector.broadcast %squeeze3A_466 : f32 to vector<16xf32>
      %mul3A_485 = arith.mulf %get3A_483, %mul3A_484 : vector<16xf32>
      %add3A_486 = arith.constant 15 : i32
      %add3A_487 = arith.addi %mul3A_76, %add3A_486 : i32
      %swap3A_488 = arith.index_cast %add3A_487 : i32 to index
      %swap3A_489 = arith.constant 16 : index
      %swap3A_490 = tpu.vector_load %arg11[%swap3A_488, %swap3A_489] {strides = array<i32>} : memref<640x32xf32, #tpu.memory_space<vmem>>, vector<16xf32>,
      tpu.vector_store %arg11[%swap3A_488, %swap3A_489], %mul3A_485 {strides = array<i32>} : memref<640x32xf32, #tpu.memory_space<vmem>>, vector<16xf32>,
    }
    %scan3A_16 = arith.constant 40 : i32
    "tpu.region"() ({
      %run_scoped3A_74 = tpu.sem_alloc : memref<!tpu.dma_semaphore, #tpu.memory_space<semaphore_mem>>
      %dma_start3A_75 = arith.constant 0 : i32
      %dma_start3A_76 = tpu.memref_slice %arg8[%mul3A_2, %dma_start3A_75] : memref<10240x32xf32, #tpu.memory_space<vmem_shared>> -> memref<640x32xf32, #tpu.memory_space<vmem_shared>>
      %dma_start3A_77 = arith.constant 0 : i32
      %dma_start3A_78 = tpu.memref_slice %arg8[%mul3A_2, %dma_start3A_77] : memref<10240x32xf32, #tpu.memory_space<vmem_shared>> -> memref<640x32xf32, #tpu.memory_space<vmem_shared>>
      tpu.enqueue_dma source(%arg11 : memref<640x32xf32, #tpu.memory_space<vmem>>) target(%dma_start3A_78 : memref<640x32xf32, #tpu.memory_space<vmem_shared>>) target_semaphore(%run_scoped3A_74 : memref<!tpu.dma_semaphore, #tpu.memory_space<semaphore_mem>>)
      %dma_wait3A_79 = arith.constant 0 : i32
      %dma_wait3A_80 = tpu.memref_slice %arg8[%mul3A_2, %dma_wait3A_79] : memref<10240x32xf32, #tpu.memory_space<vmem_shared>> -> memref<640x32xf32, #tpu.memory_space<vmem_shared>>
      %dma_wait3A_81 = arith.constant 0 : i32
      %dma_wait3A_82 = tpu.memref_slice %arg8[%mul3A_2, %dma_wait3A_81] : memref<10240x32xf32, #tpu.memory_space<vmem_shared>> -> memref<640x32xf32, #tpu.memory_space<vmem_shared>>
      tpu.wait_dma2 semaphore(%run_scoped3A_74 : memref<!tpu.dma_semaphore, #tpu.memory_space<semaphore_mem>>) src(%arg11 : memref<640x32xf32, #tpu.memory_space<vmem>>) dst(%dma_wait3A_82 : memref<640x32xf32, #tpu.memory_space<vmem_shared>>)
      tpu.yield
    }) : () -> ()
    %eq3A = arith.constant 0 : i32
    %eq3A_17 = arith.cmpi eq, %arg0, %eq3A : i32
    %convert_element_type3A = arith.extui %eq3A_17 : i1 to i32
    %cond3A = arith.constant 0 : i32
    %cond3A_18 = arith.cmpi ne, %convert_element_type3A, %cond3A : i32
    scf.if %cond3A_18 {
      %scan3A_74 = arith.constant 0 : i32
      %scan3A_75 = arith.constant 640 : i32
      %scan3A_76 = arith.addi %scan3A_74, %scan3A_75 : i32
      %scan3A_77 = arith.constant 1 : i32
      scf.for %scan3A_79 = %scan3A_74 to %scan3A_76 step %scan3A_77  : i32 {
        %get3A = arith.index_cast %scan3A_79 : i32 to index
        %get3A_80 = arith.constant 0 : index
        %get3A_81 = tpu.vector_load %arg11[%get3A, %get3A_80] {strides = array<i32>} : memref<640x32xf32, #tpu.memory_space<vmem>>, vector<16xf32>,
        %mul3A_82 = arith.constant 2.000000e+00 : f32
        %mul3A_83 = vector.broadcast %mul3A_82 : f32 to vector<16xf32>
        %mul3A_84 = arith.mulf %get3A_81, %mul3A_83 : vector<16xf32>
        %swap3A = arith.index_cast %scan3A_79 : i32 to index
        %swap3A_85 = arith.constant 0 : index
        %swap3A_86 = tpu.vector_load %arg11[%swap3A, %swap3A_85] {strides = array<i32>} : memref<640x32xf32, #tpu.memory_space<vmem>>, vector<16xf32>,
        tpu.vector_store %arg11[%swap3A, %swap3A_85], %mul3A_84 {strides = array<i32>} : memref<640x32xf32, #tpu.memory_space<vmem>>, vector<16xf32>,
        %get3A_87 = arith.index_cast %scan3A_79 : i32 to index
        %get3A_88 = arith.constant 16 : index
        %get3A_89 = tpu.vector_load %arg11[%get3A_87, %get3A_88] {strides = array<i32>} : memref<640x32xf32, #tpu.memory_space<vmem>>, vector<16xf32>,
        %mul3A_90 = arith.constant 2.000000e+00 : f32
        %mul3A_91 = vector.broadcast %mul3A_90 : f32 to vector<16xf32>
        %mul3A_92 = arith.mulf %get3A_89, %mul3A_91 : vector<16xf32>
        %swap3A_93 = arith.index_cast %scan3A_79 : i32 to index
        %swap3A_94 = arith.constant 16 : index
        %swap3A_95 = tpu.vector_load %arg11[%swap3A_93, %swap3A_94] {strides = array<i32>} : memref<640x32xf32, #tpu.memory_space<vmem>>, vector<16xf32>,
        tpu.vector_store %arg11[%swap3A_93, %swap3A_94], %mul3A_92 {strides = array<i32>} : memref<640x32xf32, #tpu.memory_space<vmem>>, vector<16xf32>,
      }
      %scan3A_78 = arith.constant 640 : i32
    } else {
    }
    %ne3A = arith.constant 0 : i32
    %ne3A_19 = arith.cmpi ne, %arg0, %ne3A : i32
    %convert_element_type3A_20 = arith.extui %ne3A_19 : i1 to i32
    %cond3A_21 = arith.constant 0 : i32
    %cond3A_22 = arith.cmpi ne, %convert_element_type3A_20, %cond3A_21 : i32
    scf.if %cond3A_22 {
      %scan3A_74 = arith.constant 0 : i32
      %scan3A_75 = arith.constant 640 : i32
      %scan3A_76 = arith.addi %scan3A_74, %scan3A_75 : i32
      %scan3A_77 = arith.constant 1 : i32
      scf.for %scan3A_79 = %scan3A_74 to %scan3A_76 step %scan3A_77  : i32 {
        %broadcast_in_dim3A = arith.constant 0.000000e+00 : f32
        %broadcast_in_dim3A_80 = vector.broadcast %broadcast_in_dim3A : f32 to vector<16xf32>
        %swap3A = arith.index_cast %scan3A_79 : i32 to index
        %swap3A_81 = arith.constant 0 : index
        %swap3A_82 = tpu.vector_load %arg11[%swap3A, %swap3A_81] {strides = array<i32>} : memref<640x32xf32, #tpu.memory_space<vmem>>, vector<16xf32>,
        tpu.vector_store %arg11[%swap3A, %swap3A_81], %broadcast_in_dim3A_80 {strides = array<i32>} : memref<640x32xf32, #tpu.memory_space<vmem>>, vector<16xf32>,
        %broadcast_in_dim3A_83 = arith.constant 0.000000e+00 : f32
        %broadcast_in_dim3A_84 = vector.broadcast %broadcast_in_dim3A_83 : f32 to vector<16xf32>
        %swap3A_85 = arith.index_cast %scan3A_79 : i32 to index
        %swap3A_86 = arith.constant 16 : index
        %swap3A_87 = tpu.vector_load %arg11[%swap3A_85, %swap3A_86] {strides = array<i32>} : memref<640x32xf32, #tpu.memory_space<vmem>>, vector<16xf32>,
        tpu.vector_store %arg11[%swap3A_85, %swap3A_86], %broadcast_in_dim3A_84 {strides = array<i32>} : memref<640x32xf32, #tpu.memory_space<vmem>>, vector<16xf32>,
      }
      %scan3A_78 = arith.constant 640 : i32
    } else {
    }
    "tpu.region"() ({
      %run_scoped3A_74 = tpu.sem_alloc : memref<!tpu.dma_semaphore, #tpu.memory_space<semaphore_mem>>
      %dma_start3A_75 = arith.constant 0 : i32
      %dma_start3A_76 = tpu.memref_slice %arg7[%mul3A_2, %dma_start3A_75] : memref<10240x32xf32, #tpu.memory_space<vmem_shared>> -> memref<640x32xf32, #tpu.memory_space<vmem_shared>>
      %dma_start3A_77 = arith.constant 0 : i32
      %dma_start3A_78 = tpu.memref_slice %arg7[%mul3A_2, %dma_start3A_77] : memref<10240x32xf32, #tpu.memory_space<vmem_shared>> -> memref<640x32xf32, #tpu.memory_space<vmem_shared>>
      tpu.enqueue_dma source(%arg11 : memref<640x32xf32, #tpu.memory_space<vmem>>) target(%dma_start3A_78 : memref<640x32xf32, #tpu.memory_space<vmem_shared>>) target_semaphore(%run_scoped3A_74 : memref<!tpu.dma_semaphore, #tpu.memory_space<semaphore_mem>>)
      %dma_wait3A_79 = arith.constant 0 : i32
      %dma_wait3A_80 = tpu.memref_slice %arg7[%mul3A_2, %dma_wait3A_79] : memref<10240x32xf32, #tpu.memory_space<vmem_shared>> -> memref<640x32xf32, #tpu.memory_space<vmem_shared>>
      %dma_wait3A_81 = arith.constant 0 : i32
      %dma_wait3A_82 = tpu.memref_slice %arg7[%mul3A_2, %dma_wait3A_81] : memref<10240x32xf32, #tpu.memory_space<vmem_shared>> -> memref<640x32xf32, #tpu.memory_space<vmem_shared>>
      tpu.wait_dma2 semaphore(%run_scoped3A_74 : memref<!tpu.dma_semaphore, #tpu.memory_space<semaphore_mem>>) src(%arg11 : memref<640x32xf32, #tpu.memory_space<vmem>>) dst(%dma_wait3A_82 : memref<640x32xf32, #tpu.memory_space<vmem_shared>>)
      tpu.yield
    }) : () -> ()
    %barrier3A = arith.constant 0 : index
    tpu.barrier barrier_id(%barrier3A)
    %dma_start3A = arith.constant 0 : i32
    %dma_start3A_23 = arith.constant 0 : i32
    %dma_start3A_24 = tpu.memref_slice %arg9[%dma_start3A, %dma_start3A_23] : memref<80x128xi32, #tpu.memory_space<vmem>> -> memref<1x128xi32, #tpu.memory_space<vmem>>
    %dma_start3A_25 = tpu.memref_squeeze %dma_start3A_24 : memref<1x128xi32, #tpu.memory_space<vmem>> -> memref<128xi32, #tpu.memory_space<vmem>>
    %dma_start3A_26 = arith.constant 0 : i32
    %dma_start3A_27 = arith.constant 0 : i32
    %dma_start3A_28 = tpu.memref_slice %arg8[%dma_start3A_26, %dma_start3A_27] : memref<10240x32xf32, #tpu.memory_space<vmem_shared>> -> memref<10240x32xf32, #tpu.memory_space<vmem_shared>>
    tpu.enqueue_indirect_dma source(%dma_start3A_28 : memref<10240x32xf32, #tpu.memory_space<vmem_shared>>) target(%arg15 : memref<128x32xf32, #tpu.memory_space<vmem>>) offsets(%dma_start3A_25 : memref<128xi32, #tpu.memory_space<vmem>>) semaphore(%arg19 : memref<!tpu.dma_semaphore, #tpu.memory_space<semaphore_mem>>)
    %dma_start3A_29 = arith.constant 1 : i32
    %dma_start3A_30 = arith.constant 0 : i32
    %dma_start3A_31 = tpu.memref_slice %arg9[%dma_start3A_29, %dma_start3A_30] : memref<80x128xi32, #tpu.memory_space<vmem>> -> memref<1x128xi32, #tpu.memory_space<vmem>>
    %dma_start3A_32 = tpu.memref_squeeze %dma_start3A_31 : memref<1x128xi32, #tpu.memory_space<vmem>> -> memref<128xi32, #tpu.memory_space<vmem>>
    %dma_start3A_33 = arith.constant 0 : i32
    %dma_start3A_34 = arith.constant 0 : i32
    %dma_start3A_35 = tpu.memref_slice %arg8[%dma_start3A_33, %dma_start3A_34] : memref<10240x32xf32, #tpu.memory_space<vmem_shared>> -> memref<10240x32xf32, #tpu.memory_space<vmem_shared>>
    tpu.enqueue_indirect_dma source(%dma_start3A_35 : memref<10240x32xf32, #tpu.memory_space<vmem_shared>>) target(%arg16 : memref<128x32xf32, #tpu.memory_space<vmem>>) offsets(%dma_start3A_32 : memref<128xi32, #tpu.memory_space<vmem>>) semaphore(%arg20 : memref<!tpu.dma_semaphore, #tpu.memory_space<semaphore_mem>>)
    %scan3A_36 = arith.constant 0 : i32
    %scan3A_37 = arith.constant 20 : i32
    %scan3A_38 = arith.addi %scan3A_36, %scan3A_37 : i32
    %scan3A_39 = arith.constant 1 : i32
    scf.for %scan3A_74 = %scan3A_36 to %scan3A_38 step %scan3A_39  : i32 {
      %mul3A_75 = arith.constant 4 : i32
      %mul3A_76 = arith.muli %mul3A_75, %scan3A_74 : i32
      %add3A_77 = arith.constant 0 : i32
      %add3A_78 = arith.addi %mul3A_76, %add3A_77 : i32
      %dma_wait3A_79 = arith.constant 0 : i32
      %dma_wait3A_80 = arith.constant 0 : i32
      %dma_wait3A_81 = tpu.memref_slice %arg9[%dma_wait3A_79, %dma_wait3A_80] : memref<80x128xi32, #tpu.memory_space<vmem>> -> memref<1x128xi32, #tpu.memory_space<vmem>>
      %dma_wait3A_82 = tpu.memref_squeeze %dma_wait3A_81 : memref<1x128xi32, #tpu.memory_space<vmem>> -> memref<128xi32, #tpu.memory_space<vmem>>
      %dma_wait3A_83 = arith.constant 0 : i32
      %dma_wait3A_84 = arith.constant 0 : i32
      %dma_wait3A_85 = tpu.memref_slice %arg8[%dma_wait3A_83, %dma_wait3A_84] : memref<10240x32xf32, #tpu.memory_space<vmem_shared>> -> memref<10240x32xf32, #tpu.memory_space<vmem_shared>>
      tpu.wait_indirect_dma semaphore(%arg19 : memref<!tpu.dma_semaphore, #tpu.memory_space<semaphore_mem>>) src(%dma_wait3A_85 : memref<10240x32xf32, #tpu.memory_space<vmem_shared>>) dst(%arg15 : memref<128x32xf32, #tpu.memory_space<vmem>>)
      %dma_start3A_86 = arith.constant 0 : i32
      %dma_start3A_87 = tpu.memref_slice %arg10[%add3A_78, %dma_start3A_86] : memref<80x128xi32, #tpu.memory_space<vmem>> -> memref<1x128xi32, #tpu.memory_space<vmem>>
      %dma_start3A_88 = tpu.memref_squeeze %dma_start3A_87 : memref<1x128xi32, #tpu.memory_space<vmem>> -> memref<128xi32, #tpu.memory_space<vmem>>
      %dma_start3A_89 = arith.constant 0 : i32
      %dma_start3A_90 = arith.constant 0 : i32
      %dma_start3A_91 = tpu.memref_slice %arg7[%dma_start3A_89, %dma_start3A_90] : memref<10240x32xf32, #tpu.memory_space<vmem_shared>> -> memref<10240x32xf32, #tpu.memory_space<vmem_shared>>
      tpu.enqueue_indirect_dma source(%arg15 : memref<128x32xf32, #tpu.memory_space<vmem>>) target(%dma_start3A_91 : memref<10240x32xf32, #tpu.memory_space<vmem_shared>>) offsets(%dma_start3A_88 : memref<128xi32, #tpu.memory_space<vmem>>) semaphore(%arg23 : memref<!tpu.dma_semaphore, #tpu.memory_space<semaphore_mem>>) {add = true}
      %add3A_92 = arith.constant 2 : i32
      %add3A_93 = arith.addi %add3A_78, %add3A_92 : i32
      %lt3A = arith.constant 80 : i32
      %lt3A_94 = arith.cmpi slt, %add3A_93, %lt3A : i32
      %convert_element_type3A_95 = arith.extui %lt3A_94 : i1 to i32
      %cond3A_96 = arith.constant 0 : i32
      %cond3A_97 = arith.cmpi ne, %convert_element_type3A_95, %cond3A_96 : i32
      scf.if %cond3A_97 {
        %ge3A = arith.constant 2 : i32
        %ge3A_164 = arith.cmpi sge, %add3A_78, %ge3A : i32
        %convert_element_type3A_165 = arith.extui %ge3A_164 : i1 to i32
        %cond3A_166 = arith.constant 0 : i32
        %cond3A_167 = arith.cmpi ne, %convert_element_type3A_165, %cond3A_166 : i32
        scf.if %cond3A_167 {
          %dma_wait3A_176 = arith.constant 0 : i32
          %dma_wait3A_177 = arith.constant 0 : i32
          %dma_wait3A_178 = tpu.memref_slice %arg10[%dma_wait3A_176, %dma_wait3A_177] : memref<80x128xi32, #tpu.memory_space<vmem>> -> memref<1x128xi32, #tpu.memory_space<vmem>>
          %dma_wait3A_179 = tpu.memref_squeeze %dma_wait3A_178 : memref<1x128xi32, #tpu.memory_space<vmem>> -> memref<128xi32, #tpu.memory_space<vmem>>
          %dma_wait3A_180 = arith.constant 0 : i32
          %dma_wait3A_181 = arith.constant 0 : i32
          %dma_wait3A_182 = tpu.memref_slice %arg7[%dma_wait3A_180, %dma_wait3A_181] : memref<10240x32xf32, #tpu.memory_space<vmem_shared>> -> memref<10240x32xf32, #tpu.memory_space<vmem_shared>>
          tpu.wait_indirect_dma semaphore(%arg25 : memref<!tpu.dma_semaphore, #tpu.memory_space<semaphore_mem>>) src(%arg17 : memref<128x32xf32, #tpu.memory_space<vmem>>) dst(%dma_wait3A_182 : memref<10240x32xf32, #tpu.memory_space<vmem_shared>>)
        } else {
        }
        %add3A_168 = arith.constant 2 : i32
        %add3A_169 = arith.addi %add3A_78, %add3A_168 : i32
        %dma_start3A_170 = arith.constant 0 : i32
        %dma_start3A_171 = tpu.memref_slice %arg9[%add3A_169, %dma_start3A_170] : memref<80x128xi32, #tpu.memory_space<vmem>> -> memref<1x128xi32, #tpu.memory_space<vmem>>
        %dma_start3A_172 = tpu.memref_squeeze %dma_start3A_171 : memref<1x128xi32, #tpu.memory_space<vmem>> -> memref<128xi32, #tpu.memory_space<vmem>>
        %dma_start3A_173 = arith.constant 0 : i32
        %dma_start3A_174 = arith.constant 0 : i32
        %dma_start3A_175 = tpu.memref_slice %arg8[%dma_start3A_173, %dma_start3A_174] : memref<10240x32xf32, #tpu.memory_space<vmem_shared>> -> memref<10240x32xf32, #tpu.memory_space<vmem_shared>>
        tpu.enqueue_indirect_dma source(%dma_start3A_175 : memref<10240x32xf32, #tpu.memory_space<vmem_shared>>) target(%arg17 : memref<128x32xf32, #tpu.memory_space<vmem>>) offsets(%dma_start3A_172 : memref<128xi32, #tpu.memory_space<vmem>>) semaphore(%arg21 : memref<!tpu.dma_semaphore, #tpu.memory_space<semaphore_mem>>)
      } else {
      }
      %add3A_98 = arith.constant 1 : i32
      %add3A_99 = arith.addi %mul3A_76, %add3A_98 : i32
      %dma_wait3A_100 = arith.constant 0 : i32
      %dma_wait3A_101 = arith.constant 0 : i32
      %dma_wait3A_102 = tpu.memref_slice %arg9[%dma_wait3A_100, %dma_wait3A_101] : memref<80x128xi32, #tpu.memory_space<vmem>> -> memref<1x128xi32, #tpu.memory_space<vmem>>
      %dma_wait3A_103 = tpu.memref_squeeze %dma_wait3A_102 : memref<1x128xi32, #tpu.memory_space<vmem>> -> memref<128xi32, #tpu.memory_space<vmem>>
      %dma_wait3A_104 = arith.constant 0 : i32
      %dma_wait3A_105 = arith.constant 0 : i32
      %dma_wait3A_106 = tpu.memref_slice %arg8[%dma_wait3A_104, %dma_wait3A_105] : memref<10240x32xf32, #tpu.memory_space<vmem_shared>> -> memref<10240x32xf32, #tpu.memory_space<vmem_shared>>
      tpu.wait_indirect_dma semaphore(%arg20 : memref<!tpu.dma_semaphore, #tpu.memory_space<semaphore_mem>>) src(%dma_wait3A_106 : memref<10240x32xf32, #tpu.memory_space<vmem_shared>>) dst(%arg16 : memref<128x32xf32, #tpu.memory_space<vmem>>)
      %dma_start3A_107 = arith.constant 0 : i32
      %dma_start3A_108 = tpu.memref_slice %arg10[%add3A_99, %dma_start3A_107] : memref<80x128xi32, #tpu.memory_space<vmem>> -> memref<1x128xi32, #tpu.memory_space<vmem>>
      %dma_start3A_109 = tpu.memref_squeeze %dma_start3A_108 : memref<1x128xi32, #tpu.memory_space<vmem>> -> memref<128xi32, #tpu.memory_space<vmem>>
      %dma_start3A_110 = arith.constant 0 : i32
      %dma_start3A_111 = arith.constant 0 : i32
      %dma_start3A_112 = tpu.memref_slice %arg7[%dma_start3A_110, %dma_start3A_111] : memref<10240x32xf32, #tpu.memory_space<vmem_shared>> -> memref<10240x32xf32, #tpu.memory_space<vmem_shared>>
      tpu.enqueue_indirect_dma source(%arg16 : memref<128x32xf32, #tpu.memory_space<vmem>>) target(%dma_start3A_112 : memref<10240x32xf32, #tpu.memory_space<vmem_shared>>) offsets(%dma_start3A_109 : memref<128xi32, #tpu.memory_space<vmem>>) semaphore(%arg24 : memref<!tpu.dma_semaphore, #tpu.memory_space<semaphore_mem>>) {add = true}
      %add3A_113 = arith.constant 2 : i32
      %add3A_114 = arith.addi %add3A_99, %add3A_113 : i32
      %lt3A_115 = arith.constant 80 : i32
      %lt3A_116 = arith.cmpi slt, %add3A_114, %lt3A_115 : i32
      %convert_element_type3A_117 = arith.extui %lt3A_116 : i1 to i32
      %cond3A_118 = arith.constant 0 : i32
      %cond3A_119 = arith.cmpi ne, %convert_element_type3A_117, %cond3A_118 : i32
      scf.if %cond3A_119 {
        %ge3A = arith.constant 2 : i32
        %ge3A_164 = arith.cmpi sge, %add3A_99, %ge3A : i32
        %convert_element_type3A_165 = arith.extui %ge3A_164 : i1 to i32
        %cond3A_166 = arith.constant 0 : i32
        %cond3A_167 = arith.cmpi ne, %convert_element_type3A_165, %cond3A_166 : i32
        scf.if %cond3A_167 {
          %dma_wait3A_176 = arith.constant 0 : i32
          %dma_wait3A_177 = arith.constant 0 : i32
          %dma_wait3A_178 = tpu.memref_slice %arg10[%dma_wait3A_176, %dma_wait3A_177] : memref<80x128xi32, #tpu.memory_space<vmem>> -> memref<1x128xi32, #tpu.memory_space<vmem>>
          %dma_wait3A_179 = tpu.memref_squeeze %dma_wait3A_178 : memref<1x128xi32, #tpu.memory_space<vmem>> -> memref<128xi32, #tpu.memory_space<vmem>>
          %dma_wait3A_180 = arith.constant 0 : i32
          %dma_wait3A_181 = arith.constant 0 : i32
          %dma_wait3A_182 = tpu.memref_slice %arg7[%dma_wait3A_180, %dma_wait3A_181] : memref<10240x32xf32, #tpu.memory_space<vmem_shared>> -> memref<10240x32xf32, #tpu.memory_space<vmem_shared>>
          tpu.wait_indirect_dma semaphore(%arg26 : memref<!tpu.dma_semaphore, #tpu.memory_space<semaphore_mem>>) src(%arg18 : memref<128x32xf32, #tpu.memory_space<vmem>>) dst(%dma_wait3A_182 : memref<10240x32xf32, #tpu.memory_space<vmem_shared>>)
        } else {
        }
        %add3A_168 = arith.constant 2 : i32
        %add3A_169 = arith.addi %add3A_99, %add3A_168 : i32
        %dma_start3A_170 = arith.constant 0 : i32
        %dma_start3A_171 = tpu.memref_slice %arg9[%add3A_169, %dma_start3A_170] : memref<80x128xi32, #tpu.memory_space<vmem>> -> memref<1x128xi32, #tpu.memory_space<vmem>>
        %dma_start3A_172 = tpu.memref_squeeze %dma_start3A_171 : memref<1x128xi32, #tpu.memory_space<vmem>> -> memref<128xi32, #tpu.memory_space<vmem>>
        %dma_start3A_173 = arith.constant 0 : i32
        %dma_start3A_174 = arith.constant 0 : i32
        %dma_start3A_175 = tpu.memref_slice %arg8[%dma_start3A_173, %dma_start3A_174] : memref<10240x32xf32, #tpu.memory_space<vmem_shared>> -> memref<10240x32xf32, #tpu.memory_space<vmem_shared>>
        tpu.enqueue_indirect_dma source(%dma_start3A_175 : memref<10240x32xf32, #tpu.memory_space<vmem_shared>>) target(%arg18 : memref<128x32xf32, #tpu.memory_space<vmem>>) offsets(%dma_start3A_172 : memref<128xi32, #tpu.memory_space<vmem>>) semaphore(%arg22 : memref<!tpu.dma_semaphore, #tpu.memory_space<semaphore_mem>>)
      } else {
      }
      %add3A_120 = arith.constant 2 : i32
      %add3A_121 = arith.addi %mul3A_76, %add3A_120 : i32
      %dma_wait3A_122 = arith.constant 0 : i32
      %dma_wait3A_123 = arith.constant 0 : i32
      %dma_wait3A_124 = tpu.memref_slice %arg9[%dma_wait3A_122, %dma_wait3A_123] : memref<80x128xi32, #tpu.memory_space<vmem>> -> memref<1x128xi32, #tpu.memory_space<vmem>>
      %dma_wait3A_125 = tpu.memref_squeeze %dma_wait3A_124 : memref<1x128xi32, #tpu.memory_space<vmem>> -> memref<128xi32, #tpu.memory_space<vmem>>
      %dma_wait3A_126 = arith.constant 0 : i32
      %dma_wait3A_127 = arith.constant 0 : i32
      %dma_wait3A_128 = tpu.memref_slice %arg8[%dma_wait3A_126, %dma_wait3A_127] : memref<10240x32xf32, #tpu.memory_space<vmem_shared>> -> memref<10240x32xf32, #tpu.memory_space<vmem_shared>>
      tpu.wait_indirect_dma semaphore(%arg21 : memref<!tpu.dma_semaphore, #tpu.memory_space<semaphore_mem>>) src(%dma_wait3A_128 : memref<10240x32xf32, #tpu.memory_space<vmem_shared>>) dst(%arg17 : memref<128x32xf32, #tpu.memory_space<vmem>>)
      %dma_start3A_129 = arith.constant 0 : i32
      %dma_start3A_130 = tpu.memref_slice %arg10[%add3A_121, %dma_start3A_129] : memref<80x128xi32, #tpu.memory_space<vmem>> -> memref<1x128xi32, #tpu.memory_space<vmem>>
      %dma_start3A_131 = tpu.memref_squeeze %dma_start3A_130 : memref<1x128xi32, #tpu.memory_space<vmem>> -> memref<128xi32, #tpu.memory_space<vmem>>
      %dma_start3A_132 = arith.constant 0 : i32
      %dma_start3A_133 = arith.constant 0 : i32
      %dma_start3A_134 = tpu.memref_slice %arg7[%dma_start3A_132, %dma_start3A_133] : memref<10240x32xf32, #tpu.memory_space<vmem_shared>> -> memref<10240x32xf32, #tpu.memory_space<vmem_shared>>
      tpu.enqueue_indirect_dma source(%arg17 : memref<128x32xf32, #tpu.memory_space<vmem>>) target(%dma_start3A_134 : memref<10240x32xf32, #tpu.memory_space<vmem_shared>>) offsets(%dma_start3A_131 : memref<128xi32, #tpu.memory_space<vmem>>) semaphore(%arg25 : memref<!tpu.dma_semaphore, #tpu.memory_space<semaphore_mem>>) {add = true}
      %add3A_135 = arith.constant 2 : i32
      %add3A_136 = arith.addi %add3A_121, %add3A_135 : i32
      %lt3A_137 = arith.constant 80 : i32
      %lt3A_138 = arith.cmpi slt, %add3A_136, %lt3A_137 : i32
      %convert_element_type3A_139 = arith.extui %lt3A_138 : i1 to i32
      %cond3A_140 = arith.constant 0 : i32
      %cond3A_141 = arith.cmpi ne, %convert_element_type3A_139, %cond3A_140 : i32
      scf.if %cond3A_141 {
        %ge3A = arith.constant 2 : i32
        %ge3A_164 = arith.cmpi sge, %add3A_121, %ge3A : i32
        %convert_element_type3A_165 = arith.extui %ge3A_164 : i1 to i32
        %cond3A_166 = arith.constant 0 : i32
        %cond3A_167 = arith.cmpi ne, %convert_element_type3A_165, %cond3A_166 : i32
        scf.if %cond3A_167 {
          %dma_wait3A_176 = arith.constant 0 : i32
          %dma_wait3A_177 = arith.constant 0 : i32
          %dma_wait3A_178 = tpu.memref_slice %arg10[%dma_wait3A_176, %dma_wait3A_177] : memref<80x128xi32, #tpu.memory_space<vmem>> -> memref<1x128xi32, #tpu.memory_space<vmem>>
          %dma_wait3A_179 = tpu.memref_squeeze %dma_wait3A_178 : memref<1x128xi32, #tpu.memory_space<vmem>> -> memref<128xi32, #tpu.memory_space<vmem>>
          %dma_wait3A_180 = arith.constant 0 : i32
          %dma_wait3A_181 = arith.constant 0 : i32
          %dma_wait3A_182 = tpu.memref_slice %arg7[%dma_wait3A_180, %dma_wait3A_181] : memref<10240x32xf32, #tpu.memory_space<vmem_shared>> -> memref<10240x32xf32, #tpu.memory_space<vmem_shared>>
          tpu.wait_indirect_dma semaphore(%arg23 : memref<!tpu.dma_semaphore, #tpu.memory_space<semaphore_mem>>) src(%arg15 : memref<128x32xf32, #tpu.memory_space<vmem>>) dst(%dma_wait3A_182 : memref<10240x32xf32, #tpu.memory_space<vmem_shared>>)
        } else {
        }
        %add3A_168 = arith.constant 2 : i32
        %add3A_169 = arith.addi %add3A_121, %add3A_168 : i32
        %dma_start3A_170 = arith.constant 0 : i32
        %dma_start3A_171 = tpu.memref_slice %arg9[%add3A_169, %dma_start3A_170] : memref<80x128xi32, #tpu.memory_space<vmem>> -> memref<1x128xi32, #tpu.memory_space<vmem>>
        %dma_start3A_172 = tpu.memref_squeeze %dma_start3A_171 : memref<1x128xi32, #tpu.memory_space<vmem>> -> memref<128xi32, #tpu.memory_space<vmem>>
        %dma_start3A_173 = arith.constant 0 : i32
        %dma_start3A_174 = arith.constant 0 : i32
        %dma_start3A_175 = tpu.memref_slice %arg8[%dma_start3A_173, %dma_start3A_174] : memref<10240x32xf32, #tpu.memory_space<vmem_shared>> -> memref<10240x32xf32, #tpu.memory_space<vmem_shared>>
        tpu.enqueue_indirect_dma source(%dma_start3A_175 : memref<10240x32xf32, #tpu.memory_space<vmem_shared>>) target(%arg15 : memref<128x32xf32, #tpu.memory_space<vmem>>) offsets(%dma_start3A_172 : memref<128xi32, #tpu.memory_space<vmem>>) semaphore(%arg19 : memref<!tpu.dma_semaphore, #tpu.memory_space<semaphore_mem>>)
      } else {
      }
      %add3A_142 = arith.constant 3 : i32
      %add3A_143 = arith.addi %mul3A_76, %add3A_142 : i32
      %dma_wait3A_144 = arith.constant 0 : i32
      %dma_wait3A_145 = arith.constant 0 : i32
      %dma_wait3A_146 = tpu.memref_slice %arg9[%dma_wait3A_144, %dma_wait3A_145] : memref<80x128xi32, #tpu.memory_space<vmem>> -> memref<1x128xi32, #tpu.memory_space<vmem>>
      %dma_wait3A_147 = tpu.memref_squeeze %dma_wait3A_146 : memref<1x128xi32, #tpu.memory_space<vmem>> -> memref<128xi32, #tpu.memory_space<vmem>>
      %dma_wait3A_148 = arith.constant 0 : i32
      %dma_wait3A_149 = arith.constant 0 : i32
      %dma_wait3A_150 = tpu.memref_slice %arg8[%dma_wait3A_148, %dma_wait3A_149] : memref<10240x32xf32, #tpu.memory_space<vmem_shared>> -> memref<10240x32xf32, #tpu.memory_space<vmem_shared>>
      tpu.wait_indirect_dma semaphore(%arg22 : memref<!tpu.dma_semaphore, #tpu.memory_space<semaphore_mem>>) src(%dma_wait3A_150 : memref<10240x32xf32, #tpu.memory_space<vmem_shared>>) dst(%arg18 : memref<128x32xf32, #tpu.memory_space<vmem>>)
      %dma_start3A_151 = arith.constant 0 : i32
      %dma_start3A_152 = tpu.memref_slice %arg10[%add3A_143, %dma_start3A_151] : memref<80x128xi32, #tpu.memory_space<vmem>> -> memref<1x128xi32, #tpu.memory_space<vmem>>
      %dma_start3A_153 = tpu.memref_squeeze %dma_start3A_152 : memref<1x128xi32, #tpu.memory_space<vmem>> -> memref<128xi32, #tpu.memory_space<vmem>>
      %dma_start3A_154 = arith.constant 0 : i32
      %dma_start3A_155 = arith.constant 0 : i32
      %dma_start3A_156 = tpu.memref_slice %arg7[%dma_start3A_154, %dma_start3A_155] : memref<10240x32xf32, #tpu.memory_space<vmem_shared>> -> memref<10240x32xf32, #tpu.memory_space<vmem_shared>>
      tpu.enqueue_indirect_dma source(%arg18 : memref<128x32xf32, #tpu.memory_space<vmem>>) target(%dma_start3A_156 : memref<10240x32xf32, #tpu.memory_space<vmem_shared>>) offsets(%dma_start3A_153 : memref<128xi32, #tpu.memory_space<vmem>>) semaphore(%arg26 : memref<!tpu.dma_semaphore, #tpu.memory_space<semaphore_mem>>) {add = true}
      %add3A_157 = arith.constant 2 : i32
      %add3A_158 = arith.addi %add3A_143, %add3A_157 : i32
      %lt3A_159 = arith.constant 80 : i32
      %lt3A_160 = arith.cmpi slt, %add3A_158, %lt3A_159 : i32
      %convert_element_type3A_161 = arith.extui %lt3A_160 : i1 to i32
      %cond3A_162 = arith.constant 0 : i32
      %cond3A_163 = arith.cmpi ne, %convert_element_type3A_161, %cond3A_162 : i32
      scf.if %cond3A_163 {
        %ge3A = arith.constant 2 : i32
        %ge3A_164 = arith.cmpi sge, %add3A_143, %ge3A : i32
        %convert_element_type3A_165 = arith.extui %ge3A_164 : i1 to i32
        %cond3A_166 = arith.constant 0 : i32
        %cond3A_167 = arith.cmpi ne, %convert_element_type3A_165, %cond3A_166 : i32
        scf.if %cond3A_167 {
          %dma_wait3A_176 = arith.constant 0 : i32
          %dma_wait3A_177 = arith.constant 0 : i32
          %dma_wait3A_178 = tpu.memref_slice %arg10[%dma_wait3A_176, %dma_wait3A_177] : memref<80x128xi32, #tpu.memory_space<vmem>> -> memref<1x128xi32, #tpu.memory_space<vmem>>
          %dma_wait3A_179 = tpu.memref_squeeze %dma_wait3A_178 : memref<1x128xi32, #tpu.memory_space<vmem>> -> memref<128xi32, #tpu.memory_space<vmem>>
          %dma_wait3A_180 = arith.constant 0 : i32
          %dma_wait3A_181 = arith.constant 0 : i32
          %dma_wait3A_182 = tpu.memref_slice %arg7[%dma_wait3A_180, %dma_wait3A_181] : memref<10240x32xf32, #tpu.memory_space<vmem_shared>> -> memref<10240x32xf32, #tpu.memory_space<vmem_shared>>
          tpu.wait_indirect_dma semaphore(%arg24 : memref<!tpu.dma_semaphore, #tpu.memory_space<semaphore_mem>>) src(%arg16 : memref<128x32xf32, #tpu.memory_space<vmem>>) dst(%dma_wait3A_182 : memref<10240x32xf32, #tpu.memory_space<vmem_shared>>)
        } else {
        }
        %add3A_168 = arith.constant 2 : i32
        %add3A_169 = arith.addi %add3A_143, %add3A_168 : i32
        %dma_start3A_170 = arith.constant 0 : i32
        %dma_start3A_171 = tpu.memref_slice %arg9[%add3A_169, %dma_start3A_170] : memref<80x128xi32, #tpu.memory_space<vmem>> -> memref<1x128xi32, #tpu.memory_space<vmem>>
        %dma_start3A_172 = tpu.memref_squeeze %dma_start3A_171 : memref<1x128xi32, #tpu.memory_space<vmem>> -> memref<128xi32, #tpu.memory_space<vmem>>
        %dma_start3A_173 = arith.constant 0 : i32
        %dma_start3A_174 = arith.constant 0 : i32
        %dma_start3A_175 = tpu.memref_slice %arg8[%dma_start3A_173, %dma_start3A_174] : memref<10240x32xf32, #tpu.memory_space<vmem_shared>> -> memref<10240x32xf32, #tpu.memory_space<vmem_shared>>
        tpu.enqueue_indirect_dma source(%dma_start3A_175 : memref<10240x32xf32, #tpu.memory_space<vmem_shared>>) target(%arg16 : memref<128x32xf32, #tpu.memory_space<vmem>>) offsets(%dma_start3A_172 : memref<128xi32, #tpu.memory_space<vmem>>) semaphore(%arg20 : memref<!tpu.dma_semaphore, #tpu.memory_space<semaphore_mem>>)
      } else {
      }
    }
    %scan3A_40 = arith.constant 20 : i32
    %dma_wait3A = arith.constant 0 : i32
    %dma_wait3A_41 = arith.constant 0 : i32
    %dma_wait3A_42 = tpu.memref_slice %arg10[%dma_wait3A, %dma_wait3A_41] : memref<80x128xi32, #tpu.memory_space<vmem>> -> memref<1x128xi32, #tpu.memory_space<vmem>>
    %dma_wait3A_43 = tpu.memref_squeeze %dma_wait3A_42 : memref<1x128xi32, #tpu.memory_space<vmem>> -> memref<128xi32, #tpu.memory_space<vmem>>
    %dma_wait3A_44 = arith.constant 0 : i32
    %dma_wait3A_45 = arith.constant 0 : i32
    %dma_wait3A_46 = tpu.memref_slice %arg7[%dma_wait3A_44, %dma_wait3A_45] : memref<10240x32xf32, #tpu.memory_space<vmem_shared>> -> memref<10240x32xf32, #tpu.memory_space<vmem_shared>>
    tpu.wait_indirect_dma semaphore(%arg23 : memref<!tpu.dma_semaphore, #tpu.memory_space<semaphore_mem>>) src(%arg15 : memref<128x32xf32, #tpu.memory_space<vmem>>) dst(%dma_wait3A_46 : memref<10240x32xf32, #tpu.memory_space<vmem_shared>>)
    %dma_wait3A_47 = arith.constant 0 : i32
    %dma_wait3A_48 = arith.constant 0 : i32
    %dma_wait3A_49 = tpu.memref_slice %arg10[%dma_wait3A_47, %dma_wait3A_48] : memref<80x128xi32, #tpu.memory_space<vmem>> -> memref<1x128xi32, #tpu.memory_space<vmem>>
    %dma_wait3A_50 = tpu.memref_squeeze %dma_wait3A_49 : memref<1x128xi32, #tpu.memory_space<vmem>> -> memref<128xi32, #tpu.memory_space<vmem>>
    %dma_wait3A_51 = arith.constant 0 : i32
    %dma_wait3A_52 = arith.constant 0 : i32
    %dma_wait3A_53 = tpu.memref_slice %arg7[%dma_wait3A_51, %dma_wait3A_52] : memref<10240x32xf32, #tpu.memory_space<vmem_shared>> -> memref<10240x32xf32, #tpu.memory_space<vmem_shared>>
    tpu.wait_indirect_dma semaphore(%arg24 : memref<!tpu.dma_semaphore, #tpu.memory_space<semaphore_mem>>) src(%arg16 : memref<128x32xf32, #tpu.memory_space<vmem>>) dst(%dma_wait3A_53 : memref<10240x32xf32, #tpu.memory_space<vmem_shared>>)
    %dma_wait3A_54 = arith.constant 0 : i32
    %dma_wait3A_55 = arith.constant 0 : i32
    %dma_wait3A_56 = tpu.memref_slice %arg10[%dma_wait3A_54, %dma_wait3A_55] : memref<80x128xi32, #tpu.memory_space<vmem>> -> memref<1x128xi32, #tpu.memory_space<vmem>>
    %dma_wait3A_57 = tpu.memref_squeeze %dma_wait3A_56 : memref<1x128xi32, #tpu.memory_space<vmem>> -> memref<128xi32, #tpu.memory_space<vmem>>
    %dma_wait3A_58 = arith.constant 0 : i32
    %dma_wait3A_59 = arith.constant 0 : i32
    %dma_wait3A_60 = tpu.memref_slice %arg7[%dma_wait3A_58, %dma_wait3A_59] : memref<10240x32xf32, #tpu.memory_space<vmem_shared>> -> memref<10240x32xf32, #tpu.memory_space<vmem_shared>>
    tpu.wait_indirect_dma semaphore(%arg25 : memref<!tpu.dma_semaphore, #tpu.memory_space<semaphore_mem>>) src(%arg17 : memref<128x32xf32, #tpu.memory_space<vmem>>) dst(%dma_wait3A_60 : memref<10240x32xf32, #tpu.memory_space<vmem_shared>>)
    %dma_wait3A_61 = arith.constant 0 : i32
    %dma_wait3A_62 = arith.constant 0 : i32
    %dma_wait3A_63 = tpu.memref_slice %arg10[%dma_wait3A_61, %dma_wait3A_62] : memref<80x128xi32, #tpu.memory_space<vmem>> -> memref<1x128xi32, #tpu.memory_space<vmem>>
    %dma_wait3A_64 = tpu.memref_squeeze %dma_wait3A_63 : memref<1x128xi32, #tpu.memory_space<vmem>> -> memref<128xi32, #tpu.memory_space<vmem>>
    %dma_wait3A_65 = arith.constant 0 : i32
    %dma_wait3A_66 = arith.constant 0 : i32
    %dma_wait3A_67 = tpu.memref_slice %arg7[%dma_wait3A_65, %dma_wait3A_66] : memref<10240x32xf32, #tpu.memory_space<vmem_shared>> -> memref<10240x32xf32, #tpu.memory_space<vmem_shared>>
    tpu.wait_indirect_dma semaphore(%arg26 : memref<!tpu.dma_semaphore, #tpu.memory_space<semaphore_mem>>) src(%arg18 : memref<128x32xf32, #tpu.memory_space<vmem>>) dst(%dma_wait3A_67 : memref<10240x32xf32, #tpu.memory_space<vmem_shared>>)
    %barrier3A_68 = arith.constant 0 : index
    tpu.barrier barrier_id(%barrier3A_68)
    "tpu.region"() ({
      %run_scoped3A_74 = tpu.sem_alloc : memref<!tpu.dma_semaphore, #tpu.memory_space<semaphore_mem>>
      %dma_start3A_75 = arith.constant 0 : i32
      %dma_start3A_76 = tpu.memref_slice %arg7[%mul3A_2, %dma_start3A_75] : memref<10240x32xf32, #tpu.memory_space<vmem_shared>> -> memref<640x32xf32, #tpu.memory_space<vmem_shared>>
      %dma_start3A_77 = arith.constant 0 : i32
      %dma_start3A_78 = tpu.memref_slice %arg7[%mul3A_2, %dma_start3A_77] : memref<10240x32xf32, #tpu.memory_space<vmem_shared>> -> memref<640x32xf32, #tpu.memory_space<vmem_shared>>
      tpu.enqueue_dma source(%dma_start3A_78 : memref<640x32xf32, #tpu.memory_space<vmem_shared>>) target(%arg11 : memref<640x32xf32, #tpu.memory_space<vmem>>) target_semaphore(%run_scoped3A_74 : memref<!tpu.dma_semaphore, #tpu.memory_space<semaphore_mem>>)
      %dma_wait3A_79 = arith.constant 0 : i32
      %dma_wait3A_80 = tpu.memref_slice %arg7[%mul3A_2, %dma_wait3A_79] : memref<10240x32xf32, #tpu.memory_space<vmem_shared>> -> memref<640x32xf32, #tpu.memory_space<vmem_shared>>
      %dma_wait3A_81 = arith.constant 0 : i32
      %dma_wait3A_82 = tpu.memref_slice %arg7[%mul3A_2, %dma_wait3A_81] : memref<10240x32xf32, #tpu.memory_space<vmem_shared>> -> memref<640x32xf32, #tpu.memory_space<vmem_shared>>
      tpu.wait_dma2 semaphore(%run_scoped3A_74 : memref<!tpu.dma_semaphore, #tpu.memory_space<semaphore_mem>>) src(%dma_wait3A_82 : memref<640x32xf32, #tpu.memory_space<vmem_shared>>) dst(%arg11 : memref<640x32xf32, #tpu.memory_space<vmem>>)
      tpu.yield
    }) : () -> ()
    %scan3A_69 = arith.constant 0 : i32
    %scan3A_70 = arith.constant 40 : i32
    %scan3A_71 = arith.addi %scan3A_69, %scan3A_70 : i32
    %scan3A_72 = arith.constant 1 : i32
    scf.for %scan3A_74 = %scan3A_69 to %scan3A_71 step %scan3A_72  : i32 {
      %mul3A_75 = arith.constant 16 : i32
      %mul3A_76 = arith.muli %scan3A_74, %mul3A_75 : i32
      %get3A = arith.index_cast %mul3A_76 : i32 to index
      %get3A_77 = tpu.vector_load %arg12[%get3A] {strides = array<i32>} : memref<640xf32, #tpu.memory_space<vmem>>, vector<16xf32>,
      %slice3A = vector.extract_strided_slice %get3A_77 {offsets = [0], sizes = [1], strides = [1]} : vector<16xf32> to vector<1xf32>
      %squeeze3A = vector.extract %slice3A[0] : f32 from vector<1xf32>
      %add3A_78 = arith.constant 0 : i32
      %add3A_79 = arith.addi %mul3A_76, %add3A_78 : i32
      %get3A_80 = arith.index_cast %add3A_79 : i32 to index
      %get3A_81 = arith.constant 0 : index
      %get3A_82 = tpu.vector_load %arg11[%get3A_80, %get3A_81] {strides = array<i32>} : memref<640x32xf32, #tpu.memory_space<vmem>>, vector<16xf32>,
      %mul3A_83 = vector.broadcast %squeeze3A : f32 to vector<16xf32>
      %mul3A_84 = arith.mulf %get3A_82, %mul3A_83 : vector<16xf32>
      %add3A_85 = arith.constant 0 : i32
      %add3A_86 = arith.addi %mul3A_76, %add3A_85 : i32
      %swap3A = arith.index_cast %add3A_86 : i32 to index
      %swap3A_87 = arith.constant 0 : index
      %swap3A_88 = tpu.vector_load %arg11[%swap3A, %swap3A_87] {strides = array<i32>} : memref<640x32xf32, #tpu.memory_space<vmem>>, vector<16xf32>,
      tpu.vector_store %arg11[%swap3A, %swap3A_87], %mul3A_84 {strides = array<i32>} : memref<640x32xf32, #tpu.memory_space<vmem>>, vector<16xf32>,
      %add3A_89 = arith.constant 0 : i32
      %add3A_90 = arith.addi %mul3A_76, %add3A_89 : i32
      %get3A_91 = arith.index_cast %add3A_90 : i32 to index
      %get3A_92 = arith.constant 16 : index
      %get3A_93 = tpu.vector_load %arg11[%get3A_91, %get3A_92] {strides = array<i32>} : memref<640x32xf32, #tpu.memory_space<vmem>>, vector<16xf32>,
      %mul3A_94 = vector.broadcast %squeeze3A : f32 to vector<16xf32>
      %mul3A_95 = arith.mulf %get3A_93, %mul3A_94 : vector<16xf32>
      %add3A_96 = arith.constant 0 : i32
      %add3A_97 = arith.addi %mul3A_76, %add3A_96 : i32
      %swap3A_98 = arith.index_cast %add3A_97 : i32 to index
      %swap3A_99 = arith.constant 16 : index
      %swap3A_100 = tpu.vector_load %arg11[%swap3A_98, %swap3A_99] {strides = array<i32>} : memref<640x32xf32, #tpu.memory_space<vmem>>, vector<16xf32>,
      tpu.vector_store %arg11[%swap3A_98, %swap3A_99], %mul3A_95 {strides = array<i32>} : memref<640x32xf32, #tpu.memory_space<vmem>>, vector<16xf32>,
      %slice3A_101 = vector.extract_strided_slice %get3A_77 {offsets = [1], sizes = [1], strides = [1]} : vector<16xf32> to vector<1xf32>
      %squeeze3A_102 = vector.extract %slice3A_101[0] : f32 from vector<1xf32>
      %add3A_103 = arith.constant 1 : i32
      %add3A_104 = arith.addi %mul3A_76, %add3A_103 : i32
      %get3A_105 = arith.index_cast %add3A_104 : i32 to index
      %get3A_106 = arith.constant 0 : index
      %get3A_107 = tpu.vector_load %arg11[%get3A_105, %get3A_106] {strides = array<i32>} : memref<640x32xf32, #tpu.memory_space<vmem>>, vector<16xf32>,
      %mul3A_108 = vector.broadcast %squeeze3A_102 : f32 to vector<16xf32>
      %mul3A_109 = arith.mulf %get3A_107, %mul3A_108 : vector<16xf32>
      %add3A_110 = arith.constant 1 : i32
      %add3A_111 = arith.addi %mul3A_76, %add3A_110 : i32
      %swap3A_112 = arith.index_cast %add3A_111 : i32 to index
      %swap3A_113 = arith.constant 0 : index
      %swap3A_114 = tpu.vector_load %arg11[%swap3A_112, %swap3A_113] {strides = array<i32>} : memref<640x32xf32, #tpu.memory_space<vmem>>, vector<16xf32>,
      tpu.vector_store %arg11[%swap3A_112, %swap3A_113], %mul3A_109 {strides = array<i32>} : memref<640x32xf32, #tpu.memory_space<vmem>>, vector<16xf32>,
      %add3A_115 = arith.constant 1 : i32
      %add3A_116 = arith.addi %mul3A_76, %add3A_115 : i32
      %get3A_117 = arith.index_cast %add3A_116 : i32 to index
      %get3A_118 = arith.constant 16 : index
      %get3A_119 = tpu.vector_load %arg11[%get3A_117, %get3A_118] {strides = array<i32>} : memref<640x32xf32, #tpu.memory_space<vmem>>, vector<16xf32>,
      %mul3A_120 = vector.broadcast %squeeze3A_102 : f32 to vector<16xf32>
      %mul3A_121 = arith.mulf %get3A_119, %mul3A_120 : vector<16xf32>
      %add3A_122 = arith.constant 1 : i32
      %add3A_123 = arith.addi %mul3A_76, %add3A_122 : i32
      %swap3A_124 = arith.index_cast %add3A_123 : i32 to index
      %swap3A_125 = arith.constant 16 : index
      %swap3A_126 = tpu.vector_load %arg11[%swap3A_124, %swap3A_125] {strides = array<i32>} : memref<640x32xf32, #tpu.memory_space<vmem>>, vector<16xf32>,
      tpu.vector_store %arg11[%swap3A_124, %swap3A_125], %mul3A_121 {strides = array<i32>} : memref<640x32xf32, #tpu.memory_space<vmem>>, vector<16xf32>,
      %slice3A_127 = vector.extract_strided_slice %get3A_77 {offsets = [2], sizes = [1], strides = [1]} : vector<16xf32> to vector<1xf32>
      %squeeze3A_128 = vector.extract %slice3A_127[0] : f32 from vector<1xf32>
      %add3A_129 = arith.constant 2 : i32
      %add3A_130 = arith.addi %mul3A_76, %add3A_129 : i32
      %get3A_131 = arith.index_cast %add3A_130 : i32 to index
      %get3A_132 = arith.constant 0 : index
      %get3A_133 = tpu.vector_load %arg11[%get3A_131, %get3A_132] {strides = array<i32>} : memref<640x32xf32, #tpu.memory_space<vmem>>, vector<16xf32>,
      %mul3A_134 = vector.broadcast %squeeze3A_128 : f32 to vector<16xf32>
      %mul3A_135 = arith.mulf %get3A_133, %mul3A_134 : vector<16xf32>
      %add3A_136 = arith.constant 2 : i32
      %add3A_137 = arith.addi %mul3A_76, %add3A_136 : i32
      %swap3A_138 = arith.index_cast %add3A_137 : i32 to index
      %swap3A_139 = arith.constant 0 : index
      %swap3A_140 = tpu.vector_load %arg11[%swap3A_138, %swap3A_139] {strides = array<i32>} : memref<640x32xf32, #tpu.memory_space<vmem>>, vector<16xf32>,
      tpu.vector_store %arg11[%swap3A_138, %swap3A_139], %mul3A_135 {strides = array<i32>} : memref<640x32xf32, #tpu.memory_space<vmem>>, vector<16xf32>,
      %add3A_141 = arith.constant 2 : i32
      %add3A_142 = arith.addi %mul3A_76, %add3A_141 : i32
      %get3A_143 = arith.index_cast %add3A_142 : i32 to index
      %get3A_144 = arith.constant 16 : index
      %get3A_145 = tpu.vector_load %arg11[%get3A_143, %get3A_144] {strides = array<i32>} : memref<640x32xf32, #tpu.memory_space<vmem>>, vector<16xf32>,
      %mul3A_146 = vector.broadcast %squeeze3A_128 : f32 to vector<16xf32>
      %mul3A_147 = arith.mulf %get3A_145, %mul3A_146 : vector<16xf32>
      %add3A_148 = arith.constant 2 : i32
      %add3A_149 = arith.addi %mul3A_76, %add3A_148 : i32
      %swap3A_150 = arith.index_cast %add3A_149 : i32 to index
      %swap3A_151 = arith.constant 16 : index
      %swap3A_152 = tpu.vector_load %arg11[%swap3A_150, %swap3A_151] {strides = array<i32>} : memref<640x32xf32, #tpu.memory_space<vmem>>, vector<16xf32>,
      tpu.vector_store %arg11[%swap3A_150, %swap3A_151], %mul3A_147 {strides = array<i32>} : memref<640x32xf32, #tpu.memory_space<vmem>>, vector<16xf32>,
      %slice3A_153 = vector.extract_strided_slice %get3A_77 {offsets = [3], sizes = [1], strides = [1]} : vector<16xf32> to vector<1xf32>
      %squeeze3A_154 = vector.extract %slice3A_153[0] : f32 from vector<1xf32>
      %add3A_155 = arith.constant 3 : i32
      %add3A_156 = arith.addi %mul3A_76, %add3A_155 : i32
      %get3A_157 = arith.index_cast %add3A_156 : i32 to index
      %get3A_158 = arith.constant 0 : index
      %get3A_159 = tpu.vector_load %arg11[%get3A_157, %get3A_158] {strides = array<i32>} : memref<640x32xf32, #tpu.memory_space<vmem>>, vector<16xf32>,
      %mul3A_160 = vector.broadcast %squeeze3A_154 : f32 to vector<16xf32>
      %mul3A_161 = arith.mulf %get3A_159, %mul3A_160 : vector<16xf32>
      %add3A_162 = arith.constant 3 : i32
      %add3A_163 = arith.addi %mul3A_76, %add3A_162 : i32
      %swap3A_164 = arith.index_cast %add3A_163 : i32 to index
      %swap3A_165 = arith.constant 0 : index
      %swap3A_166 = tpu.vector_load %arg11[%swap3A_164, %swap3A_165] {strides = array<i32>} : memref<640x32xf32, #tpu.memory_space<vmem>>, vector<16xf32>,
      tpu.vector_store %arg11[%swap3A_164, %swap3A_165], %mul3A_161 {strides = array<i32>} : memref<640x32xf32, #tpu.memory_space<vmem>>, vector<16xf32>,
      %add3A_167 = arith.constant 3 : i32
      %add3A_168 = arith.addi %mul3A_76, %add3A_167 : i32
      %get3A_169 = arith.index_cast %add3A_168 : i32 to index
      %get3A_170 = arith.constant 16 : index
      %get3A_171 = tpu.vector_load %arg11[%get3A_169, %get3A_170] {strides = array<i32>} : memref<640x32xf32, #tpu.memory_space<vmem>>, vector<16xf32>,
      %mul3A_172 = vector.broadcast %squeeze3A_154 : f32 to vector<16xf32>
      %mul3A_173 = arith.mulf %get3A_171, %mul3A_172 : vector<16xf32>
      %add3A_174 = arith.constant 3 : i32
      %add3A_175 = arith.addi %mul3A_76, %add3A_174 : i32
      %swap3A_176 = arith.index_cast %add3A_175 : i32 to index
      %swap3A_177 = arith.constant 16 : index
      %swap3A_178 = tpu.vector_load %arg11[%swap3A_176, %swap3A_177] {strides = array<i32>} : memref<640x32xf32, #tpu.memory_space<vmem>>, vector<16xf32>,
      tpu.vector_store %arg11[%swap3A_176, %swap3A_177], %mul3A_173 {strides = array<i32>} : memref<640x32xf32, #tpu.memory_space<vmem>>, vector<16xf32>,
      %slice3A_179 = vector.extract_strided_slice %get3A_77 {offsets = [4], sizes = [1], strides = [1]} : vector<16xf32> to vector<1xf32>
      %squeeze3A_180 = vector.extract %slice3A_179[0] : f32 from vector<1xf32>
      %add3A_181 = arith.constant 4 : i32
      %add3A_182 = arith.addi %mul3A_76, %add3A_181 : i32
      %get3A_183 = arith.index_cast %add3A_182 : i32 to index
      %get3A_184 = arith.constant 0 : index
      %get3A_185 = tpu.vector_load %arg11[%get3A_183, %get3A_184] {strides = array<i32>} : memref<640x32xf32, #tpu.memory_space<vmem>>, vector<16xf32>,
      %mul3A_186 = vector.broadcast %squeeze3A_180 : f32 to vector<16xf32>
      %mul3A_187 = arith.mulf %get3A_185, %mul3A_186 : vector<16xf32>
      %add3A_188 = arith.constant 4 : i32
      %add3A_189 = arith.addi %mul3A_76, %add3A_188 : i32
      %swap3A_190 = arith.index_cast %add3A_189 : i32 to index
      %swap3A_191 = arith.constant 0 : index
      %swap3A_192 = tpu.vector_load %arg11[%swap3A_190, %swap3A_191] {strides = array<i32>} : memref<640x32xf32, #tpu.memory_space<vmem>>, vector<16xf32>,
      tpu.vector_store %arg11[%swap3A_190, %swap3A_191], %mul3A_187 {strides = array<i32>} : memref<640x32xf32, #tpu.memory_space<vmem>>, vector<16xf32>,
      %add3A_193 = arith.constant 4 : i32
      %add3A_194 = arith.addi %mul3A_76, %add3A_193 : i32
      %get3A_195 = arith.index_cast %add3A_194 : i32 to index
      %get3A_196 = arith.constant 16 : index
      %get3A_197 = tpu.vector_load %arg11[%get3A_195, %get3A_196] {strides = array<i32>} : memref<640x32xf32, #tpu.memory_space<vmem>>, vector<16xf32>,
      %mul3A_198 = vector.broadcast %squeeze3A_180 : f32 to vector<16xf32>
      %mul3A_199 = arith.mulf %get3A_197, %mul3A_198 : vector<16xf32>
      %add3A_200 = arith.constant 4 : i32
      %add3A_201 = arith.addi %mul3A_76, %add3A_200 : i32
      %swap3A_202 = arith.index_cast %add3A_201 : i32 to index
      %swap3A_203 = arith.constant 16 : index
      %swap3A_204 = tpu.vector_load %arg11[%swap3A_202, %swap3A_203] {strides = array<i32>} : memref<640x32xf32, #tpu.memory_space<vmem>>, vector<16xf32>,
      tpu.vector_store %arg11[%swap3A_202, %swap3A_203], %mul3A_199 {strides = array<i32>} : memref<640x32xf32, #tpu.memory_space<vmem>>, vector<16xf32>,
      %slice3A_205 = vector.extract_strided_slice %get3A_77 {offsets = [5], sizes = [1], strides = [1]} : vector<16xf32> to vector<1xf32>
      %squeeze3A_206 = vector.extract %slice3A_205[0] : f32 from vector<1xf32>
      %add3A_207 = arith.constant 5 : i32
      %add3A_208 = arith.addi %mul3A_76, %add3A_207 : i32
      %get3A_209 = arith.index_cast %add3A_208 : i32 to index
      %get3A_210 = arith.constant 0 : index
      %get3A_211 = tpu.vector_load %arg11[%get3A_209, %get3A_210] {strides = array<i32>} : memref<640x32xf32, #tpu.memory_space<vmem>>, vector<16xf32>,
      %mul3A_212 = vector.broadcast %squeeze3A_206 : f32 to vector<16xf32>
      %mul3A_213 = arith.mulf %get3A_211, %mul3A_212 : vector<16xf32>
      %add3A_214 = arith.constant 5 : i32
      %add3A_215 = arith.addi %mul3A_76, %add3A_214 : i32
      %swap3A_216 = arith.index_cast %add3A_215 : i32 to index
      %swap3A_217 = arith.constant 0 : index
      %swap3A_218 = tpu.vector_load %arg11[%swap3A_216, %swap3A_217] {strides = array<i32>} : memref<640x32xf32, #tpu.memory_space<vmem>>, vector<16xf32>,
      tpu.vector_store %arg11[%swap3A_216, %swap3A_217], %mul3A_213 {strides = array<i32>} : memref<640x32xf32, #tpu.memory_space<vmem>>, vector<16xf32>,
      %add3A_219 = arith.constant 5 : i32
      %add3A_220 = arith.addi %mul3A_76, %add3A_219 : i32
      %get3A_221 = arith.index_cast %add3A_220 : i32 to index
      %get3A_222 = arith.constant 16 : index
      %get3A_223 = tpu.vector_load %arg11[%get3A_221, %get3A_222] {strides = array<i32>} : memref<640x32xf32, #tpu.memory_space<vmem>>, vector<16xf32>,
      %mul3A_224 = vector.broadcast %squeeze3A_206 : f32 to vector<16xf32>
      %mul3A_225 = arith.mulf %get3A_223, %mul3A_224 : vector<16xf32>
      %add3A_226 = arith.constant 5 : i32
      %add3A_227 = arith.addi %mul3A_76, %add3A_226 : i32
      %swap3A_228 = arith.index_cast %add3A_227 : i32 to index
      %swap3A_229 = arith.constant 16 : index
      %swap3A_230 = tpu.vector_load %arg11[%swap3A_228, %swap3A_229] {strides = array<i32>} : memref<640x32xf32, #tpu.memory_space<vmem>>, vector<16xf32>,
      tpu.vector_store %arg11[%swap3A_228, %swap3A_229], %mul3A_225 {strides = array<i32>} : memref<640x32xf32, #tpu.memory_space<vmem>>, vector<16xf32>,
      %slice3A_231 = vector.extract_strided_slice %get3A_77 {offsets = [6], sizes = [1], strides = [1]} : vector<16xf32> to vector<1xf32>
      %squeeze3A_232 = vector.extract %slice3A_231[0] : f32 from vector<1xf32>
      %add3A_233 = arith.constant 6 : i32
      %add3A_234 = arith.addi %mul3A_76, %add3A_233 : i32
      %get3A_235 = arith.index_cast %add3A_234 : i32 to index
      %get3A_236 = arith.constant 0 : index
      %get3A_237 = tpu.vector_load %arg11[%get3A_235, %get3A_236] {strides = array<i32>} : memref<640x32xf32, #tpu.memory_space<vmem>>, vector<16xf32>,
      %mul3A_238 = vector.broadcast %squeeze3A_232 : f32 to vector<16xf32>
      %mul3A_239 = arith.mulf %get3A_237, %mul3A_238 : vector<16xf32>
      %add3A_240 = arith.constant 6 : i32
      %add3A_241 = arith.addi %mul3A_76, %add3A_240 : i32
      %swap3A_242 = arith.index_cast %add3A_241 : i32 to index
      %swap3A_243 = arith.constant 0 : index
      %swap3A_244 = tpu.vector_load %arg11[%swap3A_242, %swap3A_243] {strides = array<i32>} : memref<640x32xf32, #tpu.memory_space<vmem>>, vector<16xf32>,
      tpu.vector_store %arg11[%swap3A_242, %swap3A_243], %mul3A_239 {strides = array<i32>} : memref<640x32xf32, #tpu.memory_space<vmem>>, vector<16xf32>,
      %add3A_245 = arith.constant 6 : i32
      %add3A_246 = arith.addi %mul3A_76, %add3A_245 : i32
      %get3A_247 = arith.index_cast %add3A_246 : i32 to index
      %get3A_248 = arith.constant 16 : index
      %get3A_249 = tpu.vector_load %arg11[%get3A_247, %get3A_248] {strides = array<i32>} : memref<640x32xf32, #tpu.memory_space<vmem>>, vector<16xf32>,
      %mul3A_250 = vector.broadcast %squeeze3A_232 : f32 to vector<16xf32>
      %mul3A_251 = arith.mulf %get3A_249, %mul3A_250 : vector<16xf32>
      %add3A_252 = arith.constant 6 : i32
      %add3A_253 = arith.addi %mul3A_76, %add3A_252 : i32
      %swap3A_254 = arith.index_cast %add3A_253 : i32 to index
      %swap3A_255 = arith.constant 16 : index
      %swap3A_256 = tpu.vector_load %arg11[%swap3A_254, %swap3A_255] {strides = array<i32>} : memref<640x32xf32, #tpu.memory_space<vmem>>, vector<16xf32>,
      tpu.vector_store %arg11[%swap3A_254, %swap3A_255], %mul3A_251 {strides = array<i32>} : memref<640x32xf32, #tpu.memory_space<vmem>>, vector<16xf32>,
      %slice3A_257 = vector.extract_strided_slice %get3A_77 {offsets = [7], sizes = [1], strides = [1]} : vector<16xf32> to vector<1xf32>
      %squeeze3A_258 = vector.extract %slice3A_257[0] : f32 from vector<1xf32>
      %add3A_259 = arith.constant 7 : i32
      %add3A_260 = arith.addi %mul3A_76, %add3A_259 : i32
      %get3A_261 = arith.index_cast %add3A_260 : i32 to index
      %get3A_262 = arith.constant 0 : index
      %get3A_263 = tpu.vector_load %arg11[%get3A_261, %get3A_262] {strides = array<i32>} : memref<640x32xf32, #tpu.memory_space<vmem>>, vector<16xf32>,
      %mul3A_264 = vector.broadcast %squeeze3A_258 : f32 to vector<16xf32>
      %mul3A_265 = arith.mulf %get3A_263, %mul3A_264 : vector<16xf32>
      %add3A_266 = arith.constant 7 : i32
      %add3A_267 = arith.addi %mul3A_76, %add3A_266 : i32
      %swap3A_268 = arith.index_cast %add3A_267 : i32 to index
      %swap3A_269 = arith.constant 0 : index
      %swap3A_270 = tpu.vector_load %arg11[%swap3A_268, %swap3A_269] {strides = array<i32>} : memref<640x32xf32, #tpu.memory_space<vmem>>, vector<16xf32>,
      tpu.vector_store %arg11[%swap3A_268, %swap3A_269], %mul3A_265 {strides = array<i32>} : memref<640x32xf32, #tpu.memory_space<vmem>>, vector<16xf32>,
      %add3A_271 = arith.constant 7 : i32
      %add3A_272 = arith.addi %mul3A_76, %add3A_271 : i32
      %get3A_273 = arith.index_cast %add3A_272 : i32 to index
      %get3A_274 = arith.constant 16 : index
      %get3A_275 = tpu.vector_load %arg11[%get3A_273, %get3A_274] {strides = array<i32>} : memref<640x32xf32, #tpu.memory_space<vmem>>, vector<16xf32>,
      %mul3A_276 = vector.broadcast %squeeze3A_258 : f32 to vector<16xf32>
      %mul3A_277 = arith.mulf %get3A_275, %mul3A_276 : vector<16xf32>
      %add3A_278 = arith.constant 7 : i32
      %add3A_279 = arith.addi %mul3A_76, %add3A_278 : i32
      %swap3A_280 = arith.index_cast %add3A_279 : i32 to index
      %swap3A_281 = arith.constant 16 : index
      %swap3A_282 = tpu.vector_load %arg11[%swap3A_280, %swap3A_281] {strides = array<i32>} : memref<640x32xf32, #tpu.memory_space<vmem>>, vector<16xf32>,
      tpu.vector_store %arg11[%swap3A_280, %swap3A_281], %mul3A_277 {strides = array<i32>} : memref<640x32xf32, #tpu.memory_space<vmem>>, vector<16xf32>,
      %slice3A_283 = vector.extract_strided_slice %get3A_77 {offsets = [8], sizes = [1], strides = [1]} : vector<16xf32> to vector<1xf32>
      %squeeze3A_284 = vector.extract %slice3A_283[0] : f32 from vector<1xf32>
      %add3A_285 = arith.constant 8 : i32
      %add3A_286 = arith.addi %mul3A_76, %add3A_285 : i32
      %get3A_287 = arith.index_cast %add3A_286 : i32 to index
      %get3A_288 = arith.constant 0 : index
      %get3A_289 = tpu.vector_load %arg11[%get3A_287, %get3A_288] {strides = array<i32>} : memref<640x32xf32, #tpu.memory_space<vmem>>, vector<16xf32>,
      %mul3A_290 = vector.broadcast %squeeze3A_284 : f32 to vector<16xf32>
      %mul3A_291 = arith.mulf %get3A_289, %mul3A_290 : vector<16xf32>
      %add3A_292 = arith.constant 8 : i32
      %add3A_293 = arith.addi %mul3A_76, %add3A_292 : i32
      %swap3A_294 = arith.index_cast %add3A_293 : i32 to index
      %swap3A_295 = arith.constant 0 : index
      %swap3A_296 = tpu.vector_load %arg11[%swap3A_294, %swap3A_295] {strides = array<i32>} : memref<640x32xf32, #tpu.memory_space<vmem>>, vector<16xf32>,
      tpu.vector_store %arg11[%swap3A_294, %swap3A_295], %mul3A_291 {strides = array<i32>} : memref<640x32xf32, #tpu.memory_space<vmem>>, vector<16xf32>,
      %add3A_297 = arith.constant 8 : i32
      %add3A_298 = arith.addi %mul3A_76, %add3A_297 : i32
      %get3A_299 = arith.index_cast %add3A_298 : i32 to index
      %get3A_300 = arith.constant 16 : index
      %get3A_301 = tpu.vector_load %arg11[%get3A_299, %get3A_300] {strides = array<i32>} : memref<640x32xf32, #tpu.memory_space<vmem>>, vector<16xf32>,
      %mul3A_302 = vector.broadcast %squeeze3A_284 : f32 to vector<16xf32>
      %mul3A_303 = arith.mulf %get3A_301, %mul3A_302 : vector<16xf32>
      %add3A_304 = arith.constant 8 : i32
      %add3A_305 = arith.addi %mul3A_76, %add3A_304 : i32
      %swap3A_306 = arith.index_cast %add3A_305 : i32 to index
      %swap3A_307 = arith.constant 16 : index
      %swap3A_308 = tpu.vector_load %arg11[%swap3A_306, %swap3A_307] {strides = array<i32>} : memref<640x32xf32, #tpu.memory_space<vmem>>, vector<16xf32>,
      tpu.vector_store %arg11[%swap3A_306, %swap3A_307], %mul3A_303 {strides = array<i32>} : memref<640x32xf32, #tpu.memory_space<vmem>>, vector<16xf32>,
      %slice3A_309 = vector.extract_strided_slice %get3A_77 {offsets = [9], sizes = [1], strides = [1]} : vector<16xf32> to vector<1xf32>
      %squeeze3A_310 = vector.extract %slice3A_309[0] : f32 from vector<1xf32>
      %add3A_311 = arith.constant 9 : i32
      %add3A_312 = arith.addi %mul3A_76, %add3A_311 : i32
      %get3A_313 = arith.index_cast %add3A_312 : i32 to index
      %get3A_314 = arith.constant 0 : index
      %get3A_315 = tpu.vector_load %arg11[%get3A_313, %get3A_314] {strides = array<i32>} : memref<640x32xf32, #tpu.memory_space<vmem>>, vector<16xf32>,
      %mul3A_316 = vector.broadcast %squeeze3A_310 : f32 to vector<16xf32>
      %mul3A_317 = arith.mulf %get3A_315, %mul3A_316 : vector<16xf32>
      %add3A_318 = arith.constant 9 : i32
      %add3A_319 = arith.addi %mul3A_76, %add3A_318 : i32
      %swap3A_320 = arith.index_cast %add3A_319 : i32 to index
      %swap3A_321 = arith.constant 0 : index
      %swap3A_322 = tpu.vector_load %arg11[%swap3A_320, %swap3A_321] {strides = array<i32>} : memref<640x32xf32, #tpu.memory_space<vmem>>, vector<16xf32>,
      tpu.vector_store %arg11[%swap3A_320, %swap3A_321], %mul3A_317 {strides = array<i32>} : memref<640x32xf32, #tpu.memory_space<vmem>>, vector<16xf32>,
      %add3A_323 = arith.constant 9 : i32
      %add3A_324 = arith.addi %mul3A_76, %add3A_323 : i32
      %get3A_325 = arith.index_cast %add3A_324 : i32 to index
      %get3A_326 = arith.constant 16 : index
      %get3A_327 = tpu.vector_load %arg11[%get3A_325, %get3A_326] {strides = array<i32>} : memref<640x32xf32, #tpu.memory_space<vmem>>, vector<16xf32>,
      %mul3A_328 = vector.broadcast %squeeze3A_310 : f32 to vector<16xf32>
      %mul3A_329 = arith.mulf %get3A_327, %mul3A_328 : vector<16xf32>
      %add3A_330 = arith.constant 9 : i32
      %add3A_331 = arith.addi %mul3A_76, %add3A_330 : i32
      %swap3A_332 = arith.index_cast %add3A_331 : i32 to index
      %swap3A_333 = arith.constant 16 : index
      %swap3A_334 = tpu.vector_load %arg11[%swap3A_332, %swap3A_333] {strides = array<i32>} : memref<640x32xf32, #tpu.memory_space<vmem>>, vector<16xf32>,
      tpu.vector_store %arg11[%swap3A_332, %swap3A_333], %mul3A_329 {strides = array<i32>} : memref<640x32xf32, #tpu.memory_space<vmem>>, vector<16xf32>,
      %slice3A_335 = vector.extract_strided_slice %get3A_77 {offsets = [10], sizes = [1], strides = [1]} : vector<16xf32> to vector<1xf32>
      %squeeze3A_336 = vector.extract %slice3A_335[0] : f32 from vector<1xf32>
      %add3A_337 = arith.constant 10 : i32
      %add3A_338 = arith.addi %mul3A_76, %add3A_337 : i32
      %get3A_339 = arith.index_cast %add3A_338 : i32 to index
      %get3A_340 = arith.constant 0 : index
      %get3A_341 = tpu.vector_load %arg11[%get3A_339, %get3A_340] {strides = array<i32>} : memref<640x32xf32, #tpu.memory_space<vmem>>, vector<16xf32>,
      %mul3A_342 = vector.broadcast %squeeze3A_336 : f32 to vector<16xf32>
      %mul3A_343 = arith.mulf %get3A_341, %mul3A_342 : vector<16xf32>
      %add3A_344 = arith.constant 10 : i32
      %add3A_345 = arith.addi %mul3A_76, %add3A_344 : i32
      %swap3A_346 = arith.index_cast %add3A_345 : i32 to index
      %swap3A_347 = arith.constant 0 : index
      %swap3A_348 = tpu.vector_load %arg11[%swap3A_346, %swap3A_347] {strides = array<i32>} : memref<640x32xf32, #tpu.memory_space<vmem>>, vector<16xf32>,
      tpu.vector_store %arg11[%swap3A_346, %swap3A_347], %mul3A_343 {strides = array<i32>} : memref<640x32xf32, #tpu.memory_space<vmem>>, vector<16xf32>,
      %add3A_349 = arith.constant 10 : i32
      %add3A_350 = arith.addi %mul3A_76, %add3A_349 : i32
      %get3A_351 = arith.index_cast %add3A_350 : i32 to index
      %get3A_352 = arith.constant 16 : index
      %get3A_353 = tpu.vector_load %arg11[%get3A_351, %get3A_352] {strides = array<i32>} : memref<640x32xf32, #tpu.memory_space<vmem>>, vector<16xf32>,
      %mul3A_354 = vector.broadcast %squeeze3A_336 : f32 to vector<16xf32>
      %mul3A_355 = arith.mulf %get3A_353, %mul3A_354 : vector<16xf32>
      %add3A_356 = arith.constant 10 : i32
      %add3A_357 = arith.addi %mul3A_76, %add3A_356 : i32
      %swap3A_358 = arith.index_cast %add3A_357 : i32 to index
      %swap3A_359 = arith.constant 16 : index
      %swap3A_360 = tpu.vector_load %arg11[%swap3A_358, %swap3A_359] {strides = array<i32>} : memref<640x32xf32, #tpu.memory_space<vmem>>, vector<16xf32>,
      tpu.vector_store %arg11[%swap3A_358, %swap3A_359], %mul3A_355 {strides = array<i32>} : memref<640x32xf32, #tpu.memory_space<vmem>>, vector<16xf32>,
      %slice3A_361 = vector.extract_strided_slice %get3A_77 {offsets = [11], sizes = [1], strides = [1]} : vector<16xf32> to vector<1xf32>
      %squeeze3A_362 = vector.extract %slice3A_361[0] : f32 from vector<1xf32>
      %add3A_363 = arith.constant 11 : i32
      %add3A_364 = arith.addi %mul3A_76, %add3A_363 : i32
      %get3A_365 = arith.index_cast %add3A_364 : i32 to index
      %get3A_366 = arith.constant 0 : index
      %get3A_367 = tpu.vector_load %arg11[%get3A_365, %get3A_366] {strides = array<i32>} : memref<640x32xf32, #tpu.memory_space<vmem>>, vector<16xf32>,
      %mul3A_368 = vector.broadcast %squeeze3A_362 : f32 to vector<16xf32>
      %mul3A_369 = arith.mulf %get3A_367, %mul3A_368 : vector<16xf32>
      %add3A_370 = arith.constant 11 : i32
      %add3A_371 = arith.addi %mul3A_76, %add3A_370 : i32
      %swap3A_372 = arith.index_cast %add3A_371 : i32 to index
      %swap3A_373 = arith.constant 0 : index
      %swap3A_374 = tpu.vector_load %arg11[%swap3A_372, %swap3A_373] {strides = array<i32>} : memref<640x32xf32, #tpu.memory_space<vmem>>, vector<16xf32>,
      tpu.vector_store %arg11[%swap3A_372, %swap3A_373], %mul3A_369 {strides = array<i32>} : memref<640x32xf32, #tpu.memory_space<vmem>>, vector<16xf32>,
      %add3A_375 = arith.constant 11 : i32
      %add3A_376 = arith.addi %mul3A_76, %add3A_375 : i32
      %get3A_377 = arith.index_cast %add3A_376 : i32 to index
      %get3A_378 = arith.constant 16 : index
      %get3A_379 = tpu.vector_load %arg11[%get3A_377, %get3A_378] {strides = array<i32>} : memref<640x32xf32, #tpu.memory_space<vmem>>, vector<16xf32>,
      %mul3A_380 = vector.broadcast %squeeze3A_362 : f32 to vector<16xf32>
      %mul3A_381 = arith.mulf %get3A_379, %mul3A_380 : vector<16xf32>
      %add3A_382 = arith.constant 11 : i32
      %add3A_383 = arith.addi %mul3A_76, %add3A_382 : i32
      %swap3A_384 = arith.index_cast %add3A_383 : i32 to index
      %swap3A_385 = arith.constant 16 : index
      %swap3A_386 = tpu.vector_load %arg11[%swap3A_384, %swap3A_385] {strides = array<i32>} : memref<640x32xf32, #tpu.memory_space<vmem>>, vector<16xf32>,
      tpu.vector_store %arg11[%swap3A_384, %swap3A_385], %mul3A_381 {strides = array<i32>} : memref<640x32xf32, #tpu.memory_space<vmem>>, vector<16xf32>,
      %slice3A_387 = vector.extract_strided_slice %get3A_77 {offsets = [12], sizes = [1], strides = [1]} : vector<16xf32> to vector<1xf32>
      %squeeze3A_388 = vector.extract %slice3A_387[0] : f32 from vector<1xf32>
      %add3A_389 = arith.constant 12 : i32
      %add3A_390 = arith.addi %mul3A_76, %add3A_389 : i32
      %get3A_391 = arith.index_cast %add3A_390 : i32 to index
      %get3A_392 = arith.constant 0 : index
      %get3A_393 = tpu.vector_load %arg11[%get3A_391, %get3A_392] {strides = array<i32>} : memref<640x32xf32, #tpu.memory_space<vmem>>, vector<16xf32>,
      %mul3A_394 = vector.broadcast %squeeze3A_388 : f32 to vector<16xf32>
      %mul3A_395 = arith.mulf %get3A_393, %mul3A_394 : vector<16xf32>
      %add3A_396 = arith.constant 12 : i32
      %add3A_397 = arith.addi %mul3A_76, %add3A_396 : i32
      %swap3A_398 = arith.index_cast %add3A_397 : i32 to index
      %swap3A_399 = arith.constant 0 : index
      %swap3A_400 = tpu.vector_load %arg11[%swap3A_398, %swap3A_399] {strides = array<i32>} : memref<640x32xf32, #tpu.memory_space<vmem>>, vector<16xf32>,
      tpu.vector_store %arg11[%swap3A_398, %swap3A_399], %mul3A_395 {strides = array<i32>} : memref<640x32xf32, #tpu.memory_space<vmem>>, vector<16xf32>,
      %add3A_401 = arith.constant 12 : i32
      %add3A_402 = arith.addi %mul3A_76, %add3A_401 : i32
      %get3A_403 = arith.index_cast %add3A_402 : i32 to index
      %get3A_404 = arith.constant 16 : index
      %get3A_405 = tpu.vector_load %arg11[%get3A_403, %get3A_404] {strides = array<i32>} : memref<640x32xf32, #tpu.memory_space<vmem>>, vector<16xf32>,
      %mul3A_406 = vector.broadcast %squeeze3A_388 : f32 to vector<16xf32>
      %mul3A_407 = arith.mulf %get3A_405, %mul3A_406 : vector<16xf32>
      %add3A_408 = arith.constant 12 : i32
      %add3A_409 = arith.addi %mul3A_76, %add3A_408 : i32
      %swap3A_410 = arith.index_cast %add3A_409 : i32 to index
      %swap3A_411 = arith.constant 16 : index
      %swap3A_412 = tpu.vector_load %arg11[%swap3A_410, %swap3A_411] {strides = array<i32>} : memref<640x32xf32, #tpu.memory_space<vmem>>, vector<16xf32>,
      tpu.vector_store %arg11[%swap3A_410, %swap3A_411], %mul3A_407 {strides = array<i32>} : memref<640x32xf32, #tpu.memory_space<vmem>>, vector<16xf32>,
      %slice3A_413 = vector.extract_strided_slice %get3A_77 {offsets = [13], sizes = [1], strides = [1]} : vector<16xf32> to vector<1xf32>
      %squeeze3A_414 = vector.extract %slice3A_413[0] : f32 from vector<1xf32>
      %add3A_415 = arith.constant 13 : i32
      %add3A_416 = arith.addi %mul3A_76, %add3A_415 : i32
      %get3A_417 = arith.index_cast %add3A_416 : i32 to index
      %get3A_418 = arith.constant 0 : index
      %get3A_419 = tpu.vector_load %arg11[%get3A_417, %get3A_418] {strides = array<i32>} : memref<640x32xf32, #tpu.memory_space<vmem>>, vector<16xf32>,
      %mul3A_420 = vector.broadcast %squeeze3A_414 : f32 to vector<16xf32>
      %mul3A_421 = arith.mulf %get3A_419, %mul3A_420 : vector<16xf32>
      %add3A_422 = arith.constant 13 : i32
      %add3A_423 = arith.addi %mul3A_76, %add3A_422 : i32
      %swap3A_424 = arith.index_cast %add3A_423 : i32 to index
      %swap3A_425 = arith.constant 0 : index
      %swap3A_426 = tpu.vector_load %arg11[%swap3A_424, %swap3A_425] {strides = array<i32>} : memref<640x32xf32, #tpu.memory_space<vmem>>, vector<16xf32>,
      tpu.vector_store %arg11[%swap3A_424, %swap3A_425], %mul3A_421 {strides = array<i32>} : memref<640x32xf32, #tpu.memory_space<vmem>>, vector<16xf32>,
      %add3A_427 = arith.constant 13 : i32
      %add3A_428 = arith.addi %mul3A_76, %add3A_427 : i32
      %get3A_429 = arith.index_cast %add3A_428 : i32 to index
      %get3A_430 = arith.constant 16 : index
      %get3A_431 = tpu.vector_load %arg11[%get3A_429, %get3A_430] {strides = array<i32>} : memref<640x32xf32, #tpu.memory_space<vmem>>, vector<16xf32>,
      %mul3A_432 = vector.broadcast %squeeze3A_414 : f32 to vector<16xf32>
      %mul3A_433 = arith.mulf %get3A_431, %mul3A_432 : vector<16xf32>
      %add3A_434 = arith.constant 13 : i32
      %add3A_435 = arith.addi %mul3A_76, %add3A_434 : i32
      %swap3A_436 = arith.index_cast %add3A_435 : i32 to index
      %swap3A_437 = arith.constant 16 : index
      %swap3A_438 = tpu.vector_load %arg11[%swap3A_436, %swap3A_437] {strides = array<i32>} : memref<640x32xf32, #tpu.memory_space<vmem>>, vector<16xf32>,
      tpu.vector_store %arg11[%swap3A_436, %swap3A_437], %mul3A_433 {strides = array<i32>} : memref<640x32xf32, #tpu.memory_space<vmem>>, vector<16xf32>,
      %slice3A_439 = vector.extract_strided_slice %get3A_77 {offsets = [14], sizes = [1], strides = [1]} : vector<16xf32> to vector<1xf32>
      %squeeze3A_440 = vector.extract %slice3A_439[0] : f32 from vector<1xf32>
      %add3A_441 = arith.constant 14 : i32
      %add3A_442 = arith.addi %mul3A_76, %add3A_441 : i32
      %get3A_443 = arith.index_cast %add3A_442 : i32 to index
      %get3A_444 = arith.constant 0 : index
      %get3A_445 = tpu.vector_load %arg11[%get3A_443, %get3A_444] {strides = array<i32>} : memref<640x32xf32, #tpu.memory_space<vmem>>, vector<16xf32>,
      %mul3A_446 = vector.broadcast %squeeze3A_440 : f32 to vector<16xf32>
      %mul3A_447 = arith.mulf %get3A_445, %mul3A_446 : vector<16xf32>
      %add3A_448 = arith.constant 14 : i32
      %add3A_449 = arith.addi %mul3A_76, %add3A_448 : i32
      %swap3A_450 = arith.index_cast %add3A_449 : i32 to index
      %swap3A_451 = arith.constant 0 : index
      %swap3A_452 = tpu.vector_load %arg11[%swap3A_450, %swap3A_451] {strides = array<i32>} : memref<640x32xf32, #tpu.memory_space<vmem>>, vector<16xf32>,
      tpu.vector_store %arg11[%swap3A_450, %swap3A_451], %mul3A_447 {strides = array<i32>} : memref<640x32xf32, #tpu.memory_space<vmem>>, vector<16xf32>,
      %add3A_453 = arith.constant 14 : i32
      %add3A_454 = arith.addi %mul3A_76, %add3A_453 : i32
      %get3A_455 = arith.index_cast %add3A_454 : i32 to index
      %get3A_456 = arith.constant 16 : index
      %get3A_457 = tpu.vector_load %arg11[%get3A_455, %get3A_456] {strides = array<i32>} : memref<640x32xf32, #tpu.memory_space<vmem>>, vector<16xf32>,
      %mul3A_458 = vector.broadcast %squeeze3A_440 : f32 to vector<16xf32>
      %mul3A_459 = arith.mulf %get3A_457, %mul3A_458 : vector<16xf32>
      %add3A_460 = arith.constant 14 : i32
      %add3A_461 = arith.addi %mul3A_76, %add3A_460 : i32
      %swap3A_462 = arith.index_cast %add3A_461 : i32 to index
      %swap3A_463 = arith.constant 16 : index
      %swap3A_464 = tpu.vector_load %arg11[%swap3A_462, %swap3A_463] {strides = array<i32>} : memref<640x32xf32, #tpu.memory_space<vmem>>, vector<16xf32>,
      tpu.vector_store %arg11[%swap3A_462, %swap3A_463], %mul3A_459 {strides = array<i32>} : memref<640x32xf32, #tpu.memory_space<vmem>>, vector<16xf32>,
      %slice3A_465 = vector.extract_strided_slice %get3A_77 {offsets = [15], sizes = [1], strides = [1]} : vector<16xf32> to vector<1xf32>
      %squeeze3A_466 = vector.extract %slice3A_465[0] : f32 from vector<1xf32>
      %add3A_467 = arith.constant 15 : i32
      %add3A_468 = arith.addi %mul3A_76, %add3A_467 : i32
      %get3A_469 = arith.index_cast %add3A_468 : i32 to index
      %get3A_470 = arith.constant 0 : index
      %get3A_471 = tpu.vector_load %arg11[%get3A_469, %get3A_470] {strides = array<i32>} : memref<640x32xf32, #tpu.memory_space<vmem>>, vector<16xf32>,
      %mul3A_472 = vector.broadcast %squeeze3A_466 : f32 to vector<16xf32>
      %mul3A_473 = arith.mulf %get3A_471, %mul3A_472 : vector<16xf32>
      %add3A_474 = arith.constant 15 : i32
      %add3A_475 = arith.addi %mul3A_76, %add3A_474 : i32
      %swap3A_476 = arith.index_cast %add3A_475 : i32 to index
      %swap3A_477 = arith.constant 0 : index
      %swap3A_478 = tpu.vector_load %arg11[%swap3A_476, %swap3A_477] {strides = array<i32>} : memref<640x32xf32, #tpu.memory_space<vmem>>, vector<16xf32>,
      tpu.vector_store %arg11[%swap3A_476, %swap3A_477], %mul3A_473 {strides = array<i32>} : memref<640x32xf32, #tpu.memory_space<vmem>>, vector<16xf32>,
      %add3A_479 = arith.constant 15 : i32
      %add3A_480 = arith.addi %mul3A_76, %add3A_479 : i32
      %get3A_481 = arith.index_cast %add3A_480 : i32 to index
      %get3A_482 = arith.constant 16 : index
      %get3A_483 = tpu.vector_load %arg11[%get3A_481, %get3A_482] {strides = array<i32>} : memref<640x32xf32, #tpu.memory_space<vmem>>, vector<16xf32>,
      %mul3A_484 = vector.broadcast %squeeze3A_466 : f32 to vector<16xf32>
      %mul3A_485 = arith.mulf %get3A_483, %mul3A_484 : vector<16xf32>
      %add3A_486 = arith.constant 15 : i32
      %add3A_487 = arith.addi %mul3A_76, %add3A_486 : i32
      %swap3A_488 = arith.index_cast %add3A_487 : i32 to index
      %swap3A_489 = arith.constant 16 : index
      %swap3A_490 = tpu.vector_load %arg11[%swap3A_488, %swap3A_489] {strides = array<i32>} : memref<640x32xf32, #tpu.memory_space<vmem>>, vector<16xf32>,
      tpu.vector_store %arg11[%swap3A_488, %swap3A_489], %mul3A_485 {strides = array<i32>} : memref<640x32xf32, #tpu.memory_space<vmem>>, vector<16xf32>,
    }
    %scan3A_73 = arith.constant 40 : i32
    "tpu.region"() ({
      %run_scoped3A_74 = tpu.sem_alloc : memref<!tpu.dma_semaphore, #tpu.memory_space<semaphore_mem>>
      %dma_start3A_75 = arith.constant 0 : i32
      %dma_start3A_76 = tpu.memref_slice %arg6[%arg0, %mul3A_2, %dma_start3A_75] : memref<2x10240x32xf32, #tpu.memory_space<hbm>> -> memref<1x640x32xf32, #tpu.memory_space<hbm>>
      %dma_start3A_77 = tpu.memref_squeeze %dma_start3A_76 : memref<1x640x32xf32, #tpu.memory_space<hbm>> -> memref<640x32xf32, #tpu.memory_space<hbm>>
      %dma_start3A_78 = arith.constant 0 : i32
      %dma_start3A_79 = tpu.memref_slice %arg6[%arg0, %mul3A_2, %dma_start3A_78] : memref<2x10240x32xf32, #tpu.memory_space<hbm>> -> memref<1x640x32xf32, #tpu.memory_space<hbm>>
      %dma_start3A_80 = tpu.memref_squeeze %dma_start3A_79 : memref<1x640x32xf32, #tpu.memory_space<hbm>> -> memref<640x32xf32, #tpu.memory_space<hbm>>
      tpu.enqueue_dma source(%arg11 : memref<640x32xf32, #tpu.memory_space<vmem>>) target(%dma_start3A_80 : memref<640x32xf32, #tpu.memory_space<hbm>>) target_semaphore(%run_scoped3A_74 : memref<!tpu.dma_semaphore, #tpu.memory_space<semaphore_mem>>)
      %dma_wait3A_81 = arith.constant 0 : i32
      %dma_wait3A_82 = tpu.memref_slice %arg6[%arg0, %mul3A_2, %dma_wait3A_81] : memref<2x10240x32xf32, #tpu.memory_space<hbm>> -> memref<1x640x32xf32, #tpu.memory_space<hbm>>
      %dma_wait3A_83 = tpu.memref_squeeze %dma_wait3A_82 : memref<1x640x32xf32, #tpu.memory_space<hbm>> -> memref<640x32xf32, #tpu.memory_space<hbm>>
      %dma_wait3A_84 = arith.constant 0 : i32
      %dma_wait3A_85 = tpu.memref_slice %arg6[%arg0, %mul3A_2, %dma_wait3A_84] : memref<2x10240x32xf32, #tpu.memory_space<hbm>> -> memref<1x640x32xf32, #tpu.memory_space<hbm>>
      %dma_wait3A_86 = tpu.memref_squeeze %dma_wait3A_85 : memref<1x640x32xf32, #tpu.memory_space<hbm>> -> memref<640x32xf32, #tpu.memory_space<hbm>>
      tpu.wait_dma2 semaphore(%run_scoped3A_74 : memref<!tpu.dma_semaphore, #tpu.memory_space<semaphore_mem>>) src(%arg11 : memref<640x32xf32, #tpu.memory_space<vmem>>) dst(%dma_wait3A_86 : memref<640x32xf32, #tpu.memory_space<hbm>>)
      tpu.yield
    }) : () -> ()
    return
  }
}

module attributes {stable_mosaic.version = 14 : i64} {
  func.func @_tc0_body(%arg0: memref<2560x512xf32, #tpu.memory_space<vmem>>, %arg1: memref<512x128xf32, #tpu.memory_space<vmem>>, %arg2: memref<2560x128xf32, #tpu.memory_space<vmem>>) attributes {dimension_semantics = [], scalar_prefetch = 0 : i64, scratch_operands = 0 : i64, tpu.core_type = #tpu.core_type<tc>} {
    %get3A = arith.constant 0 : index
    %get3A_0 = arith.constant 0 : index
    %get3A_1 = vector.load %arg0[%get3A, %get3A_0] : memref<2560x512xf32, #tpu.memory_space<vmem>>, vector<2560x512xf32>
    %get3A_2 = arith.constant 0 : index
    %get3A_3 = arith.constant 0 : index
    %get3A_4 = vector.load %arg1[%get3A_2, %get3A_3] : memref<512x128xf32, #tpu.memory_space<vmem>>, vector<512x128xf32>
    %dot_general3A = arith.constant dense<0.000000e+00> : vector<2560x128xf32>
    %dot_general3A_5 = tpu.matmul %get3A_1, %get3A_4, %dot_general3A {dimension_numbers = #tpu.dot_dimension_numbers<[1], [0], [0], [1], [0, 0, 1, 1], [], []>, transpose_lhs_hint = false} : vector<2560x512xf32>, vector<512x128xf32>, vector<2560x128xf32> -> vector<2560x128xf32>
    %swap3A = arith.constant 0 : index
    %swap3A_6 = arith.constant 0 : index
    %swap3A_7 = vector.load %arg2[%swap3A, %swap3A_6] : memref<2560x128xf32, #tpu.memory_space<vmem>>, vector<2560x128xf32>
    tpu.vector_store %arg2[%swap3A, %swap3A_6], %dot_general3A_5 {strides = array<i32>} : memref<2560x128xf32, #tpu.memory_space<vmem>>, vector<2560x128xf32>,
    return
  }
}

module attributes {stable_mosaic.version = 14 : i64} {
  func.func @_tc_out_body(%arg0: memref<2x2560x128xf32, #tpu.memory_space<vmem>>, %arg1: memref<1x128xf32, #tpu.memory_space<vmem>>, %arg2: memref<128x128xf32, #tpu.memory_space<vmem>>, %arg3: memref<1x128xf32, #tpu.memory_space<vmem>>, %arg4: memref<128x128xf32, #tpu.memory_space<vmem>>, %arg5: memref<2560x128xf32, #tpu.memory_space<vmem>>) attributes {dimension_semantics = [], scalar_prefetch = 0 : i64, scratch_operands = 0 : i64, tpu.core_type = #tpu.core_type<tc>} {
    %get3A = arith.constant 0 : index
    %get3A_0 = arith.constant 0 : index
    %get3A_1 = arith.constant 0 : index
    %get3A_2 = vector.load %arg0[%get3A, %get3A_0, %get3A_1] : memref<2x2560x128xf32, #tpu.memory_space<vmem>>, vector<1x2560x128xf32>
    %get3A_3 = vector.shape_cast %get3A_2 : vector<1x2560x128xf32> to vector<2560x128xf32>
    %get3A_4 = arith.constant 1 : index
    %get3A_5 = arith.constant 0 : index
    %get3A_6 = arith.constant 0 : index
    %get3A_7 = vector.load %arg0[%get3A_4, %get3A_5, %get3A_6] : memref<2x2560x128xf32, #tpu.memory_space<vmem>>, vector<1x2560x128xf32>
    %get3A_8 = vector.shape_cast %get3A_7 : vector<1x2560x128xf32> to vector<2560x128xf32>
    %add3A = arith.addf %get3A_3, %get3A_8 : vector<2560x128xf32>
    %get3A_9 = arith.constant 0 : index
    %get3A_10 = arith.constant 0 : index
    %get3A_11 = vector.load %arg1[%get3A_9, %get3A_10] : memref<1x128xf32, #tpu.memory_space<vmem>>, vector<1x128xf32>
    %add3A_12 = vector.broadcast %get3A_11 : vector<1x128xf32> to vector<2560x128xf32>
    %add3A_13 = arith.addf %add3A, %add3A_12 : vector<2560x128xf32>
    %max3A = arith.constant 0.000000e+00 : f32
    %max3A_14 = vector.broadcast %max3A : f32 to vector<2560x128xf32>
    %max3A_15 = arith.maximumf %add3A_13, %max3A_14 : vector<2560x128xf32>
    %get3A_16 = arith.constant 0 : index
    %get3A_17 = arith.constant 0 : index
    %get3A_18 = vector.load %arg2[%get3A_16, %get3A_17] : memref<128x128xf32, #tpu.memory_space<vmem>>, vector<128x128xf32>
    %dot_general3A = arith.constant dense<0.000000e+00> : vector<2560x128xf32>
    %dot_general3A_19 = tpu.matmul %max3A_15, %get3A_18, %dot_general3A {dimension_numbers = #tpu.dot_dimension_numbers<[1], [0], [0], [1], [0, 0, 1, 1], [], []>, transpose_lhs_hint = false} : vector<2560x128xf32>, vector<128x128xf32>, vector<2560x128xf32> -> vector<2560x128xf32>
    %get3A_20 = arith.constant 0 : index
    %get3A_21 = arith.constant 0 : index
    %get3A_22 = vector.load %arg3[%get3A_20, %get3A_21] : memref<1x128xf32, #tpu.memory_space<vmem>>, vector<1x128xf32>
    %add3A_23 = vector.broadcast %get3A_22 : vector<1x128xf32> to vector<2560x128xf32>
    %add3A_24 = arith.addf %dot_general3A_19, %add3A_23 : vector<2560x128xf32>
    %exp3A = math.exp %add3A_24 : vector<2560x128xf32>
    %get3A_25 = arith.constant 0 : index
    %get3A_26 = arith.constant 0 : index
    %get3A_27 = vector.load %arg4[%get3A_25, %get3A_26] : memref<128x128xf32, #tpu.memory_space<vmem>>, vector<128x128xf32>
    %dot_general3A_28 = arith.constant dense<0.000000e+00> : vector<2560x128xf32>
    %dot_general3A_29 = tpu.matmul %exp3A, %get3A_27, %dot_general3A_28 {dimension_numbers = #tpu.dot_dimension_numbers<[1], [0], [0], [1], [0, 0, 1, 1], [], []>, transpose_lhs_hint = false} : vector<2560x128xf32>, vector<128x128xf32>, vector<2560x128xf32> -> vector<2560x128xf32>
    %div3A = arith.divf %exp3A, %dot_general3A_29 : vector<2560x128xf32>
    %swap3A = arith.constant 0 : index
    %swap3A_30 = arith.constant 0 : index
    %swap3A_31 = vector.load %arg5[%swap3A, %swap3A_30] : memref<2560x128xf32, #tpu.memory_space<vmem>>, vector<2560x128xf32>
    tpu.vector_store %arg5[%swap3A, %swap3A_30], %div3A {strides = array<i32>} : memref<2560x128xf32, #tpu.memory_space<vmem>>, vector<2560x128xf32>,
    return
  }
}

module attributes {stable_mosaic.version = 14 : i64} {
  func.func @_tc_mid_body(%arg0: memref<2x2560x128xf32, #tpu.memory_space<vmem>>, %arg1: memref<1x128xf32, #tpu.memory_space<vmem>>, %arg2: memref<128x128xf32, #tpu.memory_space<vmem>>, %arg3: memref<2560x128xf32, #tpu.memory_space<vmem>>) attributes {dimension_semantics = [], scalar_prefetch = 0 : i64, scratch_operands = 0 : i64, tpu.core_type = #tpu.core_type<tc>} {
    %get3A = arith.constant 0 : index
    %get3A_0 = arith.constant 0 : index
    %get3A_1 = arith.constant 0 : index
    %get3A_2 = vector.load %arg0[%get3A, %get3A_0, %get3A_1] : memref<2x2560x128xf32, #tpu.memory_space<vmem>>, vector<1x2560x128xf32>
    %get3A_3 = vector.shape_cast %get3A_2 : vector<1x2560x128xf32> to vector<2560x128xf32>
    %get3A_4 = arith.constant 1 : index
    %get3A_5 = arith.constant 0 : index
    %get3A_6 = arith.constant 0 : index
    %get3A_7 = vector.load %arg0[%get3A_4, %get3A_5, %get3A_6] : memref<2x2560x128xf32, #tpu.memory_space<vmem>>, vector<1x2560x128xf32>
    %get3A_8 = vector.shape_cast %get3A_7 : vector<1x2560x128xf32> to vector<2560x128xf32>
    %add3A = arith.addf %get3A_3, %get3A_8 : vector<2560x128xf32>
    %get3A_9 = arith.constant 0 : index
    %get3A_10 = arith.constant 0 : index
    %get3A_11 = vector.load %arg1[%get3A_9, %get3A_10] : memref<1x128xf32, #tpu.memory_space<vmem>>, vector<1x128xf32>
    %add3A_12 = vector.broadcast %get3A_11 : vector<1x128xf32> to vector<2560x128xf32>
    %add3A_13 = arith.addf %add3A, %add3A_12 : vector<2560x128xf32>
    %max3A = arith.constant 0.000000e+00 : f32
    %max3A_14 = vector.broadcast %max3A : f32 to vector<2560x128xf32>
    %max3A_15 = arith.maximumf %add3A_13, %max3A_14 : vector<2560x128xf32>
    %get3A_16 = arith.constant 0 : index
    %get3A_17 = arith.constant 0 : index
    %get3A_18 = vector.load %arg2[%get3A_16, %get3A_17] : memref<128x128xf32, #tpu.memory_space<vmem>>, vector<128x128xf32>
    %dot_general3A = arith.constant dense<0.000000e+00> : vector<2560x128xf32>
    %dot_general3A_19 = tpu.matmul %max3A_15, %get3A_18, %dot_general3A {dimension_numbers = #tpu.dot_dimension_numbers<[1], [0], [0], [1], [0, 0, 1, 1], [], []>, transpose_lhs_hint = false} : vector<2560x128xf32>, vector<128x128xf32>, vector<2560x128xf32> -> vector<2560x128xf32>
    %swap3A = arith.constant 0 : index
    %swap3A_20 = arith.constant 0 : index
    %swap3A_21 = vector.load %arg3[%swap3A, %swap3A_20] : memref<2560x128xf32, #tpu.memory_space<vmem>>, vector<2560x128xf32>
    tpu.vector_store %arg3[%swap3A, %swap3A_20], %dot_general3A_19 {strides = array<i32>} : memref<2560x128xf32, #tpu.memory_space<vmem>>, vector<2560x128xf32>,
    %broadcast_in_dim3A = arith.constant 0.000000e+00 : f32
    %broadcast_in_dim3A_22 = vector.broadcast %broadcast_in_dim3A : f32 to vector<60x128xf32>
    %swap3A_23 = arith.constant 2500 : index
    %swap3A_24 = arith.constant 0 : index
    %swap3A_25 = vector.load %arg3[%swap3A_23, %swap3A_24] : memref<2560x128xf32, #tpu.memory_space<vmem>>, vector<60x128xf32>
    tpu.vector_store %arg3[%swap3A_23, %swap3A_24], %broadcast_in_dim3A_22 {strides = array<i32>} : memref<2560x128xf32, #tpu.memory_space<vmem>>, vector<60x128xf32>,
    return
  }
}

</mosaic_0001>

<sc_bundles>
// kernel: kernel.11.cloned.1.call-start
scs
__scs_entry_jumppad:
0x0: {  	(pc) =	sbr.rel $0x88, $3  }
0x1: {  	(tag) =	ssettag $0x0;
	lr =	simm.s32 $0x1  }
0x2: {  	[smem:$0x3F99] =	sst lr;
	_ =	strace $0xD0000000  }
0x3: {  	_ = 	snop  }
0x4: {  	_ = 	snop  }
0x5: {  	_ = 	snop  }
0x6: {  	_ = 	snop  }
0x7: {  	_ = 	snop  }
__scs_overlays_trampoline_lowered:
0x8: {  	[smem:$0x3FA8] =	sst s0  }
0x9: {  	[smem:$0x3FA9] =	sst s1  }
0xa: {  	[smem:$0x3FAA] =	sst s2  }
0xb: {  	[smem:$0x3FAB] =	sst s3  }
0xc: {  	[smem:$0x3FAC] =	sst s4  }
0xd: {  	[smem:$0x3FAD] =	sst s5  }
0xe: {  	[smem:$0x3FAE] =	sst s6  }
0xf: {  	[smem:$0x3FAF] =	sst s7  }
0x10: {  	[smem:$0x3FB0] =	sst s8  }
0x11: {  	[smem:$0x3FB1] =	sst s9;
	s0 =	simm.s32 @!p0 $0x0  }
0x12: {  	s1 =	sld [smem:$0x3F97];
	s0 =	simm.s32 @p0 $0x1  }
0x13: {  	[smem:$0x3FB2] =	sst s0;
	s0 =	simm.s32 @!p1 $0x0  }
0x14: {  	s2 =	sld [smem:$0x3F96];
	s0 =	simm.s32 @p1 $0x1  }
0x15: {  	[smem:$0x3FB3] =	sst s0;
	s0 =	simm.s32 @!p2 $0x0  }
0x16: {  	s3 =	sld [smem:$0x3FDB];
	s0 =	simm.s32 @p2 $0x1  }
0x17: {  	s4 =	simm.s32 $0x1BF5;
	[smem:$0x3FB5] =	sst s0  }
0x18: {  	s0 =	sld [smem:$0x3F98];
	_ =	swait.ge [sflag:s4], $0x0  }
0x19: {  	s7 =	sld [smem:$0x3F99]  }
0x1a: {  	s8 =	sadd.s32 $0xFFFFE003, lr  }
0x1b: {  	s9 =	sadd.s32 $0xFFFFFEF7, lr;
	s5 =	simm.s32 $0xFFFFFFFF;
	p2 =	slt.u32 s8, $0xFFFFF086  }
0x1c: {  	p1 =	slt.u32 s9, $0xF7A;
	s5 =	simm.s32 @!p2 $0x0  }
0x1d: {  	s5 =	simm.s32 @p1 $0x1;
	p0 =	seq.s32 s7, s2  }
0x1e: {  	s7 =	smul.u32 @!p0 $0xF7A, s2;
	p2 =	seq.s32 @!p0 s5, $0x0  }
0x1f: {  	s9 =	smul.u32 $0xF7A, s1;
	s8 =	simm.s32 @!p0 $0x1BF5;
	p2 =	por !p2, p0  }
0x20: {  	[sflag:s8] =	ssyncset.s32 @!p0 $0xFFFFF086;
	s6 =	sadd.s32 @!p0 s3, s7;
	s7 =	simm.s32 @!p0 $0x108  }
0x21: {  	s3 =	sadd.s32 s3, s9;
	s6 =	sadd.s32 @!p0 $0x88, s6;
	s7 =	simm.s32 @p2 $0x1082  }
0x22: {  	[simem:s7], [sflag:s8] =	dma.local @!p0 [hbm:s6], $0xF7A  }
0x23: {  	s9 =	sor.u32 $0xD0000000, s2;
	s6 =	simm.s32 $0x108;
	_ =	swait.ge @!p0 [sflag:s8], $0x0  }
0x24: {  	s3 =	sadd.s32 $0x88, s3;
	s6 =	simm.s32 @!p1 $0x1082;
	[sflag:s4] =	ssyncset.s32 $0xFFFFF086  }
0x25: {  	[simem:s6], [sflag:s4] =	dma.local [hbm:s3], $0xF7A  }
0x26: {  	[smem:$0x3F99] =	sst s1;
	(tag) =	ssettag s2;
	_ =	strace s9  }
0x27: {  	s1 =	sld [smem:$0x3FA9]  }
0x28: {  	s2 =	sld [smem:$0x3FAA]  }
0x29: {  	s4 =	sld [smem:$0x3FAC]  }
0x2a: {  	p0 =	seq.s32 s5, $0x0;
	s5 =	sld [smem:$0x3FAD]  }
0x2b: {  	s6 =	sld [smem:$0x3FAE]  }
0x2c: {  	s7 =	sld [smem:$0x3FAF]  }
0x2d: {  	s3 =	simm.s32 $0x108;
	s8 =	sld [smem:$0x3FB0]  }
0x2e: {  	s3 =	simm.s32 @!p0 $0x1082;
	s9 =	sld [smem:$0x3FB1]  }
0x2f: {  	lr =	sadd.s32 s0, s3;
	s0 =	sld [smem:$0x3FA8]  }
0x30: {  	s3 =	sld [smem:$0x3FAB]  }
0x31: {  	[smem:$0x3FB4] =	sst s10  }
0x32: {  	s10 =	sld [smem:$0x3FB2];
	_ =	sdelay $0x3  }
0x33: {  	p0 =	seq.s32 s10, $0x1;
	s10 =	sld [smem:$0x3FB4];
	_ =	sdelay $0x3  }
0x34: {  	[smem:$0x3FB4] =	sst s10  }
0x35: {  	s10 =	sld [smem:$0x3FB3];
	_ =	sdelay $0x3  }
0x36: {  	p1 =	seq.s32 s10, $0x1;
	s10 =	sld [smem:$0x3FB4];
	_ =	sdelay $0x3  }
0x37: {  	[smem:$0x3FB4] =	sst s10  }
0x38: {  	s10 =	sld [smem:$0x3FB5]  }
0x39: {  	_ = 	snop;
	(pc) =	sbr.ind lr, $3  }
0x3a: {  	_ = 	snop  }
0x3b: {  	_ = 	snop  }
0x3c: {  	p2 =	seq.s32 s10, $0x1;
	s10 =	sld [smem:$0x3FB4]  }
0x3d: {  	_ =	shalt  }
0x3e: {  	_ =	shalt  }
0x3f: {  	_ =	shalt  }
0x40: {  	_ =	shalt  }
0x41: {  	_ =	shalt  }
0x42: {  	_ =	shalt  }
0x43: {  	_ =	shalt  }
0x44: {  	_ =	shalt  }
0x45: {  	_ =	shalt  }
0x46: {  	_ =	shalt  }
0x47: {  	_ =	shalt  }
0x48: {  	_ =	shalt  }
0x49: {  	_ =	shalt  }
0x4a: {  	_ =	shalt  }
0x4b: {  	_ =	shalt  }
0x4c: {  	_ =	shalt  }
0x4d: {  	_ =	shalt  }
0x4e: {  	_ =	shalt  }
0x4f: {  	_ =	shalt  }
0x50: {  	_ =	shalt  }
0x51: {  	_ =	shalt  }
0x52: {  	_ =	shalt  }
0x53: {  	_ =	shalt  }
0x54: {  	_ =	shalt  }
0x55: {  	_ =	shalt  }
0x56: {  	_ =	shalt  }
0x57: {  	_ =	shalt  }
0x58: {  	_ =	shalt  }
0x59: {  	_ =	shalt  }
0x5a: {  	_ =	shalt  }
0x5b: {  	_ =	shalt  }
0x5c: {  	_ =	shalt  }
0x5d: {  	_ =	shalt  }
0x5e: {  	_ =	shalt  }
0x5f: {  	_ =	shalt  }
0x60: {  	_ =	shalt  }
0x61: {  	_ =	shalt  }
0x62: {  	_ =	shalt  }
0x63: {  	_ =	shalt  }
0x64: {  	_ =	shalt  }
0x65: {  	_ =	shalt  }
0x66: {  	_ =	shalt  }
0x67: {  	_ =	shalt  }
0x68: {  	_ =	shalt  }
0x69: {  	_ =	shalt  }
0x6a: {  	_ =	shalt  }
0x6b: {  	_ =	shalt  }
0x6c: {  	_ =	shalt  }
0x6d: {  	_ =	shalt  }
0x6e: {  	_ =	shalt  }
0x6f: {  	_ =	shalt  }
0x70: {  	_ =	shalt  }
0x71: {  	_ =	shalt  }
0x72: {  	_ =	shalt  }
0x73: {  	_ =	shalt  }
0x74: {  	_ =	shalt  }
0x75: {  	_ =	shalt  }
0x76: {  	_ =	shalt  }
0x77: {  	_ =	shalt  }
0x78: {  	_ =	shalt  }
0x79: {  	_ =	shalt  }
0x7a: {  	_ =	shalt  }
0x7b: {  	_ =	shalt  }
0x7c: {  	_ =	shalt  }
0x7d: {  	_ =	shalt  }
0x7e: {  	_ =	shalt  }
0x7f: {  	_ =	shalt  }
0x80: {  	_ =	shalt  }
0x81: {  	_ =	shalt  }
0x82: {  	_ =	shalt  }
0x83: {  	_ =	shalt  }
0x84: {  	_ =	shalt  }
0x85: {  	_ =	shalt  }
0x86: {  	_ =	shalt  }
0x87: {  	_ =	shalt  }
.Lfunc_end0:
.L_simem_size_0:
called_computation.1_lowered:
.L_overlay_start_0:
0x88: {  	s2 =	sld [smem:$0x3FD9]  }
0x89: {  	s3 =	sld [smem:$0x3FFE];
	_ =	sdelay $0x1  }
0x8a: {  	s1 =	srdreg.scid  }
0x8b: {  	s0 =	sand.u32 $0x1, s1  }
0x8c: {  	s16 =	sshll.u32 s0, $0xA;
	s2 =	sadd.s32 s3, s2  }
0x8d: {  	s2 =	sadd.s32 s2, s16  }
0x8e: {  	[smem:$0x3FC0] =	sst s2  }
0x8f: {  	_ = 	snop  }
0x90: {  	(tm) =	ssettm $0x1  }
0x91: {  	s17 =	sld [smem:$0x3FFB];
	_ =	sdelay $0x3  }
0x92: {  	_ =	strace s17  }
0x93: {  	s2 =	sld [smem:$0x3FFC];
	_ =	sdelay $0x3  }
0x94: {  	_ =	strace s2  }
0x95: {  	s2 =	sld [smem:$0x3FFD];
	_ =	sdelay $0x3  }
0x96: {  	_ =	strace s2  }
0x97: {  	_ =	strace $0x8FFFFFFF  }
0x98: {  	s18 =	sld [smem:$0x3FDB];
	_ =	sdelay $0x1  }
0x99: {  	s19 =	simm.s32 $_scs_section_size  }
0x9a: {  	s4 =	simm.s32 $_size__tile_overlayer_lowered;
	s5 =	simm.s32 $_tile_overlayer_lowered  }
0x9b: {  	s22 =	simm.s32 $0x1BFF;
	s21 =	sshll.u32 s5, $0x1;
	s2 =	sadd.s32 s19, s18  }
0x9c: {  	s6 =	simm.s32 $0x0;
	s20 =	sshll.u32 s4, $0x1;
	s4 =	sadd.s32 s21, s2  }
0x9d: {  	[timem:s6], [sflag:s22] =	dma.local [hbm:s4], s20  }
0x9e: {  	_ =	swait.ge [sflag:s22], s20  }
0x9f: {  	s3 =	ssub.s32 $0x0, s20;
	[sflag:s22] =	ssyncset.done $0x0  }
0xa0: {  	[sflag:s22] =	ssyncadd.s32 s3;
	_ =	sdelay $0x1  }
0xa1: {  	s23 =	simm.s32 $0x1B8B  }
0xa2: {  	_ =	swait.ge [sflag:s23], $0x1  }
0xa3: {  	[sflag:s23] =	ssyncset.done $0x0  }
0xa4: {  	s25 =	simm.s32 $0x1B8E;
	s24 =	sld [smem:$0x3FFE];
	[sflag:s23] =	ssyncadd.s32 $0xFFFFFFFF  }
0xa5: {  	s26 =	simm.s32 $execute0_lowered;
	[smem:$0x3FD2] =	sst s25  }
0xa6: {  	s4 =	sshll.u32 s26, $0x1;
	_ =	strace $0x80000049;
	[dreg:$0x1] =	wrdreg $0xFFFFFFFF  }
0xa7: {  	s28 =	simm.s32 $_size_execute0_lowered;
	s2 =	sadd.s32 s2, s4;
	[dreg:$0x0] =	wrdreg $0x0  }
0xa8: {  	s4 =	sshll.u32 s28, $0x1;
	[dreg:$0x2] =	wrdreg s2  }
0xa9: {  	[dreg:$0x3] =	wrdreg s4  }
0xaa: {  	[dreg:$0x4] =	wrdreg $0xC0  }
0xab: {  	_ =	task [dreg:s6], $0x5FFFF  }
0xac: {  	[dreg:$0x1] =	wrdreg $0xFFFFFFFF  }
0xad: {  	[dreg:$0x0] =	wrdreg $0x60  }
0xae: {  	[dreg:$0x2] =	wrdreg s24  }
0xaf: {  	[dreg:$0x3] =	wrdreg $0x50000  }
0xb0: {  	[dreg:$0x4] =	wrdreg $0x0  }
0xb1: {  	[dreg:$0x5] =	wrdreg $0x9  }
0xb2: {  	_ =	task.clear_ibuf [dreg:s6], $0x6FFFF;
	_ =	strace $0x90000049  }
0xb3: {  	s29 =	simm.s32 $0x9;
	_ =	strace $0x8000004B  }
0xb4: {  	_ =	swait.ge [sflag:s29], $0x1  }
0xb5: {  	[sflag:s29] =	ssyncadd.s32 $0xFFFFFFFF  }
0xb6: {  	_ =	strace $0x9000004B  }
0xb7: {  	_ =	sfence  }
0xb8: {  	s30 =	sld [smem:$0x0];
	_ =	sdelay $0x2  }
0xb9: {  	s31 =	sshll.u32 s1, $0xD;
	s1 =	sshrl.u32 s1, $0x2  }
0xba: {  	s3 =	sand.u32 $0x4000, s31;
	s1 =	sadd.s32 s1, s30  }
0xbb: {  	s0 =	sor.u32 s3, s0;
	s1 =	sshll.u32 s1, $0x11  }
0xbc: {  	s0 =	sor.u32 s1, s0  }
0xbd: {  	s0 =	sadd.s32 $0x8F2B, s0  }
0xbe: {  	[sflag:s0] =	ssyncadd.remote.s32 $0x1  }
0xbf: {  	_ =	sfence.sel $0xFFFF  }
0xc0: {  	[dreg:$0x0] =	wrdreg $0xFFFFFFFF;
	(pc) =	sbr.abs _section_cstart, $3  }
0xc1: {  	[dreg:$0x1] =	wrdreg $0xFFFFFFFF  }
0xc2: {  	_ =	task.clear_ibuf [dreg:s6], $0x2FFFF;
	_ =	strace $0x9FFFFFFF  }
0xc3: {  	(tm) =	ssettm $0x7FFFFFFF  }
tec
execute0_lowered:
.L_overlay_start_1:
0x0: {  	(tag) =	ssettag $0x1  }
0x1: {  	s0 =	rddreg [dreg:$0x0]  }
0x2: {  	s1 =	rddreg [dreg:$0x1]  }
0x3: {  	s3 =	rddreg [dreg:$0x2];
	s4 =	simm.s32 $0x0;
	s12 =	stileid.u32  }
0x4: {  	s5 =	srdreg.scid;
	s16 =	simm.s32 $0x9;
	s28 =	simm.s32 $0x18A80  }
0x5: {  	s29 =	simm.s32 $0x2;
	s31 =	simm.s32 $0x4;
	s2 =	smul.u32 $0x5000, s12  }
0x6: {  	s30 =	simm.s32 $0x6;
	s15 =	simm.s32 $0x8;
	s6 =	smul.u32 $0x1400, s12  }
0x7: {  	[smem:$0x7FF] =	sst s4;
	s7 =	sand.u32 $0x1, s5;
	s5 =	smul.u32 $0x280, s12  }
0x8: {  	s8 =	sshll.u32 s12, $0x1;
	_ =	strace $0x8000004A;
	s9 =	smul.u32 $0x50000, s7  }
0x9: {  	s19 =	sor.u32 s7, s8;
	s21 =	ssub.s32 $0x2, s7;
	p0 =	sne.s32 s7, $0x0  }
0xa: {  	s17 =	sshrl.u32 s2, $0x3;
	s18 =	sshrl.u32 s6, $0x3;
	s6 =	smul.u32 $0x500, s19  }
0xb: {  	s23 =	sshrl.u32 s21, $0x1;
	s12 =	sadd.s32 s2, s3;
	s19 =	simm.s32 $0x14280  }
0xc: {  	s10 =	sadd.s32 s17, s0;
	s20 =	sadd.s32 s2, s9;
	s11 =	sadd.s32 s18, s0  }
0xd: {  	s8 =	ssub.s32 s21, s23;
	s18 =	simm.s32 $0xF000;
	s21 =	simm.s32 $0x80  }
0xe: {  	s23 =	simm.s32 $0x7;
	s17 =	simm.s32 $0x0;
	s22 =	sshrl.u32 s20, $0x3  }
0xf: {  	s6 =	sadd.s32 s6, s0;
	s25 =	sadd.s32 $0x10E00, s10;
	s26 =	sadd.s32 $0xBE00, s11  }
0x10: {  	s10 =	sadd.s32 $0xE600, s11;
	s11 =	sadd.s32 s2, s1;
	s14 =	smax.u32 s8, $0x1  }
0x11: {  	s20 =	simm.s32 $0x15680;
	s2 =	simm.s32 $0x3;
	[dreg:$0x6] =	wrdreg s25  }
0x12: {  	s0 =	sadd.s32 s22, s0;
	s24 =	sadd.s32 $0x1AE00, s6;
	[dreg:$0x7] =	wrdreg s26  }
0x13: {  	v0 =	vlaneseq.u32;
	s6 =	sadd.s32 $0x1C00, s6;
	s22 =	simm.s32 $0x16A80;
	[dreg:$0x4] =	wrdreg s24  }
0x14: {  	v0 =	vmul.u32 $0x8, v0;
	s25 =	simm.s32 $0x1;
	s26 =	simm.s32 $0x5;
	[dreg:$0x5] =	wrdreg s6  }
0x15: {  	v1 =	vimm.f32 $1.000000000e+00;
	v2 =	vimm.f32 $0.0e+00;
	s13 =	sadd.s32 $0x24E00, s0;
	s24 =	simm.s32 $0x17A80;
	s0 =	simm.s32 $0x19A80  }
.LBB2_1:
0x16: {  	s6 =	rddreg [dreg:$0x4];
	s7 =	simm.s32 $0xA000  }
0x17: {  	[tilespmem:s7], [sflag:$0x9] =	stream.linear.gather [hbm4b:s6+s4], $0x2800, $0x38;
	[tilespmem:$0x1AA80] =	vst v63  }
0x18: {  	_ =	swait.ge [sflag:s16], $0x2800  }
0x19: {  	[sflag:s16] =	ssyncset.done $0x0  }
0x1a: {  	s9 =	simm.s32 $0xC800;
	s8 =	rddreg [dreg:$0x5];
	[sflag:s16] =	ssyncadd.s32 $0xFFFFD800  }
0x1b: {  	[tilespmem:s9], [sflag:$0x9] =	stream.linear.gather [hbm4b:s8+s4], $0x2800, $0x38;
	[tilespmem:$0x1AA80] =	vst v63  }
0x1c: {  	_ =	swait.ge [sflag:s16], $0x2800  }
0x1d: {  	[sflag:s16] =	ssyncset.done $0x0  }
0x1e: {  	s8 =	rddreg [dreg:$0x6];
	[sflag:s16] =	ssyncadd.s32 $0xFFFFD800  }
0x1f: {  	[tilespmem:s18], [sflag:$0x9] =	stream.linear.gather [hbm4b:s8+s4], $0x5000, $0x38;
	[tilespmem:$0x1AA80] =	vst v63  }
0x20: {  	_ =	swait.ge [sflag:s16], $0x5000  }
0x21: {  	[sflag:s16] =	ssyncset.done $0x0  }
0x22: {  	s9 =	rddreg [dreg:$0x7];
	[sflag:s16] =	ssyncadd.s32 $0xFFFFB000  }
0x23: {  	[tilespmem:s19], [sflag:$0x9] =	stream.linear.gather [hbm4b:s9+s4], $0x1400, $0x38;
	[tilespmem:$0x1AA80] =	vst v63  }
0x24: {  	v3 =	vmov s4;
	_ =	swait.ge [sflag:s16], $0x1400  }
0x25: {  	v3 =	vshll.u32 v3, $0x3;
	[sflag:s16] =	ssyncset.done $0x0  }
0x26: {  	v3 =	vor.u32 v0, v3;
	[sflag:s16] =	ssyncadd.s32 $0xFFFFEC00  }
0x27: {  	[tilespmem:s20], [sflag:$0x9] =	stream.linear.gather [hbm4b:s10+s4], $0x1400, $0x38;
	[tilespmem:$0x1AA80] =	vst v63  }
0x28: {  	_ =	swait.ge [sflag:s16], $0x1400  }
0x29: {  	[sflag:s16] =	ssyncset.done $0x0  }
0x2a: {  	[sflag:s16] =	ssyncadd.s32 $0xFFFFEC00  }
0x2b: {  	v4 =	vld.idx.msk [tilespmem:v3+s20+$0x0], $0xffff  }
0x2c: {  	v3 =	vld.idx.msk [tilespmem:v3+s19+$0x0], $0xffff;
	_ =	sdelay $0x4  }
0x2d: {  	v3 =	vadd.f32 v4, v3  }
0x2e: {  	s7 =	sadd.s32 $0x0, s5  }
0x2f: {  	p1 =	slt.u32 s7, $0x1E00;
	v3 =	vadd.f32 $2.000000000e+00, v3  }
0x30: {  	v4 =	vpsel !p1, $0x0, v1  }
0x31: {  	v3 =	vsub.f32 v3, v4;
	_ =	sdelay $0x1  }
0x32: {  	v4 =	vshra.s32 v3, $0x1;
	v3 =	vmul.f32 $5.000000000e-01, v3  }
0x33: {  	v4 =	vsub.s32 $0x5F3759DF, v4  }
0x34: {  	v5 =	vmul.f32 v4, v3;
	_ =	sdelay $0x1  }
0x35: {  	v5 =	vmul.f32 v4, v5;
	_ =	sdelay $0x1  }
0x36: {  	v5 =	vsub.f32 $1.500000000e+00, v5;
	_ =	sdelay $0x1  }
0x37: {  	v4 =	vmul.f32 v4, v5;
	_ =	sdelay $0x1  }
0x38: {  	v5 =	vmul.f32 v4, v3;
	_ =	sdelay $0x1  }
0x39: {  	v5 =	vmul.f32 v5, v4;
	_ =	sdelay $0x1  }
0x3a: {  	v5 =	vsub.f32 $1.500000000e+00, v5;
	_ =	sdelay $0x1  }
0x3b: {  	v4 =	vmul.f32 v5, v4;
	_ =	sdelay $0x1  }
0x3c: {  	v3 =	vmul.f32 v4, v3  }
0x3d: {  	s8 =	simm.s32 $0x10  }
0x3e: {  	v5 =	vmov s8;
	v3 =	vmul.f32 v3, v4  }
0x3f: {  	v5 =	vshll.u32 v5, $0x3  }
0x40: {  	v5 =	vor.u32 v0, v5;
	v3 =	vsub.f32 $1.500000000e+00, v3;
	_ =	sdelay $0x1  }
0x41: {  	v3 =	vmul.f32 v3, v4  }
0x42: {  	s6 =	simm.s32 $0x14000  }
0x43: {  	[tilespmem:s6+$0x0] =	vst v3  }
0x44: {  	v3 =	vld.idx.msk [tilespmem:v5+s20+$0x0], $0xffff  }
0x45: {  	v4 =	vld.idx.msk [tilespmem:v5+s19+$0x0], $0xffff;
	_ =	sdelay $0x4  }
0x46: {  	v3 =	vadd.f32 v3, v4  }
0x47: {  	s9 =	sadd.s32 $0x10, s5  }
0x48: {  	p6 =	slt.u32 s9, $0x1E00;
	v3 =	vadd.f32 $2.000000000e+00, v3  }
0x49: {  	v4 =	vpsel !p6, $0x0, v1  }
0x4a: {  	v3 =	vsub.f32 v3, v4;
	_ =	sdelay $0x1  }
0x4b: {  	v4 =	vshra.s32 v3, $0x1;
	v5 =	vmul.f32 $5.000000000e-01, v3  }
0x4c: {  	v3 =	vsub.s32 $0x5F3759DF, v4  }
0x4d: {  	v4 =	vmul.f32 v3, v5;
	_ =	sdelay $0x1  }
0x4e: {  	v4 =	vmul.f32 v3, v4;
	_ =	sdelay $0x1  }
0x4f: {  	v4 =	vsub.f32 $1.500000000e+00, v4;
	_ =	sdelay $0x1  }
0x50: {  	v3 =	vmul.f32 v3, v4;
	_ =	sdelay $0x1  }
0x51: {  	v4 =	vmul.f32 v3, v5;
	_ =	sdelay $0x1  }
0x52: {  	v4 =	vmul.f32 v4, v3;
	_ =	sdelay $0x1  }
0x53: {  	v4 =	vsub.f32 $1.500000000e+00, v4;
	_ =	sdelay $0x1  }
0x54: {  	v3 =	vmul.f32 v4, v3;
	_ =	sdelay $0x1  }
0x55: {  	v4 =	vmul.f32 v3, v5  }
0x56: {  	s7 =	simm.s32 $0x20  }
0x57: {  	v5 =	vmov s7;
	v4 =	vmul.f32 v4, v3  }
0x58: {  	s8 =	simm.s32 $0x30;
	v5 =	vshll.u32 v5, $0x3  }
.LBB2_2:
0x59: {  	p1 =	sne.s32 s8, $0x270;
	v5 =	vor.u32 v0, v5;
	v4 =	vsub.f32 $1.500000000e+00, v4;
	_ =	sdelay $0x1  }
0x5a: {  	v3 =	vmul.f32 v4, v3  }
0x5b: {  	s6 =	sadd.s32 $0x10, s6  }
0x5c: {  	[tilespmem:s6+$0x0] =	vst v3  }
0x5d: {  	v3 =	vld.idx.msk [tilespmem:v5+s20+$0x0], $0xffff  }
0x5e: {  	v4 =	vld.idx.msk [tilespmem:v5+s19+$0x0], $0xffff;
	_ =	sdelay $0x5  }
0x5f: {  	v3 =	vadd.f32 v3, v4  }
0x60: {  	s9 =	sadd.s32 s7, s5;
	s7 =	smov.u32 s8  }
0x61: {  	p2 =	slt.u32 s9, $0x1E00;
	v3 =	vadd.f32 $2.000000000e+00, v3  }
0x62: {  	v4 =	vpsel !p2, $0x0, v1  }
0x63: {  	v3 =	vsub.f32 v3, v4;
	_ =	sdelay $0x1  }
0x64: {  	v4 =	vshra.s32 v3, $0x1;
	v5 =	vmul.f32 $5.000000000e-01, v3  }
0x65: {  	v3 =	vsub.s32 $0x5F3759DF, v4  }
0x66: {  	v4 =	vmul.f32 v3, v5;
	_ =	sdelay $0x1  }
0x67: {  	v4 =	vmul.f32 v3, v4;
	_ =	sdelay $0x1  }
0x68: {  	v4 =	vsub.f32 $1.500000000e+00, v4;
	_ =	sdelay $0x1  }
0x69: {  	v3 =	vmul.f32 v3, v4;
	_ =	sdelay $0x1  }
0x6a: {  	v4 =	vmul.f32 v3, v5;
	_ =	sdelay $0x1  }
0x6b: {  	v4 =	vmul.f32 v4, v3;
	_ =	sdelay $0x1  }
0x6c: {  	v4 =	vsub.f32 $1.500000000e+00, v4;
	_ =	sdelay $0x1  }
0x6d: {  	v3 =	vmul.f32 v4, v3  }
.Ltmp0:
0x6e: {  	(pc) =	sbr.rel @p1 .LBB2_2-.Ltmp0, $3  }
0x6f: {  	v4 =	vmul.f32 v3, v5;
	_ =	sdelay $0x1  }
0x70: {  	v5 =	vmov s8;
	v4 =	vmul.f32 v4, v3  }
0x71: {  	s8 =	sadd.s32 $0x10, s8;
	v5 =	vshll.u32 v5, $0x3  }
0x72: {  	v5 =	vor.u32 v0, v5;
	v4 =	vsub.f32 $1.500000000e+00, v4;
	_ =	sdelay $0x1  }
0x73: {  	v3 =	vmul.f32 v4, v3  }
0x74: {  	s6 =	sadd.s32 $0x10, s6  }
0x75: {  	[tilespmem:s6+$0x0] =	vst v3  }
0x76: {  	v3 =	vld.idx.msk [tilespmem:v5+s20+$0x0], $0xffff  }
0x77: {  	v4 =	vld.idx.msk [tilespmem:v5+s19+$0x0], $0xffff;
	_ =	sdelay $0x4  }
0x78: {  	v3 =	vadd.f32 v3, v4  }
0x79: {  	s7 =	sadd.s32 s7, s5  }
0x7a: {  	p1 =	slt.u32 s7, $0x1E00;
	v3 =	vadd.f32 $2.000000000e+00, v3  }
0x7b: {  	v4 =	vpsel !p1, $0x0, v1  }
0x7c: {  	v3 =	vsub.f32 v3, v4;
	_ =	sdelay $0x1  }
0x7d: {  	v4 =	vshra.s32 v3, $0x1;
	v3 =	vmul.f32 $5.000000000e-01, v3  }
0x7e: {  	v4 =	vsub.s32 $0x5F3759DF, v4  }
0x7f: {  	v5 =	vmul.f32 v4, v3;
	_ =	sdelay $0x1  }
0x80: {  	v5 =	vmul.f32 v4, v5;
	_ =	sdelay $0x1  }
0x81: {  	v5 =	vsub.f32 $1.500000000e+00, v5;
	_ =	sdelay $0x1  }
0x82: {  	v4 =	vmul.f32 v4, v5;
	_ =	sdelay $0x1  }
0x83: {  	v5 =	vmul.f32 v4, v3;
	_ =	sdelay $0x1  }
0x84: {  	v5 =	vmul.f32 v5, v4;
	_ =	sdelay $0x1  }
0x85: {  	v5 =	vsub.f32 $1.500000000e+00, v5;
	_ =	sdelay $0x1  }
0x86: {  	v4 =	vmul.f32 v5, v4;
	_ =	sdelay $0x1  }
0x87: {  	v3 =	vmul.f32 v4, v3;
	_ =	sdelay $0x1  }
0x88: {  	v3 =	vmul.f32 v3, v4;
	_ =	sdelay $0x1  }
0x89: {  	v3 =	vsub.f32 $1.500000000e+00, v3;
	_ =	sdelay $0x1  }
0x8a: {  	v3 =	vmul.f32 v3, v4  }
0x8b: {  	s6 =	sadd.s32 $0x10, s6  }
0x8c: {  	[tilespmem:s6+$0x0] =	vst v3;
	s6 =	simm.s32 $0xF100  }
0x8d: {  	v8 =	vld [tilespmem:s6+$0xFFFFFFA0]  }
0x8e: {  	v6 =	vld [tilespmem:s6+$0xFFFFFFF0]  }
0x8f: {  	v3 =	vld [tilespmem:s6+$0xFFFFFF60]  }
0x90: {  	v9 =	vld [tilespmem:s6+$0xFFFFFFD0]  }
0x91: {  	v10 =	vld [tilespmem:s6+$0x80]  }
0x92: {  	v13 =	vld [tilespmem:s6+$0xFFFFFF10]  }
0x93: {  	v17 =	vld [tilespmem:s6+$0xE0]  }
0x94: {  	v12 =	vld [tilespmem:s6+$0xFFFFFF40]  }
0x95: {  	s9 =	simm.s32 $0x0;
	v4 =	vld [tilespmem:s6+$0xFFFFFF90]  }
0x96: {  	v5 =	vld [tilespmem:s9+$0x14000]  }
0x97: {  	v11 =	vld [tilespmem:s6+$0xFFFFFFC0]  }
0x98: {  	v14 =	vld [tilespmem:s6+$0xFFFFFF00]  }
0x99: {  	v15 =	vld [tilespmem:s6+$0xD0]  }
0x9a: {  	v24 =	vld [tilespmem:s6+$0xC0]  }
0x9b: {  	v22 =	vld [tilespmem:s6+$0x90];
	v20 =	vbroadcast v5, $0x0;
	v7 =	vbroadcast v5, $0xF  }
0x9c: {  	v23 =	vld [tilespmem:s6+$0xFFFFFF50];
	v21 =	vbroadcast v5, $0x2;
	v19 =	vbroadcast v5, $0xE  }
0x9d: {  	v18 =	vld [tilespmem:s6+$0xB0];
	v16 =	vbroadcast v5, $0xC;
	v26 =	vmul.f32 v20, v14  }
0x9e: {  	s8 =	simm.s32 $0xF100;
	s7 =	simm.s32 $0x40;
	v14 =	vbroadcast v5, $0xD;
	v25 =	vmul.f32 v12, v21;
	v12 =	vld [tilespmem:s6+$0x60]  }
.LBB2_4:
0x9f: {  	p1 =	sne.s32 s7, $0x9C0  }
0xa0: {  	[tilespmem:s6+$0xFFFFFF00] =	vst v26;
	v26 =	vld [tilespmem:s6+$0xFFFFFFB0];
	v24 =	vmul.f32 v24, v19;
	v17 =	vmul.f32 v17, v7;
	s8 =	sadd.s32 $0x200, s8;
	s9 =	smov.u32 s7;
	s7 =	sadd.s32 $0x40, s7  }
0xa1: {  	[tilespmem:s6+$0xFFFFFF40] =	vst v25;
	v25 =	vbroadcast v5, $0xA;
	v22 =	vmul.f32 v22, v16;
	v27 =	vld [tilespmem:s6+$0xA0]  }
0xa2: {  	v13 =	vmul.f32 v13, v20;
	v20 =	vmul.f32 v23, v21;
	v21 =	vld [tilespmem:s6+$0x70];
	[tilespmem:s6+$0xE0] =	vst v17  }
0xa3: {  	v17 =	vbroadcast v5, $0x5;
	v23 =	vld [tilespmem:s6+$0xFFFFFFE0];
	v18 =	vmul.f32 v18, v14;
	[tilespmem:s6+$0xC0] =	vst v24  }
0xa4: {  	v15 =	vmul.f32 v15, v19;
	[tilespmem:s6+$0xFFFFFF10] =	vst v13;
	v13 =	vbroadcast v5, $0x6;
	v24 =	vld [tilespmem:s6+$0x40]  }
0xa5: {  	v28 =	vbroadcast v5, $0xB;
	v8 =	vmul.f32 v8, v17;
	v19 =	vld [tilespmem:s6+$0xFFFFFF20];
	[tilespmem:s6+$0x90] =	vst v22  }
0xa6: {  	v22 =	vbroadcast v5, $0x9;
	[tilespmem:s6+$0xFFFFFF50] =	vst v20;
	v20 =	vld [tilespmem:s6+$0x20];
	v14 =	vmul.f32 v27, v14  }
0xa7: {  	v17 =	vmul.f32 v26, v17;
	v26 =	vld [tilespmem:s6+$0x50];
	v21 =	vmul.f32 v21, v28;
	[tilespmem:s6+$0xD0] =	vst v15  }
0xa8: {  	v10 =	vmul.f32 v10, v16;
	v15 =	vbroadcast v5, $0x7;
	v27 =	vld [tilespmem:s6+$0x30];
	[tilespmem:s6+$0xA0] =	vst v14  }
0xa9: {  	v11 =	vmul.f32 v11, v13;
	v14 =	vbroadcast v5, $0x3;
	v16 =	vld [tilespmem:s6+$0x0];
	[tilespmem:s6+$0x70] =	vst v21  }
0xaa: {  	v12 =	vmul.f32 v12, v28;
	v9 =	vmul.f32 v9, v13;
	v13 =	vld [tilespmem:s6+$0x10];
	[tilespmem:s6+$0x80] =	vst v10  }
0xab: {  	v21 =	vbroadcast v5, $0x8;
	v24 =	vmul.f32 v24, v25;
	v10 =	vld [tilespmem:s6+$0xFFFFFF30];
	[tilespmem:s6+$0xB0] =	vst v18  }
0xac: {  	v18 =	vbroadcast v5, $0x1;
	v28 =	vld [tilespmem:s6+$0xFFFFFF70];
	[tilespmem:s6+$0xFFFFFFD0] =	vst v9;
	v25 =	vmul.f32 v26, v25  }
0xad: {  	v6 =	vmul.f32 v6, v15;
	v9 =	vmul.f32 v23, v15;
	[tilespmem:s6+$0xFFFFFFC0] =	vst v11;
	v11 =	vld [tilespmem:s6+$0xF0]  }
0xae: {  	v23 =	vmul.f32 v27, v22;
	v15 =	vld [tilespmem:s6+$0xFFFFFF80];
	[tilespmem:s6+$0xFFFFFFA0] =	vst v8;
	v16 =	vmul.f32 v16, v21  }
0xaf: {  	v8 =	vld [tilespmem:s8+$0xFFFFFFA0];
	[tilespmem:s6+$0xFFFFFFF0] =	vst v6;
	v21 =	vmul.f32 v13, v21;
	v13 =	vmul.f32 v20, v22  }
0xb0: {  	v6 =	vmul.f32 v19, v18;
	v18 =	vmul.f32 v10, v18;
	[tilespmem:s6+$0x60] =	vst v12  }
0xb1: {  	v3 =	vmul.f32 v3, v14;
	v10 =	vmul.f32 v28, v14;
	[tilespmem:s6+$0xFFFFFFB0] =	vst v17  }
0xb2: {  	v5 =	vbroadcast v5, $0x4;
	[tilespmem:s6+$0xFFFFFF20] =	vst v6;
	v6 =	vmul.f32 v11, v7  }
0xb3: {  	[tilespmem:s6+$0xFFFFFF60] =	vst v3  }
0xb4: {  	v7 =	vmul.f32 v15, v5;
	v3 =	vmul.f32 v4, v5;
	[tilespmem:s6+$0x40] =	vst v24  }
0xb5: {  	[tilespmem:s6+$0xFFFFFFE0] =	vst v9  }
0xb6: {  	[tilespmem:s6+$0xF0] =	vst v6  }
0xb7: {  	[tilespmem:s6+$0xFFFFFF90] =	vst v3  }
0xb8: {  	v6 =	vld [tilespmem:s8+$0xFFFFFFF0];
	[tilespmem:s6+$0xFFFFFF70] =	vst v10  }
0xb9: {  	v3 =	vld [tilespmem:s8+$0xFFFFFF60];
	[tilespmem:s6+$0x20] =	vst v13  }
0xba: {  	v9 =	vld [tilespmem:s8+$0xFFFFFFD0];
	[tilespmem:s6+$0x30] =	vst v23  }
0xbb: {  	v10 =	vld [tilespmem:s8+$0x80];
	[tilespmem:s6+$0xFFFFFF80] =	vst v7  }
0xbc: {  	v13 =	vld [tilespmem:s8+$0xFFFFFF10];
	[tilespmem:s6+$0x50] =	vst v25  }
0xbd: {  	v17 =	vld [tilespmem:s8+$0xE0];
	[tilespmem:s6+$0x0] =	vst v16  }
0xbe: {  	v12 =	vld [tilespmem:s8+$0xFFFFFF40];
	[tilespmem:s6+$0xFFFFFF30] =	vst v18  }
0xbf: {  	s9 =	sshra.s32 s9, $0x2;
	v4 =	vld [tilespmem:s8+$0xFFFFFF90];
	[tilespmem:s6+$0x10] =	vst v21;
	s6 =	smov.u32 s8  }
0xc0: {  	v5 =	vld [tilespmem:s9+$0x14000]  }
0xc1: {  	v11 =	vld [tilespmem:s8+$0xFFFFFFC0]  }
0xc2: {  	v14 =	vld [tilespmem:s8+$0xFFFFFF00]  }
0xc3: {  	v15 =	vld [tilespmem:s8+$0xD0]  }
.Ltmp1:
0xc4: {  	v24 =	vld [tilespmem:s8+$0xC0];
	(pc) =	sbr.rel @p1 .LBB2_4-.Ltmp1, $4  }
0xc5: {  	v20 =	vbroadcast v5, $0x0;
	v22 =	vld [tilespmem:s8+$0x90];
	v7 =	vbroadcast v5, $0xF  }
0xc6: {  	v21 =	vbroadcast v5, $0x2;
	v19 =	vbroadcast v5, $0xE;
	v23 =	vld [tilespmem:s8+$0xFFFFFF50]  }
0xc7: {  	v26 =	vmul.f32 v20, v14;
	v14 =	vbroadcast v5, $0xD;
	v18 =	vld [tilespmem:s8+$0xB0]  }
0xc8: {  	v16 =	vbroadcast v5, $0xC;
	v25 =	vmul.f32 v12, v21;
	v12 =	vld [tilespmem:s8+$0x60]  }
0xc9: {  	[tilespmem:s6+$0xFFFFFF00] =	vst v26;
	v17 =	vmul.f32 v17, v7  }
0xca: {  	v24 =	vmul.f32 v24, v19;
	[tilespmem:s6+$0xFFFFFF40] =	vst v25  }
0xcb: {  	v13 =	vmul.f32 v13, v20;
	[tilespmem:s6+$0xE0] =	vst v17  }
0xcc: {  	v32 =	vmul.f32 v15, v19;
	[tilespmem:s6+$0xC0] =	vst v24  }
0xcd: {  	v30 =	vmul.f32 v22, v16;
	[tilespmem:s6+$0xFFFFFF10] =	vst v13  }
0xce: {  	v38 =	vbroadcast v5, $0x6;
	v10 =	vmul.f32 v10, v16;
	[tilespmem:s6+$0xD0] =	vst v32  }
0xcf: {  	v21 =	vmul.f32 v23, v21;
	[tilespmem:s6+$0x90] =	vst v30  }
0xd0: {  	v42 =	vbroadcast v5, $0x5;
	v9 =	vmul.f32 v9, v38;
	[tilespmem:s6+$0x80] =	vst v10  }
0xd1: {  	v44 =	vbroadcast v5, $0x7;
	v11 =	vmul.f32 v11, v38;
	[tilespmem:s6+$0xFFFFFF50] =	vst v21  }
0xd2: {  	v51 =	vbroadcast v5, $0x3;
	v8 =	vmul.f32 v8, v42;
	[tilespmem:s6+$0xFFFFFFD0] =	vst v9  }
0xd3: {  	v28 =	vld [tilespmem:s6+$0xA0];
	v56 =	vbroadcast v5, $0x4;
	v6 =	vmul.f32 v6, v44;
	[tilespmem:s6+$0xFFFFFFC0] =	vst v11  }
0xd4: {  	v29 =	vld [tilespmem:s6+$0x70];
	v3 =	vmul.f32 v3, v51;
	[tilespmem:s6+$0xFFFFFFA0] =	vst v8  }
0xd5: {  	v31 =	vld [tilespmem:s6+$0xFFFFFFB0];
	v34 =	vbroadcast v5, $0xB;
	v4 =	vmul.f32 v4, v56;
	[tilespmem:s6+$0xFFFFFFF0] =	vst v6  }
0xd6: {  	v33 =	vld [tilespmem:s6+$0xFFFFFF20];
	v40 =	vmul.f32 v18, v14;
	[tilespmem:s6+$0xFFFFFF60] =	vst v3  }
0xd7: {  	v37 =	vld [tilespmem:s6+$0x40];
	v12 =	vmul.f32 v12, v34;
	[tilespmem:s6+$0xFFFFFF90] =	vst v4  }
0xd8: {  	v35 =	vld [tilespmem:s6+$0xFFFFFFE0];
	v36 =	vmul.f32 v28, v14;
	[tilespmem:s6+$0xB0] =	vst v40  }
0xd9: {  	v49 =	vbroadcast v5, $0x1;
	v52 =	vld [tilespmem:s6+$0xF0];
	v20 =	vmul.f32 v29, v34;
	[tilespmem:s6+$0x60] =	vst v12  }
0xda: {  	v46 =	vld [tilespmem:s6+$0xFFFFFF70];
	v53 =	vbroadcast v5, $0xA;
	v50 =	vmul.f32 v31, v42;
	[tilespmem:s6+$0xA0] =	vst v36  }
0xdb: {  	v43 =	vld [tilespmem:s6+$0x30];
	v15 =	vmul.f32 v33, v49;
	[tilespmem:s6+$0x70] =	vst v20  }
0xdc: {  	v47 =	vld [tilespmem:s6+$0xFFFFFF80];
	v55 =	vmul.f32 v37, v53;
	[tilespmem:s6+$0xFFFFFFB0] =	vst v50  }
0xdd: {  	v41 =	vld [tilespmem:s6+$0x20];
	v10 =	vmul.f32 v35, v44;
	[tilespmem:s6+$0xFFFFFF20] =	vst v15  }
0xde: {  	v45 =	vld [tilespmem:s6+$0x0];
	v57 =	vbroadcast v5, $0x9;
	v3 =	vmul.f32 v52, v7;
	[tilespmem:s6+$0x40] =	vst v55  }
0xdf: {  	v39 =	vld [tilespmem:s6+$0x50];
	v58 =	vmul.f32 v46, v51;
	[tilespmem:s6+$0xFFFFFFE0] =	vst v10  }
0xe0: {  	v54 =	vld [tilespmem:s6+$0xFFFFFF30];
	v59 =	vmul.f32 v43, v57;
	[tilespmem:s6+$0xF0] =	vst v3  }
0xe1: {  	v48 =	vld [tilespmem:s6+$0x10];
	v60 =	vbroadcast v5, $0x8;
	v61 =	vmul.f32 v47, v56;
	[tilespmem:s6+$0xFFFFFF70] =	vst v58  }
0xe2: {  	v3 =	vmul.f32 v41, v57;
	[tilespmem:s6+$0x30] =	vst v59  }
0xe3: {  	v62 =	vmul.f32 v45, v60;
	[tilespmem:s6+$0xFFFFFF80] =	vst v61  }
0xe4: {  	[tilespmem:s6+$0x20] =	vst v3;
	v3 =	vmul.f32 v39, v53  }
0xe5: {  	v63 =	vmul.f32 v54, v49;
	[tilespmem:s6+$0x0] =	vst v62  }
0xe6: {  	[tilespmem:s6+$0x50] =	vst v3;
	v3 =	vmul.f32 v48, v60  }
0xe7: {  	[tilespmem:s6+$0xFFFFFF30] =	vst v63  }
.Ltmp2:
0xe8: {  	[tilespmem:s6+$0x10] =	vst v3;
	(pc) =	sbr.rel @p0 .LBB2_9-.Ltmp2, $4  }
0xe9: {  	[spmem:s11] =	stream.linear.scatter [tilespmem:s18], [sflag:$0x9], $0x5000, $0x38;
	[tilespmem:$0x1AA80] =	vst v63  }
0xea: {  	_ =	swait.ge [sflag:s16], $0x5000  }
0xeb: {  	[sflag:s16] =	ssyncset.done $0x0  }
0xec: {  	[sflag:s16] =	ssyncadd.s32 $0xFFFFB000  }
0xed: {  	s6 =	simm.s32 $0x0  }
0xee: {  	s7 =	simm.s32 $0x80;
	v3 =	vld [tilespmem:s6+$0xF000]  }
.LBB2_7:
0xef: {  	p1 =	seq.s32 s7, $0x13F80;
	v4 =	vld [tilespmem:s6+$0xF010];
	_ =	sdelay $0x2  }
.Ltmp3:
0xf0: {  	(pc) =	sbr.rel @!p1 .LBB2_7-.Ltmp3, $4  }
0xf1: {  	v3 =	vadd.f32 v3, v3  }
0xf2: {  	v4 =	vadd.f32 v4, v4  }
0xf3: {  	s8 =	sshra.s32 s7, $0x2;
	[tilespmem:s6+$0xF000] =	vst v3  }
0xf4: {  	s7 =	sadd.s32 $0x80, s7;
	v3 =	vld [tilespmem:s8+$0xF000];
	[tilespmem:s6+$0xF010] =	vst v4;
	s6 =	smov.u32 s8  }
0xf5: {  	v4 =	vld [tilespmem:s6+$0xF010];
	_ =	sdelay $0x2  }
.Ltmp4:
0xf6: {  	_ = 	snop;
	(pc) =	sbr.rel .LBB2_12-.Ltmp4, $4  }
0xf7: {  	v3 =	vadd.f32 v3, v3  }
0xf8: {  	v4 =	vadd.f32 v4, v4  }
0xf9: {  	[tilespmem:s6+$0xF000] =	vst v3  }
0xfa: {  	[tilespmem:s6+$0xF010] =	vst v4  }
.LBB2_9:
0xfb: {  	s6 =	simm.s32 $0x80;
	s7 =	simm.s32 $0x0  }
.LBB2_10:
0xfc: {  	p1 =	sne.s32 s6, $0x13F80;
	[tilespmem:s7+$0xF000] =	vst v2;
	s8 =	smov.u32 s6;
	s6 =	sadd.s32 $0x80, s6  }
.Ltmp5:
0xfd: {  	[tilespmem:s7+$0xF010] =	vst v2;
	(pc) =	sbr.rel @p1 .LBB2_10-.Ltmp5, $2  }
0xfe: {  	_ =	sdelay $0x2  }
0xff: {  	s7 =	sshra.s32 s8, $0x2  }
0x100: {  	[tilespmem:s7+$0xF000] =	vst v2  }
0x101: {  	[tilespmem:s7+$0xF010] =	vst v2  }
.LBB2_12:
0x102: {  	[spmem:s12] =	stream.linear.scatter [tilespmem:s18], [sflag:$0x9], $0x5000, $0x38;
	[tilespmem:$0x1AA80] =	vst v63  }
0x103: {  	_ =	swait.ge [sflag:s16], $0x5000  }
0x104: {  	[sflag:s16] =	ssyncset.done $0x0  }
0x105: {  	[sflag:s16] =	ssyncadd.s32 $0xFFFFB000  }
0x106: {  	s6 =	simm.s32 $0xA000;
	[bflag:$0x0] =	sbarrier.arrive $0xFFFF  }
0x107: {  	[tilespmem:s22], [sflag:$0x1] =	stream.indirect.gather [spmem:s1], $0x20, s6, s21, $0xb8;
	[tilespmem:$0x1AA80] =	vst v63  }
0x108: {  	s7 =	simm.s32 $0xA080  }
0x109: {  	[tilespmem:s24], [sflag:$0x2] =	stream.indirect.gather [spmem:s1], $0x20, s7, s21, $0xb8;
	[tilespmem:$0x1AA80] =	vst v63  }
0x10a: {  	_ =	swait.ge [sflag:s25], $0x1000  }
0x10b: {  	[sflag:s25] =	ssyncset.done $0x0  }
0x10c: {  	s8 =	simm.s32 $0xC800;
	[sflag:s25] =	ssyncadd.s32 $0xFFFFF000  }
0x10d: {  	[spmem:s3] =	stream.indirect.scatter.add.f32 [tilespmem:s22], [sflag:$0x5], $0x20, s8, s21, $0xb8;
	[tilespmem:$0x1AA80] =	vst v63  }
0x10e: {  	s9 =	simm.s32 $0xA100  }
0x10f: {  	[tilespmem:s28], [sflag:$0x3] =	stream.indirect.gather [spmem:s1], $0x20, s9, s21, $0xb8;
	[tilespmem:$0x1AA80] =	vst v63  }
0x110: {  	_ =	swait.ge [sflag:s29], $0x1000  }
0x111: {  	[sflag:s29] =	ssyncset.done $0x0  }
0x112: {  	s7 =	simm.s32 $0xC880;
	[sflag:s29] =	ssyncadd.s32 $0xFFFFF000  }
0x113: {  	[spmem:s3] =	stream.indirect.scatter.add.f32 [tilespmem:s24], [sflag:$0x6], $0x20, s7, s21, $0xb8;
	[tilespmem:$0x1AA80] =	vst v63  }
0x114: {  	s8 =	simm.s32 $0xA180  }
0x115: {  	[tilespmem:s0], [sflag:$0x4] =	stream.indirect.gather [spmem:s1], $0x20, s8, s21, $0xb8;
	[tilespmem:$0x1AA80] =	vst v63  }
0x116: {  	_ =	swait.ge [sflag:s2], $0x1000  }
0x117: {  	[sflag:s2] =	ssyncset.done $0x0  }
0x118: {  	s9 =	simm.s32 $0xC900;
	[sflag:s2] =	ssyncadd.s32 $0xFFFFF000  }
0x119: {  	[spmem:s3] =	stream.indirect.scatter.add.f32 [tilespmem:s28], [sflag:$0x7], $0x20, s9, s21, $0xb8;
	[tilespmem:$0x1AA80] =	vst v63  }
0x11a: {  	_ =	swait.ge [sflag:s26], $0x1000  }
0x11b: {  	[sflag:s26] =	ssyncset.done $0x0  }
0x11c: {  	s7 =	simm.s32 $0xA200;
	[sflag:s26] =	ssyncadd.s32 $0xFFFFF000  }
0x11d: {  	[tilespmem:s22], [sflag:$0x1] =	stream.indirect.gather [spmem:s1], $0x20, s7, s21, $0xb8;
	[tilespmem:$0x1AA80] =	vst v63  }
0x11e: {  	_ =	swait.ge [sflag:s31], $0x1000  }
0x11f: {  	[sflag:s31] =	ssyncset.done $0x0  }
0x120: {  	s8 =	simm.s32 $0xC980;
	[sflag:s31] =	ssyncadd.s32 $0xFFFFF000  }
0x121: {  	[spmem:s3] =	stream.indirect.scatter.add.f32 [tilespmem:s0], [sflag:$0x8], $0x20, s8, s21, $0xb8;
	[tilespmem:$0x1AA80] =	vst v63  }
0x122: {  	_ =	swait.ge [sflag:s30], $0x1000  }
0x123: {  	[sflag:s30] =	ssyncset.done $0x0  }
0x124: {  	s6 =	simm.s32 $0x0;
	s9 =	simm.s32 $0xA280;
	[sflag:s30] =	ssyncadd.s32 $0xFFFFF000  }
0x125: {  	[tilespmem:s24], [sflag:$0x2] =	stream.indirect.gather [spmem:s1], $0x20, s9, s21, $0xb8;
	[tilespmem:$0x1AA80] =	vst v63  }
.LBB2_13:
0x126: {  	_ =	swait.ge [sflag:s25], $0x1000  }
0x127: {  	s7 =	sshra.s32 s6, $0x2;
	[sflag:s25] =	ssyncset.done $0x0  }
0x128: {  	s8 =	sadd.s32 $0xCA00, s7;
	[sflag:s25] =	ssyncadd.s32 $0xFFFFF000  }
0x129: {  	[spmem:s3] =	stream.indirect.scatter.add.f32 [tilespmem:s22], [sflag:$0x5], $0x20, s8, s21, $0xb8;
	[tilespmem:$0x1AA80] =	vst v63  }
0x12a: {  	_ =	swait.ge [sflag:s23], $0x1000  }
0x12b: {  	[sflag:s23] =	ssyncset.done $0x0  }
0x12c: {  	s9 =	sadd.s32 $0xA300, s7;
	[sflag:s23] =	ssyncadd.s32 $0xFFFFF000  }
0x12d: {  	[tilespmem:s28], [sflag:$0x3] =	stream.indirect.gather [spmem:s1], $0x20, s9, s21, $0xb8;
	[tilespmem:$0x1AA80] =	vst v63  }
0x12e: {  	_ =	swait.ge [sflag:s29], $0x1000  }
0x12f: {  	[sflag:s29] =	ssyncset.done $0x0  }
0x130: {  	s9 =	sadd.s32 $0xCA80, s7;
	[sflag:s29] =	ssyncadd.s32 $0xFFFFF000  }
0x131: {  	[spmem:s3] =	stream.indirect.scatter.add.f32 [tilespmem:s24], [sflag:$0x6], $0x20, s9, s21, $0xb8;
	[tilespmem:$0x1AA80] =	vst v63  }
0x132: {  	_ =	swait.ge [sflag:s15], $0x1000  }
0x133: {  	[sflag:s15] =	ssyncset.done $0x0  }
0x134: {  	p1 =	seq.s32 s6, $0x9000;
	s9 =	sadd.s32 $0xA380, s7;
	[sflag:s15] =	ssyncadd.s32 $0xFFFFF000  }
0x135: {  	[tilespmem:s0], [sflag:$0x4] =	stream.indirect.gather [spmem:s1], $0x20, s9, s21, $0xb8;
	[tilespmem:$0x1AA80] =	vst v63  }
.Ltmp6:
0x136: {  	_ = 	snop;
	(pc) =	sbr.rel @p1 .LBB2_15-.Ltmp6, $4  }
0x137: {  	_ =	swait.ge [sflag:s2], $0x1000  }
0x138: {  	[sflag:s2] =	ssyncset.done $0x0  }
0x139: {  	s8 =	sadd.s32 $0xCB80, s7;
	s9 =	sadd.s32 $0xCB00, s7;
	[sflag:s2] =	ssyncadd.s32 $0xFFFFF000  }
0x13a: {  	[spmem:s3] =	stream.indirect.scatter.add.f32 [tilespmem:s28], [sflag:$0x7], $0x20, s9, s21, $0xb8;
	[tilespmem:$0x1AA80] =	vst v63  }
0x13b: {  	_ =	swait.ge [sflag:s26], $0x1000  }
0x13c: {  	[sflag:s26] =	ssyncset.done $0x0  }
0x13d: {  	s9 =	sadd.s32 $0xA400, s7;
	[sflag:s26] =	ssyncadd.s32 $0xFFFFF000  }
0x13e: {  	[tilespmem:s22], [sflag:$0x1] =	stream.indirect.gather [spmem:s1], $0x20, s9, s21, $0xb8;
	[tilespmem:$0x1AA80] =	vst v63  }
0x13f: {  	_ =	swait.ge [sflag:s31], $0x1000  }
0x140: {  	[sflag:s31] =	ssyncset.done $0x0  }
0x141: {  	[sflag:s31] =	ssyncadd.s32 $0xFFFFF000  }
0x142: {  	[spmem:s3] =	stream.indirect.scatter.add.f32 [tilespmem:s0], [sflag:$0x8], $0x20, s8, s21, $0xb8;
	[tilespmem:$0x1AA80] =	vst v63  }
.Ltmp7:
0x143: {  	_ = 	snop;
	(pc) =	sbr.rel .LBB2_13-.Ltmp7, $4  }
0x144: {  	_ =	swait.ge [sflag:s30], $0x1000  }
0x145: {  	[sflag:s30] =	ssyncset.done $0x0  }
0x146: {  	s6 =	sadd.s32 $0x800, s6;
	s9 =	sadd.s32 $0xA480, s7;
	[sflag:s30] =	ssyncadd.s32 $0xFFFFF000  }
0x147: {  	[tilespmem:s24], [sflag:$0x2] =	stream.indirect.gather [spmem:s1], $0x20, s9, s21, $0xb8;
	[tilespmem:$0x1AA80] =	vst v63  }
.LBB2_15:
0x148: {  	_ =	swait.ge [sflag:s31], $0x1000  }
0x149: {  	[sflag:s31] =	ssyncset.done $0x0  }
0x14a: {  	[sflag:s31] =	ssyncadd.s32 $0xFFFFF000  }
0x14b: {  	[spmem:s3] =	stream.indirect.scatter.add.f32 [tilespmem:s0], [sflag:$0x8], $0x20, s8, s21, $0xb8;
	[tilespmem:$0x1AA80] =	vst v63  }
0x14c: {  	_ =	swait.ge [sflag:s26], $0x1000  }
0x14d: {  	[sflag:s26] =	ssyncset.done $0x0  }
0x14e: {  	[sflag:s26] =	ssyncadd.s32 $0xFFFFF000  }
0x14f: {  	_ =	swait.ge [sflag:s30], $0x1000  }
0x150: {  	[sflag:s30] =	ssyncset.done $0x0  }
0x151: {  	[sflag:s30] =	ssyncadd.s32 $0xFFFFF000  }
0x152: {  	_ =	swait.ge [sflag:s23], $0x1000  }
0x153: {  	[sflag:s23] =	ssyncset.done $0x0  }
0x154: {  	[sflag:s23] =	ssyncadd.s32 $0xFFFFF000  }
0x155: {  	_ =	swait.ge [sflag:s15], $0x1000  }
0x156: {  	[sflag:s15] =	ssyncset.done $0x0  }
0x157: {  	[sflag:s15] =	ssyncadd.s32 $0xFFFFF000  }
0x158: {  	[bflag:$0x0] =	sbarrier.arrive $0xFFFF  }
0x159: {  	[tilespmem:s18], [sflag:$0x9] =	stream.linear.gather [spmem:s12], $0x5000, $0x38;
	[tilespmem:$0x1AA80] =	vst v63  }
0x15a: {  	_ =	swait.ge [sflag:s16], $0x5000  }
0x15b: {  	[sflag:s16] =	ssyncset.done $0x0  }
0x15c: {  	s6 =	simm.s32 $0xF100;
	[sflag:s16] =	ssyncadd.s32 $0xFFFFB000  }
0x15d: {  	v8 =	vld [tilespmem:s6+$0xFFFFFFA0]  }
0x15e: {  	v6 =	vld [tilespmem:s6+$0xFFFFFFF0]  }
0x15f: {  	v3 =	vld [tilespmem:s6+$0xFFFFFF60]  }
0x160: {  	v9 =	vld [tilespmem:s6+$0xFFFFFFD0]  }
0x161: {  	v10 =	vld [tilespmem:s6+$0x80]  }
0x162: {  	v13 =	vld [tilespmem:s6+$0xFFFFFF10]  }
0x163: {  	v17 =	vld [tilespmem:s6+$0xE0]  }
0x164: {  	v12 =	vld [tilespmem:s6+$0xFFFFFF40]  }
0x165: {  	s7 =	simm.s32 $0x0;
	v4 =	vld [tilespmem:s6+$0xFFFFFF90]  }
0x166: {  	v5 =	vld [tilespmem:s7+$0x14000]  }
0x167: {  	v11 =	vld [tilespmem:s6+$0xFFFFFFC0]  }
0x168: {  	v14 =	vld [tilespmem:s6+$0xFFFFFF00]  }
0x169: {  	v15 =	vld [tilespmem:s6+$0xD0]  }
0x16a: {  	v24 =	vld [tilespmem:s6+$0xC0]  }
0x16b: {  	v22 =	vld [tilespmem:s6+$0x90];
	v20 =	vbroadcast v5, $0x0;
	v7 =	vbroadcast v5, $0xF  }
0x16c: {  	v23 =	vld [tilespmem:s6+$0xFFFFFF50];
	v21 =	vbroadcast v5, $0x2;
	v19 =	vbroadcast v5, $0xE  }
0x16d: {  	v18 =	vld [tilespmem:s6+$0xB0];
	v16 =	vbroadcast v5, $0xC;
	v26 =	vmul.f32 v20, v14  }
0x16e: {  	s8 =	simm.s32 $0xF100;
	s7 =	simm.s32 $0x40;
	v14 =	vbroadcast v5, $0xD;
	v25 =	vmul.f32 v12, v21;
	v12 =	vld [tilespmem:s6+$0x60]  }
.LBB2_16:
0x16f: {  	p1 =	sne.s32 s7, $0x9C0  }
0x170: {  	[tilespmem:s6+$0xFFFFFF00] =	vst v26;
	v26 =	vld [tilespmem:s6+$0xFFFFFFB0];
	v24 =	vmul.f32 v24, v19;
	v17 =	vmul.f32 v17, v7;
	s8 =	sadd.s32 $0x200, s8;
	s9 =	smov.u32 s7;
	s7 =	sadd.s32 $0x40, s7  }
0x171: {  	[tilespmem:s6+$0xFFFFFF40] =	vst v25;
	v25 =	vbroadcast v5, $0xA;
	v22 =	vmul.f32 v22, v16;
	v27 =	vld [tilespmem:s6+$0xA0]  }
0x172: {  	v13 =	vmul.f32 v13, v20;
	v20 =	vmul.f32 v23, v21;
	v21 =	vld [tilespmem:s6+$0x70];
	[tilespmem:s6+$0xE0] =	vst v17  }
0x173: {  	v17 =	vbroadcast v5, $0x5;
	v23 =	vld [tilespmem:s6+$0xFFFFFFE0];
	v18 =	vmul.f32 v18, v14;
	[tilespmem:s6+$0xC0] =	vst v24  }
0x174: {  	v15 =	vmul.f32 v15, v19;
	[tilespmem:s6+$0xFFFFFF10] =	vst v13;
	v13 =	vbroadcast v5, $0x6;
	v24 =	vld [tilespmem:s6+$0x40]  }
0x175: {  	v28 =	vbroadcast v5, $0xB;
	v8 =	vmul.f32 v8, v17;
	v19 =	vld [tilespmem:s6+$0xFFFFFF20];
	[tilespmem:s6+$0x90] =	vst v22  }
0x176: {  	v22 =	vbroadcast v5, $0x9;
	[tilespmem:s6+$0xFFFFFF50] =	vst v20;
	v20 =	vld [tilespmem:s6+$0x20];
	v14 =	vmul.f32 v27, v14  }
0x177: {  	v17 =	vmul.f32 v26, v17;
	v26 =	vld [tilespmem:s6+$0x50];
	v21 =	vmul.f32 v21, v28;
	[tilespmem:s6+$0xD0] =	vst v15  }
0x178: {  	v10 =	vmul.f32 v10, v16;
	v15 =	vbroadcast v5, $0x7;
	v27 =	vld [tilespmem:s6+$0x30];
	[tilespmem:s6+$0xA0] =	vst v14  }
0x179: {  	v11 =	vmul.f32 v11, v13;
	v14 =	vbroadcast v5, $0x3;
	v16 =	vld [tilespmem:s6+$0x0];
	[tilespmem:s6+$0x70] =	vst v21  }
0x17a: {  	v12 =	vmul.f32 v12, v28;
	v9 =	vmul.f32 v9, v13;
	v13 =	vld [tilespmem:s6+$0x10];
	[tilespmem:s6+$0x80] =	vst v10  }
0x17b: {  	v21 =	vbroadcast v5, $0x8;
	v24 =	vmul.f32 v24, v25;
	v10 =	vld [tilespmem:s6+$0xFFFFFF30];
	[tilespmem:s6+$0xB0] =	vst v18  }
0x17c: {  	v18 =	vbroadcast v5, $0x1;
	v28 =	vld [tilespmem:s6+$0xFFFFFF70];
	[tilespmem:s6+$0xFFFFFFD0] =	vst v9;
	v25 =	vmul.f32 v26, v25  }
0x17d: {  	v6 =	vmul.f32 v6, v15;
	v9 =	vmul.f32 v23, v15;
	[tilespmem:s6+$0xFFFFFFC0] =	vst v11;
	v11 =	vld [tilespmem:s6+$0xF0]  }
0x17e: {  	v23 =	vmul.f32 v27, v22;
	v15 =	vld [tilespmem:s6+$0xFFFFFF80];
	[tilespmem:s6+$0xFFFFFFA0] =	vst v8;
	v16 =	vmul.f32 v16, v21  }
0x17f: {  	v8 =	vld [tilespmem:s8+$0xFFFFFFA0];
	[tilespmem:s6+$0xFFFFFFF0] =	vst v6;
	v21 =	vmul.f32 v13, v21;
	v13 =	vmul.f32 v20, v22  }
0x180: {  	v6 =	vmul.f32 v19, v18;
	v18 =	vmul.f32 v10, v18;
	[tilespmem:s6+$0x60] =	vst v12  }
0x181: {  	v3 =	vmul.f32 v3, v14;
	v10 =	vmul.f32 v28, v14;
	[tilespmem:s6+$0xFFFFFFB0] =	vst v17  }
0x182: {  	v5 =	vbroadcast v5, $0x4;
	[tilespmem:s6+$0xFFFFFF20] =	vst v6;
	v6 =	vmul.f32 v11, v7  }
0x183: {  	[tilespmem:s6+$0xFFFFFF60] =	vst v3  }
0x184: {  	v7 =	vmul.f32 v15, v5;
	v3 =	vmul.f32 v4, v5;
	[tilespmem:s6+$0x40] =	vst v24  }
0x185: {  	[tilespmem:s6+$0xFFFFFFE0] =	vst v9  }
0x186: {  	[tilespmem:s6+$0xF0] =	vst v6  }
0x187: {  	[tilespmem:s6+$0xFFFFFF90] =	vst v3  }
0x188: {  	v6 =	vld [tilespmem:s8+$0xFFFFFFF0];
	[tilespmem:s6+$0xFFFFFF70] =	vst v10  }
0x189: {  	v3 =	vld [tilespmem:s8+$0xFFFFFF60];
	[tilespmem:s6+$0x20] =	vst v13  }
0x18a: {  	v9 =	vld [tilespmem:s8+$0xFFFFFFD0];
	[tilespmem:s6+$0x30] =	vst v23  }
0x18b: {  	v10 =	vld [tilespmem:s8+$0x80];
	[tilespmem:s6+$0xFFFFFF80] =	vst v7  }
0x18c: {  	v13 =	vld [tilespmem:s8+$0xFFFFFF10];
	[tilespmem:s6+$0x50] =	vst v25  }
0x18d: {  	v17 =	vld [tilespmem:s8+$0xE0];
	[tilespmem:s6+$0x0] =	vst v16  }
0x18e: {  	v12 =	vld [tilespmem:s8+$0xFFFFFF40];
	[tilespmem:s6+$0xFFFFFF30] =	vst v18  }
0x18f: {  	s9 =	sshra.s32 s9, $0x2;
	v4 =	vld [tilespmem:s8+$0xFFFFFF90];
	[tilespmem:s6+$0x10] =	vst v21;
	s6 =	smov.u32 s8  }
0x190: {  	v5 =	vld [tilespmem:s9+$0x14000]  }
0x191: {  	v11 =	vld [tilespmem:s8+$0xFFFFFFC0]  }
0x192: {  	v14 =	vld [tilespmem:s8+$0xFFFFFF00]  }
0x193: {  	v15 =	vld [tilespmem:s8+$0xD0]  }
.Ltmp8:
0x194: {  	v24 =	vld [tilespmem:s8+$0xC0];
	(pc) =	sbr.rel @p1 .LBB2_16-.Ltmp8, $4  }
0x195: {  	v20 =	vbroadcast v5, $0x0;
	v22 =	vld [tilespmem:s8+$0x90];
	v7 =	vbroadcast v5, $0xF  }
0x196: {  	v21 =	vbroadcast v5, $0x2;
	v19 =	vbroadcast v5, $0xE;
	v23 =	vld [tilespmem:s8+$0xFFFFFF50]  }
0x197: {  	v26 =	vmul.f32 v20, v14;
	v14 =	vbroadcast v5, $0xD;
	v18 =	vld [tilespmem:s8+$0xB0]  }
0x198: {  	v16 =	vbroadcast v5, $0xC;
	v25 =	vmul.f32 v12, v21;
	v12 =	vld [tilespmem:s8+$0x60]  }
0x199: {  	[tilespmem:s6+$0xFFFFFF00] =	vst v26;
	v17 =	vmul.f32 v17, v7  }
0x19a: {  	v24 =	vmul.f32 v24, v19;
	[tilespmem:s6+$0xFFFFFF40] =	vst v25  }
0x19b: {  	v13 =	vmul.f32 v13, v20;
	[tilespmem:s6+$0xE0] =	vst v17  }
0x19c: {  	v32 =	vmul.f32 v15, v19;
	[tilespmem:s6+$0xC0] =	vst v24  }
0x19d: {  	v30 =	vmul.f32 v22, v16;
	[tilespmem:s6+$0xFFFFFF10] =	vst v13  }
0x19e: {  	v38 =	vbroadcast v5, $0x6;
	v10 =	vmul.f32 v10, v16;
	[tilespmem:s6+$0xD0] =	vst v32  }
0x19f: {  	v21 =	vmul.f32 v23, v21;
	[tilespmem:s6+$0x90] =	vst v30  }
0x1a0: {  	v42 =	vbroadcast v5, $0x5;
	v9 =	vmul.f32 v9, v38;
	[tilespmem:s6+$0x80] =	vst v10  }
0x1a1: {  	v44 =	vbroadcast v5, $0x7;
	v11 =	vmul.f32 v11, v38;
	[tilespmem:s6+$0xFFFFFF50] =	vst v21  }
0x1a2: {  	v51 =	vbroadcast v5, $0x3;
	v8 =	vmul.f32 v8, v42;
	[tilespmem:s6+$0xFFFFFFD0] =	vst v9  }
0x1a3: {  	v28 =	vld [tilespmem:s6+$0xA0];
	v56 =	vbroadcast v5, $0x4;
	v6 =	vmul.f32 v6, v44;
	[tilespmem:s6+$0xFFFFFFC0] =	vst v11  }
0x1a4: {  	v29 =	vld [tilespmem:s6+$0x70];
	v3 =	vmul.f32 v3, v51;
	[tilespmem:s6+$0xFFFFFFA0] =	vst v8  }
0x1a5: {  	v31 =	vld [tilespmem:s6+$0xFFFFFFB0];
	v34 =	vbroadcast v5, $0xB;
	v4 =	vmul.f32 v4, v56;
	[tilespmem:s6+$0xFFFFFFF0] =	vst v6  }
0x1a6: {  	v33 =	vld [tilespmem:s6+$0xFFFFFF20];
	v40 =	vmul.f32 v18, v14;
	[tilespmem:s6+$0xFFFFFF60] =	vst v3  }
0x1a7: {  	v37 =	vld [tilespmem:s6+$0x40];
	v12 =	vmul.f32 v12, v34;
	[tilespmem:s6+$0xFFFFFF90] =	vst v4  }
0x1a8: {  	v35 =	vld [tilespmem:s6+$0xFFFFFFE0];
	v36 =	vmul.f32 v28, v14;
	[tilespmem:s6+$0xB0] =	vst v40  }
0x1a9: {  	v49 =	vbroadcast v5, $0x1;
	v52 =	vld [tilespmem:s6+$0xF0];
	v20 =	vmul.f32 v29, v34;
	[tilespmem:s6+$0x60] =	vst v12  }
0x1aa: {  	v46 =	vld [tilespmem:s6+$0xFFFFFF70];
	v53 =	vbroadcast v5, $0xA;
	v50 =	vmul.f32 v31, v42;
	[tilespmem:s6+$0xA0] =	vst v36  }
0x1ab: {  	v43 =	vld [tilespmem:s6+$0x30];
	v15 =	vmul.f32 v33, v49;
	[tilespmem:s6+$0x70] =	vst v20  }
0x1ac: {  	v47 =	vld [tilespmem:s6+$0xFFFFFF80];
	v55 =	vmul.f32 v37, v53;
	[tilespmem:s6+$0xFFFFFFB0] =	vst v50  }
0x1ad: {  	v41 =	vld [tilespmem:s6+$0x20];
	v10 =	vmul.f32 v35, v44;
	[tilespmem:s6+$0xFFFFFF20] =	vst v15  }
0x1ae: {  	v45 =	vld [tilespmem:s6+$0x0];
	v57 =	vbroadcast v5, $0x9;
	v3 =	vmul.f32 v52, v7;
	[tilespmem:s6+$0x40] =	vst v55  }
0x1af: {  	v39 =	vld [tilespmem:s6+$0x50];
	v58 =	vmul.f32 v46, v51;
	[tilespmem:s6+$0xFFFFFFE0] =	vst v10  }
0x1b0: {  	v54 =	vld [tilespmem:s6+$0xFFFFFF30];
	v59 =	vmul.f32 v43, v57;
	[tilespmem:s6+$0xF0] =	vst v3  }
0x1b1: {  	v48 =	vld [tilespmem:s6+$0x10];
	v60 =	vbroadcast v5, $0x8;
	v61 =	vmul.f32 v47, v56;
	[tilespmem:s6+$0xFFFFFF70] =	vst v58  }
0x1b2: {  	v3 =	vmul.f32 v41, v57;
	[tilespmem:s6+$0x30] =	vst v59  }
0x1b3: {  	v62 =	vmul.f32 v45, v60;
	[tilespmem:s6+$0xFFFFFF80] =	vst v61  }
0x1b4: {  	[tilespmem:s6+$0x20] =	vst v3;
	v3 =	vmul.f32 v39, v53  }
0x1b5: {  	v63 =	vmul.f32 v54, v49;
	[tilespmem:s6+$0x0] =	vst v62  }
0x1b6: {  	s17 =	sadd.s32 $0x1, s17;
	[tilespmem:s6+$0x50] =	vst v3;
	v3 =	vmul.f32 v48, v60  }
0x1b7: {  	p1 =	sne.s32 s17, s14;
	[tilespmem:s6+$0xFFFFFF30] =	vst v63  }
.Ltmp9:
0x1b8: {  	[tilespmem:s6+$0x10] =	vst v3;
	(pc) =	sbr.rel @p1 .LBB2_1-.Ltmp9, $4  }
0x1b9: {  	[hbm4b:s13+s4] =	stream.linear.scatter [tilespmem:s18], [sflag:$0x9], $0x5000, $0x38;
	[tilespmem:$0x1AA80] =	vst v63  }
0x1ba: {  	_ =	swait.ge [sflag:s16], $0x5000  }
0x1bb: {  	[sflag:s16] =	ssyncset.done $0x0  }
0x1bc: {  	[sflag:s16] =	ssyncadd.s32 $0xFFFFB000  }
0x1bd: {  	_ =	sfence.sel $0x180000  }
0x1be: {  	[bflag:$0x0] =	sbarrier.arrive $0xFFFF  }
0x1bf: {  	_ =	strace $0x9000004A  }
0x1c0: {  	s0 =	stileid.u32;
	[bflag:$0x2] =	sbarrier.arrive $0xFFFF  }
0x1c1: {  	p0 =	sne.s32 s0, $0x0;
	s0 =	rddreg [dreg:$0x3]  }
0x1c2: {  	s0 =	sadd.s32 @!p0 $0x100000, s0  }
0x1c3: {  	[sflag:s0] =	ssyncadd.tile.s32 @!p0 $0x1;
	_ =	shalt  }
.Lfunc_end2:
_tile_overlayer_lowered:
.L_overlay_start_2:
0x1c4: {  	(tag) =	ssettag $0x2  }
0x1c5: {  	s0 =	rddreg [dreg:$0x0];
	s2 =	stileid.u32  }
0x1c6: {  	s1 =	rddreg [dreg:$0x1];
	p0 =	sne.s32 s2, $0x0  }
0x1c7: {  	s3 =	rddreg [dreg:$0x2];
	[bflag:$0x3] =	sbarrier.arrive $0xFFFF;
	s2 =	simm.s32 @!p0 $0x1C09  }
0x1c8: {  	[timem:s3], [sflag:s2] =	dma.local @!p0 [hbm:s0], s1  }
0x1c9: {  	s0 =	simm.s32 @!p0 $0x9  }
0x1ca: {  	_ =	swait.ge @!p0 [sflag:s0], s1  }
0x1cb: {  	s1 =	ssub.s32 @!p0 $0x0, s1;
	[sflag:s0] =	ssyncset.done @!p0 $0x0  }
0x1cc: {  	[sflag:s0] =	ssyncadd.s32 @!p0 s1  }
0x1cd: {  	[bflag:$0x3] =	sbarrier.arrive $0xFFFF  }
0x1ce: {  	_ =	shalt  }

// kernel: kernel.14.cloned.1.call-start
scs
__scs_entry_jumppad:
0x0: {  	(pc) =	sbr.rel $0x88, $3  }
0x1: {  	(tag) =	ssettag $0x0;
	lr =	simm.s32 $0x1  }
0x2: {  	[smem:$0x3F99] =	sst lr;
	_ =	strace $0xD0000000  }
0x3: {  	_ = 	snop  }
0x4: {  	_ = 	snop  }
0x5: {  	_ = 	snop  }
0x6: {  	_ = 	snop  }
0x7: {  	_ = 	snop  }
__scs_overlays_trampoline_lowered:
0x8: {  	[smem:$0x3FA8] =	sst s0  }
0x9: {  	[smem:$0x3FA9] =	sst s1  }
0xa: {  	[smem:$0x3FAA] =	sst s2  }
0xb: {  	[smem:$0x3FAB] =	sst s3  }
0xc: {  	[smem:$0x3FAC] =	sst s4  }
0xd: {  	[smem:$0x3FAD] =	sst s5  }
0xe: {  	[smem:$0x3FAE] =	sst s6  }
0xf: {  	[smem:$0x3FAF] =	sst s7  }
0x10: {  	[smem:$0x3FB0] =	sst s8  }
0x11: {  	[smem:$0x3FB1] =	sst s9;
	s0 =	simm.s32 @!p0 $0x0  }
0x12: {  	s1 =	sld [smem:$0x3F97];
	s0 =	simm.s32 @p0 $0x1  }
0x13: {  	[smem:$0x3FB2] =	sst s0;
	s0 =	simm.s32 @!p1 $0x0  }
0x14: {  	s2 =	sld [smem:$0x3F96];
	s0 =	simm.s32 @p1 $0x1  }
0x15: {  	[smem:$0x3FB3] =	sst s0;
	s0 =	simm.s32 @!p2 $0x0  }
0x16: {  	s3 =	sld [smem:$0x3FDB];
	s0 =	simm.s32 @p2 $0x1  }
0x17: {  	s4 =	simm.s32 $0x1BF5;
	[smem:$0x3FB5] =	sst s0  }
0x18: {  	s0 =	sld [smem:$0x3F98];
	_ =	swait.ge [sflag:s4], $0x0  }
0x19: {  	s7 =	sld [smem:$0x3F99]  }
0x1a: {  	s8 =	sadd.s32 $0xFFFFE003, lr  }
0x1b: {  	s9 =	sadd.s32 $0xFFFFFEF7, lr;
	s5 =	simm.s32 $0xFFFFFFFF;
	p2 =	slt.u32 s8, $0xFFFFF086  }
0x1c: {  	p1 =	slt.u32 s9, $0xF7A;
	s5 =	simm.s32 @!p2 $0x0  }
0x1d: {  	s5 =	simm.s32 @p1 $0x1;
	p0 =	seq.s32 s7, s2  }
0x1e: {  	s7 =	smul.u32 @!p0 $0xF7A, s2;
	p2 =	seq.s32 @!p0 s5, $0x0  }
0x1f: {  	s9 =	smul.u32 $0xF7A, s1;
	s8 =	simm.s32 @!p0 $0x1BF5;
	p2 =	por !p2, p0  }
0x20: {  	[sflag:s8] =	ssyncset.s32 @!p0 $0xFFFFF086;
	s6 =	sadd.s32 @!p0 s3, s7;
	s7 =	simm.s32 @!p0 $0x108  }
0x21: {  	s3 =	sadd.s32 s3, s9;
	s6 =	sadd.s32 @!p0 $0x88, s6;
	s7 =	simm.s32 @p2 $0x1082  }
0x22: {  	[simem:s7], [sflag:s8] =	dma.local @!p0 [hbm:s6], $0xF7A  }
0x23: {  	s9 =	sor.u32 $0xD0000000, s2;
	s6 =	simm.s32 $0x108;
	_ =	swait.ge @!p0 [sflag:s8], $0x0  }
0x24: {  	s3 =	sadd.s32 $0x88, s3;
	s6 =	simm.s32 @!p1 $0x1082;
	[sflag:s4] =	ssyncset.s32 $0xFFFFF086  }
0x25: {  	[simem:s6], [sflag:s4] =	dma.local [hbm:s3], $0xF7A  }
0x26: {  	[smem:$0x3F99] =	sst s1;
	(tag) =	ssettag s2;
	_ =	strace s9  }
0x27: {  	s1 =	sld [smem:$0x3FA9]  }
0x28: {  	s2 =	sld [smem:$0x3FAA]  }
0x29: {  	s4 =	sld [smem:$0x3FAC]  }
0x2a: {  	p0 =	seq.s32 s5, $0x0;
	s5 =	sld [smem:$0x3FAD]  }
0x2b: {  	s6 =	sld [smem:$0x3FAE]  }
0x2c: {  	s7 =	sld [smem:$0x3FAF]  }
0x2d: {  	s3 =	simm.s32 $0x108;
	s8 =	sld [smem:$0x3FB0]  }
0x2e: {  	s3 =	simm.s32 @!p0 $0x1082;
	s9 =	sld [smem:$0x3FB1]  }
0x2f: {  	lr =	sadd.s32 s0, s3;
	s0 =	sld [smem:$0x3FA8]  }
0x30: {  	s3 =	sld [smem:$0x3FAB]  }
0x31: {  	[smem:$0x3FB4] =	sst s10  }
0x32: {  	s10 =	sld [smem:$0x3FB2];
	_ =	sdelay $0x3  }
0x33: {  	p0 =	seq.s32 s10, $0x1;
	s10 =	sld [smem:$0x3FB4];
	_ =	sdelay $0x3  }
0x34: {  	[smem:$0x3FB4] =	sst s10  }
0x35: {  	s10 =	sld [smem:$0x3FB3];
	_ =	sdelay $0x3  }
0x36: {  	p1 =	seq.s32 s10, $0x1;
	s10 =	sld [smem:$0x3FB4];
	_ =	sdelay $0x3  }
0x37: {  	[smem:$0x3FB4] =	sst s10  }
0x38: {  	s10 =	sld [smem:$0x3FB5]  }
0x39: {  	_ = 	snop;
	(pc) =	sbr.ind lr, $3  }
0x3a: {  	_ = 	snop  }
0x3b: {  	_ = 	snop  }
0x3c: {  	p2 =	seq.s32 s10, $0x1;
	s10 =	sld [smem:$0x3FB4]  }
0x3d: {  	_ =	shalt  }
0x3e: {  	_ =	shalt  }
0x3f: {  	_ =	shalt  }
0x40: {  	_ =	shalt  }
0x41: {  	_ =	shalt  }
0x42: {  	_ =	shalt  }
0x43: {  	_ =	shalt  }
0x44: {  	_ =	shalt  }
0x45: {  	_ =	shalt  }
0x46: {  	_ =	shalt  }
0x47: {  	_ =	shalt  }
0x48: {  	_ =	shalt  }
0x49: {  	_ =	shalt  }
0x4a: {  	_ =	shalt  }
0x4b: {  	_ =	shalt  }
0x4c: {  	_ =	shalt  }
0x4d: {  	_ =	shalt  }
0x4e: {  	_ =	shalt  }
0x4f: {  	_ =	shalt  }
0x50: {  	_ =	shalt  }
0x51: {  	_ =	shalt  }
0x52: {  	_ =	shalt  }
0x53: {  	_ =	shalt  }
0x54: {  	_ =	shalt  }
0x55: {  	_ =	shalt  }
0x56: {  	_ =	shalt  }
0x57: {  	_ =	shalt  }
0x58: {  	_ =	shalt  }
0x59: {  	_ =	shalt  }
0x5a: {  	_ =	shalt  }
0x5b: {  	_ =	shalt  }
0x5c: {  	_ =	shalt  }
0x5d: {  	_ =	shalt  }
0x5e: {  	_ =	shalt  }
0x5f: {  	_ =	shalt  }
0x60: {  	_ =	shalt  }
0x61: {  	_ =	shalt  }
0x62: {  	_ =	shalt  }
0x63: {  	_ =	shalt  }
0x64: {  	_ =	shalt  }
0x65: {  	_ =	shalt  }
0x66: {  	_ =	shalt  }
0x67: {  	_ =	shalt  }
0x68: {  	_ =	shalt  }
0x69: {  	_ =	shalt  }
0x6a: {  	_ =	shalt  }
0x6b: {  	_ =	shalt  }
0x6c: {  	_ =	shalt  }
0x6d: {  	_ =	shalt  }
0x6e: {  	_ =	shalt  }
0x6f: {  	_ =	shalt  }
0x70: {  	_ =	shalt  }
0x71: {  	_ =	shalt  }
0x72: {  	_ =	shalt  }
0x73: {  	_ =	shalt  }
0x74: {  	_ =	shalt  }
0x75: {  	_ =	shalt  }
0x76: {  	_ =	shalt  }
0x77: {  	_ =	shalt  }
0x78: {  	_ =	shalt  }
0x79: {  	_ =	shalt  }
0x7a: {  	_ =	shalt  }
0x7b: {  	_ =	shalt  }
0x7c: {  	_ =	shalt  }
0x7d: {  	_ =	shalt  }
0x7e: {  	_ =	shalt  }
0x7f: {  	_ =	shalt  }
0x80: {  	_ =	shalt  }
0x81: {  	_ =	shalt  }
0x82: {  	_ =	shalt  }
0x83: {  	_ =	shalt  }
0x84: {  	_ =	shalt  }
0x85: {  	_ =	shalt  }
0x86: {  	_ =	shalt  }
0x87: {  	_ =	shalt  }
.Lfunc_end0:
.L_simem_size_0:
called_computation.2_lowered:
.L_overlay_start_0:
0x88: {  	s2 =	sld [smem:$0x3FD9]  }
0x89: {  	s3 =	sld [smem:$0x3FFE];
	_ =	sdelay $0x1  }
0x8a: {  	s1 =	srdreg.scid  }
0x8b: {  	s0 =	sand.u32 $0x1, s1  }
0x8c: {  	s16 =	sshll.u32 s0, $0xA;
	s2 =	sadd.s32 s3, s2  }
0x8d: {  	s2 =	sadd.s32 s2, s16  }
0x8e: {  	[smem:$0x3FC0] =	sst s2  }
0x8f: {  	_ = 	snop  }
0x90: {  	(tm) =	ssettm $0x1  }
0x91: {  	s17 =	sld [smem:$0x3FFB];
	_ =	sdelay $0x3  }
0x92: {  	_ =	strace s17  }
0x93: {  	s2 =	sld [smem:$0x3FFC];
	_ =	sdelay $0x3  }
0x94: {  	_ =	strace s2  }
0x95: {  	s2 =	sld [smem:$0x3FFD];
	_ =	sdelay $0x3  }
0x96: {  	_ =	strace s2  }
0x97: {  	_ =	strace $0x8FFFFFFF  }
0x98: {  	s18 =	sld [smem:$0x3FDB];
	_ =	sdelay $0x1  }
0x99: {  	s19 =	simm.s32 $_scs_section_size  }
0x9a: {  	s4 =	simm.s32 $_size__tile_overlayer_lowered;
	s5 =	simm.s32 $_tile_overlayer_lowered  }
0x9b: {  	s22 =	simm.s32 $0x1BFF;
	s21 =	sshll.u32 s5, $0x1;
	s2 =	sadd.s32 s19, s18  }
0x9c: {  	s6 =	simm.s32 $0x0;
	s20 =	sshll.u32 s4, $0x1;
	s4 =	sadd.s32 s21, s2  }
0x9d: {  	[timem:s6], [sflag:s22] =	dma.local [hbm:s4], s20  }
0x9e: {  	_ =	swait.ge [sflag:s22], s20  }
0x9f: {  	s3 =	ssub.s32 $0x0, s20;
	[sflag:s22] =	ssyncset.done $0x0  }
0xa0: {  	[sflag:s22] =	ssyncadd.s32 s3;
	_ =	sdelay $0x1  }
0xa1: {  	s23 =	simm.s32 $0x1B8B  }
0xa2: {  	_ =	swait.ge [sflag:s23], $0x1  }
0xa3: {  	[sflag:s23] =	ssyncset.done $0x0  }
0xa4: {  	s25 =	simm.s32 $0x1B8E;
	s24 =	sld [smem:$0x3FFE];
	[sflag:s23] =	ssyncadd.s32 $0xFFFFFFFF  }
0xa5: {  	s26 =	simm.s32 $execute0_lowered;
	[smem:$0x3FD2] =	sst s25  }
0xa6: {  	s4 =	sshll.u32 s26, $0x1;
	_ =	strace $0x8000004C;
	[dreg:$0x1] =	wrdreg $0xFFFFFFFF  }
0xa7: {  	s28 =	simm.s32 $_size_execute0_lowered;
	s2 =	sadd.s32 s2, s4;
	[dreg:$0x0] =	wrdreg $0x0  }
0xa8: {  	s4 =	sshll.u32 s28, $0x1;
	[dreg:$0x2] =	wrdreg s2  }
0xa9: {  	[dreg:$0x3] =	wrdreg s4  }
0xaa: {  	[dreg:$0x4] =	wrdreg $0xC0  }
0xab: {  	_ =	task [dreg:s6], $0x5FFFF  }
0xac: {  	[dreg:$0x1] =	wrdreg $0xFFFFFFFF  }
0xad: {  	[dreg:$0x0] =	wrdreg $0x60  }
0xae: {  	[dreg:$0x2] =	wrdreg s24  }
0xaf: {  	[dreg:$0x3] =	wrdreg $0x50000  }
0xb0: {  	[dreg:$0x4] =	wrdreg $0x0  }
0xb1: {  	[dreg:$0x5] =	wrdreg $0x9  }
0xb2: {  	_ =	task.clear_ibuf [dreg:s6], $0x6FFFF;
	_ =	strace $0x9000004C  }
0xb3: {  	s29 =	simm.s32 $0x9;
	_ =	strace $0x8000004E  }
0xb4: {  	_ =	swait.ge [sflag:s29], $0x1  }
0xb5: {  	[sflag:s29] =	ssyncadd.s32 $0xFFFFFFFF  }
0xb6: {  	_ =	strace $0x9000004E  }
0xb7: {  	_ =	sfence  }
0xb8: {  	s30 =	sld [smem:$0x0];
	_ =	sdelay $0x2  }
0xb9: {  	s31 =	sshll.u32 s1, $0xD;
	s1 =	sshrl.u32 s1, $0x2  }
0xba: {  	s3 =	sand.u32 $0x4000, s31;
	s1 =	sadd.s32 s1, s30  }
0xbb: {  	s0 =	sor.u32 s3, s0;
	s1 =	sshll.u32 s1, $0x11  }
0xbc: {  	s0 =	sor.u32 s1, s0  }
0xbd: {  	s0 =	sadd.s32 $0x8F2B, s0  }
0xbe: {  	[sflag:s0] =	ssyncadd.remote.s32 $0x1  }
0xbf: {  	_ =	sfence.sel $0xFFFF  }
0xc0: {  	[dreg:$0x0] =	wrdreg $0xFFFFFFFF;
	(pc) =	sbr.abs _section_cstart, $3  }
0xc1: {  	[dreg:$0x1] =	wrdreg $0xFFFFFFFF  }
0xc2: {  	_ =	task.clear_ibuf [dreg:s6], $0x2FFFF;
	_ =	strace $0x9FFFFFFF  }
0xc3: {  	(tm) =	ssettm $0x7FFFFFFF  }
tec
execute0_lowered:
.L_overlay_start_1:
0x0: {  	(tag) =	ssettag $0x1  }
0x1: {  	s0 =	rddreg [dreg:$0x0]  }
0x2: {  	s1 =	rddreg [dreg:$0x1]  }
0x3: {  	s3 =	rddreg [dreg:$0x2];
	s4 =	simm.s32 $0x0;
	s12 =	stileid.u32  }
0x4: {  	s5 =	srdreg.scid;
	s16 =	simm.s32 $0x9;
	s28 =	simm.s32 $0x18A80  }
0x5: {  	s29 =	simm.s32 $0x2;
	s31 =	simm.s32 $0x4;
	s2 =	smul.u32 $0x5000, s12  }
0x6: {  	s30 =	simm.s32 $0x6;
	s15 =	simm.s32 $0x8;
	s6 =	smul.u32 $0x1400, s12  }
0x7: {  	[smem:$0x7FF] =	sst s4;
	s7 =	sand.u32 $0x1, s5;
	s5 =	smul.u32 $0x280, s12  }
0x8: {  	s8 =	sshll.u32 s12, $0x1;
	_ =	strace $0x8000004D;
	s9 =	smul.u32 $0x50000, s7  }
0x9: {  	s19 =	sor.u32 s7, s8;
	s21 =	ssub.s32 $0x2, s7;
	p0 =	sne.s32 s7, $0x0  }
0xa: {  	s17 =	sshrl.u32 s2, $0x3;
	s18 =	sshrl.u32 s6, $0x3;
	s6 =	smul.u32 $0x500, s19  }
0xb: {  	s23 =	sshrl.u32 s21, $0x1;
	s12 =	sadd.s32 s2, s3;
	s19 =	simm.s32 $0x14280  }
0xc: {  	s10 =	sadd.s32 s17, s0;
	s20 =	sadd.s32 s2, s9;
	s11 =	sadd.s32 s18, s0  }
0xd: {  	s8 =	ssub.s32 s21, s23;
	s18 =	simm.s32 $0xF000;
	s21 =	simm.s32 $0x80  }
0xe: {  	s23 =	simm.s32 $0x7;
	s17 =	simm.s32 $0x0;
	s22 =	sshrl.u32 s20, $0x3  }
0xf: {  	s6 =	sadd.s32 s6, s0;
	s25 =	sadd.s32 $0x10E00, s10;
	s26 =	sadd.s32 $0xBE00, s11  }
0x10: {  	s10 =	sadd.s32 $0xE600, s11;
	s11 =	sadd.s32 s2, s1;
	s14 =	smax.u32 s8, $0x1  }
0x11: {  	s20 =	simm.s32 $0x15680;
	s2 =	simm.s32 $0x3;
	[dreg:$0x6] =	wrdreg s25  }
0x12: {  	s0 =	sadd.s32 s22, s0;
	s24 =	sadd.s32 $0x1AE00, s6;
	[dreg:$0x7] =	wrdreg s26  }
0x13: {  	v0 =	vlaneseq.u32;
	s6 =	sadd.s32 $0x1C00, s6;
	s22 =	simm.s32 $0x16A80;
	[dreg:$0x4] =	wrdreg s24  }
0x14: {  	v0 =	vmul.u32 $0x8, v0;
	s25 =	simm.s32 $0x1;
	s26 =	simm.s32 $0x5;
	[dreg:$0x5] =	wrdreg s6  }
0x15: {  	v1 =	vimm.f32 $1.000000000e+00;
	v2 =	vimm.f32 $0.0e+00;
	s13 =	sadd.s32 $0x24E00, s0;
	s24 =	simm.s32 $0x17A80;
	s0 =	simm.s32 $0x19A80  }
.LBB2_1:
0x16: {  	s6 =	rddreg [dreg:$0x4];
	s7 =	simm.s32 $0xA000  }
0x17: {  	[tilespmem:s7], [sflag:$0x9] =	stream.linear.gather [hbm4b:s6+s4], $0x2800, $0x38;
	[tilespmem:$0x1AA80] =	vst v63  }
0x18: {  	_ =	swait.ge [sflag:s16], $0x2800  }
0x19: {  	[sflag:s16] =	ssyncset.done $0x0  }
0x1a: {  	s9 =	simm.s32 $0xC800;
	s8 =	rddreg [dreg:$0x5];
	[sflag:s16] =	ssyncadd.s32 $0xFFFFD800  }
0x1b: {  	[tilespmem:s9], [sflag:$0x9] =	stream.linear.gather [hbm4b:s8+s4], $0x2800, $0x38;
	[tilespmem:$0x1AA80] =	vst v63  }
0x1c: {  	_ =	swait.ge [sflag:s16], $0x2800  }
0x1d: {  	[sflag:s16] =	ssyncset.done $0x0  }
0x1e: {  	s8 =	rddreg [dreg:$0x6];
	[sflag:s16] =	ssyncadd.s32 $0xFFFFD800  }
0x1f: {  	[tilespmem:s18], [sflag:$0x9] =	stream.linear.gather [hbm4b:s8+s4], $0x5000, $0x38;
	[tilespmem:$0x1AA80] =	vst v63  }
0x20: {  	_ =	swait.ge [sflag:s16], $0x5000  }
0x21: {  	[sflag:s16] =	ssyncset.done $0x0  }
0x22: {  	s9 =	rddreg [dreg:$0x7];
	[sflag:s16] =	ssyncadd.s32 $0xFFFFB000  }
0x23: {  	[tilespmem:s19], [sflag:$0x9] =	stream.linear.gather [hbm4b:s9+s4], $0x1400, $0x38;
	[tilespmem:$0x1AA80] =	vst v63  }
0x24: {  	v3 =	vmov s4;
	_ =	swait.ge [sflag:s16], $0x1400  }
0x25: {  	v3 =	vshll.u32 v3, $0x3;
	[sflag:s16] =	ssyncset.done $0x0  }
0x26: {  	v3 =	vor.u32 v0, v3;
	[sflag:s16] =	ssyncadd.s32 $0xFFFFEC00  }
0x27: {  	[tilespmem:s20], [sflag:$0x9] =	stream.linear.gather [hbm4b:s10+s4], $0x1400, $0x38;
	[tilespmem:$0x1AA80] =	vst v63  }
0x28: {  	_ =	swait.ge [sflag:s16], $0x1400  }
0x29: {  	[sflag:s16] =	ssyncset.done $0x0  }
0x2a: {  	[sflag:s16] =	ssyncadd.s32 $0xFFFFEC00  }
0x2b: {  	v4 =	vld.idx.msk [tilespmem:v3+s20+$0x0], $0xffff  }
0x2c: {  	v3 =	vld.idx.msk [tilespmem:v3+s19+$0x0], $0xffff;
	_ =	sdelay $0x4  }
0x2d: {  	v3 =	vadd.f32 v4, v3  }
0x2e: {  	s7 =	sadd.s32 $0x0, s5  }
0x2f: {  	p1 =	slt.u32 s7, $0x1E00;
	v3 =	vadd.f32 $2.000000000e+00, v3  }
0x30: {  	v4 =	vpsel !p1, $0x0, v1  }
0x31: {  	v3 =	vsub.f32 v3, v4;
	_ =	sdelay $0x1  }
0x32: {  	v4 =	vshra.s32 v3, $0x1;
	v3 =	vmul.f32 $5.000000000e-01, v3  }
0x33: {  	v4 =	vsub.s32 $0x5F3759DF, v4  }
0x34: {  	v5 =	vmul.f32 v4, v3;
	_ =	sdelay $0x1  }
0x35: {  	v5 =	vmul.f32 v4, v5;
	_ =	sdelay $0x1  }
0x36: {  	v5 =	vsub.f32 $1.500000000e+00, v5;
	_ =	sdelay $0x1  }
0x37: {  	v4 =	vmul.f32 v4, v5;
	_ =	sdelay $0x1  }
0x38: {  	v5 =	vmul.f32 v4, v3;
	_ =	sdelay $0x1  }
0x39: {  	v5 =	vmul.f32 v5, v4;
	_ =	sdelay $0x1  }
0x3a: {  	v5 =	vsub.f32 $1.500000000e+00, v5;
	_ =	sdelay $0x1  }
0x3b: {  	v4 =	vmul.f32 v5, v4;
	_ =	sdelay $0x1  }
0x3c: {  	v3 =	vmul.f32 v4, v3  }
0x3d: {  	s8 =	simm.s32 $0x10  }
0x3e: {  	v5 =	vmov s8;
	v3 =	vmul.f32 v3, v4  }
0x3f: {  	v5 =	vshll.u32 v5, $0x3  }
0x40: {  	v5 =	vor.u32 v0, v5;
	v3 =	vsub.f32 $1.500000000e+00, v3;
	_ =	sdelay $0x1  }
0x41: {  	v3 =	vmul.f32 v3, v4  }
0x42: {  	s6 =	simm.s32 $0x14000  }
0x43: {  	[tilespmem:s6+$0x0] =	vst v3  }
0x44: {  	v3 =	vld.idx.msk [tilespmem:v5+s20+$0x0], $0xffff  }
0x45: {  	v4 =	vld.idx.msk [tilespmem:v5+s19+$0x0], $0xffff;
	_ =	sdelay $0x4  }
0x46: {  	v3 =	vadd.f32 v3, v4  }
0x47: {  	s9 =	sadd.s32 $0x10, s5  }
0x48: {  	p6 =	slt.u32 s9, $0x1E00;
	v3 =	vadd.f32 $2.000000000e+00, v3  }
0x49: {  	v4 =	vpsel !p6, $0x0, v1  }
0x4a: {  	v3 =	vsub.f32 v3, v4;
	_ =	sdelay $0x1  }
0x4b: {  	v4 =	vshra.s32 v3, $0x1;
	v5 =	vmul.f32 $5.000000000e-01, v3  }
0x4c: {  	v3 =	vsub.s32 $0x5F3759DF, v4  }
0x4d: {  	v4 =	vmul.f32 v3, v5;
	_ =	sdelay $0x1  }
0x4e: {  	v4 =	vmul.f32 v3, v4;
	_ =	sdelay $0x1  }
0x4f: {  	v4 =	vsub.f32 $1.500000000e+00, v4;
	_ =	sdelay $0x1  }
0x50: {  	v3 =	vmul.f32 v3, v4;
	_ =	sdelay $0x1  }
0x51: {  	v4 =	vmul.f32 v3, v5;
	_ =	sdelay $0x1  }
0x52: {  	v4 =	vmul.f32 v4, v3;
	_ =	sdelay $0x1  }
0x53: {  	v4 =	vsub.f32 $1.500000000e+00, v4;
	_ =	sdelay $0x1  }
0x54: {  	v3 =	vmul.f32 v4, v3;
	_ =	sdelay $0x1  }
0x55: {  	v4 =	vmul.f32 v3, v5  }
0x56: {  	s7 =	simm.s32 $0x20  }
0x57: {  	v5 =	vmov s7;
	v4 =	vmul.f32 v4, v3  }
0x58: {  	s8 =	simm.s32 $0x30;
	v5 =	vshll.u32 v5, $0x3  }
.LBB2_2:
0x59: {  	p1 =	sne.s32 s8, $0x270;
	v5 =	vor.u32 v0, v5;
	v4 =	vsub.f32 $1.500000000e+00, v4;
	_ =	sdelay $0x1  }
0x5a: {  	v3 =	vmul.f32 v4, v3  }
0x5b: {  	s6 =	sadd.s32 $0x10, s6  }
0x5c: {  	[tilespmem:s6+$0x0] =	vst v3  }
0x5d: {  	v3 =	vld.idx.msk [tilespmem:v5+s20+$0x0], $0xffff  }
0x5e: {  	v4 =	vld.idx.msk [tilespmem:v5+s19+$0x0], $0xffff;
	_ =	sdelay $0x5  }
0x5f: {  	v3 =	vadd.f32 v3, v4  }
0x60: {  	s9 =	sadd.s32 s7, s5;
	s7 =	smov.u32 s8  }
0x61: {  	p2 =	slt.u32 s9, $0x1E00;
	v3 =	vadd.f32 $2.000000000e+00, v3  }
0x62: {  	v4 =	vpsel !p2, $0x0, v1  }
0x63: {  	v3 =	vsub.f32 v3, v4;
	_ =	sdelay $0x1  }
0x64: {  	v4 =	vshra.s32 v3, $0x1;
	v5 =	vmul.f32 $5.000000000e-01, v3  }
0x65: {  	v3 =	vsub.s32 $0x5F3759DF, v4  }
0x66: {  	v4 =	vmul.f32 v3, v5;
	_ =	sdelay $0x1  }
0x67: {  	v4 =	vmul.f32 v3, v4;
	_ =	sdelay $0x1  }
0x68: {  	v4 =	vsub.f32 $1.500000000e+00, v4;
	_ =	sdelay $0x1  }
0x69: {  	v3 =	vmul.f32 v3, v4;
	_ =	sdelay $0x1  }
0x6a: {  	v4 =	vmul.f32 v3, v5;
	_ =	sdelay $0x1  }
0x6b: {  	v4 =	vmul.f32 v4, v3;
	_ =	sdelay $0x1  }
0x6c: {  	v4 =	vsub.f32 $1.500000000e+00, v4;
	_ =	sdelay $0x1  }
0x6d: {  	v3 =	vmul.f32 v4, v3  }
.Ltmp0:
0x6e: {  	(pc) =	sbr.rel @p1 .LBB2_2-.Ltmp0, $3  }
0x6f: {  	v4 =	vmul.f32 v3, v5;
	_ =	sdelay $0x1  }
0x70: {  	v5 =	vmov s8;
	v4 =	vmul.f32 v4, v3  }
0x71: {  	s8 =	sadd.s32 $0x10, s8;
	v5 =	vshll.u32 v5, $0x3  }
0x72: {  	v5 =	vor.u32 v0, v5;
	v4 =	vsub.f32 $1.500000000e+00, v4;
	_ =	sdelay $0x1  }
0x73: {  	v3 =	vmul.f32 v4, v3  }
0x74: {  	s6 =	sadd.s32 $0x10, s6  }
0x75: {  	[tilespmem:s6+$0x0] =	vst v3  }
0x76: {  	v3 =	vld.idx.msk [tilespmem:v5+s20+$0x0], $0xffff  }
0x77: {  	v4 =	vld.idx.msk [tilespmem:v5+s19+$0x0], $0xffff;
	_ =	sdelay $0x4  }
0x78: {  	v3 =	vadd.f32 v3, v4  }
0x79: {  	s7 =	sadd.s32 s7, s5  }
0x7a: {  	p1 =	slt.u32 s7, $0x1E00;
	v3 =	vadd.f32 $2.000000000e+00, v3  }
0x7b: {  	v4 =	vpsel !p1, $0x0, v1  }
0x7c: {  	v3 =	vsub.f32 v3, v4;
	_ =	sdelay $0x1  }
0x7d: {  	v4 =	vshra.s32 v3, $0x1;
	v3 =	vmul.f32 $5.000000000e-01, v3  }
0x7e: {  	v4 =	vsub.s32 $0x5F3759DF, v4  }
0x7f: {  	v5 =	vmul.f32 v4, v3;
	_ =	sdelay $0x1  }
0x80: {  	v5 =	vmul.f32 v4, v5;
	_ =	sdelay $0x1  }
0x81: {  	v5 =	vsub.f32 $1.500000000e+00, v5;
	_ =	sdelay $0x1  }
0x82: {  	v4 =	vmul.f32 v4, v5;
	_ =	sdelay $0x1  }
0x83: {  	v5 =	vmul.f32 v4, v3;
	_ =	sdelay $0x1  }
0x84: {  	v5 =	vmul.f32 v5, v4;
	_ =	sdelay $0x1  }
0x85: {  	v5 =	vsub.f32 $1.500000000e+00, v5;
	_ =	sdelay $0x1  }
0x86: {  	v4 =	vmul.f32 v5, v4;
	_ =	sdelay $0x1  }
0x87: {  	v3 =	vmul.f32 v4, v3;
	_ =	sdelay $0x1  }
0x88: {  	v3 =	vmul.f32 v3, v4;
	_ =	sdelay $0x1  }
0x89: {  	v3 =	vsub.f32 $1.500000000e+00, v3;
	_ =	sdelay $0x1  }
0x8a: {  	v3 =	vmul.f32 v3, v4  }
0x8b: {  	s6 =	sadd.s32 $0x10, s6  }
0x8c: {  	[tilespmem:s6+$0x0] =	vst v3;
	s6 =	simm.s32 $0xF100  }
0x8d: {  	v8 =	vld [tilespmem:s6+$0xFFFFFFA0]  }
0x8e: {  	v6 =	vld [tilespmem:s6+$0xFFFFFFF0]  }
0x8f: {  	v3 =	vld [tilespmem:s6+$0xFFFFFF60]  }
0x90: {  	v9 =	vld [tilespmem:s6+$0xFFFFFFD0]  }
0x91: {  	v10 =	vld [tilespmem:s6+$0x80]  }
0x92: {  	v13 =	vld [tilespmem:s6+$0xFFFFFF10]  }
0x93: {  	v17 =	vld [tilespmem:s6+$0xE0]  }
0x94: {  	v12 =	vld [tilespmem:s6+$0xFFFFFF40]  }
0x95: {  	s9 =	simm.s32 $0x0;
	v4 =	vld [tilespmem:s6+$0xFFFFFF90]  }
0x96: {  	v5 =	vld [tilespmem:s9+$0x14000]  }
0x97: {  	v11 =	vld [tilespmem:s6+$0xFFFFFFC0]  }
0x98: {  	v14 =	vld [tilespmem:s6+$0xFFFFFF00]  }
0x99: {  	v15 =	vld [tilespmem:s6+$0xD0]  }
0x9a: {  	v24 =	vld [tilespmem:s6+$0xC0]  }
0x9b: {  	v22 =	vld [tilespmem:s6+$0x90];
	v20 =	vbroadcast v5, $0x0;
	v7 =	vbroadcast v5, $0xF  }
0x9c: {  	v23 =	vld [tilespmem:s6+$0xFFFFFF50];
	v21 =	vbroadcast v5, $0x2;
	v19 =	vbroadcast v5, $0xE  }
0x9d: {  	v18 =	vld [tilespmem:s6+$0xB0];
	v16 =	vbroadcast v5, $0xC;
	v26 =	vmul.f32 v20, v14  }
0x9e: {  	s8 =	simm.s32 $0xF100;
	s7 =	simm.s32 $0x40;
	v14 =	vbroadcast v5, $0xD;
	v25 =	vmul.f32 v12, v21;
	v12 =	vld [tilespmem:s6+$0x60]  }
.LBB2_4:
0x9f: {  	p1 =	sne.s32 s7, $0x9C0  }
0xa0: {  	[tilespmem:s6+$0xFFFFFF00] =	vst v26;
	v26 =	vld [tilespmem:s6+$0xFFFFFFB0];
	v24 =	vmul.f32 v24, v19;
	v17 =	vmul.f32 v17, v7;
	s8 =	sadd.s32 $0x200, s8;
	s9 =	smov.u32 s7;
	s7 =	sadd.s32 $0x40, s7  }
0xa1: {  	[tilespmem:s6+$0xFFFFFF40] =	vst v25;
	v25 =	vbroadcast v5, $0xA;
	v22 =	vmul.f32 v22, v16;
	v27 =	vld [tilespmem:s6+$0xA0]  }
0xa2: {  	v13 =	vmul.f32 v13, v20;
	v20 =	vmul.f32 v23, v21;
	v21 =	vld [tilespmem:s6+$0x70];
	[tilespmem:s6+$0xE0] =	vst v17  }
0xa3: {  	v17 =	vbroadcast v5, $0x5;
	v23 =	vld [tilespmem:s6+$0xFFFFFFE0];
	v18 =	vmul.f32 v18, v14;
	[tilespmem:s6+$0xC0] =	vst v24  }
0xa4: {  	v15 =	vmul.f32 v15, v19;
	[tilespmem:s6+$0xFFFFFF10] =	vst v13;
	v13 =	vbroadcast v5, $0x6;
	v24 =	vld [tilespmem:s6+$0x40]  }
0xa5: {  	v28 =	vbroadcast v5, $0xB;
	v8 =	vmul.f32 v8, v17;
	v19 =	vld [tilespmem:s6+$0xFFFFFF20];
	[tilespmem:s6+$0x90] =	vst v22  }
0xa6: {  	v22 =	vbroadcast v5, $0x9;
	[tilespmem:s6+$0xFFFFFF50] =	vst v20;
	v20 =	vld [tilespmem:s6+$0x20];
	v14 =	vmul.f32 v27, v14  }
0xa7: {  	v17 =	vmul.f32 v26, v17;
	v26 =	vld [tilespmem:s6+$0x50];
	v21 =	vmul.f32 v21, v28;
	[tilespmem:s6+$0xD0] =	vst v15  }
0xa8: {  	v10 =	vmul.f32 v10, v16;
	v15 =	vbroadcast v5, $0x7;
	v27 =	vld [tilespmem:s6+$0x30];
	[tilespmem:s6+$0xA0] =	vst v14  }
0xa9: {  	v11 =	vmul.f32 v11, v13;
	v14 =	vbroadcast v5, $0x3;
	v16 =	vld [tilespmem:s6+$0x0];
	[tilespmem:s6+$0x70] =	vst v21  }
0xaa: {  	v12 =	vmul.f32 v12, v28;
	v9 =	vmul.f32 v9, v13;
	v13 =	vld [tilespmem:s6+$0x10];
	[tilespmem:s6+$0x80] =	vst v10  }
0xab: {  	v21 =	vbroadcast v5, $0x8;
	v24 =	vmul.f32 v24, v25;
	v10 =	vld [tilespmem:s6+$0xFFFFFF30];
	[tilespmem:s6+$0xB0] =	vst v18  }
0xac: {  	v18 =	vbroadcast v5, $0x1;
	v28 =	vld [tilespmem:s6+$0xFFFFFF70];
	[tilespmem:s6+$0xFFFFFFD0] =	vst v9;
	v25 =	vmul.f32 v26, v25  }
0xad: {  	v6 =	vmul.f32 v6, v15;
	v9 =	vmul.f32 v23, v15;
	[tilespmem:s6+$0xFFFFFFC0] =	vst v11;
	v11 =	vld [tilespmem:s6+$0xF0]  }
0xae: {  	v23 =	vmul.f32 v27, v22;
	v15 =	vld [tilespmem:s6+$0xFFFFFF80];
	[tilespmem:s6+$0xFFFFFFA0] =	vst v8;
	v16 =	vmul.f32 v16, v21  }
0xaf: {  	v8 =	vld [tilespmem:s8+$0xFFFFFFA0];
	[tilespmem:s6+$0xFFFFFFF0] =	vst v6;
	v21 =	vmul.f32 v13, v21;
	v13 =	vmul.f32 v20, v22  }
0xb0: {  	v6 =	vmul.f32 v19, v18;
	v18 =	vmul.f32 v10, v18;
	[tilespmem:s6+$0x60] =	vst v12  }
0xb1: {  	v3 =	vmul.f32 v3, v14;
	v10 =	vmul.f32 v28, v14;
	[tilespmem:s6+$0xFFFFFFB0] =	vst v17  }
0xb2: {  	v5 =	vbroadcast v5, $0x4;
	[tilespmem:s6+$0xFFFFFF20] =	vst v6;
	v6 =	vmul.f32 v11, v7  }
0xb3: {  	[tilespmem:s6+$0xFFFFFF60] =	vst v3  }
0xb4: {  	v7 =	vmul.f32 v15, v5;
	v3 =	vmul.f32 v4, v5;
	[tilespmem:s6+$0x40] =	vst v24  }
0xb5: {  	[tilespmem:s6+$0xFFFFFFE0] =	vst v9  }
0xb6: {  	[tilespmem:s6+$0xF0] =	vst v6  }
0xb7: {  	[tilespmem:s6+$0xFFFFFF90] =	vst v3  }
0xb8: {  	v6 =	vld [tilespmem:s8+$0xFFFFFFF0];
	[tilespmem:s6+$0xFFFFFF70] =	vst v10  }
0xb9: {  	v3 =	vld [tilespmem:s8+$0xFFFFFF60];
	[tilespmem:s6+$0x20] =	vst v13  }
0xba: {  	v9 =	vld [tilespmem:s8+$0xFFFFFFD0];
	[tilespmem:s6+$0x30] =	vst v23  }
0xbb: {  	v10 =	vld [tilespmem:s8+$0x80];
	[tilespmem:s6+$0xFFFFFF80] =	vst v7  }
0xbc: {  	v13 =	vld [tilespmem:s8+$0xFFFFFF10];
	[tilespmem:s6+$0x50] =	vst v25  }
0xbd: {  	v17 =	vld [tilespmem:s8+$0xE0];
	[tilespmem:s6+$0x0] =	vst v16  }
0xbe: {  	v12 =	vld [tilespmem:s8+$0xFFFFFF40];
	[tilespmem:s6+$0xFFFFFF30] =	vst v18  }
0xbf: {  	s9 =	sshra.s32 s9, $0x2;
	v4 =	vld [tilespmem:s8+$0xFFFFFF90];
	[tilespmem:s6+$0x10] =	vst v21;
	s6 =	smov.u32 s8  }
0xc0: {  	v5 =	vld [tilespmem:s9+$0x14000]  }
0xc1: {  	v11 =	vld [tilespmem:s8+$0xFFFFFFC0]  }
0xc2: {  	v14 =	vld [tilespmem:s8+$0xFFFFFF00]  }
0xc3: {  	v15 =	vld [tilespmem:s8+$0xD0]  }
.Ltmp1:
0xc4: {  	v24 =	vld [tilespmem:s8+$0xC0];
	(pc) =	sbr.rel @p1 .LBB2_4-.Ltmp1, $4  }
0xc5: {  	v20 =	vbroadcast v5, $0x0;
	v22 =	vld [tilespmem:s8+$0x90];
	v7 =	vbroadcast v5, $0xF  }
0xc6: {  	v21 =	vbroadcast v5, $0x2;
	v19 =	vbroadcast v5, $0xE;
	v23 =	vld [tilespmem:s8+$0xFFFFFF50]  }
0xc7: {  	v26 =	vmul.f32 v20, v14;
	v14 =	vbroadcast v5, $0xD;
	v18 =	vld [tilespmem:s8+$0xB0]  }
0xc8: {  	v16 =	vbroadcast v5, $0xC;
	v25 =	vmul.f32 v12, v21;
	v12 =	vld [tilespmem:s8+$0x60]  }
0xc9: {  	[tilespmem:s6+$0xFFFFFF00] =	vst v26;
	v17 =	vmul.f32 v17, v7  }
0xca: {  	v24 =	vmul.f32 v24, v19;
	[tilespmem:s6+$0xFFFFFF40] =	vst v25  }
0xcb: {  	v13 =	vmul.f32 v13, v20;
	[tilespmem:s6+$0xE0] =	vst v17  }
0xcc: {  	v32 =	vmul.f32 v15, v19;
	[tilespmem:s6+$0xC0] =	vst v24  }
0xcd: {  	v30 =	vmul.f32 v22, v16;
	[tilespmem:s6+$0xFFFFFF10] =	vst v13  }
0xce: {  	v38 =	vbroadcast v5, $0x6;
	v10 =	vmul.f32 v10, v16;
	[tilespmem:s6+$0xD0] =	vst v32  }
0xcf: {  	v21 =	vmul.f32 v23, v21;
	[tilespmem:s6+$0x90] =	vst v30  }
0xd0: {  	v42 =	vbroadcast v5, $0x5;
	v9 =	vmul.f32 v9, v38;
	[tilespmem:s6+$0x80] =	vst v10  }
0xd1: {  	v44 =	vbroadcast v5, $0x7;
	v11 =	vmul.f32 v11, v38;
	[tilespmem:s6+$0xFFFFFF50] =	vst v21  }
0xd2: {  	v51 =	vbroadcast v5, $0x3;
	v8 =	vmul.f32 v8, v42;
	[tilespmem:s6+$0xFFFFFFD0] =	vst v9  }
0xd3: {  	v28 =	vld [tilespmem:s6+$0xA0];
	v56 =	vbroadcast v5, $0x4;
	v6 =	vmul.f32 v6, v44;
	[tilespmem:s6+$0xFFFFFFC0] =	vst v11  }
0xd4: {  	v29 =	vld [tilespmem:s6+$0x70];
	v3 =	vmul.f32 v3, v51;
	[tilespmem:s6+$0xFFFFFFA0] =	vst v8  }
0xd5: {  	v31 =	vld [tilespmem:s6+$0xFFFFFFB0];
	v34 =	vbroadcast v5, $0xB;
	v4 =	vmul.f32 v4, v56;
	[tilespmem:s6+$0xFFFFFFF0] =	vst v6  }
0xd6: {  	v33 =	vld [tilespmem:s6+$0xFFFFFF20];
	v40 =	vmul.f32 v18, v14;
	[tilespmem:s6+$0xFFFFFF60] =	vst v3  }
0xd7: {  	v37 =	vld [tilespmem:s6+$0x40];
	v12 =	vmul.f32 v12, v34;
	[tilespmem:s6+$0xFFFFFF90] =	vst v4  }
0xd8: {  	v35 =	vld [tilespmem:s6+$0xFFFFFFE0];
	v36 =	vmul.f32 v28, v14;
	[tilespmem:s6+$0xB0] =	vst v40  }
0xd9: {  	v49 =	vbroadcast v5, $0x1;
	v52 =	vld [tilespmem:s6+$0xF0];
	v20 =	vmul.f32 v29, v34;
	[tilespmem:s6+$0x60] =	vst v12  }
0xda: {  	v46 =	vld [tilespmem:s6+$0xFFFFFF70];
	v53 =	vbroadcast v5, $0xA;
	v50 =	vmul.f32 v31, v42;
	[tilespmem:s6+$0xA0] =	vst v36  }
0xdb: {  	v43 =	vld [tilespmem:s6+$0x30];
	v15 =	vmul.f32 v33, v49;
	[tilespmem:s6+$0x70] =	vst v20  }
0xdc: {  	v47 =	vld [tilespmem:s6+$0xFFFFFF80];
	v55 =	vmul.f32 v37, v53;
	[tilespmem:s6+$0xFFFFFFB0] =	vst v50  }
0xdd: {  	v41 =	vld [tilespmem:s6+$0x20];
	v10 =	vmul.f32 v35, v44;
	[tilespmem:s6+$0xFFFFFF20] =	vst v15  }
0xde: {  	v45 =	vld [tilespmem:s6+$0x0];
	v57 =	vbroadcast v5, $0x9;
	v3 =	vmul.f32 v52, v7;
	[tilespmem:s6+$0x40] =	vst v55  }
0xdf: {  	v39 =	vld [tilespmem:s6+$0x50];
	v58 =	vmul.f32 v46, v51;
	[tilespmem:s6+$0xFFFFFFE0] =	vst v10  }
0xe0: {  	v54 =	vld [tilespmem:s6+$0xFFFFFF30];
	v59 =	vmul.f32 v43, v57;
	[tilespmem:s6+$0xF0] =	vst v3  }
0xe1: {  	v48 =	vld [tilespmem:s6+$0x10];
	v60 =	vbroadcast v5, $0x8;
	v61 =	vmul.f32 v47, v56;
	[tilespmem:s6+$0xFFFFFF70] =	vst v58  }
0xe2: {  	v3 =	vmul.f32 v41, v57;
	[tilespmem:s6+$0x30] =	vst v59  }
0xe3: {  	v62 =	vmul.f32 v45, v60;
	[tilespmem:s6+$0xFFFFFF80] =	vst v61  }
0xe4: {  	[tilespmem:s6+$0x20] =	vst v3;
	v3 =	vmul.f32 v39, v53  }
0xe5: {  	v63 =	vmul.f32 v54, v49;
	[tilespmem:s6+$0x0] =	vst v62  }
0xe6: {  	[tilespmem:s6+$0x50] =	vst v3;
	v3 =	vmul.f32 v48, v60  }
0xe7: {  	[tilespmem:s6+$0xFFFFFF30] =	vst v63  }
.Ltmp2:
0xe8: {  	[tilespmem:s6+$0x10] =	vst v3;
	(pc) =	sbr.rel @p0 .LBB2_9-.Ltmp2, $4  }
0xe9: {  	[spmem:s11] =	stream.linear.scatter [tilespmem:s18], [sflag:$0x9], $0x5000, $0x38;
	[tilespmem:$0x1AA80] =	vst v63  }
0xea: {  	_ =	swait.ge [sflag:s16], $0x5000  }
0xeb: {  	[sflag:s16] =	ssyncset.done $0x0  }
0xec: {  	[sflag:s16] =	ssyncadd.s32 $0xFFFFB000  }
0xed: {  	s6 =	simm.s32 $0x0  }
0xee: {  	s7 =	simm.s32 $0x80;
	v3 =	vld [tilespmem:s6+$0xF000]  }
.LBB2_7:
0xef: {  	p1 =	seq.s32 s7, $0x13F80;
	v4 =	vld [tilespmem:s6+$0xF010];
	_ =	sdelay $0x2  }
.Ltmp3:
0xf0: {  	(pc) =	sbr.rel @!p1 .LBB2_7-.Ltmp3, $4  }
0xf1: {  	v3 =	vadd.f32 v3, v3  }
0xf2: {  	v4 =	vadd.f32 v4, v4  }
0xf3: {  	s8 =	sshra.s32 s7, $0x2;
	[tilespmem:s6+$0xF000] =	vst v3  }
0xf4: {  	s7 =	sadd.s32 $0x80, s7;
	v3 =	vld [tilespmem:s8+$0xF000];
	[tilespmem:s6+$0xF010] =	vst v4;
	s6 =	smov.u32 s8  }
0xf5: {  	v4 =	vld [tilespmem:s6+$0xF010];
	_ =	sdelay $0x2  }
.Ltmp4:
0xf6: {  	_ = 	snop;
	(pc) =	sbr.rel .LBB2_12-.Ltmp4, $4  }
0xf7: {  	v3 =	vadd.f32 v3, v3  }
0xf8: {  	v4 =	vadd.f32 v4, v4  }
0xf9: {  	[tilespmem:s6+$0xF000] =	vst v3  }
0xfa: {  	[tilespmem:s6+$0xF010] =	vst v4  }
.LBB2_9:
0xfb: {  	s6 =	simm.s32 $0x80;
	s7 =	simm.s32 $0x0  }
.LBB2_10:
0xfc: {  	p1 =	sne.s32 s6, $0x13F80;
	[tilespmem:s7+$0xF000] =	vst v2;
	s8 =	smov.u32 s6;
	s6 =	sadd.s32 $0x80, s6  }
.Ltmp5:
0xfd: {  	[tilespmem:s7+$0xF010] =	vst v2;
	(pc) =	sbr.rel @p1 .LBB2_10-.Ltmp5, $2  }
0xfe: {  	_ =	sdelay $0x2  }
0xff: {  	s7 =	sshra.s32 s8, $0x2  }
0x100: {  	[tilespmem:s7+$0xF000] =	vst v2  }
0x101: {  	[tilespmem:s7+$0xF010] =	vst v2  }
.LBB2_12:
0x102: {  	[spmem:s12] =	stream.linear.scatter [tilespmem:s18], [sflag:$0x9], $0x5000, $0x38;
	[tilespmem:$0x1AA80] =	vst v63  }
0x103: {  	_ =	swait.ge [sflag:s16], $0x5000  }
0x104: {  	[sflag:s16] =	ssyncset.done $0x0  }
0x105: {  	[sflag:s16] =	ssyncadd.s32 $0xFFFFB000  }
0x106: {  	s6 =	simm.s32 $0xA000;
	[bflag:$0x0] =	sbarrier.arrive $0xFFFF  }
0x107: {  	[tilespmem:s22], [sflag:$0x1] =	stream.indirect.gather [spmem:s1], $0x20, s6, s21, $0xb8;
	[tilespmem:$0x1AA80] =	vst v63  }
0x108: {  	s7 =	simm.s32 $0xA080  }
0x109: {  	[tilespmem:s24], [sflag:$0x2] =	stream.indirect.gather [spmem:s1], $0x20, s7, s21, $0xb8;
	[tilespmem:$0x1AA80] =	vst v63  }
0x10a: {  	_ =	swait.ge [sflag:s25], $0x1000  }
0x10b: {  	[sflag:s25] =	ssyncset.done $0x0  }
0x10c: {  	s8 =	simm.s32 $0xC800;
	[sflag:s25] =	ssyncadd.s32 $0xFFFFF000  }
0x10d: {  	[spmem:s3] =	stream.indirect.scatter.add.f32 [tilespmem:s22], [sflag:$0x5], $0x20, s8, s21, $0xb8;
	[tilespmem:$0x1AA80] =	vst v63  }
0x10e: {  	s9 =	simm.s32 $0xA100  }
0x10f: {  	[tilespmem:s28], [sflag:$0x3] =	stream.indirect.gather [spmem:s1], $0x20, s9, s21, $0xb8;
	[tilespmem:$0x1AA80] =	vst v63  }
0x110: {  	_ =	swait.ge [sflag:s29], $0x1000  }
0x111: {  	[sflag:s29] =	ssyncset.done $0x0  }
0x112: {  	s7 =	simm.s32 $0xC880;
	[sflag:s29] =	ssyncadd.s32 $0xFFFFF000  }
0x113: {  	[spmem:s3] =	stream.indirect.scatter.add.f32 [tilespmem:s24], [sflag:$0x6], $0x20, s7, s21, $0xb8;
	[tilespmem:$0x1AA80] =	vst v63  }
0x114: {  	s8 =	simm.s32 $0xA180  }
0x115: {  	[tilespmem:s0], [sflag:$0x4] =	stream.indirect.gather [spmem:s1], $0x20, s8, s21, $0xb8;
	[tilespmem:$0x1AA80] =	vst v63  }
0x116: {  	_ =	swait.ge [sflag:s2], $0x1000  }
0x117: {  	[sflag:s2] =	ssyncset.done $0x0  }
0x118: {  	s9 =	simm.s32 $0xC900;
	[sflag:s2] =	ssyncadd.s32 $0xFFFFF000  }
0x119: {  	[spmem:s3] =	stream.indirect.scatter.add.f32 [tilespmem:s28], [sflag:$0x7], $0x20, s9, s21, $0xb8;
	[tilespmem:$0x1AA80] =	vst v63  }
0x11a: {  	_ =	swait.ge [sflag:s26], $0x1000  }
0x11b: {  	[sflag:s26] =	ssyncset.done $0x0  }
0x11c: {  	s7 =	simm.s32 $0xA200;
	[sflag:s26] =	ssyncadd.s32 $0xFFFFF000  }
0x11d: {  	[tilespmem:s22], [sflag:$0x1] =	stream.indirect.gather [spmem:s1], $0x20, s7, s21, $0xb8;
	[tilespmem:$0x1AA80] =	vst v63  }
0x11e: {  	_ =	swait.ge [sflag:s31], $0x1000  }
0x11f: {  	[sflag:s31] =	ssyncset.done $0x0  }
0x120: {  	s8 =	simm.s32 $0xC980;
	[sflag:s31] =	ssyncadd.s32 $0xFFFFF000  }
0x121: {  	[spmem:s3] =	stream.indirect.scatter.add.f32 [tilespmem:s0], [sflag:$0x8], $0x20, s8, s21, $0xb8;
	[tilespmem:$0x1AA80] =	vst v63  }
0x122: {  	_ =	swait.ge [sflag:s30], $0x1000  }
0x123: {  	[sflag:s30] =	ssyncset.done $0x0  }
0x124: {  	s6 =	simm.s32 $0x0;
	s9 =	simm.s32 $0xA280;
	[sflag:s30] =	ssyncadd.s32 $0xFFFFF000  }
0x125: {  	[tilespmem:s24], [sflag:$0x2] =	stream.indirect.gather [spmem:s1], $0x20, s9, s21, $0xb8;
	[tilespmem:$0x1AA80] =	vst v63  }
.LBB2_13:
0x126: {  	_ =	swait.ge [sflag:s25], $0x1000  }
0x127: {  	s7 =	sshra.s32 s6, $0x2;
	[sflag:s25] =	ssyncset.done $0x0  }
0x128: {  	s8 =	sadd.s32 $0xCA00, s7;
	[sflag:s25] =	ssyncadd.s32 $0xFFFFF000  }
0x129: {  	[spmem:s3] =	stream.indirect.scatter.add.f32 [tilespmem:s22], [sflag:$0x5], $0x20, s8, s21, $0xb8;
	[tilespmem:$0x1AA80] =	vst v63  }
0x12a: {  	_ =	swait.ge [sflag:s23], $0x1000  }
0x12b: {  	[sflag:s23] =	ssyncset.done $0x0  }
0x12c: {  	s9 =	sadd.s32 $0xA300, s7;
	[sflag:s23] =	ssyncadd.s32 $0xFFFFF000  }
0x12d: {  	[tilespmem:s28], [sflag:$0x3] =	stream.indirect.gather [spmem:s1], $0x20, s9, s21, $0xb8;
	[tilespmem:$0x1AA80] =	vst v63  }
0x12e: {  	_ =	swait.ge [sflag:s29], $0x1000  }
0x12f: {  	[sflag:s29] =	ssyncset.done $0x0  }
0x130: {  	s9 =	sadd.s32 $0xCA80, s7;
	[sflag:s29] =	ssyncadd.s32 $0xFFFFF000  }
0x131: {  	[spmem:s3] =	stream.indirect.scatter.add.f32 [tilespmem:s24], [sflag:$0x6], $0x20, s9, s21, $0xb8;
	[tilespmem:$0x1AA80] =	vst v63  }
0x132: {  	_ =	swait.ge [sflag:s15], $0x1000  }
0x133: {  	[sflag:s15] =	ssyncset.done $0x0  }
0x134: {  	p1 =	seq.s32 s6, $0x9000;
	s9 =	sadd.s32 $0xA380, s7;
	[sflag:s15] =	ssyncadd.s32 $0xFFFFF000  }
0x135: {  	[tilespmem:s0], [sflag:$0x4] =	stream.indirect.gather [spmem:s1], $0x20, s9, s21, $0xb8;
	[tilespmem:$0x1AA80] =	vst v63  }
.Ltmp6:
0x136: {  	_ = 	snop;
	(pc) =	sbr.rel @p1 .LBB2_15-.Ltmp6, $4  }
0x137: {  	_ =	swait.ge [sflag:s2], $0x1000  }
0x138: {  	[sflag:s2] =	ssyncset.done $0x0  }
0x139: {  	s8 =	sadd.s32 $0xCB80, s7;
	s9 =	sadd.s32 $0xCB00, s7;
	[sflag:s2] =	ssyncadd.s32 $0xFFFFF000  }
0x13a: {  	[spmem:s3] =	stream.indirect.scatter.add.f32 [tilespmem:s28], [sflag:$0x7], $0x20, s9, s21, $0xb8;
	[tilespmem:$0x1AA80] =	vst v63  }
0x13b: {  	_ =	swait.ge [sflag:s26], $0x1000  }
0x13c: {  	[sflag:s26] =	ssyncset.done $0x0  }
0x13d: {  	s9 =	sadd.s32 $0xA400, s7;
	[sflag:s26] =	ssyncadd.s32 $0xFFFFF000  }
0x13e: {  	[tilespmem:s22], [sflag:$0x1] =	stream.indirect.gather [spmem:s1], $0x20, s9, s21, $0xb8;
	[tilespmem:$0x1AA80] =	vst v63  }
0x13f: {  	_ =	swait.ge [sflag:s31], $0x1000  }
0x140: {  	[sflag:s31] =	ssyncset.done $0x0  }
0x141: {  	[sflag:s31] =	ssyncadd.s32 $0xFFFFF000  }
0x142: {  	[spmem:s3] =	stream.indirect.scatter.add.f32 [tilespmem:s0], [sflag:$0x8], $0x20, s8, s21, $0xb8;
	[tilespmem:$0x1AA80] =	vst v63  }
.Ltmp7:
0x143: {  	_ = 	snop;
	(pc) =	sbr.rel .LBB2_13-.Ltmp7, $4  }
0x144: {  	_ =	swait.ge [sflag:s30], $0x1000  }
0x145: {  	[sflag:s30] =	ssyncset.done $0x0  }
0x146: {  	s6 =	sadd.s32 $0x800, s6;
	s9 =	sadd.s32 $0xA480, s7;
	[sflag:s30] =	ssyncadd.s32 $0xFFFFF000  }
0x147: {  	[tilespmem:s24], [sflag:$0x2] =	stream.indirect.gather [spmem:s1], $0x20, s9, s21, $0xb8;
	[tilespmem:$0x1AA80] =	vst v63  }
.LBB2_15:
0x148: {  	_ =	swait.ge [sflag:s31], $0x1000  }
0x149: {  	[sflag:s31] =	ssyncset.done $0x0  }
0x14a: {  	[sflag:s31] =	ssyncadd.s32 $0xFFFFF000  }
0x14b: {  	[spmem:s3] =	stream.indirect.scatter.add.f32 [tilespmem:s0], [sflag:$0x8], $0x20, s8, s21, $0xb8;
	[tilespmem:$0x1AA80] =	vst v63  }
0x14c: {  	_ =	swait.ge [sflag:s26], $0x1000  }
0x14d: {  	[sflag:s26] =	ssyncset.done $0x0  }
0x14e: {  	[sflag:s26] =	ssyncadd.s32 $0xFFFFF000  }
0x14f: {  	_ =	swait.ge [sflag:s30], $0x1000  }
0x150: {  	[sflag:s30] =	ssyncset.done $0x0  }
0x151: {  	[sflag:s30] =	ssyncadd.s32 $0xFFFFF000  }
0x152: {  	_ =	swait.ge [sflag:s23], $0x1000  }
0x153: {  	[sflag:s23] =	ssyncset.done $0x0  }
0x154: {  	[sflag:s23] =	ssyncadd.s32 $0xFFFFF000  }
0x155: {  	_ =	swait.ge [sflag:s15], $0x1000  }
0x156: {  	[sflag:s15] =	ssyncset.done $0x0  }
0x157: {  	[sflag:s15] =	ssyncadd.s32 $0xFFFFF000  }
0x158: {  	[bflag:$0x0] =	sbarrier.arrive $0xFFFF  }
0x159: {  	[tilespmem:s18], [sflag:$0x9] =	stream.linear.gather [spmem:s12], $0x5000, $0x38;
	[tilespmem:$0x1AA80] =	vst v63  }
0x15a: {  	_ =	swait.ge [sflag:s16], $0x5000  }
0x15b: {  	[sflag:s16] =	ssyncset.done $0x0  }
0x15c: {  	s6 =	simm.s32 $0xF100;
	[sflag:s16] =	ssyncadd.s32 $0xFFFFB000  }
0x15d: {  	v8 =	vld [tilespmem:s6+$0xFFFFFFA0]  }
0x15e: {  	v6 =	vld [tilespmem:s6+$0xFFFFFFF0]  }
0x15f: {  	v3 =	vld [tilespmem:s6+$0xFFFFFF60]  }
0x160: {  	v9 =	vld [tilespmem:s6+$0xFFFFFFD0]  }
0x161: {  	v10 =	vld [tilespmem:s6+$0x80]  }
0x162: {  	v13 =	vld [tilespmem:s6+$0xFFFFFF10]  }
0x163: {  	v17 =	vld [tilespmem:s6+$0xE0]  }
0x164: {  	v12 =	vld [tilespmem:s6+$0xFFFFFF40]  }
0x165: {  	s7 =	simm.s32 $0x0;
	v4 =	vld [tilespmem:s6+$0xFFFFFF90]  }
0x166: {  	v5 =	vld [tilespmem:s7+$0x14000]  }
0x167: {  	v11 =	vld [tilespmem:s6+$0xFFFFFFC0]  }
0x168: {  	v14 =	vld [tilespmem:s6+$0xFFFFFF00]  }
0x169: {  	v15 =	vld [tilespmem:s6+$0xD0]  }
0x16a: {  	v24 =	vld [tilespmem:s6+$0xC0]  }
0x16b: {  	v22 =	vld [tilespmem:s6+$0x90];
	v20 =	vbroadcast v5, $0x0;
	v7 =	vbroadcast v5, $0xF  }
0x16c: {  	v23 =	vld [tilespmem:s6+$0xFFFFFF50];
	v21 =	vbroadcast v5, $0x2;
	v19 =	vbroadcast v5, $0xE  }
0x16d: {  	v18 =	vld [tilespmem:s6+$0xB0];
	v16 =	vbroadcast v5, $0xC;
	v26 =	vmul.f32 v20, v14  }
0x16e: {  	s8 =	simm.s32 $0xF100;
	s7 =	simm.s32 $0x40;
	v14 =	vbroadcast v5, $0xD;
	v25 =	vmul.f32 v12, v21;
	v12 =	vld [tilespmem:s6+$0x60]  }
.LBB2_16:
0x16f: {  	p1 =	sne.s32 s7, $0x9C0  }
0x170: {  	[tilespmem:s6+$0xFFFFFF00] =	vst v26;
	v26 =	vld [tilespmem:s6+$0xFFFFFFB0];
	v24 =	vmul.f32 v24, v19;
	v17 =	vmul.f32 v17, v7;
	s8 =	sadd.s32 $0x200, s8;
	s9 =	smov.u32 s7;
	s7 =	sadd.s32 $0x40, s7  }
0x171: {  	[tilespmem:s6+$0xFFFFFF40] =	vst v25;
	v25 =	vbroadcast v5, $0xA;
	v22 =	vmul.f32 v22, v16;
	v27 =	vld [tilespmem:s6+$0xA0]  }
0x172: {  	v13 =	vmul.f32 v13, v20;
	v20 =	vmul.f32 v23, v21;
	v21 =	vld [tilespmem:s6+$0x70];
	[tilespmem:s6+$0xE0] =	vst v17  }
0x173: {  	v17 =	vbroadcast v5, $0x5;
	v23 =	vld [tilespmem:s6+$0xFFFFFFE0];
	v18 =	vmul.f32 v18, v14;
	[tilespmem:s6+$0xC0] =	vst v24  }
0x174: {  	v15 =	vmul.f32 v15, v19;
	[tilespmem:s6+$0xFFFFFF10] =	vst v13;
	v13 =	vbroadcast v5, $0x6;
	v24 =	vld [tilespmem:s6+$0x40]  }
0x175: {  	v28 =	vbroadcast v5, $0xB;
	v8 =	vmul.f32 v8, v17;
	v19 =	vld [tilespmem:s6+$0xFFFFFF20];
	[tilespmem:s6+$0x90] =	vst v22  }
0x176: {  	v22 =	vbroadcast v5, $0x9;
	[tilespmem:s6+$0xFFFFFF50] =	vst v20;
	v20 =	vld [tilespmem:s6+$0x20];
	v14 =	vmul.f32 v27, v14  }
0x177: {  	v17 =	vmul.f32 v26, v17;
	v26 =	vld [tilespmem:s6+$0x50];
	v21 =	vmul.f32 v21, v28;
	[tilespmem:s6+$0xD0] =	vst v15  }
0x178: {  	v10 =	vmul.f32 v10, v16;
	v15 =	vbroadcast v5, $0x7;
	v27 =	vld [tilespmem:s6+$0x30];
	[tilespmem:s6+$0xA0] =	vst v14  }
0x179: {  	v11 =	vmul.f32 v11, v13;
	v14 =	vbroadcast v5, $0x3;
	v16 =	vld [tilespmem:s6+$0x0];
	[tilespmem:s6+$0x70] =	vst v21  }
0x17a: {  	v12 =	vmul.f32 v12, v28;
	v9 =	vmul.f32 v9, v13;
	v13 =	vld [tilespmem:s6+$0x10];
	[tilespmem:s6+$0x80] =	vst v10  }
0x17b: {  	v21 =	vbroadcast v5, $0x8;
	v24 =	vmul.f32 v24, v25;
	v10 =	vld [tilespmem:s6+$0xFFFFFF30];
	[tilespmem:s6+$0xB0] =	vst v18  }
0x17c: {  	v18 =	vbroadcast v5, $0x1;
	v28 =	vld [tilespmem:s6+$0xFFFFFF70];
	[tilespmem:s6+$0xFFFFFFD0] =	vst v9;
	v25 =	vmul.f32 v26, v25  }
0x17d: {  	v6 =	vmul.f32 v6, v15;
	v9 =	vmul.f32 v23, v15;
	[tilespmem:s6+$0xFFFFFFC0] =	vst v11;
	v11 =	vld [tilespmem:s6+$0xF0]  }
0x17e: {  	v23 =	vmul.f32 v27, v22;
	v15 =	vld [tilespmem:s6+$0xFFFFFF80];
	[tilespmem:s6+$0xFFFFFFA0] =	vst v8;
	v16 =	vmul.f32 v16, v21  }
0x17f: {  	v8 =	vld [tilespmem:s8+$0xFFFFFFA0];
	[tilespmem:s6+$0xFFFFFFF0] =	vst v6;
	v21 =	vmul.f32 v13, v21;
	v13 =	vmul.f32 v20, v22  }
0x180: {  	v6 =	vmul.f32 v19, v18;
	v18 =	vmul.f32 v10, v18;
	[tilespmem:s6+$0x60] =	vst v12  }
0x181: {  	v3 =	vmul.f32 v3, v14;
	v10 =	vmul.f32 v28, v14;
	[tilespmem:s6+$0xFFFFFFB0] =	vst v17  }
0x182: {  	v5 =	vbroadcast v5, $0x4;
	[tilespmem:s6+$0xFFFFFF20] =	vst v6;
	v6 =	vmul.f32 v11, v7  }
0x183: {  	[tilespmem:s6+$0xFFFFFF60] =	vst v3  }
0x184: {  	v7 =	vmul.f32 v15, v5;
	v3 =	vmul.f32 v4, v5;
	[tilespmem:s6+$0x40] =	vst v24  }
0x185: {  	[tilespmem:s6+$0xFFFFFFE0] =	vst v9  }
0x186: {  	[tilespmem:s6+$0xF0] =	vst v6  }
0x187: {  	[tilespmem:s6+$0xFFFFFF90] =	vst v3  }
0x188: {  	v6 =	vld [tilespmem:s8+$0xFFFFFFF0];
	[tilespmem:s6+$0xFFFFFF70] =	vst v10  }
0x189: {  	v3 =	vld [tilespmem:s8+$0xFFFFFF60];
	[tilespmem:s6+$0x20] =	vst v13  }
0x18a: {  	v9 =	vld [tilespmem:s8+$0xFFFFFFD0];
	[tilespmem:s6+$0x30] =	vst v23  }
0x18b: {  	v10 =	vld [tilespmem:s8+$0x80];
	[tilespmem:s6+$0xFFFFFF80] =	vst v7  }
0x18c: {  	v13 =	vld [tilespmem:s8+$0xFFFFFF10];
	[tilespmem:s6+$0x50] =	vst v25  }
0x18d: {  	v17 =	vld [tilespmem:s8+$0xE0];
	[tilespmem:s6+$0x0] =	vst v16  }
0x18e: {  	v12 =	vld [tilespmem:s8+$0xFFFFFF40];
	[tilespmem:s6+$0xFFFFFF30] =	vst v18  }
0x18f: {  	s9 =	sshra.s32 s9, $0x2;
	v4 =	vld [tilespmem:s8+$0xFFFFFF90];
	[tilespmem:s6+$0x10] =	vst v21;
	s6 =	smov.u32 s8  }
0x190: {  	v5 =	vld [tilespmem:s9+$0x14000]  }
0x191: {  	v11 =	vld [tilespmem:s8+$0xFFFFFFC0]  }
0x192: {  	v14 =	vld [tilespmem:s8+$0xFFFFFF00]  }
0x193: {  	v15 =	vld [tilespmem:s8+$0xD0]  }
.Ltmp8:
0x194: {  	v24 =	vld [tilespmem:s8+$0xC0];
	(pc) =	sbr.rel @p1 .LBB2_16-.Ltmp8, $4  }
0x195: {  	v20 =	vbroadcast v5, $0x0;
	v22 =	vld [tilespmem:s8+$0x90];
	v7 =	vbroadcast v5, $0xF  }
0x196: {  	v21 =	vbroadcast v5, $0x2;
	v19 =	vbroadcast v5, $0xE;
	v23 =	vld [tilespmem:s8+$0xFFFFFF50]  }
0x197: {  	v26 =	vmul.f32 v20, v14;
	v14 =	vbroadcast v5, $0xD;
	v18 =	vld [tilespmem:s8+$0xB0]  }
0x198: {  	v16 =	vbroadcast v5, $0xC;
	v25 =	vmul.f32 v12, v21;
	v12 =	vld [tilespmem:s8+$0x60]  }
0x199: {  	[tilespmem:s6+$0xFFFFFF00] =	vst v26;
	v17 =	vmul.f32 v17, v7  }
0x19a: {  	v24 =	vmul.f32 v24, v19;
	[tilespmem:s6+$0xFFFFFF40] =	vst v25  }
0x19b: {  	v13 =	vmul.f32 v13, v20;
	[tilespmem:s6+$0xE0] =	vst v17  }
0x19c: {  	v32 =	vmul.f32 v15, v19;
	[tilespmem:s6+$0xC0] =	vst v24  }
0x19d: {  	v30 =	vmul.f32 v22, v16;
	[tilespmem:s6+$0xFFFFFF10] =	vst v13  }
0x19e: {  	v38 =	vbroadcast v5, $0x6;
	v10 =	vmul.f32 v10, v16;
	[tilespmem:s6+$0xD0] =	vst v32  }
0x19f: {  	v21 =	vmul.f32 v23, v21;
	[tilespmem:s6+$0x90] =	vst v30  }
0x1a0: {  	v42 =	vbroadcast v5, $0x5;
	v9 =	vmul.f32 v9, v38;
	[tilespmem:s6+$0x80] =	vst v10  }
0x1a1: {  	v44 =	vbroadcast v5, $0x7;
	v11 =	vmul.f32 v11, v38;
	[tilespmem:s6+$0xFFFFFF50] =	vst v21  }
0x1a2: {  	v51 =	vbroadcast v5, $0x3;
	v8 =	vmul.f32 v8, v42;
	[tilespmem:s6+$0xFFFFFFD0] =	vst v9  }
0x1a3: {  	v28 =	vld [tilespmem:s6+$0xA0];
	v56 =	vbroadcast v5, $0x4;
	v6 =	vmul.f32 v6, v44;
	[tilespmem:s6+$0xFFFFFFC0] =	vst v11  }
0x1a4: {  	v29 =	vld [tilespmem:s6+$0x70];
	v3 =	vmul.f32 v3, v51;
	[tilespmem:s6+$0xFFFFFFA0] =	vst v8  }
0x1a5: {  	v31 =	vld [tilespmem:s6+$0xFFFFFFB0];
	v34 =	vbroadcast v5, $0xB;
	v4 =	vmul.f32 v4, v56;
	[tilespmem:s6+$0xFFFFFFF0] =	vst v6  }
0x1a6: {  	v33 =	vld [tilespmem:s6+$0xFFFFFF20];
	v40 =	vmul.f32 v18, v14;
	[tilespmem:s6+$0xFFFFFF60] =	vst v3  }
0x1a7: {  	v37 =	vld [tilespmem:s6+$0x40];
	v12 =	vmul.f32 v12, v34;
	[tilespmem:s6+$0xFFFFFF90] =	vst v4  }
0x1a8: {  	v35 =	vld [tilespmem:s6+$0xFFFFFFE0];
	v36 =	vmul.f32 v28, v14;
	[tilespmem:s6+$0xB0] =	vst v40  }
0x1a9: {  	v49 =	vbroadcast v5, $0x1;
	v52 =	vld [tilespmem:s6+$0xF0];
	v20 =	vmul.f32 v29, v34;
	[tilespmem:s6+$0x60] =	vst v12  }
0x1aa: {  	v46 =	vld [tilespmem:s6+$0xFFFFFF70];
	v53 =	vbroadcast v5, $0xA;
	v50 =	vmul.f32 v31, v42;
	[tilespmem:s6+$0xA0] =	vst v36  }
0x1ab: {  	v43 =	vld [tilespmem:s6+$0x30];
	v15 =	vmul.f32 v33, v49;
	[tilespmem:s6+$0x70] =	vst v20  }
0x1ac: {  	v47 =	vld [tilespmem:s6+$0xFFFFFF80];
	v55 =	vmul.f32 v37, v53;
	[tilespmem:s6+$0xFFFFFFB0] =	vst v50  }
0x1ad: {  	v41 =	vld [tilespmem:s6+$0x20];
	v10 =	vmul.f32 v35, v44;
	[tilespmem:s6+$0xFFFFFF20] =	vst v15  }
0x1ae: {  	v45 =	vld [tilespmem:s6+$0x0];
	v57 =	vbroadcast v5, $0x9;
	v3 =	vmul.f32 v52, v7;
	[tilespmem:s6+$0x40] =	vst v55  }
0x1af: {  	v39 =	vld [tilespmem:s6+$0x50];
	v58 =	vmul.f32 v46, v51;
	[tilespmem:s6+$0xFFFFFFE0] =	vst v10  }
0x1b0: {  	v54 =	vld [tilespmem:s6+$0xFFFFFF30];
	v59 =	vmul.f32 v43, v57;
	[tilespmem:s6+$0xF0] =	vst v3  }
0x1b1: {  	v48 =	vld [tilespmem:s6+$0x10];
	v60 =	vbroadcast v5, $0x8;
	v61 =	vmul.f32 v47, v56;
	[tilespmem:s6+$0xFFFFFF70] =	vst v58  }
0x1b2: {  	v3 =	vmul.f32 v41, v57;
	[tilespmem:s6+$0x30] =	vst v59  }
0x1b3: {  	v62 =	vmul.f32 v45, v60;
	[tilespmem:s6+$0xFFFFFF80] =	vst v61  }
0x1b4: {  	[tilespmem:s6+$0x20] =	vst v3;
	v3 =	vmul.f32 v39, v53  }
0x1b5: {  	v63 =	vmul.f32 v54, v49;
	[tilespmem:s6+$0x0] =	vst v62  }
0x1b6: {  	s17 =	sadd.s32 $0x1, s17;
	[tilespmem:s6+$0x50] =	vst v3;
	v3 =	vmul.f32 v48, v60  }
0x1b7: {  	p1 =	sne.s32 s17, s14;
	[tilespmem:s6+$0xFFFFFF30] =	vst v63  }
.Ltmp9:
0x1b8: {  	[tilespmem:s6+$0x10] =	vst v3;
	(pc) =	sbr.rel @p1 .LBB2_1-.Ltmp9, $4  }
0x1b9: {  	[hbm4b:s13+s4] =	stream.linear.scatter [tilespmem:s18], [sflag:$0x9], $0x5000, $0x38;
	[tilespmem:$0x1AA80] =	vst v63  }
0x1ba: {  	_ =	swait.ge [sflag:s16], $0x5000  }
0x1bb: {  	[sflag:s16] =	ssyncset.done $0x0  }
0x1bc: {  	[sflag:s16] =	ssyncadd.s32 $0xFFFFB000  }
0x1bd: {  	_ =	sfence.sel $0x180000  }
0x1be: {  	[bflag:$0x0] =	sbarrier.arrive $0xFFFF  }
0x1bf: {  	_ =	strace $0x9000004D  }
0x1c0: {  	s0 =	stileid.u32;
	[bflag:$0x2] =	sbarrier.arrive $0xFFFF  }
0x1c1: {  	p0 =	sne.s32 s0, $0x0;
	s0 =	rddreg [dreg:$0x3]  }
0x1c2: {  	s0 =	sadd.s32 @!p0 $0x100000, s0  }
0x1c3: {  	[sflag:s0] =	ssyncadd.tile.s32 @!p0 $0x1;
	_ =	shalt  }
.Lfunc_end2:
_tile_overlayer_lowered:
.L_overlay_start_2:
0x1c4: {  	(tag) =	ssettag $0x2  }
0x1c5: {  	s0 =	rddreg [dreg:$0x0];
	s2 =	stileid.u32  }
0x1c6: {  	s1 =	rddreg [dreg:$0x1];
	p0 =	sne.s32 s2, $0x0  }
0x1c7: {  	s3 =	rddreg [dreg:$0x2];
	[bflag:$0x3] =	sbarrier.arrive $0xFFFF;
	s2 =	simm.s32 @!p0 $0x1C09  }
0x1c8: {  	[timem:s3], [sflag:s2] =	dma.local @!p0 [hbm:s0], s1  }
0x1c9: {  	s0 =	simm.s32 @!p0 $0x9  }
0x1ca: {  	_ =	swait.ge @!p0 [sflag:s0], s1  }
0x1cb: {  	s1 =	ssub.s32 @!p0 $0x0, s1;
	[sflag:s0] =	ssyncset.done @!p0 $0x0  }
0x1cc: {  	[sflag:s0] =	ssyncadd.s32 @!p0 s1  }
0x1cd: {  	[bflag:$0x3] =	sbarrier.arrive $0xFFFF  }
0x1ce: {  	_ =	shalt  }

// kernel: kernel.8.cloned.1.call-start
scs
__scs_entry_jumppad:
0x0: {  	(pc) =	sbr.rel $0x88, $3  }
0x1: {  	(tag) =	ssettag $0x0;
	lr =	simm.s32 $0x1  }
0x2: {  	[smem:$0x3F99] =	sst lr;
	_ =	strace $0xD0000000  }
0x3: {  	_ = 	snop  }
0x4: {  	_ = 	snop  }
0x5: {  	_ = 	snop  }
0x6: {  	_ = 	snop  }
0x7: {  	_ = 	snop  }
__scs_overlays_trampoline_lowered:
0x8: {  	[smem:$0x3FA8] =	sst s0  }
0x9: {  	[smem:$0x3FA9] =	sst s1  }
0xa: {  	[smem:$0x3FAA] =	sst s2  }
0xb: {  	[smem:$0x3FAB] =	sst s3  }
0xc: {  	[smem:$0x3FAC] =	sst s4  }
0xd: {  	[smem:$0x3FAD] =	sst s5  }
0xe: {  	[smem:$0x3FAE] =	sst s6  }
0xf: {  	[smem:$0x3FAF] =	sst s7  }
0x10: {  	[smem:$0x3FB0] =	sst s8  }
0x11: {  	[smem:$0x3FB1] =	sst s9;
	s0 =	simm.s32 @!p0 $0x0  }
0x12: {  	s1 =	sld [smem:$0x3F97];
	s0 =	simm.s32 @p0 $0x1  }
0x13: {  	[smem:$0x3FB2] =	sst s0;
	s0 =	simm.s32 @!p1 $0x0  }
0x14: {  	s2 =	sld [smem:$0x3F96];
	s0 =	simm.s32 @p1 $0x1  }
0x15: {  	[smem:$0x3FB3] =	sst s0;
	s0 =	simm.s32 @!p2 $0x0  }
0x16: {  	s3 =	sld [smem:$0x3FDB];
	s0 =	simm.s32 @p2 $0x1  }
0x17: {  	s4 =	simm.s32 $0x1BF5;
	[smem:$0x3FB5] =	sst s0  }
0x18: {  	s0 =	sld [smem:$0x3F98];
	_ =	swait.ge [sflag:s4], $0x0  }
0x19: {  	s7 =	sld [smem:$0x3F99]  }
0x1a: {  	s8 =	sadd.s32 $0xFFFFE003, lr  }
0x1b: {  	s9 =	sadd.s32 $0xFFFFFEF7, lr;
	s5 =	simm.s32 $0xFFFFFFFF;
	p2 =	slt.u32 s8, $0xFFFFF086  }
0x1c: {  	p1 =	slt.u32 s9, $0xF7A;
	s5 =	simm.s32 @!p2 $0x0  }
0x1d: {  	s5 =	simm.s32 @p1 $0x1;
	p0 =	seq.s32 s7, s2  }
0x1e: {  	s7 =	smul.u32 @!p0 $0xF7A, s2;
	p2 =	seq.s32 @!p0 s5, $0x0  }
0x1f: {  	s9 =	smul.u32 $0xF7A, s1;
	s8 =	simm.s32 @!p0 $0x1BF5;
	p2 =	por !p2, p0  }
0x20: {  	[sflag:s8] =	ssyncset.s32 @!p0 $0xFFFFF086;
	s6 =	sadd.s32 @!p0 s3, s7;
	s7 =	simm.s32 @!p0 $0x108  }
0x21: {  	s3 =	sadd.s32 s3, s9;
	s6 =	sadd.s32 @!p0 $0x88, s6;
	s7 =	simm.s32 @p2 $0x1082  }
0x22: {  	[simem:s7], [sflag:s8] =	dma.local @!p0 [hbm:s6], $0xF7A  }
0x23: {  	s9 =	sor.u32 $0xD0000000, s2;
	s6 =	simm.s32 $0x108;
	_ =	swait.ge @!p0 [sflag:s8], $0x0  }
0x24: {  	s3 =	sadd.s32 $0x88, s3;
	s6 =	simm.s32 @!p1 $0x1082;
	[sflag:s4] =	ssyncset.s32 $0xFFFFF086  }
0x25: {  	[simem:s6], [sflag:s4] =	dma.local [hbm:s3], $0xF7A  }
0x26: {  	[smem:$0x3F99] =	sst s1;
	(tag) =	ssettag s2;
	_ =	strace s9  }
0x27: {  	s1 =	sld [smem:$0x3FA9]  }
0x28: {  	s2 =	sld [smem:$0x3FAA]  }
0x29: {  	s4 =	sld [smem:$0x3FAC]  }
0x2a: {  	p0 =	seq.s32 s5, $0x0;
	s5 =	sld [smem:$0x3FAD]  }
0x2b: {  	s6 =	sld [smem:$0x3FAE]  }
0x2c: {  	s7 =	sld [smem:$0x3FAF]  }
0x2d: {  	s3 =	simm.s32 $0x108;
	s8 =	sld [smem:$0x3FB0]  }
0x2e: {  	s3 =	simm.s32 @!p0 $0x1082;
	s9 =	sld [smem:$0x3FB1]  }
0x2f: {  	lr =	sadd.s32 s0, s3;
	s0 =	sld [smem:$0x3FA8]  }
0x30: {  	s3 =	sld [smem:$0x3FAB]  }
0x31: {  	[smem:$0x3FB4] =	sst s10  }
0x32: {  	s10 =	sld [smem:$0x3FB2];
	_ =	sdelay $0x3  }
0x33: {  	p0 =	seq.s32 s10, $0x1;
	s10 =	sld [smem:$0x3FB4];
	_ =	sdelay $0x3  }
0x34: {  	[smem:$0x3FB4] =	sst s10  }
0x35: {  	s10 =	sld [smem:$0x3FB3];
	_ =	sdelay $0x3  }
0x36: {  	p1 =	seq.s32 s10, $0x1;
	s10 =	sld [smem:$0x3FB4];
	_ =	sdelay $0x3  }
0x37: {  	[smem:$0x3FB4] =	sst s10  }
0x38: {  	s10 =	sld [smem:$0x3FB5]  }
0x39: {  	_ = 	snop;
	(pc) =	sbr.ind lr, $3  }
0x3a: {  	_ = 	snop  }
0x3b: {  	_ = 	snop  }
0x3c: {  	p2 =	seq.s32 s10, $0x1;
	s10 =	sld [smem:$0x3FB4]  }
0x3d: {  	_ =	shalt  }
0x3e: {  	_ =	shalt  }
0x3f: {  	_ =	shalt  }
0x40: {  	_ =	shalt  }
0x41: {  	_ =	shalt  }
0x42: {  	_ =	shalt  }
0x43: {  	_ =	shalt  }
0x44: {  	_ =	shalt  }
0x45: {  	_ =	shalt  }
0x46: {  	_ =	shalt  }
0x47: {  	_ =	shalt  }
0x48: {  	_ =	shalt  }
0x49: {  	_ =	shalt  }
0x4a: {  	_ =	shalt  }
0x4b: {  	_ =	shalt  }
0x4c: {  	_ =	shalt  }
0x4d: {  	_ =	shalt  }
0x4e: {  	_ =	shalt  }
0x4f: {  	_ =	shalt  }
0x50: {  	_ =	shalt  }
0x51: {  	_ =	shalt  }
0x52: {  	_ =	shalt  }
0x53: {  	_ =	shalt  }
0x54: {  	_ =	shalt  }
0x55: {  	_ =	shalt  }
0x56: {  	_ =	shalt  }
0x57: {  	_ =	shalt  }
0x58: {  	_ =	shalt  }
0x59: {  	_ =	shalt  }
0x5a: {  	_ =	shalt  }
0x5b: {  	_ =	shalt  }
0x5c: {  	_ =	shalt  }
0x5d: {  	_ =	shalt  }
0x5e: {  	_ =	shalt  }
0x5f: {  	_ =	shalt  }
0x60: {  	_ =	shalt  }
0x61: {  	_ =	shalt  }
0x62: {  	_ =	shalt  }
0x63: {  	_ =	shalt  }
0x64: {  	_ =	shalt  }
0x65: {  	_ =	shalt  }
0x66: {  	_ =	shalt  }
0x67: {  	_ =	shalt  }
0x68: {  	_ =	shalt  }
0x69: {  	_ =	shalt  }
0x6a: {  	_ =	shalt  }
0x6b: {  	_ =	shalt  }
0x6c: {  	_ =	shalt  }
0x6d: {  	_ =	shalt  }
0x6e: {  	_ =	shalt  }
0x6f: {  	_ =	shalt  }
0x70: {  	_ =	shalt  }
0x71: {  	_ =	shalt  }
0x72: {  	_ =	shalt  }
0x73: {  	_ =	shalt  }
0x74: {  	_ =	shalt  }
0x75: {  	_ =	shalt  }
0x76: {  	_ =	shalt  }
0x77: {  	_ =	shalt  }
0x78: {  	_ =	shalt  }
0x79: {  	_ =	shalt  }
0x7a: {  	_ =	shalt  }
0x7b: {  	_ =	shalt  }
0x7c: {  	_ =	shalt  }
0x7d: {  	_ =	shalt  }
0x7e: {  	_ =	shalt  }
0x7f: {  	_ =	shalt  }
0x80: {  	_ =	shalt  }
0x81: {  	_ =	shalt  }
0x82: {  	_ =	shalt  }
0x83: {  	_ =	shalt  }
0x84: {  	_ =	shalt  }
0x85: {  	_ =	shalt  }
0x86: {  	_ =	shalt  }
0x87: {  	_ =	shalt  }
.Lfunc_end0:
.L_simem_size_0:
called_computation_lowered:
.L_overlay_start_0:
0x88: {  	s2 =	sld [smem:$0x3FD9]  }
0x89: {  	s3 =	sld [smem:$0x3FFE];
	_ =	sdelay $0x1  }
0x8a: {  	s1 =	srdreg.scid  }
0x8b: {  	s0 =	sand.u32 $0x1, s1  }
0x8c: {  	s17 =	sshll.u32 s0, $0xA;
	s2 =	sadd.s32 s3, s2  }
0x8d: {  	s2 =	sadd.s32 s2, s17  }
0x8e: {  	[smem:$0x3FC0] =	sst s2  }
0x8f: {  	_ = 	snop  }
0x90: {  	s2 =	sld [smem:$0x3FD0];
	(tm) =	ssettm $0x1  }
0x91: {  	s18 =	sld [smem:$0x3FFB];
	_ =	sdelay $0x3  }
0x92: {  	_ =	strace s18  }
0x93: {  	s3 =	sld [smem:$0x3FFC];
	_ =	sdelay $0x3  }
0x94: {  	_ =	strace s3  }
0x95: {  	s3 =	sld [smem:$0x3FFD];
	_ =	sdelay $0x3  }
0x96: {  	_ =	strace s3  }
0x97: {  	_ =	strace $0x8FFFFFFF  }
0x98: {  	s19 =	sld [smem:$0x3FDB];
	_ =	sdelay $0x1  }
0x99: {  	s4 =	simm.s32 $_scs_section_size  }
0x9a: {  	s5 =	simm.s32 $_size__tile_overlayer_lowered;
	s6 =	simm.s32 $_tile_overlayer_lowered  }
0x9b: {  	s22 =	simm.s32 $0x1BFF;
	s21 =	sshll.u32 s6, $0x1;
	s3 =	sadd.s32 s4, s19  }
0x9c: {  	s7 =	simm.s32 $0x0;
	s20 =	sshll.u32 s5, $0x1;
	s5 =	sadd.s32 s21, s3  }
0x9d: {  	[timem:s7], [sflag:s22] =	dma.local [hbm:s5], s20  }
0x9e: {  	_ =	swait.ge [sflag:s22], s20  }
0x9f: {  	s4 =	ssub.s32 $0x0, s20;
	[sflag:s22] =	ssyncset.done $0x0  }
0xa0: {  	[sflag:s22] =	ssyncadd.s32 s4;
	_ =	sdelay $0x1  }
0xa1: {  	s23 =	simm.s32 $0x1B8B  }
0xa2: {  	_ =	swait.ge [sflag:s23], $0x1  }
0xa3: {  	[sflag:s23] =	ssyncset.done $0x0  }
0xa4: {  	s25 =	simm.s32 $0x1B8E;
	s24 =	sld [smem:$0x3FFE];
	[sflag:s23] =	ssyncadd.s32 $0xFFFFFFFF  }
0xa5: {  	s26 =	simm.s32 $execute0_lowered;
	[smem:$0x3FD2] =	sst s25  }
0xa6: {  	s5 =	sshll.u32 s26, $0x1;
	_ =	strace $0x80000046;
	[dreg:$0x1] =	wrdreg $0xFFFFFFFF  }
0xa7: {  	s28 =	simm.s32 $_size_execute0_lowered;
	s3 =	sadd.s32 s3, s5;
	[dreg:$0x0] =	wrdreg $0x0  }
0xa8: {  	s5 =	sshll.u32 s28, $0x1;
	[dreg:$0x2] =	wrdreg s3  }
0xa9: {  	[dreg:$0x3] =	wrdreg s5  }
0xaa: {  	[dreg:$0x4] =	wrdreg $0xC0  }
0xab: {  	_ =	task [dreg:s7], $0x5FFFF  }
0xac: {  	[dreg:$0x1] =	wrdreg $0xFFFFFFFF  }
0xad: {  	[dreg:$0x0] =	wrdreg $0x60  }
0xae: {  	[dreg:$0x2] =	wrdreg s24  }
0xaf: {  	[dreg:$0x3] =	wrdreg s2  }
0xb0: {  	[dreg:$0x4] =	wrdreg $0x0  }
0xb1: {  	[dreg:$0x5] =	wrdreg $0x9  }
0xb2: {  	_ =	task.clear_ibuf [dreg:s7], $0x6FFFF;
	_ =	strace $0x90000046  }
0xb3: {  	s29 =	simm.s32 $0x9;
	_ =	strace $0x80000048  }
0xb4: {  	_ =	swait.ge [sflag:s29], $0x1  }
0xb5: {  	[sflag:s29] =	ssyncadd.s32 $0xFFFFFFFF  }
0xb6: {  	_ =	strace $0x90000048  }
0xb7: {  	_ =	sfence  }
0xb8: {  	s30 =	sld [smem:$0x0];
	_ =	sdelay $0x2  }
0xb9: {  	s31 =	sshll.u32 s1, $0xD;
	s1 =	sshrl.u32 s1, $0x2  }
0xba: {  	s3 =	sand.u32 $0x4000, s31;
	s1 =	sadd.s32 s1, s30  }
0xbb: {  	s0 =	sor.u32 s3, s0;
	s1 =	sshll.u32 s1, $0x11  }
0xbc: {  	s0 =	sor.u32 s1, s0  }
0xbd: {  	s0 =	sadd.s32 $0x8F2B, s0  }
0xbe: {  	[sflag:s0] =	ssyncadd.remote.s32 $0x1  }
0xbf: {  	_ =	sfence.sel $0xFFFF  }
0xc0: {  	[dreg:$0x0] =	wrdreg $0xFFFFFFFF;
	(pc) =	sbr.abs _section_cstart, $3  }
0xc1: {  	[dreg:$0x1] =	wrdreg $0xFFFFFFFF  }
0xc2: {  	_ =	task.clear_ibuf [dreg:s7], $0x2FFFF;
	_ =	strace $0x9FFFFFFF  }
0xc3: {  	(tm) =	ssettm $0x7FFFFFFF  }
tec
execute0_lowered:
.L_overlay_start_1:
0x0: {  	(tag) =	ssettag $0x1  }
0x1: {  	s6 =	rddreg [dreg:$0x0]  }
0x2: {  	s1 =	srdreg.scid;
	s2 =	rddreg [dreg:$0x1]  }
0x3: {  	s0 =	stileid.u32;
	s3 =	rddreg [dreg:$0x2];
	s4 =	simm.s32 $0x0  }
0x4: {  	s14 =	simm.s32 $0x80;
	s15 =	simm.s32 $0x1;
	s16 =	simm.s32 $0x0  }
0x5: {  	s5 =	sand.u32 $0x1, s1;
	s31 =	sshll.u32 s0, $0x1;
	s8 =	smul.u32 $0x1400, s0  }
0x6: {  	[smem:$0x7FF] =	sst s4;
	s12 =	sshll.u32 s0, $0x6;
	s1 =	sor.u32 s5, s31  }
0x7: {  	s9 =	smul.u32 $0x14000, s5;
	s10 =	ssub.s32 $0x2, s5;
	s5 =	sadd.s32 $0xBC00, s6  }
0x8: {  	s12 =	sor.u32 $0x1C02, s12;
	s7 =	smul.u32 $0x500, s1;
	s1 =	rddreg [dreg:$0x3]  }
0x9: {  	_ =	strace $0x80000047;
	s11 =	sshrl.u32 s10, $0x1;
	s13 =	sadd.s32 s8, s3  }
0xa: {  	s9 =	sadd.s32 s8, s9;
	s10 =	ssub.s32 s10, s11;
	s11 =	simm.s32 $0x1800  }
0xb: {  	s13 =	sshrl.u32 s13, $0x3;
	s7 =	sadd.s32 s7, s6;
	s9 =	sshrl.u32 s9, $0x3  }
0xc: {  	s8 =	smax.u32 s10, $0x1;
	s10 =	simm.s32 $0x2;
	s9 =	sadd.s32 s9, s6  }
0xd: {  	s6 =	sadd.s32 $0x1C00, s7;
	s7 =	sadd.s32 $0xBE00, s9;
	s9 =	simm.s32 $0x1400  }
.LBB2_1:
0xe: {  	[tilespmem:s9], [sflag:$0x2] =	stream.linear.gather [hbm4b:s5+s4], $0x400, $0x38;
	[tilespmem:$0x4000] =	vst v63  }
0xf: {  	_ =	swait.ge [sflag:s10], $0x400  }
0x10: {  	[sflag:s10] =	ssyncset.done $0x0  }
0x11: {  	[sflag:s10] =	ssyncadd.s32 $0xFFFFFC00  }
0x12: {  	[tilespmem:s11], [sflag:$0x2] =	stream.linear.gather [hbm4b:s6+s4], $0x2800, $0x38;
	[tilespmem:$0x4000] =	vst v63  }
0x13: {  	_ =	swait.ge [sflag:s10], $0x2800  }
0x14: {  	[sflag:s10] =	ssyncset.done $0x0  }
0x15: {  	[sflag:s10] =	ssyncadd.s32 $0xFFFFD800  }
0x16: {  	[spmem:s13], [sflag:s12] =	dma.local [hbm:s2], $0x280  }
0x17: {  	_ =	swait.ge [sflag:s10], $0x280  }
0x18: {  	[sflag:s10] =	ssyncset.done $0x0  }
0x19: {  	[sflag:s10] =	ssyncadd.s32 $0xFFFFFD80  }
0x1a: {  	s17 =	simm.s32 $0x1800;
	[bflag:$0x0] =	sbarrier.arrive $0xFFFF  }
0x1b: {  	[spmem:s3] =	stream.indirect.scatter.add.f32 [tilespmem:s9], [sflag:$0x1], $0x8, s17, s14, $0xb8;
	[tilespmem:$0x4000] =	vst v63  }
0x1c: {  	s24 =	simm.s32 $0x1880  }
0x1d: {  	[spmem:s3] =	stream.indirect.scatter.add.f32 [tilespmem:s9], [sflag:$0x1], $0x8, s24, s14, $0xb8;
	[tilespmem:$0x4000] =	vst v63  }
0x1e: {  	s25 =	simm.s32 $0x1900  }
0x1f: {  	[spmem:s3] =	stream.indirect.scatter.add.f32 [tilespmem:s9], [sflag:$0x1], $0x8, s25, s14, $0xb8;
	[tilespmem:$0x4000] =	vst v63  }
0x20: {  	s26 =	simm.s32 $0x1980  }
0x21: {  	[spmem:s3] =	stream.indirect.scatter.add.f32 [tilespmem:s9], [sflag:$0x1], $0x8, s26, s14, $0xb8;
	[tilespmem:$0x4000] =	vst v63  }
0x22: {  	s28 =	simm.s32 $0x1A00  }
0x23: {  	[spmem:s3] =	stream.indirect.scatter.add.f32 [tilespmem:s9], [sflag:$0x1], $0x8, s28, s14, $0xb8;
	[tilespmem:$0x4000] =	vst v63  }
0x24: {  	s29 =	simm.s32 $0x1A80  }
0x25: {  	[spmem:s3] =	stream.indirect.scatter.add.f32 [tilespmem:s9], [sflag:$0x1], $0x8, s29, s14, $0xb8;
	[tilespmem:$0x4000] =	vst v63  }
0x26: {  	s30 =	simm.s32 $0x1B00  }
0x27: {  	[spmem:s3] =	stream.indirect.scatter.add.f32 [tilespmem:s9], [sflag:$0x1], $0x8, s30, s14, $0xb8;
	[tilespmem:$0x4000] =	vst v63  }
0x28: {  	s31 =	simm.s32 $0x1B80  }
0x29: {  	[spmem:s3] =	stream.indirect.scatter.add.f32 [tilespmem:s9], [sflag:$0x1], $0x8, s31, s14, $0xb8;
	[tilespmem:$0x4000] =	vst v63  }
0x2a: {  	_ =	swait.ge [sflag:s15], $0x400  }
0x2b: {  	[sflag:s15] =	ssyncset.done $0x0  }
0x2c: {  	[sflag:s15] =	ssyncadd.s32 $0xFFFFFC00  }
0x2d: {  	_ =	swait.ge [sflag:s15], $0x400  }
0x2e: {  	[sflag:s15] =	ssyncset.done $0x0  }
0x2f: {  	[sflag:s15] =	ssyncadd.s32 $0xFFFFFC00  }
0x30: {  	_ =	swait.ge [sflag:s15], $0x400  }
0x31: {  	[sflag:s15] =	ssyncset.done $0x0  }
0x32: {  	[sflag:s15] =	ssyncadd.s32 $0xFFFFFC00  }
0x33: {  	_ =	swait.ge [sflag:s15], $0x400  }
0x34: {  	[sflag:s15] =	ssyncset.done $0x0  }
0x35: {  	[sflag:s15] =	ssyncadd.s32 $0xFFFFFC00  }
0x36: {  	_ =	swait.ge [sflag:s15], $0x400  }
0x37: {  	[sflag:s15] =	ssyncset.done $0x0  }
0x38: {  	[sflag:s15] =	ssyncadd.s32 $0xFFFFFC00  }
0x39: {  	_ =	swait.ge [sflag:s15], $0x400  }
0x3a: {  	[sflag:s15] =	ssyncset.done $0x0  }
0x3b: {  	[sflag:s15] =	ssyncadd.s32 $0xFFFFFC00  }
0x3c: {  	_ =	swait.ge [sflag:s15], $0x400  }
0x3d: {  	[sflag:s15] =	ssyncset.done $0x0  }
0x3e: {  	[sflag:s15] =	ssyncadd.s32 $0xFFFFFC00  }
0x3f: {  	_ =	swait.ge [sflag:s15], $0x400  }
0x40: {  	s20 =	simm.s32 $0x2000;
	s19 =	simm.s32 $0x400;
	[sflag:s15] =	ssyncset.done $0x0  }
.LBB2_2:
0x41: {  	s21 =	sadd.s32 $0x1800, s19  }
0x42: {  	[sflag:s15] =	ssyncadd.s32 $0xFFFFFC00;
	s18 =	smov.u32 s20;
	s17 =	sadd.s32 $0x1000, s20  }
0x43: {  	[spmem:s3] =	stream.indirect.scatter.add.f32 [tilespmem:s9], [sflag:$0x1], $0x8, s21, s14, $0xb8;
	[tilespmem:$0x4000] =	vst v63  }
0x44: {  	p0 =	sne.s32 s20, $0x9000;
	s20 =	sadd.s32 $0x1880, s19  }
0x45: {  	[spmem:s3] =	stream.indirect.scatter.add.f32 [tilespmem:s9], [sflag:$0x1], $0x8, s20, s14, $0xb8;
	[tilespmem:$0x4000] =	vst v63  }
0x46: {  	s20 =	sadd.s32 $0x1900, s19  }
0x47: {  	[spmem:s3] =	stream.indirect.scatter.add.f32 [tilespmem:s9], [sflag:$0x1], $0x8, s20, s14, $0xb8;
	[tilespmem:$0x4000] =	vst v63  }
0x48: {  	s20 =	sadd.s32 $0x1980, s19  }
0x49: {  	[spmem:s3] =	stream.indirect.scatter.add.f32 [tilespmem:s9], [sflag:$0x1], $0x8, s20, s14, $0xb8;
	[tilespmem:$0x4000] =	vst v63  }
0x4a: {  	s20 =	sadd.s32 $0x1A00, s19  }
0x4b: {  	[spmem:s3] =	stream.indirect.scatter.add.f32 [tilespmem:s9], [sflag:$0x1], $0x8, s20, s14, $0xb8;
	[tilespmem:$0x4000] =	vst v63  }
0x4c: {  	s20 =	sadd.s32 $0x1A80, s19  }
0x4d: {  	[spmem:s3] =	stream.indirect.scatter.add.f32 [tilespmem:s9], [sflag:$0x1], $0x8, s20, s14, $0xb8;
	[tilespmem:$0x4000] =	vst v63  }
0x4e: {  	s20 =	sadd.s32 $0x1B00, s19  }
0x4f: {  	[spmem:s3] =	stream.indirect.scatter.add.f32 [tilespmem:s9], [sflag:$0x1], $0x8, s20, s14, $0xb8;
	[tilespmem:$0x4000] =	vst v63  }
0x50: {  	s19 =	sadd.s32 $0x1B80, s19  }
0x51: {  	[spmem:s3] =	stream.indirect.scatter.add.f32 [tilespmem:s9], [sflag:$0x1], $0x8, s19, s14, $0xb8;
	[tilespmem:$0x4000] =	vst v63  }
0x52: {  	_ =	swait.ge [sflag:s15], $0x400  }
0x53: {  	[sflag:s15] =	ssyncset.done $0x0  }
0x54: {  	[sflag:s15] =	ssyncadd.s32 $0xFFFFFC00  }
0x55: {  	_ =	swait.ge [sflag:s15], $0x400  }
0x56: {  	[sflag:s15] =	ssyncset.done $0x0  }
0x57: {  	[sflag:s15] =	ssyncadd.s32 $0xFFFFFC00  }
0x58: {  	_ =	swait.ge [sflag:s15], $0x400  }
0x59: {  	[sflag:s15] =	ssyncset.done $0x0  }
0x5a: {  	[sflag:s15] =	ssyncadd.s32 $0xFFFFFC00  }
0x5b: {  	_ =	swait.ge [sflag:s15], $0x400  }
0x5c: {  	[sflag:s15] =	ssyncset.done $0x0  }
0x5d: {  	[sflag:s15] =	ssyncadd.s32 $0xFFFFFC00  }
0x5e: {  	_ =	swait.ge [sflag:s15], $0x400  }
0x5f: {  	[sflag:s15] =	ssyncset.done $0x0  }
0x60: {  	[sflag:s15] =	ssyncadd.s32 $0xFFFFFC00  }
0x61: {  	_ =	swait.ge [sflag:s15], $0x400  }
0x62: {  	[sflag:s15] =	ssyncset.done $0x0  }
0x63: {  	[sflag:s15] =	ssyncadd.s32 $0xFFFFFC00  }
.Ltmp0:
0x64: {  	_ =	swait.ge [sflag:s15], $0x400;
	(pc) =	sbr.rel @p0 .LBB2_2-.Ltmp0, $4  }
0x65: {  	[sflag:s15] =	ssyncset.done $0x0  }
0x66: {  	[sflag:s15] =	ssyncadd.s32 $0xFFFFFC00  }
0x67: {  	_ =	swait.ge [sflag:s15], $0x400  }
0x68: {  	s20 =	smov.u32 s17;
	s19 =	sshra.s32 s18, $0x2;
	[sflag:s15] =	ssyncset.done $0x0  }
0x69: {  	s17 =	sadd.s32 $0x1800, s19;
	[sflag:s15] =	ssyncadd.s32 $0xFFFFFC00  }
0x6a: {  	[spmem:s3] =	stream.indirect.scatter.add.f32 [tilespmem:s9], [sflag:$0x1], $0x8, s17, s14, $0xb8;
	[tilespmem:$0x4000] =	vst v63  }
0x6b: {  	s24 =	sadd.s32 $0x1880, s19  }
0x6c: {  	[spmem:s3] =	stream.indirect.scatter.add.f32 [tilespmem:s9], [sflag:$0x1], $0x8, s24, s14, $0xb8;
	[tilespmem:$0x4000] =	vst v63  }
0x6d: {  	s25 =	sadd.s32 $0x1900, s19  }
0x6e: {  	[spmem:s3] =	stream.indirect.scatter.add.f32 [tilespmem:s9], [sflag:$0x1], $0x8, s25, s14, $0xb8;
	[tilespmem:$0x4000] =	vst v63  }
0x6f: {  	s26 =	sadd.s32 $0x1980, s19  }
0x70: {  	[spmem:s3] =	stream.indirect.scatter.add.f32 [tilespmem:s9], [sflag:$0x1], $0x8, s26, s14, $0xb8;
	[tilespmem:$0x4000] =	vst v63  }
0x71: {  	s28 =	sadd.s32 $0x1A00, s19  }
0x72: {  	[spmem:s3] =	stream.indirect.scatter.add.f32 [tilespmem:s9], [sflag:$0x1], $0x8, s28, s14, $0xb8;
	[tilespmem:$0x4000] =	vst v63  }
0x73: {  	s29 =	sadd.s32 $0x1A80, s19  }
0x74: {  	[spmem:s3] =	stream.indirect.scatter.add.f32 [tilespmem:s9], [sflag:$0x1], $0x8, s29, s14, $0xb8;
	[tilespmem:$0x4000] =	vst v63  }
0x75: {  	s30 =	sadd.s32 $0x1B00, s19  }
0x76: {  	[spmem:s3] =	stream.indirect.scatter.add.f32 [tilespmem:s9], [sflag:$0x1], $0x8, s30, s14, $0xb8;
	[tilespmem:$0x4000] =	vst v63  }
0x77: {  	s31 =	sadd.s32 $0x1B80, s19  }
0x78: {  	[spmem:s3] =	stream.indirect.scatter.add.f32 [tilespmem:s9], [sflag:$0x1], $0x8, s31, s14, $0xb8;
	[tilespmem:$0x4000] =	vst v63  }
0x79: {  	_ =	swait.ge [sflag:s15], $0x400  }
0x7a: {  	[sflag:s15] =	ssyncset.done $0x0  }
0x7b: {  	[sflag:s15] =	ssyncadd.s32 $0xFFFFFC00  }
0x7c: {  	_ =	swait.ge [sflag:s15], $0x400  }
0x7d: {  	[sflag:s15] =	ssyncset.done $0x0  }
0x7e: {  	[sflag:s15] =	ssyncadd.s32 $0xFFFFFC00  }
0x7f: {  	_ =	swait.ge [sflag:s15], $0x400  }
0x80: {  	[sflag:s15] =	ssyncset.done $0x0  }
0x81: {  	[sflag:s15] =	ssyncadd.s32 $0xFFFFFC00  }
0x82: {  	_ =	swait.ge [sflag:s15], $0x400  }
0x83: {  	[sflag:s15] =	ssyncset.done $0x0  }
0x84: {  	[sflag:s15] =	ssyncadd.s32 $0xFFFFFC00  }
0x85: {  	_ =	swait.ge [sflag:s15], $0x400  }
0x86: {  	[sflag:s15] =	ssyncset.done $0x0  }
0x87: {  	[sflag:s15] =	ssyncadd.s32 $0xFFFFFC00  }
0x88: {  	_ =	swait.ge [sflag:s15], $0x400  }
0x89: {  	[sflag:s15] =	ssyncset.done $0x0  }
0x8a: {  	[sflag:s15] =	ssyncadd.s32 $0xFFFFFC00  }
0x8b: {  	_ =	swait.ge [sflag:s15], $0x400  }
0x8c: {  	[sflag:s15] =	ssyncset.done $0x0  }
0x8d: {  	[sflag:s15] =	ssyncadd.s32 $0xFFFFFC00  }
0x8e: {  	_ =	swait.ge [sflag:s15], $0x400  }
0x8f: {  	s16 =	sadd.s32 $0x1, s16;
	[sflag:s15] =	ssyncset.done $0x0  }
0x90: {  	p0 =	sne.s32 s16, s8;
	[sflag:s15] =	ssyncadd.s32 $0xFFFFFC00  }
.Ltmp1:
0x91: {  	[bflag:$0x0] =	sbarrier.arrive $0xFFFF;
	(pc) =	sbr.rel @p0 .LBB2_1-.Ltmp1, $4  }
0x92: {  	[hbm:s7], [sflag:s12] =	dma.local [spmem:s13], $0x280  }
0x93: {  	_ =	swait.ge [sflag:s10], $0x280  }
0x94: {  	[sflag:s10] =	ssyncset.done $0x0  }
0x95: {  	[sflag:s10] =	ssyncadd.s32 $0xFFFFFD80  }
0x96: {  	_ =	sfence.sel $0x180000  }
0x97: {  	[bflag:$0x0] =	sbarrier.arrive $0xFFFF  }
0x98: {  	p0 =	sne.s32 s0, $0x0;
	_ =	strace $0x90000047  }
0x99: {  	s0 =	sadd.s32 @!p0 $0x100000, s1;
	[bflag:$0x2] =	sbarrier.arrive $0xFFFF  }
0x9a: {  	[sflag:s0] =	ssyncadd.tile.s32 @!p0 $0x1;
	_ =	shalt  }
.Lfunc_end2:
_tile_overlayer_lowered:
.L_overlay_start_2:
0x9b: {  	(tag) =	ssettag $0x2  }
0x9c: {  	s0 =	rddreg [dreg:$0x0];
	s2 =	stileid.u32  }
0x9d: {  	s1 =	rddreg [dreg:$0x1];
	p0 =	sne.s32 s2, $0x0  }
0x9e: {  	s3 =	rddreg [dreg:$0x2];
	[bflag:$0x3] =	sbarrier.arrive $0xFFFF;
	s2 =	simm.s32 @!p0 $0x1C02  }
0x9f: {  	[timem:s3], [sflag:s2] =	dma.local @!p0 [hbm:s0], s1  }
0xa0: {  	s0 =	simm.s32 @!p0 $0x2  }
0xa1: {  	_ =	swait.ge @!p0 [sflag:s0], s1  }
0xa2: {  	s1 =	ssub.s32 @!p0 $0x0, s1;
	[sflag:s0] =	ssyncset.done @!p0 $0x0  }
0xa3: {  	[sflag:s0] =	ssyncadd.s32 @!p0 s1  }
0xa4: {  	[bflag:$0x3] =	sbarrier.arrive $0xFFFF  }
0xa5: {  	_ =	shalt  }

</sc_bundles>
